<compile_context>
chip_gen: v7x
topology: tpu7x:2x2x1
jax: 0.10.2.dev20260603
libtpu: 0.0.44.dev20260713+nightly
codegen_flags: <defaults>
</compile_context>

<pallas_src>
import dataclasses
import functools

import jax
import jax.numpy as jnp
from jax import lax
from jax.experimental import pallas as pl
from jax.experimental.pallas import tpu as pltpu
from jax.experimental.pallas import tpu_sc as plsc

NX, NY, NZ = 432, 496, 1
C = 64
B = 4
P = 40000
NYX = NX * NY
TOT = B * NYX
NW = 32
NSUB = 16
RANGE = TOT // NSUB
PHALF = P // 2
CHUNK_A = 2000
CHUNK_B = 128
P_PAD = 40064
LANE = 16

BLK = 6912
NBLK = NYX // BLK


def _shift_up(v):
    idx = jnp.minimum(lax.iota(jnp.int32, LANE) + 1, LANE - 1)
    dnums = lax.GatherDimensionNumbers(
        offset_dims=(), collapsed_slice_dims=(0,), start_index_map=(0,))
    return lax.gather(v, idx[:, None], dnums, (1,),
                      mode=lax.GatherScatterMode.PROMISE_IN_BOUNDS)


def _worker_id():
    return lax.axis_index("s") * 2 + lax.axis_index("c")


_MESH = plsc.VectorSubcoreMesh(core_axis_name="c", subcore_axis_name="s")

_CP = pltpu.CompilerParams()
if "needs_layout_passes" in pltpu.CompilerParams.__dataclass_fields__:
    _CP = dataclasses.replace(_CP, needs_layout_passes=False)


@functools.partial(
    pl.kernel,
    out_type=(jax.ShapeDtypeStruct((TOT,), jnp.int32),
              jax.ShapeDtypeStruct((TOT,), jnp.int32)),
    mesh=_MESH,
    compiler_params=_CP,
    scratch_types=[
        pltpu.VMEM((RANGE,), jnp.int32),
        pltpu.VMEM((CHUNK_A,), jnp.int32),
        pltpu.VMEM((CHUNK_A,), jnp.int32),
        pltpu.VMEM((CHUNK_A,), jnp.int32),
        pltpu.SemaphoreType.DMA,
    ],
)
def _build_map(b_hbm, y_hbm, x_hbm, map0_hbm, map1_hbm, map_v, bb, yb, xb,
               sem):
    sc = lax.axis_index("c")
    tid = lax.axis_index("s")
    lo = pl.multiple_of(tid * RANGE, 8)
    pbase = pl.multiple_of(sc * PHALF, 8)
    iota = lax.iota(jnp.int32, LANE)

    @pl.loop(0, RANGE, step=LANE)
    def _(i):
        map_v[pl.ds(i, LANE)] = jnp.full((LANE,), -1, jnp.int32)

    @pl.loop(0, PHALF, step=CHUNK_A)
    def _(coff):
        cbase = pbase + coff
        h1 = pltpu.async_copy(b_hbm.at[pl.ds(cbase, CHUNK_A)], bb, sem)
        h2 = pltpu.async_copy(y_hbm.at[pl.ds(cbase, CHUNK_A)], yb, sem)
        h3 = pltpu.async_copy(x_hbm.at[pl.ds(cbase, CHUNK_A)], xb, sem)
        h1.wait()
        h2.wait()
        h3.wait()

        @pl.loop(0, CHUNK_A, step=LANE)
        def _(j):
            bv = bb[pl.ds(j, LANE)]
            yv = yb[pl.ds(j, LANE)]
            xv = xb[pl.ds(j, LANE)]
            flat = bv * NYX + yv * NX + xv
            inrange = (flat >= lo) & (flat < lo + RANGE)

            @pl.when(jnp.any(inrange))
            def _():
                key = flat * LANE + iota
                ks, _ = plsc.sort_key_val(key, key)
                cell = ks >> 4
                nxt_cell = _shift_up(ks) >> 4
                winner = (nxt_cell != cell) | (iota == LANE - 1)
                mask = winner & (cell >= lo) & (cell < lo + RANGE)
                loc = jnp.where(mask, cell - lo, 0)
                pid = cbase + j + (ks & (LANE - 1))
                plsc.store_scatter(map_v, [loc], pid, mask=mask)

    @pl.when(sc == 0)
    def _():
        pltpu.sync_copy(map_v, map0_hbm.at[pl.ds(lo, RANGE)])

    @pl.when(sc == 1)
    def _():
        pltpu.sync_copy(map_v, map1_hbm.at[pl.ds(lo, RANGE)])


CPAD = 128


@functools.partial(
    pl.kernel,
    out_type=jax.ShapeDtypeStruct((TOT, CPAD), jnp.float32),
    mesh=_MESH,
    scratch_types=[
        pltpu.VMEM((1, CHUNK_B), jnp.int32),
        pltpu.VMEM((1, CHUNK_B), jnp.int32),
        pltpu.VMEM((1, CHUNK_B), jnp.int32),
        pltpu.VMEM((1, CHUNK_B), jnp.int32),
        pltpu.VMEM((1, CHUNK_B), jnp.int32),
        pltpu.VMEM((1, CHUNK_B), jnp.int32),
        pltpu.VMEM((CHUNK_B, CPAD), jnp.float32),
        pltpu.SemaphoreType.DMA,
    ],
)
def _scatter_rows(pf_hbm, b_hbm, y_hbm, x_hbm, map0_hbm, map1_hbm, canvas_hbm,
                  bb, yb, xb, fl, wn, wn2, rows, sem):
    wid = _worker_id()
    for k in range(P_PAD // (NW * CHUNK_B) + 1):
        base = pl.multiple_of(wid * CHUNK_B + k * NW * CHUNK_B, 8)

        @pl.when(base < P_PAD)
        def _():
            h1 = pltpu.async_copy(b_hbm.at[pl.ds(base, CHUNK_B)], bb.at[0], sem)
            h2 = pltpu.async_copy(y_hbm.at[pl.ds(base, CHUNK_B)], yb.at[0], sem)
            h3 = pltpu.async_copy(x_hbm.at[pl.ds(base, CHUNK_B)], xb.at[0], sem)
            h1.wait()
            h2.wait()
            h3.wait()

            @pl.loop(0, CHUNK_B, step=LANE)
            def _(j):
                bv = bb[0, pl.ds(j, LANE)]
                yv = yb[0, pl.ds(j, LANE)]
                xv = xb[0, pl.ds(j, LANE)]
                fl.at[0, pl.ds(j, LANE)][...] = bv * NYX + yv * NX + xv

            g1 = pltpu.async_copy(map0_hbm.at[fl.at[0]], wn.at[0], sem)
            g2 = pltpu.async_copy(map1_hbm.at[fl.at[0]], wn2.at[0], sem)
            g1.wait()
            g2.wait()

            @pl.loop(0, CHUNK_B, step=LANE)
            def _(j):
                wn.at[0, pl.ds(j, LANE)][...] = jnp.maximum(
                    wn[0, pl.ds(j, LANE)], wn2[0, pl.ds(j, LANE)])

            pltpu.sync_copy(pf_hbm.at[wn.at[0]], rows)
            pltpu.sync_copy(rows, canvas_hbm.at[fl.at[0]])


YB = BLK // NX


def _tc_body(canvas_ref, idx_ref, idx2_ref, out_ref):
    r = lax.broadcasted_iota(jnp.int32, (C, CPAD), 0)
    c = lax.broadcasted_iota(jnp.int32, (C, CPAD), 1)
    ident = (r == c).astype(jnp.bfloat16)
    dn = (((1,), (1,)), ((), ()))
    for yl in range(YB):
        rows = canvas_ref[0, pl.ds(yl * NX, NX), :]
        t = lax.dot_general(ident, rows.astype(jnp.bfloat16), dn,
                            preferred_element_type=jnp.float32)
        occupied = ((idx_ref[0, :, pl.ds(yl * NX, NX)] >= 0) |
                    (idx2_ref[0, :, pl.ds(yl * NX, NX)] >= 0))
        out_ref[0, :, yl, :] = jnp.where(occupied, t, jnp.float32(0.0))


def kernel(pillar_features, voxel_coords):
    vc = voxel_coords.astype(jnp.int32)
    bcol, ycol, xcol = vc[:, 0], vc[:, 2], vc[:, 3]
    pad = P_PAD - P
    bp = jnp.concatenate([bcol, jnp.broadcast_to(bcol[:1], (pad,))])
    yp = jnp.concatenate([ycol, jnp.broadcast_to(ycol[:1], (pad,))])
    xp = jnp.concatenate([xcol, jnp.broadcast_to(xcol[:1], (pad,))])

    pf_pad = jnp.concatenate(
        [pillar_features,
         jnp.zeros((P, CPAD - C), jnp.float32)], axis=1)

    map0, map1 = _build_map(bcol, ycol, xcol)
    canvas = _scatter_rows(pf_pad, bp, yp, xp, map0, map1)

    out = pl.pallas_call(
        _tc_body,
        grid=(B, NBLK),
        in_specs=[
            pl.BlockSpec((1, BLK, CPAD), lambda i, j: (i, j, 0)),
            pl.BlockSpec((1, 1, BLK), lambda i, j: (i * NBLK + j, 0, 0)),
            pl.BlockSpec((1, 1, BLK), lambda i, j: (i * NBLK + j, 0, 0)),
        ],
        out_specs=pl.BlockSpec((1, C, YB, NX), lambda i, j: (i, 0, j, 0)),
        out_shape=jax.ShapeDtypeStruct((B, C, NY, NX), jnp.float32),
    )(canvas.reshape(B, NYX, CPAD),
      map0.reshape(B * NBLK, 1, BLK), map1.reshape(B * NBLK, 1, BLK))

    return out.reshape(B, C * NZ, NY, NX)

# --- scband reference (transcript-rebuilt; emitter-appended) ---
"""Pipeline reference for scband-point-pillar-scatter-30322469109771 (READ-ONLY COPY).

The authoritative reference and input builder live on the scoring server;
editing this copy changes nothing except your own understanding.
"""

import jax, jax.numpy as jnp
import numpy as np

NX, NY, NZ = 432, 496, 1
NUM_BEV = 64
BATCH = 4
P = 40000

def setup_inputs(seed: int = 0) -> dict:
    key = jax.random.key(seed)
    k1, k2, k3, k4 = jax.random.split(key, 4)
    pillar_features = jax.random.normal(k1, (P, NUM_BEV), dtype=jnp.float32)
    b = jax.random.randint(k2, (P,), 0, BATCH)
    y = jax.random.randint(k3, (P,), 0, NY)
    x = jax.random.randint(k4, (P,), 0, NX)
    z = jnp.zeros((P,), dtype=jnp.int32)
    voxel_coords = jnp.stack([b, z, y, x], axis=1).astype(jnp.int64)
    return {"pillar_features": pillar_features, "voxel_coords": voxel_coords}

def reference(pillar_features, voxel_coords):
    # coords columns: (batch_idx, z, y, x); nz == 1
    coords = voxel_coords
    # per-sample flat spatial index, same formula as torch: c1 + c2*nx + c3
    spatial_idx = coords[:, 1] + coords[:, 2] * NX + coords[:, 3]
    # fuse batch dim into a single scatter: flat = b * (nz*nx*ny) + spatial_idx
    flat_idx = coords[:, 0] * (NZ * NX * NY) + spatial_idx
    canvas = jnp.zeros((BATCH * NZ * NX * NY, NUM_BEV), dtype=pillar_features.dtype)
    # scatter-overwrite: spatial_feature[:, indices] = pillars
    canvas = canvas.at[flat_idx].set(pillar_features)
    # (B*nxny, C) -> (B, nxny, C) -> (B, C, nxny) -> (B, C*nz, ny, nx)
    out = canvas.reshape(BATCH, NZ * NX * NY, NUM_BEV)
    out = jnp.transpose(out, (0, 2, 1))
    out = out.reshape(BATCH, NUM_BEV * NZ, NY, NX)
    return out

if __name__ == "__main__":
    import jax
    _d = setup_inputs()
    print(jax.jit(kernel)(*tuple(_d.values())))

</pallas_src>

<mosaic_0001>
#map = affine_map<(d0, d1) -> (0)>
module attributes {stable_mosaic.version = 14 : i64} {
  func.func @_build_map(%arg0: i32, %arg1: i32, %arg2: memref<40000xi32, #tpu.memory_space<hbm>>, %arg3: memref<40000xi32, #tpu.memory_space<hbm>>, %arg4: memref<40000xi32, #tpu.memory_space<hbm>>, %arg5: memref<857088xi32, #tpu.memory_space<hbm>>, %arg6: memref<857088xi32, #tpu.memory_space<hbm>>, %arg7: memref<53568xi32, #tpu.memory_space<vmem>>, %arg8: memref<2000xi32, #tpu.memory_space<vmem>>, %arg9: memref<2000xi32, #tpu.memory_space<vmem>>, %arg10: memref<2000xi32, #tpu.memory_space<vmem>>, %arg11: memref<!tpu.dma_semaphore, #tpu.memory_space<semaphore_mem>>) attributes {dimension_semantics = [#tpu.dimension_semantics<core_parallel>, #tpu.dimension_semantics<subcore_parallel>], iteration_bounds = array<i64: 2, 16>, scalar_prefetch = 0 : i64, scratch_operands = 5 : i64, tpu.core_type = #tpu.core_type<sc_vector_subcore>, window_params = [{transform_indices = #map}, {transform_indices = #map}, {transform_indices = #map}, {transform_indices = #map}, {transform_indices = #map}]} {
    %mul3A = arith.constant 53568 : i32
    %mul3A_0 = arith.muli %arg1, %mul3A : i32
    %multiple_of3A = tpu.assume_multiple %mul3A_0, 8 : i32
    %mul3A_1 = arith.constant 20000 : i32
    %mul3A_2 = arith.muli %arg0, %mul3A_1 : i32
    %multiple_of3A_3 = tpu.assume_multiple %mul3A_2, 8 : i32
    %iota3A = tpu.iota {dimensions = array<i32: 0>} : vector<16xi32>
    %scan3A = arith.constant 0 : i32
    %scan3A_4 = arith.constant 3348 : i32
    %scan3A_5 = arith.addi %scan3A, %scan3A_4 : i32
    %scan3A_6 = arith.constant 1 : i32
    scf.for %scan3A_20 = %scan3A to %scan3A_5 step %scan3A_6  : i32 {
      %mul3A_21 = arith.constant 16 : i32
      %mul3A_22 = arith.muli %scan3A_20, %mul3A_21 : i32
      %add3A = arith.constant 0 : i32
      %add3A_23 = arith.addi %add3A, %mul3A_22 : i32
      %broadcast_in_dim3A = arith.constant -1 : i32
      %broadcast_in_dim3A_24 = vector.broadcast %broadcast_in_dim3A : i32 to vector<16xi32>
      %swap3A = arith.index_cast %add3A_23 : i32 to index
      %swap3A_25 = tpu.vector_load %arg7[%swap3A] {strides = array<i32>} : memref<53568xi32, #tpu.memory_space<vmem>>, vector<16xi32>,
      tpu.vector_store %arg7[%swap3A], %broadcast_in_dim3A_24 {strides = array<i32>} : memref<53568xi32, #tpu.memory_space<vmem>>, vector<16xi32>,
    }
    %scan3A_7 = arith.constant 3348 : i32
    %scan3A_8 = arith.constant 0 : i32
    %scan3A_9 = arith.constant 10 : i32
    %scan3A_10 = arith.addi %scan3A_8, %scan3A_9 : i32
    %scan3A_11 = arith.constant 1 : i32
    scf.for %scan3A_20 = %scan3A_8 to %scan3A_10 step %scan3A_11  : i32 {
      %mul3A_21 = arith.constant 2000 : i32
      %mul3A_22 = arith.muli %scan3A_20, %mul3A_21 : i32
      %add3A = arith.constant 0 : i32
      %add3A_23 = arith.addi %add3A, %mul3A_22 : i32
      %add3A_24 = arith.addi %multiple_of3A_3, %add3A_23 : i32
      %dma_start3A = tpu.memref_slice %arg2[%add3A_24] : memref<40000xi32, #tpu.memory_space<hbm>> -> memref<2000xi32, #tpu.memory_space<hbm>>
      %dma_start3A_25 = tpu.memref_slice %arg2[%add3A_24] : memref<40000xi32, #tpu.memory_space<hbm>> -> memref<2000xi32, #tpu.memory_space<hbm>>
      tpu.enqueue_dma source(%dma_start3A_25 : memref<2000xi32, #tpu.memory_space<hbm>>) target(%arg8 : memref<2000xi32, #tpu.memory_space<vmem>>) target_semaphore(%arg11 : memref<!tpu.dma_semaphore, #tpu.memory_space<semaphore_mem>>)
      %dma_start3A_26 = tpu.memref_slice %arg3[%add3A_24] : memref<40000xi32, #tpu.memory_space<hbm>> -> memref<2000xi32, #tpu.memory_space<hbm>>
      %dma_start3A_27 = tpu.memref_slice %arg3[%add3A_24] : memref<40000xi32, #tpu.memory_space<hbm>> -> memref<2000xi32, #tpu.memory_space<hbm>>
      tpu.enqueue_dma source(%dma_start3A_27 : memref<2000xi32, #tpu.memory_space<hbm>>) target(%arg9 : memref<2000xi32, #tpu.memory_space<vmem>>) target_semaphore(%arg11 : memref<!tpu.dma_semaphore, #tpu.memory_space<semaphore_mem>>)
      %dma_start3A_28 = tpu.memref_slice %arg4[%add3A_24] : memref<40000xi32, #tpu.memory_space<hbm>> -> memref<2000xi32, #tpu.memory_space<hbm>>
      %dma_start3A_29 = tpu.memref_slice %arg4[%add3A_24] : memref<40000xi32, #tpu.memory_space<hbm>> -> memref<2000xi32, #tpu.memory_space<hbm>>
      tpu.enqueue_dma source(%dma_start3A_29 : memref<2000xi32, #tpu.memory_space<hbm>>) target(%arg10 : memref<2000xi32, #tpu.memory_space<vmem>>) target_semaphore(%arg11 : memref<!tpu.dma_semaphore, #tpu.memory_space<semaphore_mem>>)
      %dma_wait3A = tpu.memref_slice %arg2[%add3A_24] : memref<40000xi32, #tpu.memory_space<hbm>> -> memref<2000xi32, #tpu.memory_space<hbm>>
      %dma_wait3A_30 = tpu.memref_slice %arg2[%add3A_24] : memref<40000xi32, #tpu.memory_space<hbm>> -> memref<2000xi32, #tpu.memory_space<hbm>>
      tpu.wait_dma2 semaphore(%arg11 : memref<!tpu.dma_semaphore, #tpu.memory_space<semaphore_mem>>) src(%dma_wait3A_30 : memref<2000xi32, #tpu.memory_space<hbm>>) dst(%arg8 : memref<2000xi32, #tpu.memory_space<vmem>>)
      %dma_wait3A_31 = tpu.memref_slice %arg3[%add3A_24] : memref<40000xi32, #tpu.memory_space<hbm>> -> memref<2000xi32, #tpu.memory_space<hbm>>
      %dma_wait3A_32 = tpu.memref_slice %arg3[%add3A_24] : memref<40000xi32, #tpu.memory_space<hbm>> -> memref<2000xi32, #tpu.memory_space<hbm>>
      tpu.wait_dma2 semaphore(%arg11 : memref<!tpu.dma_semaphore, #tpu.memory_space<semaphore_mem>>) src(%dma_wait3A_32 : memref<2000xi32, #tpu.memory_space<hbm>>) dst(%arg9 : memref<2000xi32, #tpu.memory_space<vmem>>)
      %dma_wait3A_33 = tpu.memref_slice %arg4[%add3A_24] : memref<40000xi32, #tpu.memory_space<hbm>> -> memref<2000xi32, #tpu.memory_space<hbm>>
      %dma_wait3A_34 = tpu.memref_slice %arg4[%add3A_24] : memref<40000xi32, #tpu.memory_space<hbm>> -> memref<2000xi32, #tpu.memory_space<hbm>>
      tpu.wait_dma2 semaphore(%arg11 : memref<!tpu.dma_semaphore, #tpu.memory_space<semaphore_mem>>) src(%dma_wait3A_34 : memref<2000xi32, #tpu.memory_space<hbm>>) dst(%arg10 : memref<2000xi32, #tpu.memory_space<vmem>>)
      %scan3A_35 = arith.constant 0 : i32
      %scan3A_36 = arith.constant 125 : i32
      %scan3A_37 = arith.addi %scan3A_35, %scan3A_36 : i32
      %scan3A_38 = arith.constant 1 : i32
      scf.for %scan3A_40 = %scan3A_35 to %scan3A_37 step %scan3A_38  : i32 {
        %mul3A_41 = arith.constant 16 : i32
        %mul3A_42 = arith.muli %scan3A_40, %mul3A_41 : i32
        %add3A_43 = arith.constant 0 : i32
        %add3A_44 = arith.addi %add3A_43, %mul3A_42 : i32
        %get3A = arith.index_cast %add3A_44 : i32 to index
        %get3A_45 = tpu.vector_load %arg8[%get3A] {strides = array<i32>} : memref<2000xi32, #tpu.memory_space<vmem>>, vector<16xi32>,
        %get3A_46 = arith.index_cast %add3A_44 : i32 to index
        %get3A_47 = tpu.vector_load %arg9[%get3A_46] {strides = array<i32>} : memref<2000xi32, #tpu.memory_space<vmem>>, vector<16xi32>,
        %get3A_48 = arith.index_cast %add3A_44 : i32 to index
        %get3A_49 = tpu.vector_load %arg10[%get3A_48] {strides = array<i32>} : memref<2000xi32, #tpu.memory_space<vmem>>, vector<16xi32>,
        %mul3A_50 = arith.constant 214272 : i32
        %mul3A_51 = vector.broadcast %mul3A_50 : i32 to vector<16xi32>
        %mul3A_52 = arith.muli %get3A_45, %mul3A_51 : vector<16xi32>
        %mul3A_53 = arith.constant 432 : i32
        %mul3A_54 = vector.broadcast %mul3A_53 : i32 to vector<16xi32>
        %mul3A_55 = arith.muli %get3A_47, %mul3A_54 : vector<16xi32>
        %add3A_56 = arith.addi %mul3A_52, %mul3A_55 : vector<16xi32>
        %add3A_57 = arith.addi %add3A_56, %get3A_49 : vector<16xi32>
        %ge3A = vector.broadcast %multiple_of3A : i32 to vector<16xi32>
        %ge3A_58 = arith.cmpi sge, %add3A_57, %ge3A : vector<16xi32>
        %add3A_59 = arith.constant 53568 : i32
        %add3A_60 = arith.addi %multiple_of3A, %add3A_59 : i32
        %lt3A = vector.broadcast %add3A_60 : i32 to vector<16xi32>
        %lt3A_61 = arith.cmpi slt, %add3A_57, %lt3A : vector<16xi32>
        %and3A = arith.andi %ge3A_58, %lt3A_61 : vector<16xi1>
        %reduce_or3A = arith.constant 1.000000e+00 : f32
        %reduce_or3A_62 = arith.constant 0.000000e+00 : f32
        %reduce_or3A_63 = vector.broadcast %reduce_or3A : f32 to vector<16xf32>
        %reduce_or3A_64 = vector.broadcast %reduce_or3A_62 : f32 to vector<16xf32>
        %reduce_or3A_65 = arith.select %and3A, %reduce_or3A_63, %reduce_or3A_64 : vector<16xi1>, vector<16xf32>
        %reduce_or3A_66 = arith.constant true
        %reduce_or3A_67 = vector.broadcast %reduce_or3A_66 : i1 to vector<16xi1>
        %reduce_or3A_68 = tpu.scan <max>, %reduce_or3A_65 masked %reduce_or3A_67 : vector<16xf32>, vector<16xi1> -> vector<16xf32>
        %reduce_or3A_69 = vector.extract %reduce_or3A_68[15] : f32 from vector<16xf32>
        %reduce_or3A_70 = arith.constant 0.000000e+00 : f32
        %reduce_or3A_71 = arith.cmpf ogt, %reduce_or3A_69, %reduce_or3A_70 : f32
        %convert_element_type3A_72 = arith.extui %reduce_or3A_71 : i1 to i32
        %cond3A_73 = arith.constant 0 : i32
        %cond3A_74 = arith.cmpi ne, %convert_element_type3A_72, %cond3A_73 : i32
        scf.if %cond3A_74 {
          %mul3A_75 = arith.constant 16 : i32
          %mul3A_76 = vector.broadcast %mul3A_75 : i32 to vector<16xi32>
          %mul3A_77 = arith.muli %add3A_57, %mul3A_76 : vector<16xi32>
          %add3A_78 = arith.addi %mul3A_77, %iota3A : vector<16xi32>
          %masked_sort3A = arith.constant dense<true> : vector<16xi1>
          %masked_sort3A_79 = arith.constant -2147483648 : i32
          %masked_sort3A_80 = vector.broadcast %masked_sort3A_79 : i32 to vector<16xi32>
          %masked_sort3A_81 = arith.xori %add3A_78, %masked_sort3A_80 : vector<16xi32>
          %masked_sort3A_82, %masked_sort3A_83, %masked_sort3A_84 = tpu.sort %masked_sort3A_81, %add3A_78 masked %masked_sort3A : (vector<16xi32>, vector<16xi32>, vector<16xi1>) -> (vector<16xi1>, vector<16xi32>, vector<16xi32>)
          %masked_sort3A_85 = arith.xori %masked_sort3A_83, %masked_sort3A_80 : vector<16xi32>
          %shift_right_arithmetic3A = arith.constant 4 : i32
          %shift_right_arithmetic3A_86 = vector.broadcast %shift_right_arithmetic3A : i32 to vector<16xi32>
          %shift_right_arithmetic3A_87 = arith.shrsi %masked_sort3A_85, %shift_right_arithmetic3A_86 : vector<16xi32>
          %iota3A_88 = tpu.iota {dimensions = array<i32: 0>} : vector<16xi32>
          %add3A_89 = arith.constant 1 : i32
          %add3A_90 = vector.broadcast %add3A_89 : i32 to vector<16xi32>
          %add3A_91 = arith.addi %iota3A_88, %add3A_90 : vector<16xi32>
          %min3A = arith.constant 15 : i32
          %min3A_92 = vector.broadcast %min3A : i32 to vector<16xi32>
          %min3A_93 = arith.minsi %add3A_91, %min3A_92 : vector<16xi32>
          %broadcast_in_dim3A = vector.shape_cast %min3A_93 : vector<16xi32> to vector<16x1xi32>
          %gather3A = vector.shape_cast %broadcast_in_dim3A : vector<16x1xi32> to vector<16xi32>
          %gather3A_94 = tpu.dynamic_gather %masked_sort3A_85[%gather3A] in [0] : vector<16xi32>, vector<16xi32> -> vector<16xi32>
          %shift_right_arithmetic3A_95 = arith.constant 4 : i32
          %shift_right_arithmetic3A_96 = vector.broadcast %shift_right_arithmetic3A_95 : i32 to vector<16xi32>
          %shift_right_arithmetic3A_97 = arith.shrsi %gather3A_94, %shift_right_arithmetic3A_96 : vector<16xi32>
          %ne3A = arith.cmpi ne, %shift_right_arithmetic3A_97, %shift_right_arithmetic3A_87 : vector<16xi32>
          %eq3A_98 = arith.constant 15 : i32
          %eq3A_99 = vector.broadcast %eq3A_98 : i32 to vector<16xi32>
          %eq3A_100 = arith.cmpi eq, %iota3A, %eq3A_99 : vector<16xi32>
          %or3A = arith.ori %ne3A, %eq3A_100 : vector<16xi1>
          %ge3A_101 = vector.broadcast %multiple_of3A : i32 to vector<16xi32>
          %ge3A_102 = arith.cmpi sge, %shift_right_arithmetic3A_87, %ge3A_101 : vector<16xi32>
          %and3A_103 = arith.andi %or3A, %ge3A_102 : vector<16xi1>
          %add3A_104 = arith.constant 53568 : i32
          %add3A_105 = arith.addi %multiple_of3A, %add3A_104 : i32
          %lt3A_106 = vector.broadcast %add3A_105 : i32 to vector<16xi32>
          %lt3A_107 = arith.cmpi slt, %shift_right_arithmetic3A_87, %lt3A_106 : vector<16xi32>
          %and3A_108 = arith.andi %and3A_103, %lt3A_107 : vector<16xi1>
          %sub3A = vector.broadcast %multiple_of3A : i32 to vector<16xi32>
          %sub3A_109 = arith.subi %shift_right_arithmetic3A_87, %sub3A : vector<16xi32>
          %jit3A = arith.constant 0 : i32
          %broadcast_in_dim3A_110 = vector.broadcast %jit3A : i32 to vector<16xi32>
          %select_n3A = arith.select %and3A_108, %sub3A_109, %broadcast_in_dim3A_110 : vector<16xi1>, vector<16xi32>
          %add3A_111 = arith.addi %add3A_24, %add3A_44 : i32
          %and3A_112 = arith.constant 15 : i32
          %and3A_113 = vector.broadcast %and3A_112 : i32 to vector<16xi32>
          %and3A_114 = arith.andi %masked_sort3A_85, %and3A_113 : vector<16xi32>
          %add3A_115 = vector.broadcast %add3A_111 : i32 to vector<16xi32>
          %add3A_116 = arith.addi %add3A_115, %and3A_114 : vector<16xi32>
          tpu.vector_store_idx %arg7[%select_n3A], %add3A_116 masked %and3A_108 : memref<53568xi32, #tpu.memory_space<vmem>>[vector<16xi32>], vector<16xi32>, vector<16xi1>
        } else {
        }
      }
      %scan3A_39 = arith.constant 125 : i32
    }
    %scan3A_12 = arith.constant 10 : i32
    %eq3A = arith.constant 0 : i32
    %eq3A_13 = arith.cmpi eq, %arg0, %eq3A : i32
    %convert_element_type3A = arith.extui %eq3A_13 : i1 to i32
    %cond3A = arith.constant 0 : i32
    %cond3A_14 = arith.cmpi ne, %convert_element_type3A, %cond3A : i32
    scf.if %cond3A_14 {
      "tpu.region"() ({
        %run_scoped3A = tpu.sem_alloc : memref<!tpu.dma_semaphore, #tpu.memory_space<semaphore_mem>>
        %dma_start3A = tpu.memref_slice %arg5[%multiple_of3A] : memref<857088xi32, #tpu.memory_space<hbm>> -> memref<53568xi32, #tpu.memory_space<hbm>>
        %dma_start3A_20 = tpu.memref_slice %arg5[%multiple_of3A] : memref<857088xi32, #tpu.memory_space<hbm>> -> memref<53568xi32, #tpu.memory_space<hbm>>
        tpu.enqueue_dma source(%arg7 : memref<53568xi32, #tpu.memory_space<vmem>>) target(%dma_start3A_20 : memref<53568xi32, #tpu.memory_space<hbm>>) target_semaphore(%run_scoped3A : memref<!tpu.dma_semaphore, #tpu.memory_space<semaphore_mem>>)
        %dma_wait3A = tpu.memref_slice %arg5[%multiple_of3A] : memref<857088xi32, #tpu.memory_space<hbm>> -> memref<53568xi32, #tpu.memory_space<hbm>>
        %dma_wait3A_21 = tpu.memref_slice %arg5[%multiple_of3A] : memref<857088xi32, #tpu.memory_space<hbm>> -> memref<53568xi32, #tpu.memory_space<hbm>>
        tpu.wait_dma2 semaphore(%run_scoped3A : memref<!tpu.dma_semaphore, #tpu.memory_space<semaphore_mem>>) src(%arg7 : memref<53568xi32, #tpu.memory_space<vmem>>) dst(%dma_wait3A_21 : memref<53568xi32, #tpu.memory_space<hbm>>)
        tpu.yield
      }) : () -> ()
    } else {
    }
    %eq3A_15 = arith.constant 1 : i32
    %eq3A_16 = arith.cmpi eq, %arg0, %eq3A_15 : i32
    %convert_element_type3A_17 = arith.extui %eq3A_16 : i1 to i32
    %cond3A_18 = arith.constant 0 : i32
    %cond3A_19 = arith.cmpi ne, %convert_element_type3A_17, %cond3A_18 : i32
    scf.if %cond3A_19 {
      "tpu.region"() ({
        %run_scoped3A = tpu.sem_alloc : memref<!tpu.dma_semaphore, #tpu.memory_space<semaphore_mem>>
        %dma_start3A = tpu.memref_slice %arg6[%multiple_of3A] : memref<857088xi32, #tpu.memory_space<hbm>> -> memref<53568xi32, #tpu.memory_space<hbm>>
        %dma_start3A_20 = tpu.memref_slice %arg6[%multiple_of3A] : memref<857088xi32, #tpu.memory_space<hbm>> -> memref<53568xi32, #tpu.memory_space<hbm>>
        tpu.enqueue_dma source(%arg7 : memref<53568xi32, #tpu.memory_space<vmem>>) target(%dma_start3A_20 : memref<53568xi32, #tpu.memory_space<hbm>>) target_semaphore(%run_scoped3A : memref<!tpu.dma_semaphore, #tpu.memory_space<semaphore_mem>>)
        %dma_wait3A = tpu.memref_slice %arg6[%multiple_of3A] : memref<857088xi32, #tpu.memory_space<hbm>> -> memref<53568xi32, #tpu.memory_space<hbm>>
        %dma_wait3A_21 = tpu.memref_slice %arg6[%multiple_of3A] : memref<857088xi32, #tpu.memory_space<hbm>> -> memref<53568xi32, #tpu.memory_space<hbm>>
        tpu.wait_dma2 semaphore(%run_scoped3A : memref<!tpu.dma_semaphore, #tpu.memory_space<semaphore_mem>>) src(%arg7 : memref<53568xi32, #tpu.memory_space<vmem>>) dst(%dma_wait3A_21 : memref<53568xi32, #tpu.memory_space<hbm>>)
        tpu.yield
      }) : () -> ()
    } else {
    }
    return
  }
}

#map = affine_map<(d0, d1) -> (0, 0)>
#map1 = affine_map<(d0, d1) -> (0)>
module attributes {stable_mosaic.version = 14 : i64} {
  func.func @_scatter_rows(%arg0: i32, %arg1: i32, %arg2: memref<40000x128xf32, #tpu.memory_space<hbm>>, %arg3: memref<40064xi32, #tpu.memory_space<hbm>>, %arg4: memref<40064xi32, #tpu.memory_space<hbm>>, %arg5: memref<40064xi32, #tpu.memory_space<hbm>>, %arg6: memref<857088xi32, #tpu.memory_space<hbm>>, %arg7: memref<857088xi32, #tpu.memory_space<hbm>>, %arg8: memref<857088x128xf32, #tpu.memory_space<hbm>>, %arg9: memref<1x128xi32, #tpu.memory_space<vmem>>, %arg10: memref<1x128xi32, #tpu.memory_space<vmem>>, %arg11: memref<1x128xi32, #tpu.memory_space<vmem>>, %arg12: memref<1x128xi32, #tpu.memory_space<vmem>>, %arg13: memref<1x128xi32, #tpu.memory_space<vmem>>, %arg14: memref<1x128xi32, #tpu.memory_space<vmem>>, %arg15: memref<128x128xf32, #tpu.memory_space<vmem>>, %arg16: memref<!tpu.dma_semaphore, #tpu.memory_space<semaphore_mem>>) attributes {dimension_semantics = [#tpu.dimension_semantics<core_parallel>, #tpu.dimension_semantics<subcore_parallel>], iteration_bounds = array<i64: 2, 16>, scalar_prefetch = 0 : i64, scratch_operands = 8 : i64, tpu.core_type = #tpu.core_type<sc_vector_subcore>, window_params = [{transform_indices = #map}, {transform_indices = #map1}, {transform_indices = #map1}, {transform_indices = #map1}, {transform_indices = #map1}, {transform_indices = #map1}, {transform_indices = #map}]} {
    %mul3A = arith.constant 2 : i32
    %mul3A_0 = arith.muli %arg1, %mul3A : i32
    %add3A = arith.addi %mul3A_0, %arg0 : i32
    %mul3A_1 = arith.constant 128 : i32
    %mul3A_2 = arith.muli %add3A, %mul3A_1 : i32
    %add3A_3 = arith.constant 0 : i32
    %add3A_4 = arith.addi %mul3A_2, %add3A_3 : i32
    %multiple_of3A = tpu.assume_multiple %add3A_4, 8 : i32
    %lt3A = arith.constant 40064 : i32
    %lt3A_5 = arith.cmpi slt, %multiple_of3A, %lt3A : i32
    %convert_element_type3A = arith.extui %lt3A_5 : i1 to i32
    %cond3A = arith.constant 0 : i32
    %cond3A_6 = arith.cmpi ne, %convert_element_type3A, %cond3A : i32
    scf.if %cond3A_6 {
      %dma_start3A = arith.constant 0 : i32
      %dma_start3A_97 = arith.constant 0 : i32
      %dma_start3A_98 = tpu.memref_slice %arg9[%dma_start3A, %dma_start3A_97] : memref<1x128xi32, #tpu.memory_space<vmem>> -> memref<1x128xi32, #tpu.memory_space<vmem>>
      %dma_start3A_99 = tpu.memref_squeeze %dma_start3A_98 : memref<1x128xi32, #tpu.memory_space<vmem>> -> memref<128xi32, #tpu.memory_space<vmem>>
      %dma_start3A_100 = tpu.memref_slice %arg3[%multiple_of3A] : memref<40064xi32, #tpu.memory_space<hbm>> -> memref<128xi32, #tpu.memory_space<hbm>>
      %dma_start3A_101 = arith.constant 0 : i32
      %dma_start3A_102 = tpu.memref_slice %arg9[%dma_start3A, %dma_start3A_101] : memref<1x128xi32, #tpu.memory_space<vmem>> -> memref<1x128xi32, #tpu.memory_space<vmem>>
      %dma_start3A_103 = tpu.memref_squeeze %dma_start3A_102 : memref<1x128xi32, #tpu.memory_space<vmem>> -> memref<128xi32, #tpu.memory_space<vmem>>
      %dma_start3A_104 = tpu.memref_slice %arg3[%multiple_of3A] : memref<40064xi32, #tpu.memory_space<hbm>> -> memref<128xi32, #tpu.memory_space<hbm>>
      tpu.enqueue_dma source(%dma_start3A_104 : memref<128xi32, #tpu.memory_space<hbm>>) target(%dma_start3A_103 : memref<128xi32, #tpu.memory_space<vmem>>) target_semaphore(%arg16 : memref<!tpu.dma_semaphore, #tpu.memory_space<semaphore_mem>>)
      %dma_start3A_105 = arith.constant 0 : i32
      %dma_start3A_106 = arith.constant 0 : i32
      %dma_start3A_107 = tpu.memref_slice %arg10[%dma_start3A_105, %dma_start3A_106] : memref<1x128xi32, #tpu.memory_space<vmem>> -> memref<1x128xi32, #tpu.memory_space<vmem>>
      %dma_start3A_108 = tpu.memref_squeeze %dma_start3A_107 : memref<1x128xi32, #tpu.memory_space<vmem>> -> memref<128xi32, #tpu.memory_space<vmem>>
      %dma_start3A_109 = tpu.memref_slice %arg4[%multiple_of3A] : memref<40064xi32, #tpu.memory_space<hbm>> -> memref<128xi32, #tpu.memory_space<hbm>>
      %dma_start3A_110 = arith.constant 0 : i32
      %dma_start3A_111 = tpu.memref_slice %arg10[%dma_start3A_105, %dma_start3A_110] : memref<1x128xi32, #tpu.memory_space<vmem>> -> memref<1x128xi32, #tpu.memory_space<vmem>>
      %dma_start3A_112 = tpu.memref_squeeze %dma_start3A_111 : memref<1x128xi32, #tpu.memory_space<vmem>> -> memref<128xi32, #tpu.memory_space<vmem>>
      %dma_start3A_113 = tpu.memref_slice %arg4[%multiple_of3A] : memref<40064xi32, #tpu.memory_space<hbm>> -> memref<128xi32, #tpu.memory_space<hbm>>
      tpu.enqueue_dma source(%dma_start3A_113 : memref<128xi32, #tpu.memory_space<hbm>>) target(%dma_start3A_112 : memref<128xi32, #tpu.memory_space<vmem>>) target_semaphore(%arg16 : memref<!tpu.dma_semaphore, #tpu.memory_space<semaphore_mem>>)
      %dma_start3A_114 = arith.constant 0 : i32
      %dma_start3A_115 = arith.constant 0 : i32
      %dma_start3A_116 = tpu.memref_slice %arg11[%dma_start3A_114, %dma_start3A_115] : memref<1x128xi32, #tpu.memory_space<vmem>> -> memref<1x128xi32, #tpu.memory_space<vmem>>
      %dma_start3A_117 = tpu.memref_squeeze %dma_start3A_116 : memref<1x128xi32, #tpu.memory_space<vmem>> -> memref<128xi32, #tpu.memory_space<vmem>>
      %dma_start3A_118 = tpu.memref_slice %arg5[%multiple_of3A] : memref<40064xi32, #tpu.memory_space<hbm>> -> memref<128xi32, #tpu.memory_space<hbm>>
      %dma_start3A_119 = arith.constant 0 : i32
      %dma_start3A_120 = tpu.memref_slice %arg11[%dma_start3A_114, %dma_start3A_119] : memref<1x128xi32, #tpu.memory_space<vmem>> -> memref<1x128xi32, #tpu.memory_space<vmem>>
      %dma_start3A_121 = tpu.memref_squeeze %dma_start3A_120 : memref<1x128xi32, #tpu.memory_space<vmem>> -> memref<128xi32, #tpu.memory_space<vmem>>
      %dma_start3A_122 = tpu.memref_slice %arg5[%multiple_of3A] : memref<40064xi32, #tpu.memory_space<hbm>> -> memref<128xi32, #tpu.memory_space<hbm>>
      tpu.enqueue_dma source(%dma_start3A_122 : memref<128xi32, #tpu.memory_space<hbm>>) target(%dma_start3A_121 : memref<128xi32, #tpu.memory_space<vmem>>) target_semaphore(%arg16 : memref<!tpu.dma_semaphore, #tpu.memory_space<semaphore_mem>>)
      %dma_wait3A = arith.constant 0 : i32
      %dma_wait3A_123 = arith.constant 0 : i32
      %dma_wait3A_124 = tpu.memref_slice %arg9[%dma_wait3A, %dma_wait3A_123] : memref<1x128xi32, #tpu.memory_space<vmem>> -> memref<1x128xi32, #tpu.memory_space<vmem>>
      %dma_wait3A_125 = tpu.memref_squeeze %dma_wait3A_124 : memref<1x128xi32, #tpu.memory_space<vmem>> -> memref<128xi32, #tpu.memory_space<vmem>>
      %dma_wait3A_126 = tpu.memref_slice %arg3[%multiple_of3A] : memref<40064xi32, #tpu.memory_space<hbm>> -> memref<128xi32, #tpu.memory_space<hbm>>
      %dma_wait3A_127 = arith.constant 0 : i32
      %dma_wait3A_128 = tpu.memref_slice %arg9[%dma_wait3A, %dma_wait3A_127] : memref<1x128xi32, #tpu.memory_space<vmem>> -> memref<1x128xi32, #tpu.memory_space<vmem>>
      %dma_wait3A_129 = tpu.memref_squeeze %dma_wait3A_128 : memref<1x128xi32, #tpu.memory_space<vmem>> -> memref<128xi32, #tpu.memory_space<vmem>>
      %dma_wait3A_130 = tpu.memref_slice %arg3[%multiple_of3A] : memref<40064xi32, #tpu.memory_space<hbm>> -> memref<128xi32, #tpu.memory_space<hbm>>
      tpu.wait_dma2 semaphore(%arg16 : memref<!tpu.dma_semaphore, #tpu.memory_space<semaphore_mem>>) src(%dma_wait3A_130 : memref<128xi32, #tpu.memory_space<hbm>>) dst(%dma_wait3A_129 : memref<128xi32, #tpu.memory_space<vmem>>)
      %dma_wait3A_131 = arith.constant 0 : i32
      %dma_wait3A_132 = arith.constant 0 : i32
      %dma_wait3A_133 = tpu.memref_slice %arg10[%dma_wait3A_131, %dma_wait3A_132] : memref<1x128xi32, #tpu.memory_space<vmem>> -> memref<1x128xi32, #tpu.memory_space<vmem>>
      %dma_wait3A_134 = tpu.memref_squeeze %dma_wait3A_133 : memref<1x128xi32, #tpu.memory_space<vmem>> -> memref<128xi32, #tpu.memory_space<vmem>>
      %dma_wait3A_135 = tpu.memref_slice %arg4[%multiple_of3A] : memref<40064xi32, #tpu.memory_space<hbm>> -> memref<128xi32, #tpu.memory_space<hbm>>
      %dma_wait3A_136 = arith.constant 0 : i32
      %dma_wait3A_137 = tpu.memref_slice %arg10[%dma_wait3A_131, %dma_wait3A_136] : memref<1x128xi32, #tpu.memory_space<vmem>> -> memref<1x128xi32, #tpu.memory_space<vmem>>
      %dma_wait3A_138 = tpu.memref_squeeze %dma_wait3A_137 : memref<1x128xi32, #tpu.memory_space<vmem>> -> memref<128xi32, #tpu.memory_space<vmem>>
      %dma_wait3A_139 = tpu.memref_slice %arg4[%multiple_of3A] : memref<40064xi32, #tpu.memory_space<hbm>> -> memref<128xi32, #tpu.memory_space<hbm>>
      tpu.wait_dma2 semaphore(%arg16 : memref<!tpu.dma_semaphore, #tpu.memory_space<semaphore_mem>>) src(%dma_wait3A_139 : memref<128xi32, #tpu.memory_space<hbm>>) dst(%dma_wait3A_138 : memref<128xi32, #tpu.memory_space<vmem>>)
      %dma_wait3A_140 = arith.constant 0 : i32
      %dma_wait3A_141 = arith.constant 0 : i32
      %dma_wait3A_142 = tpu.memref_slice %arg11[%dma_wait3A_140, %dma_wait3A_141] : memref<1x128xi32, #tpu.memory_space<vmem>> -> memref<1x128xi32, #tpu.memory_space<vmem>>
      %dma_wait3A_143 = tpu.memref_squeeze %dma_wait3A_142 : memref<1x128xi32, #tpu.memory_space<vmem>> -> memref<128xi32, #tpu.memory_space<vmem>>
      %dma_wait3A_144 = tpu.memref_slice %arg5[%multiple_of3A] : memref<40064xi32, #tpu.memory_space<hbm>> -> memref<128xi32, #tpu.memory_space<hbm>>
      %dma_wait3A_145 = arith.constant 0 : i32
      %dma_wait3A_146 = tpu.memref_slice %arg11[%dma_wait3A_140, %dma_wait3A_145] : memref<1x128xi32, #tpu.memory_space<vmem>> -> memref<1x128xi32, #tpu.memory_space<vmem>>
      %dma_wait3A_147 = tpu.memref_squeeze %dma_wait3A_146 : memref<1x128xi32, #tpu.memory_space<vmem>> -> memref<128xi32, #tpu.memory_space<vmem>>
      %dma_wait3A_148 = tpu.memref_slice %arg5[%multiple_of3A] : memref<40064xi32, #tpu.memory_space<hbm>> -> memref<128xi32, #tpu.memory_space<hbm>>
      tpu.wait_dma2 semaphore(%arg16 : memref<!tpu.dma_semaphore, #tpu.memory_space<semaphore_mem>>) src(%dma_wait3A_148 : memref<128xi32, #tpu.memory_space<hbm>>) dst(%dma_wait3A_147 : memref<128xi32, #tpu.memory_space<vmem>>)
      %scan3A = arith.constant 0 : i32
      %scan3A_149 = arith.constant 8 : i32
      %scan3A_150 = arith.addi %scan3A, %scan3A_149 : i32
      %scan3A_151 = arith.constant 1 : i32
      scf.for %scan3A_199 = %scan3A to %scan3A_150 step %scan3A_151  : i32 {
        %mul3A_200 = arith.constant 16 : i32
        %mul3A_201 = arith.muli %scan3A_199, %mul3A_200 : i32
        %add3A_202 = arith.constant 0 : i32
        %add3A_203 = arith.addi %add3A_202, %mul3A_201 : i32
        %get3A = arith.constant 0 : i32
        %get3A_204 = arith.index_cast %get3A : i32 to index
        %get3A_205 = arith.index_cast %add3A_203 : i32 to index
        %get3A_206 = tpu.vector_load %arg9[%get3A_204, %get3A_205] {strides = array<i32>} : memref<1x128xi32, #tpu.memory_space<vmem>>, vector<1x16xi32>,
        %get3A_207 = vector.shape_cast %get3A_206 : vector<1x16xi32> to vector<16xi32>
        %get3A_208 = arith.constant 0 : i32
        %get3A_209 = arith.index_cast %get3A_208 : i32 to index
        %get3A_210 = arith.index_cast %add3A_203 : i32 to index
        %get3A_211 = tpu.vector_load %arg10[%get3A_209, %get3A_210] {strides = array<i32>} : memref<1x128xi32, #tpu.memory_space<vmem>>, vector<1x16xi32>,
        %get3A_212 = vector.shape_cast %get3A_211 : vector<1x16xi32> to vector<16xi32>
        %get3A_213 = arith.constant 0 : i32
        %get3A_214 = arith.index_cast %get3A_213 : i32 to index
        %get3A_215 = arith.index_cast %add3A_203 : i32 to index
        %get3A_216 = tpu.vector_load %arg11[%get3A_214, %get3A_215] {strides = array<i32>} : memref<1x128xi32, #tpu.memory_space<vmem>>, vector<1x16xi32>,
        %get3A_217 = vector.shape_cast %get3A_216 : vector<1x16xi32> to vector<16xi32>
        %mul3A_218 = arith.constant 214272 : i32
        %mul3A_219 = vector.broadcast %mul3A_218 : i32 to vector<16xi32>
        %mul3A_220 = arith.muli %get3A_207, %mul3A_219 : vector<16xi32>
        %mul3A_221 = arith.constant 432 : i32
        %mul3A_222 = vector.broadcast %mul3A_221 : i32 to vector<16xi32>
        %mul3A_223 = arith.muli %get3A_212, %mul3A_222 : vector<16xi32>
        %add3A_224 = arith.addi %mul3A_220, %mul3A_223 : vector<16xi32>
        %add3A_225 = arith.addi %add3A_224, %get3A_217 : vector<16xi32>
        %swap3A = arith.constant 0 : i32
        %swap3A_226 = arith.index_cast %swap3A : i32 to index
        %swap3A_227 = arith.index_cast %add3A_203 : i32 to index
        %swap3A_228 = tpu.vector_load %arg12[%swap3A_226, %swap3A_227] {strides = array<i32>} : memref<1x128xi32, #tpu.memory_space<vmem>>, vector<1x16xi32>,
        %swap3A_229 = vector.shape_cast %swap3A_228 : vector<1x16xi32> to vector<16xi32>
        %swap3A_230 = vector.shape_cast %add3A_225 : vector<16xi32> to vector<1x16xi32>
        tpu.vector_store %arg12[%swap3A_226, %swap3A_227], %swap3A_230 {strides = array<i32>} : memref<1x128xi32, #tpu.memory_space<vmem>>, vector<1x16xi32>,
      }
      %scan3A_152 = arith.constant 8 : i32
      %dma_start3A_153 = arith.constant 0 : i32
      %dma_start3A_154 = arith.constant 0 : i32
      %dma_start3A_155 = arith.constant 0 : i32
      %dma_start3A_156 = tpu.memref_slice %arg13[%dma_start3A_154, %dma_start3A_155] : memref<1x128xi32, #tpu.memory_space<vmem>> -> memref<1x128xi32, #tpu.memory_space<vmem>>
      %dma_start3A_157 = tpu.memref_squeeze %dma_start3A_156 : memref<1x128xi32, #tpu.memory_space<vmem>> -> memref<128xi32, #tpu.memory_space<vmem>>
      %dma_start3A_158 = arith.constant 0 : i32
      %dma_start3A_159 = tpu.memref_slice %arg12[%dma_start3A_153, %dma_start3A_158] : memref<1x128xi32, #tpu.memory_space<vmem>> -> memref<1x128xi32, #tpu.memory_space<vmem>>
      %dma_start3A_160 = tpu.memref_squeeze %dma_start3A_159 : memref<1x128xi32, #tpu.memory_space<vmem>> -> memref<128xi32, #tpu.memory_space<vmem>>
      %dma_start3A_161 = arith.constant 0 : i32
      %dma_start3A_162 = tpu.memref_slice %arg6[%dma_start3A_161] : memref<857088xi32, #tpu.memory_space<hbm>> -> memref<857088xi32, #tpu.memory_space<hbm>>
      tpu.enqueue_indirect_dma source(%dma_start3A_162 : memref<857088xi32, #tpu.memory_space<hbm>>) target(%dma_start3A_157 : memref<128xi32, #tpu.memory_space<vmem>>) offsets(%dma_start3A_160 : memref<128xi32, #tpu.memory_space<vmem>>) semaphore(%arg16 : memref<!tpu.dma_semaphore, #tpu.memory_space<semaphore_mem>>)
      %dma_start3A_163 = arith.constant 0 : i32
      %dma_start3A_164 = arith.constant 0 : i32
      %dma_start3A_165 = arith.constant 0 : i32
      %dma_start3A_166 = tpu.memref_slice %arg14[%dma_start3A_164, %dma_start3A_165] : memref<1x128xi32, #tpu.memory_space<vmem>> -> memref<1x128xi32, #tpu.memory_space<vmem>>
      %dma_start3A_167 = tpu.memref_squeeze %dma_start3A_166 : memref<1x128xi32, #tpu.memory_space<vmem>> -> memref<128xi32, #tpu.memory_space<vmem>>
      %dma_start3A_168 = arith.constant 0 : i32
      %dma_start3A_169 = tpu.memref_slice %arg12[%dma_start3A_163, %dma_start3A_168] : memref<1x128xi32, #tpu.memory_space<vmem>> -> memref<1x128xi32, #tpu.memory_space<vmem>>
      %dma_start3A_170 = tpu.memref_squeeze %dma_start3A_169 : memref<1x128xi32, #tpu.memory_space<vmem>> -> memref<128xi32, #tpu.memory_space<vmem>>
      %dma_start3A_171 = arith.constant 0 : i32
      %dma_start3A_172 = tpu.memref_slice %arg7[%dma_start3A_171] : memref<857088xi32, #tpu.memory_space<hbm>> -> memref<857088xi32, #tpu.memory_space<hbm>>
      tpu.enqueue_indirect_dma source(%dma_start3A_172 : memref<857088xi32, #tpu.memory_space<hbm>>) target(%dma_start3A_167 : memref<128xi32, #tpu.memory_space<vmem>>) offsets(%dma_start3A_170 : memref<128xi32, #tpu.memory_space<vmem>>) semaphore(%arg16 : memref<!tpu.dma_semaphore, #tpu.memory_space<semaphore_mem>>)
      %dma_wait3A_173 = arith.constant 0 : i32
      %dma_wait3A_174 = arith.constant 0 : i32
      %dma_wait3A_175 = arith.constant 0 : i32
      %dma_wait3A_176 = tpu.memref_slice %arg13[%dma_wait3A_174, %dma_wait3A_175] : memref<1x128xi32, #tpu.memory_space<vmem>> -> memref<1x128xi32, #tpu.memory_space<vmem>>
      %dma_wait3A_177 = tpu.memref_squeeze %dma_wait3A_176 : memref<1x128xi32, #tpu.memory_space<vmem>> -> memref<128xi32, #tpu.memory_space<vmem>>
      %dma_wait3A_178 = arith.constant 0 : i32
      %dma_wait3A_179 = tpu.memref_slice %arg12[%dma_wait3A_173, %dma_wait3A_178] : memref<1x128xi32, #tpu.memory_space<vmem>> -> memref<1x128xi32, #tpu.memory_space<vmem>>
      %dma_wait3A_180 = tpu.memref_squeeze %dma_wait3A_179 : memref<1x128xi32, #tpu.memory_space<vmem>> -> memref<128xi32, #tpu.memory_space<vmem>>
      %dma_wait3A_181 = arith.constant 0 : i32
      %dma_wait3A_182 = tpu.memref_slice %arg6[%dma_wait3A_181] : memref<857088xi32, #tpu.memory_space<hbm>> -> memref<857088xi32, #tpu.memory_space<hbm>>
      tpu.wait_indirect_dma semaphore(%arg16 : memref<!tpu.dma_semaphore, #tpu.memory_space<semaphore_mem>>) src(%dma_wait3A_182 : memref<857088xi32, #tpu.memory_space<hbm>>) dst(%dma_wait3A_177 : memref<128xi32, #tpu.memory_space<vmem>>)
      %dma_wait3A_183 = arith.constant 0 : i32
      %dma_wait3A_184 = arith.constant 0 : i32
      %dma_wait3A_185 = arith.constant 0 : i32
      %dma_wait3A_186 = tpu.memref_slice %arg14[%dma_wait3A_184, %dma_wait3A_185] : memref<1x128xi32, #tpu.memory_space<vmem>> -> memref<1x128xi32, #tpu.memory_space<vmem>>
      %dma_wait3A_187 = tpu.memref_squeeze %dma_wait3A_186 : memref<1x128xi32, #tpu.memory_space<vmem>> -> memref<128xi32, #tpu.memory_space<vmem>>
      %dma_wait3A_188 = arith.constant 0 : i32
      %dma_wait3A_189 = tpu.memref_slice %arg12[%dma_wait3A_183, %dma_wait3A_188] : memref<1x128xi32, #tpu.memory_space<vmem>> -> memref<1x128xi32, #tpu.memory_space<vmem>>
      %dma_wait3A_190 = tpu.memref_squeeze %dma_wait3A_189 : memref<1x128xi32, #tpu.memory_space<vmem>> -> memref<128xi32, #tpu.memory_space<vmem>>
      %dma_wait3A_191 = arith.constant 0 : i32
      %dma_wait3A_192 = tpu.memref_slice %arg7[%dma_wait3A_191] : memref<857088xi32, #tpu.memory_space<hbm>> -> memref<857088xi32, #tpu.memory_space<hbm>>
      tpu.wait_indirect_dma semaphore(%arg16 : memref<!tpu.dma_semaphore, #tpu.memory_space<semaphore_mem>>) src(%dma_wait3A_192 : memref<857088xi32, #tpu.memory_space<hbm>>) dst(%dma_wait3A_187 : memref<128xi32, #tpu.memory_space<vmem>>)
      %scan3A_193 = arith.constant 0 : i32
      %scan3A_194 = arith.constant 8 : i32
      %scan3A_195 = arith.addi %scan3A_193, %scan3A_194 : i32
      %scan3A_196 = arith.constant 1 : i32
      scf.for %scan3A_199 = %scan3A_193 to %scan3A_195 step %scan3A_196  : i32 {
        %mul3A_200 = arith.constant 16 : i32
        %mul3A_201 = arith.muli %scan3A_199, %mul3A_200 : i32
        %add3A_202 = arith.constant 0 : i32
        %add3A_203 = arith.addi %add3A_202, %mul3A_201 : i32
        %get3A = arith.constant 0 : i32
        %get3A_204 = arith.index_cast %get3A : i32 to index
        %get3A_205 = arith.index_cast %add3A_203 : i32 to index
        %get3A_206 = tpu.vector_load %arg13[%get3A_204, %get3A_205] {strides = array<i32>} : memref<1x128xi32, #tpu.memory_space<vmem>>, vector<1x16xi32>,
        %get3A_207 = vector.shape_cast %get3A_206 : vector<1x16xi32> to vector<16xi32>
        %get3A_208 = arith.constant 0 : i32
        %get3A_209 = arith.index_cast %get3A_208 : i32 to index
        %get3A_210 = arith.index_cast %add3A_203 : i32 to index
        %get3A_211 = tpu.vector_load %arg14[%get3A_209, %get3A_210] {strides = array<i32>} : memref<1x128xi32, #tpu.memory_space<vmem>>, vector<1x16xi32>,
        %get3A_212 = vector.shape_cast %get3A_211 : vector<1x16xi32> to vector<16xi32>
        %max3A = arith.maxsi %get3A_207, %get3A_212 : vector<16xi32>
        %swap3A = arith.constant 0 : i32
        %swap3A_213 = arith.index_cast %swap3A : i32 to index
        %swap3A_214 = arith.index_cast %add3A_203 : i32 to index
        %swap3A_215 = tpu.vector_load %arg13[%swap3A_213, %swap3A_214] {strides = array<i32>} : memref<1x128xi32, #tpu.memory_space<vmem>>, vector<1x16xi32>,
        %swap3A_216 = vector.shape_cast %swap3A_215 : vector<1x16xi32> to vector<16xi32>
        %swap3A_217 = vector.shape_cast %max3A : vector<16xi32> to vector<1x16xi32>
        tpu.vector_store %arg13[%swap3A_213, %swap3A_214], %swap3A_217 {strides = array<i32>} : memref<1x128xi32, #tpu.memory_space<vmem>>, vector<1x16xi32>,
      }
      %scan3A_197 = arith.constant 8 : i32
      %run_scoped3A = arith.constant 0 : i32
      "tpu.region"() ({
        %run_scoped3A_199 = tpu.sem_alloc : memref<!tpu.dma_semaphore, #tpu.memory_space<semaphore_mem>>
        %dma_start3A_200 = arith.constant 0 : i32
        %dma_start3A_201 = tpu.memref_slice %arg13[%run_scoped3A, %dma_start3A_200] : memref<1x128xi32, #tpu.memory_space<vmem>> -> memref<1x128xi32, #tpu.memory_space<vmem>>
        %dma_start3A_202 = tpu.memref_squeeze %dma_start3A_201 : memref<1x128xi32, #tpu.memory_space<vmem>> -> memref<128xi32, #tpu.memory_space<vmem>>
        %dma_start3A_203 = arith.constant 0 : i32
        %dma_start3A_204 = arith.constant 0 : i32
        %dma_start3A_205 = tpu.memref_slice %arg2[%dma_start3A_203, %dma_start3A_204] : memref<40000x128xf32, #tpu.memory_space<hbm>> -> memref<40000x128xf32, #tpu.memory_space<hbm>>
        tpu.enqueue_indirect_dma source(%dma_start3A_205 : memref<40000x128xf32, #tpu.memory_space<hbm>>) target(%arg15 : memref<128x128xf32, #tpu.memory_space<vmem>>) offsets(%dma_start3A_202 : memref<128xi32, #tpu.memory_space<vmem>>) semaphore(%run_scoped3A_199 : memref<!tpu.dma_semaphore, #tpu.memory_space<semaphore_mem>>)
        %dma_wait3A_206 = arith.constant 0 : i32
        %dma_wait3A_207 = tpu.memref_slice %arg13[%run_scoped3A, %dma_wait3A_206] : memref<1x128xi32, #tpu.memory_space<vmem>> -> memref<1x128xi32, #tpu.memory_space<vmem>>
        %dma_wait3A_208 = tpu.memref_squeeze %dma_wait3A_207 : memref<1x128xi32, #tpu.memory_space<vmem>> -> memref<128xi32, #tpu.memory_space<vmem>>
        %dma_wait3A_209 = arith.constant 0 : i32
        %dma_wait3A_210 = arith.constant 0 : i32
        %dma_wait3A_211 = tpu.memref_slice %arg2[%dma_wait3A_209, %dma_wait3A_210] : memref<40000x128xf32, #tpu.memory_space<hbm>> -> memref<40000x128xf32, #tpu.memory_space<hbm>>
        tpu.wait_indirect_dma semaphore(%run_scoped3A_199 : memref<!tpu.dma_semaphore, #tpu.memory_space<semaphore_mem>>) src(%dma_wait3A_211 : memref<40000x128xf32, #tpu.memory_space<hbm>>) dst(%arg15 : memref<128x128xf32, #tpu.memory_space<vmem>>)
        tpu.yield
      }) : () -> ()
      %run_scoped3A_198 = arith.constant 0 : i32
      "tpu.region"() ({
        %run_scoped3A_199 = tpu.sem_alloc : memref<!tpu.dma_semaphore, #tpu.memory_space<semaphore_mem>>
        %dma_start3A_200 = arith.constant 0 : i32
        %dma_start3A_201 = tpu.memref_slice %arg12[%run_scoped3A_198, %dma_start3A_200] : memref<1x128xi32, #tpu.memory_space<vmem>> -> memref<1x128xi32, #tpu.memory_space<vmem>>
        %dma_start3A_202 = tpu.memref_squeeze %dma_start3A_201 : memref<1x128xi32, #tpu.memory_space<vmem>> -> memref<128xi32, #tpu.memory_space<vmem>>
        %dma_start3A_203 = arith.constant 0 : i32
        %dma_start3A_204 = arith.constant 0 : i32
        %dma_start3A_205 = tpu.memref_slice %arg8[%dma_start3A_203, %dma_start3A_204] : memref<857088x128xf32, #tpu.memory_space<hbm>> -> memref<857088x128xf32, #tpu.memory_space<hbm>>
        tpu.enqueue_indirect_dma source(%arg15 : memref<128x128xf32, #tpu.memory_space<vmem>>) target(%dma_start3A_205 : memref<857088x128xf32, #tpu.memory_space<hbm>>) offsets(%dma_start3A_202 : memref<128xi32, #tpu.memory_space<vmem>>) semaphore(%run_scoped3A_199 : memref<!tpu.dma_semaphore, #tpu.memory_space<semaphore_mem>>)
        %dma_wait3A_206 = arith.constant 0 : i32
        %dma_wait3A_207 = tpu.memref_slice %arg12[%run_scoped3A_198, %dma_wait3A_206] : memref<1x128xi32, #tpu.memory_space<vmem>> -> memref<1x128xi32, #tpu.memory_space<vmem>>
        %dma_wait3A_208 = tpu.memref_squeeze %dma_wait3A_207 : memref<1x128xi32, #tpu.memory_space<vmem>> -> memref<128xi32, #tpu.memory_space<vmem>>
        %dma_wait3A_209 = arith.constant 0 : i32
        %dma_wait3A_210 = arith.constant 0 : i32
        %dma_wait3A_211 = tpu.memref_slice %arg8[%dma_wait3A_209, %dma_wait3A_210] : memref<857088x128xf32, #tpu.memory_space<hbm>> -> memref<857088x128xf32, #tpu.memory_space<hbm>>
        tpu.wait_indirect_dma semaphore(%run_scoped3A_199 : memref<!tpu.dma_semaphore, #tpu.memory_space<semaphore_mem>>) src(%arg15 : memref<128x128xf32, #tpu.memory_space<vmem>>) dst(%dma_wait3A_211 : memref<857088x128xf32, #tpu.memory_space<hbm>>)
        tpu.yield
      }) : () -> ()
    } else {
    }
    %mul3A_7 = arith.constant 128 : i32
    %mul3A_8 = arith.muli %add3A, %mul3A_7 : i32
    %add3A_9 = arith.constant 4096 : i32
    %add3A_10 = arith.addi %mul3A_8, %add3A_9 : i32
    %multiple_of3A_11 = tpu.assume_multiple %add3A_10, 8 : i32
    %lt3A_12 = arith.constant 40064 : i32
    %lt3A_13 = arith.cmpi slt, %multiple_of3A_11, %lt3A_12 : i32
    %convert_element_type3A_14 = arith.extui %lt3A_13 : i1 to i32
    %cond3A_15 = arith.constant 0 : i32
    %cond3A_16 = arith.cmpi ne, %convert_element_type3A_14, %cond3A_15 : i32
    scf.if %cond3A_16 {
      %dma_start3A = arith.constant 0 : i32
      %dma_start3A_97 = arith.constant 0 : i32
      %dma_start3A_98 = tpu.memref_slice %arg9[%dma_start3A, %dma_start3A_97] : memref<1x128xi32, #tpu.memory_space<vmem>> -> memref<1x128xi32, #tpu.memory_space<vmem>>
      %dma_start3A_99 = tpu.memref_squeeze %dma_start3A_98 : memref<1x128xi32, #tpu.memory_space<vmem>> -> memref<128xi32, #tpu.memory_space<vmem>>
      %dma_start3A_100 = tpu.memref_slice %arg3[%multiple_of3A_11] : memref<40064xi32, #tpu.memory_space<hbm>> -> memref<128xi32, #tpu.memory_space<hbm>>
      %dma_start3A_101 = arith.constant 0 : i32
      %dma_start3A_102 = tpu.memref_slice %arg9[%dma_start3A, %dma_start3A_101] : memref<1x128xi32, #tpu.memory_space<vmem>> -> memref<1x128xi32, #tpu.memory_space<vmem>>
      %dma_start3A_103 = tpu.memref_squeeze %dma_start3A_102 : memref<1x128xi32, #tpu.memory_space<vmem>> -> memref<128xi32, #tpu.memory_space<vmem>>
      %dma_start3A_104 = tpu.memref_slice %arg3[%multiple_of3A_11] : memref<40064xi32, #tpu.memory_space<hbm>> -> memref<128xi32, #tpu.memory_space<hbm>>
      tpu.enqueue_dma source(%dma_start3A_104 : memref<128xi32, #tpu.memory_space<hbm>>) target(%dma_start3A_103 : memref<128xi32, #tpu.memory_space<vmem>>) target_semaphore(%arg16 : memref<!tpu.dma_semaphore, #tpu.memory_space<semaphore_mem>>)
      %dma_start3A_105 = arith.constant 0 : i32
      %dma_start3A_106 = arith.constant 0 : i32
      %dma_start3A_107 = tpu.memref_slice %arg10[%dma_start3A_105, %dma_start3A_106] : memref<1x128xi32, #tpu.memory_space<vmem>> -> memref<1x128xi32, #tpu.memory_space<vmem>>
      %dma_start3A_108 = tpu.memref_squeeze %dma_start3A_107 : memref<1x128xi32, #tpu.memory_space<vmem>> -> memref<128xi32, #tpu.memory_space<vmem>>
      %dma_start3A_109 = tpu.memref_slice %arg4[%multiple_of3A_11] : memref<40064xi32, #tpu.memory_space<hbm>> -> memref<128xi32, #tpu.memory_space<hbm>>
      %dma_start3A_110 = arith.constant 0 : i32
      %dma_start3A_111 = tpu.memref_slice %arg10[%dma_start3A_105, %dma_start3A_110] : memref<1x128xi32, #tpu.memory_space<vmem>> -> memref<1x128xi32, #tpu.memory_space<vmem>>
      %dma_start3A_112 = tpu.memref_squeeze %dma_start3A_111 : memref<1x128xi32, #tpu.memory_space<vmem>> -> memref<128xi32, #tpu.memory_space<vmem>>
      %dma_start3A_113 = tpu.memref_slice %arg4[%multiple_of3A_11] : memref<40064xi32, #tpu.memory_space<hbm>> -> memref<128xi32, #tpu.memory_space<hbm>>
      tpu.enqueue_dma source(%dma_start3A_113 : memref<128xi32, #tpu.memory_space<hbm>>) target(%dma_start3A_112 : memref<128xi32, #tpu.memory_space<vmem>>) target_semaphore(%arg16 : memref<!tpu.dma_semaphore, #tpu.memory_space<semaphore_mem>>)
      %dma_start3A_114 = arith.constant 0 : i32
      %dma_start3A_115 = arith.constant 0 : i32
      %dma_start3A_116 = tpu.memref_slice %arg11[%dma_start3A_114, %dma_start3A_115] : memref<1x128xi32, #tpu.memory_space<vmem>> -> memref<1x128xi32, #tpu.memory_space<vmem>>
      %dma_start3A_117 = tpu.memref_squeeze %dma_start3A_116 : memref<1x128xi32, #tpu.memory_space<vmem>> -> memref<128xi32, #tpu.memory_space<vmem>>
      %dma_start3A_118 = tpu.memref_slice %arg5[%multiple_of3A_11] : memref<40064xi32, #tpu.memory_space<hbm>> -> memref<128xi32, #tpu.memory_space<hbm>>
      %dma_start3A_119 = arith.constant 0 : i32
      %dma_start3A_120 = tpu.memref_slice %arg11[%dma_start3A_114, %dma_start3A_119] : memref<1x128xi32, #tpu.memory_space<vmem>> -> memref<1x128xi32, #tpu.memory_space<vmem>>
      %dma_start3A_121 = tpu.memref_squeeze %dma_start3A_120 : memref<1x128xi32, #tpu.memory_space<vmem>> -> memref<128xi32, #tpu.memory_space<vmem>>
      %dma_start3A_122 = tpu.memref_slice %arg5[%multiple_of3A_11] : memref<40064xi32, #tpu.memory_space<hbm>> -> memref<128xi32, #tpu.memory_space<hbm>>
      tpu.enqueue_dma source(%dma_start3A_122 : memref<128xi32, #tpu.memory_space<hbm>>) target(%dma_start3A_121 : memref<128xi32, #tpu.memory_space<vmem>>) target_semaphore(%arg16 : memref<!tpu.dma_semaphore, #tpu.memory_space<semaphore_mem>>)
      %dma_wait3A = arith.constant 0 : i32
      %dma_wait3A_123 = arith.constant 0 : i32
      %dma_wait3A_124 = tpu.memref_slice %arg9[%dma_wait3A, %dma_wait3A_123] : memref<1x128xi32, #tpu.memory_space<vmem>> -> memref<1x128xi32, #tpu.memory_space<vmem>>
      %dma_wait3A_125 = tpu.memref_squeeze %dma_wait3A_124 : memref<1x128xi32, #tpu.memory_space<vmem>> -> memref<128xi32, #tpu.memory_space<vmem>>
      %dma_wait3A_126 = tpu.memref_slice %arg3[%multiple_of3A_11] : memref<40064xi32, #tpu.memory_space<hbm>> -> memref<128xi32, #tpu.memory_space<hbm>>
      %dma_wait3A_127 = arith.constant 0 : i32
      %dma_wait3A_128 = tpu.memref_slice %arg9[%dma_wait3A, %dma_wait3A_127] : memref<1x128xi32, #tpu.memory_space<vmem>> -> memref<1x128xi32, #tpu.memory_space<vmem>>
      %dma_wait3A_129 = tpu.memref_squeeze %dma_wait3A_128 : memref<1x128xi32, #tpu.memory_space<vmem>> -> memref<128xi32, #tpu.memory_space<vmem>>
      %dma_wait3A_130 = tpu.memref_slice %arg3[%multiple_of3A_11] : memref<40064xi32, #tpu.memory_space<hbm>> -> memref<128xi32, #tpu.memory_space<hbm>>
      tpu.wait_dma2 semaphore(%arg16 : memref<!tpu.dma_semaphore, #tpu.memory_space<semaphore_mem>>) src(%dma_wait3A_130 : memref<128xi32, #tpu.memory_space<hbm>>) dst(%dma_wait3A_129 : memref<128xi32, #tpu.memory_space<vmem>>)
      %dma_wait3A_131 = arith.constant 0 : i32
      %dma_wait3A_132 = arith.constant 0 : i32
      %dma_wait3A_133 = tpu.memref_slice %arg10[%dma_wait3A_131, %dma_wait3A_132] : memref<1x128xi32, #tpu.memory_space<vmem>> -> memref<1x128xi32, #tpu.memory_space<vmem>>
      %dma_wait3A_134 = tpu.memref_squeeze %dma_wait3A_133 : memref<1x128xi32, #tpu.memory_space<vmem>> -> memref<128xi32, #tpu.memory_space<vmem>>
      %dma_wait3A_135 = tpu.memref_slice %arg4[%multiple_of3A_11] : memref<40064xi32, #tpu.memory_space<hbm>> -> memref<128xi32, #tpu.memory_space<hbm>>
      %dma_wait3A_136 = arith.constant 0 : i32
      %dma_wait3A_137 = tpu.memref_slice %arg10[%dma_wait3A_131, %dma_wait3A_136] : memref<1x128xi32, #tpu.memory_space<vmem>> -> memref<1x128xi32, #tpu.memory_space<vmem>>
      %dma_wait3A_138 = tpu.memref_squeeze %dma_wait3A_137 : memref<1x128xi32, #tpu.memory_space<vmem>> -> memref<128xi32, #tpu.memory_space<vmem>>
      %dma_wait3A_139 = tpu.memref_slice %arg4[%multiple_of3A_11] : memref<40064xi32, #tpu.memory_space<hbm>> -> memref<128xi32, #tpu.memory_space<hbm>>
      tpu.wait_dma2 semaphore(%arg16 : memref<!tpu.dma_semaphore, #tpu.memory_space<semaphore_mem>>) src(%dma_wait3A_139 : memref<128xi32, #tpu.memory_space<hbm>>) dst(%dma_wait3A_138 : memref<128xi32, #tpu.memory_space<vmem>>)
      %dma_wait3A_140 = arith.constant 0 : i32
      %dma_wait3A_141 = arith.constant 0 : i32
      %dma_wait3A_142 = tpu.memref_slice %arg11[%dma_wait3A_140, %dma_wait3A_141] : memref<1x128xi32, #tpu.memory_space<vmem>> -> memref<1x128xi32, #tpu.memory_space<vmem>>
      %dma_wait3A_143 = tpu.memref_squeeze %dma_wait3A_142 : memref<1x128xi32, #tpu.memory_space<vmem>> -> memref<128xi32, #tpu.memory_space<vmem>>
      %dma_wait3A_144 = tpu.memref_slice %arg5[%multiple_of3A_11] : memref<40064xi32, #tpu.memory_space<hbm>> -> memref<128xi32, #tpu.memory_space<hbm>>
      %dma_wait3A_145 = arith.constant 0 : i32
      %dma_wait3A_146 = tpu.memref_slice %arg11[%dma_wait3A_140, %dma_wait3A_145] : memref<1x128xi32, #tpu.memory_space<vmem>> -> memref<1x128xi32, #tpu.memory_space<vmem>>
      %dma_wait3A_147 = tpu.memref_squeeze %dma_wait3A_146 : memref<1x128xi32, #tpu.memory_space<vmem>> -> memref<128xi32, #tpu.memory_space<vmem>>
      %dma_wait3A_148 = tpu.memref_slice %arg5[%multiple_of3A_11] : memref<40064xi32, #tpu.memory_space<hbm>> -> memref<128xi32, #tpu.memory_space<hbm>>
      tpu.wait_dma2 semaphore(%arg16 : memref<!tpu.dma_semaphore, #tpu.memory_space<semaphore_mem>>) src(%dma_wait3A_148 : memref<128xi32, #tpu.memory_space<hbm>>) dst(%dma_wait3A_147 : memref<128xi32, #tpu.memory_space<vmem>>)
      %scan3A = arith.constant 0 : i32
      %scan3A_149 = arith.constant 8 : i32
      %scan3A_150 = arith.addi %scan3A, %scan3A_149 : i32
      %scan3A_151 = arith.constant 1 : i32
      scf.for %scan3A_199 = %scan3A to %scan3A_150 step %scan3A_151  : i32 {
        %mul3A_200 = arith.constant 16 : i32
        %mul3A_201 = arith.muli %scan3A_199, %mul3A_200 : i32
        %add3A_202 = arith.constant 0 : i32
        %add3A_203 = arith.addi %add3A_202, %mul3A_201 : i32
        %get3A = arith.constant 0 : i32
        %get3A_204 = arith.index_cast %get3A : i32 to index
        %get3A_205 = arith.index_cast %add3A_203 : i32 to index
        %get3A_206 = tpu.vector_load %arg9[%get3A_204, %get3A_205] {strides = array<i32>} : memref<1x128xi32, #tpu.memory_space<vmem>>, vector<1x16xi32>,
        %get3A_207 = vector.shape_cast %get3A_206 : vector<1x16xi32> to vector<16xi32>
        %get3A_208 = arith.constant 0 : i32
        %get3A_209 = arith.index_cast %get3A_208 : i32 to index
        %get3A_210 = arith.index_cast %add3A_203 : i32 to index
        %get3A_211 = tpu.vector_load %arg10[%get3A_209, %get3A_210] {strides = array<i32>} : memref<1x128xi32, #tpu.memory_space<vmem>>, vector<1x16xi32>,
        %get3A_212 = vector.shape_cast %get3A_211 : vector<1x16xi32> to vector<16xi32>
        %get3A_213 = arith.constant 0 : i32
        %get3A_214 = arith.index_cast %get3A_213 : i32 to index
        %get3A_215 = arith.index_cast %add3A_203 : i32 to index
        %get3A_216 = tpu.vector_load %arg11[%get3A_214, %get3A_215] {strides = array<i32>} : memref<1x128xi32, #tpu.memory_space<vmem>>, vector<1x16xi32>,
        %get3A_217 = vector.shape_cast %get3A_216 : vector<1x16xi32> to vector<16xi32>
        %mul3A_218 = arith.constant 214272 : i32
        %mul3A_219 = vector.broadcast %mul3A_218 : i32 to vector<16xi32>
        %mul3A_220 = arith.muli %get3A_207, %mul3A_219 : vector<16xi32>
        %mul3A_221 = arith.constant 432 : i32
        %mul3A_222 = vector.broadcast %mul3A_221 : i32 to vector<16xi32>
        %mul3A_223 = arith.muli %get3A_212, %mul3A_222 : vector<16xi32>
        %add3A_224 = arith.addi %mul3A_220, %mul3A_223 : vector<16xi32>
        %add3A_225 = arith.addi %add3A_224, %get3A_217 : vector<16xi32>
        %swap3A = arith.constant 0 : i32
        %swap3A_226 = arith.index_cast %swap3A : i32 to index
        %swap3A_227 = arith.index_cast %add3A_203 : i32 to index
        %swap3A_228 = tpu.vector_load %arg12[%swap3A_226, %swap3A_227] {strides = array<i32>} : memref<1x128xi32, #tpu.memory_space<vmem>>, vector<1x16xi32>,
        %swap3A_229 = vector.shape_cast %swap3A_228 : vector<1x16xi32> to vector<16xi32>
        %swap3A_230 = vector.shape_cast %add3A_225 : vector<16xi32> to vector<1x16xi32>
        tpu.vector_store %arg12[%swap3A_226, %swap3A_227], %swap3A_230 {strides = array<i32>} : memref<1x128xi32, #tpu.memory_space<vmem>>, vector<1x16xi32>,
      }
      %scan3A_152 = arith.constant 8 : i32
      %dma_start3A_153 = arith.constant 0 : i32
      %dma_start3A_154 = arith.constant 0 : i32
      %dma_start3A_155 = arith.constant 0 : i32
      %dma_start3A_156 = tpu.memref_slice %arg13[%dma_start3A_154, %dma_start3A_155] : memref<1x128xi32, #tpu.memory_space<vmem>> -> memref<1x128xi32, #tpu.memory_space<vmem>>
      %dma_start3A_157 = tpu.memref_squeeze %dma_start3A_156 : memref<1x128xi32, #tpu.memory_space<vmem>> -> memref<128xi32, #tpu.memory_space<vmem>>
      %dma_start3A_158 = arith.constant 0 : i32
      %dma_start3A_159 = tpu.memref_slice %arg12[%dma_start3A_153, %dma_start3A_158] : memref<1x128xi32, #tpu.memory_space<vmem>> -> memref<1x128xi32, #tpu.memory_space<vmem>>
      %dma_start3A_160 = tpu.memref_squeeze %dma_start3A_159 : memref<1x128xi32, #tpu.memory_space<vmem>> -> memref<128xi32, #tpu.memory_space<vmem>>
      %dma_start3A_161 = arith.constant 0 : i32
      %dma_start3A_162 = tpu.memref_slice %arg6[%dma_start3A_161] : memref<857088xi32, #tpu.memory_space<hbm>> -> memref<857088xi32, #tpu.memory_space<hbm>>
      tpu.enqueue_indirect_dma source(%dma_start3A_162 : memref<857088xi32, #tpu.memory_space<hbm>>) target(%dma_start3A_157 : memref<128xi32, #tpu.memory_space<vmem>>) offsets(%dma_start3A_160 : memref<128xi32, #tpu.memory_space<vmem>>) semaphore(%arg16 : memref<!tpu.dma_semaphore, #tpu.memory_space<semaphore_mem>>)
      %dma_start3A_163 = arith.constant 0 : i32
      %dma_start3A_164 = arith.constant 0 : i32
      %dma_start3A_165 = arith.constant 0 : i32
      %dma_start3A_166 = tpu.memref_slice %arg14[%dma_start3A_164, %dma_start3A_165] : memref<1x128xi32, #tpu.memory_space<vmem>> -> memref<1x128xi32, #tpu.memory_space<vmem>>
      %dma_start3A_167 = tpu.memref_squeeze %dma_start3A_166 : memref<1x128xi32, #tpu.memory_space<vmem>> -> memref<128xi32, #tpu.memory_space<vmem>>
      %dma_start3A_168 = arith.constant 0 : i32
      %dma_start3A_169 = tpu.memref_slice %arg12[%dma_start3A_163, %dma_start3A_168] : memref<1x128xi32, #tpu.memory_space<vmem>> -> memref<1x128xi32, #tpu.memory_space<vmem>>
      %dma_start3A_170 = tpu.memref_squeeze %dma_start3A_169 : memref<1x128xi32, #tpu.memory_space<vmem>> -> memref<128xi32, #tpu.memory_space<vmem>>
      %dma_start3A_171 = arith.constant 0 : i32
      %dma_start3A_172 = tpu.memref_slice %arg7[%dma_start3A_171] : memref<857088xi32, #tpu.memory_space<hbm>> -> memref<857088xi32, #tpu.memory_space<hbm>>
      tpu.enqueue_indirect_dma source(%dma_start3A_172 : memref<857088xi32, #tpu.memory_space<hbm>>) target(%dma_start3A_167 : memref<128xi32, #tpu.memory_space<vmem>>) offsets(%dma_start3A_170 : memref<128xi32, #tpu.memory_space<vmem>>) semaphore(%arg16 : memref<!tpu.dma_semaphore, #tpu.memory_space<semaphore_mem>>)
      %dma_wait3A_173 = arith.constant 0 : i32
      %dma_wait3A_174 = arith.constant 0 : i32
      %dma_wait3A_175 = arith.constant 0 : i32
      %dma_wait3A_176 = tpu.memref_slice %arg13[%dma_wait3A_174, %dma_wait3A_175] : memref<1x128xi32, #tpu.memory_space<vmem>> -> memref<1x128xi32, #tpu.memory_space<vmem>>
      %dma_wait3A_177 = tpu.memref_squeeze %dma_wait3A_176 : memref<1x128xi32, #tpu.memory_space<vmem>> -> memref<128xi32, #tpu.memory_space<vmem>>
      %dma_wait3A_178 = arith.constant 0 : i32
      %dma_wait3A_179 = tpu.memref_slice %arg12[%dma_wait3A_173, %dma_wait3A_178] : memref<1x128xi32, #tpu.memory_space<vmem>> -> memref<1x128xi32, #tpu.memory_space<vmem>>
      %dma_wait3A_180 = tpu.memref_squeeze %dma_wait3A_179 : memref<1x128xi32, #tpu.memory_space<vmem>> -> memref<128xi32, #tpu.memory_space<vmem>>
      %dma_wait3A_181 = arith.constant 0 : i32
      %dma_wait3A_182 = tpu.memref_slice %arg6[%dma_wait3A_181] : memref<857088xi32, #tpu.memory_space<hbm>> -> memref<857088xi32, #tpu.memory_space<hbm>>
      tpu.wait_indirect_dma semaphore(%arg16 : memref<!tpu.dma_semaphore, #tpu.memory_space<semaphore_mem>>) src(%dma_wait3A_182 : memref<857088xi32, #tpu.memory_space<hbm>>) dst(%dma_wait3A_177 : memref<128xi32, #tpu.memory_space<vmem>>)
      %dma_wait3A_183 = arith.constant 0 : i32
      %dma_wait3A_184 = arith.constant 0 : i32
      %dma_wait3A_185 = arith.constant 0 : i32
      %dma_wait3A_186 = tpu.memref_slice %arg14[%dma_wait3A_184, %dma_wait3A_185] : memref<1x128xi32, #tpu.memory_space<vmem>> -> memref<1x128xi32, #tpu.memory_space<vmem>>
      %dma_wait3A_187 = tpu.memref_squeeze %dma_wait3A_186 : memref<1x128xi32, #tpu.memory_space<vmem>> -> memref<128xi32, #tpu.memory_space<vmem>>
      %dma_wait3A_188 = arith.constant 0 : i32
      %dma_wait3A_189 = tpu.memref_slice %arg12[%dma_wait3A_183, %dma_wait3A_188] : memref<1x128xi32, #tpu.memory_space<vmem>> -> memref<1x128xi32, #tpu.memory_space<vmem>>
      %dma_wait3A_190 = tpu.memref_squeeze %dma_wait3A_189 : memref<1x128xi32, #tpu.memory_space<vmem>> -> memref<128xi32, #tpu.memory_space<vmem>>
      %dma_wait3A_191 = arith.constant 0 : i32
      %dma_wait3A_192 = tpu.memref_slice %arg7[%dma_wait3A_191] : memref<857088xi32, #tpu.memory_space<hbm>> -> memref<857088xi32, #tpu.memory_space<hbm>>
      tpu.wait_indirect_dma semaphore(%arg16 : memref<!tpu.dma_semaphore, #tpu.memory_space<semaphore_mem>>) src(%dma_wait3A_192 : memref<857088xi32, #tpu.memory_space<hbm>>) dst(%dma_wait3A_187 : memref<128xi32, #tpu.memory_space<vmem>>)
      %scan3A_193 = arith.constant 0 : i32
      %scan3A_194 = arith.constant 8 : i32
      %scan3A_195 = arith.addi %scan3A_193, %scan3A_194 : i32
      %scan3A_196 = arith.constant 1 : i32
      scf.for %scan3A_199 = %scan3A_193 to %scan3A_195 step %scan3A_196  : i32 {
        %mul3A_200 = arith.constant 16 : i32
        %mul3A_201 = arith.muli %scan3A_199, %mul3A_200 : i32
        %add3A_202 = arith.constant 0 : i32
        %add3A_203 = arith.addi %add3A_202, %mul3A_201 : i32
        %get3A = arith.constant 0 : i32
        %get3A_204 = arith.index_cast %get3A : i32 to index
        %get3A_205 = arith.index_cast %add3A_203 : i32 to index
        %get3A_206 = tpu.vector_load %arg13[%get3A_204, %get3A_205] {strides = array<i32>} : memref<1x128xi32, #tpu.memory_space<vmem>>, vector<1x16xi32>,
        %get3A_207 = vector.shape_cast %get3A_206 : vector<1x16xi32> to vector<16xi32>
        %get3A_208 = arith.constant 0 : i32
        %get3A_209 = arith.index_cast %get3A_208 : i32 to index
        %get3A_210 = arith.index_cast %add3A_203 : i32 to index
        %get3A_211 = tpu.vector_load %arg14[%get3A_209, %get3A_210] {strides = array<i32>} : memref<1x128xi32, #tpu.memory_space<vmem>>, vector<1x16xi32>,
        %get3A_212 = vector.shape_cast %get3A_211 : vector<1x16xi32> to vector<16xi32>
        %max3A = arith.maxsi %get3A_207, %get3A_212 : vector<16xi32>
        %swap3A = arith.constant 0 : i32
        %swap3A_213 = arith.index_cast %swap3A : i32 to index
        %swap3A_214 = arith.index_cast %add3A_203 : i32 to index
        %swap3A_215 = tpu.vector_load %arg13[%swap3A_213, %swap3A_214] {strides = array<i32>} : memref<1x128xi32, #tpu.memory_space<vmem>>, vector<1x16xi32>,
        %swap3A_216 = vector.shape_cast %swap3A_215 : vector<1x16xi32> to vector<16xi32>
        %swap3A_217 = vector.shape_cast %max3A : vector<16xi32> to vector<1x16xi32>
        tpu.vector_store %arg13[%swap3A_213, %swap3A_214], %swap3A_217 {strides = array<i32>} : memref<1x128xi32, #tpu.memory_space<vmem>>, vector<1x16xi32>,
      }
      %scan3A_197 = arith.constant 8 : i32
      %run_scoped3A = arith.constant 0 : i32
      "tpu.region"() ({
        %run_scoped3A_199 = tpu.sem_alloc : memref<!tpu.dma_semaphore, #tpu.memory_space<semaphore_mem>>
        %dma_start3A_200 = arith.constant 0 : i32
        %dma_start3A_201 = tpu.memref_slice %arg13[%run_scoped3A, %dma_start3A_200] : memref<1x128xi32, #tpu.memory_space<vmem>> -> memref<1x128xi32, #tpu.memory_space<vmem>>
        %dma_start3A_202 = tpu.memref_squeeze %dma_start3A_201 : memref<1x128xi32, #tpu.memory_space<vmem>> -> memref<128xi32, #tpu.memory_space<vmem>>
        %dma_start3A_203 = arith.constant 0 : i32
        %dma_start3A_204 = arith.constant 0 : i32
        %dma_start3A_205 = tpu.memref_slice %arg2[%dma_start3A_203, %dma_start3A_204] : memref<40000x128xf32, #tpu.memory_space<hbm>> -> memref<40000x128xf32, #tpu.memory_space<hbm>>
        tpu.enqueue_indirect_dma source(%dma_start3A_205 : memref<40000x128xf32, #tpu.memory_space<hbm>>) target(%arg15 : memref<128x128xf32, #tpu.memory_space<vmem>>) offsets(%dma_start3A_202 : memref<128xi32, #tpu.memory_space<vmem>>) semaphore(%run_scoped3A_199 : memref<!tpu.dma_semaphore, #tpu.memory_space<semaphore_mem>>)
        %dma_wait3A_206 = arith.constant 0 : i32
        %dma_wait3A_207 = tpu.memref_slice %arg13[%run_scoped3A, %dma_wait3A_206] : memref<1x128xi32, #tpu.memory_space<vmem>> -> memref<1x128xi32, #tpu.memory_space<vmem>>
        %dma_wait3A_208 = tpu.memref_squeeze %dma_wait3A_207 : memref<1x128xi32, #tpu.memory_space<vmem>> -> memref<128xi32, #tpu.memory_space<vmem>>
        %dma_wait3A_209 = arith.constant 0 : i32
        %dma_wait3A_210 = arith.constant 0 : i32
        %dma_wait3A_211 = tpu.memref_slice %arg2[%dma_wait3A_209, %dma_wait3A_210] : memref<40000x128xf32, #tpu.memory_space<hbm>> -> memref<40000x128xf32, #tpu.memory_space<hbm>>
        tpu.wait_indirect_dma semaphore(%run_scoped3A_199 : memref<!tpu.dma_semaphore, #tpu.memory_space<semaphore_mem>>) src(%dma_wait3A_211 : memref<40000x128xf32, #tpu.memory_space<hbm>>) dst(%arg15 : memref<128x128xf32, #tpu.memory_space<vmem>>)
        tpu.yield
      }) : () -> ()
      %run_scoped3A_198 = arith.constant 0 : i32
      "tpu.region"() ({
        %run_scoped3A_199 = tpu.sem_alloc : memref<!tpu.dma_semaphore, #tpu.memory_space<semaphore_mem>>
        %dma_start3A_200 = arith.constant 0 : i32
        %dma_start3A_201 = tpu.memref_slice %arg12[%run_scoped3A_198, %dma_start3A_200] : memref<1x128xi32, #tpu.memory_space<vmem>> -> memref<1x128xi32, #tpu.memory_space<vmem>>
        %dma_start3A_202 = tpu.memref_squeeze %dma_start3A_201 : memref<1x128xi32, #tpu.memory_space<vmem>> -> memref<128xi32, #tpu.memory_space<vmem>>
        %dma_start3A_203 = arith.constant 0 : i32
        %dma_start3A_204 = arith.constant 0 : i32
        %dma_start3A_205 = tpu.memref_slice %arg8[%dma_start3A_203, %dma_start3A_204] : memref<857088x128xf32, #tpu.memory_space<hbm>> -> memref<857088x128xf32, #tpu.memory_space<hbm>>
        tpu.enqueue_indirect_dma source(%arg15 : memref<128x128xf32, #tpu.memory_space<vmem>>) target(%dma_start3A_205 : memref<857088x128xf32, #tpu.memory_space<hbm>>) offsets(%dma_start3A_202 : memref<128xi32, #tpu.memory_space<vmem>>) semaphore(%run_scoped3A_199 : memref<!tpu.dma_semaphore, #tpu.memory_space<semaphore_mem>>)
        %dma_wait3A_206 = arith.constant 0 : i32
        %dma_wait3A_207 = tpu.memref_slice %arg12[%run_scoped3A_198, %dma_wait3A_206] : memref<1x128xi32, #tpu.memory_space<vmem>> -> memref<1x128xi32, #tpu.memory_space<vmem>>
        %dma_wait3A_208 = tpu.memref_squeeze %dma_wait3A_207 : memref<1x128xi32, #tpu.memory_space<vmem>> -> memref<128xi32, #tpu.memory_space<vmem>>
        %dma_wait3A_209 = arith.constant 0 : i32
        %dma_wait3A_210 = arith.constant 0 : i32
        %dma_wait3A_211 = tpu.memref_slice %arg8[%dma_wait3A_209, %dma_wait3A_210] : memref<857088x128xf32, #tpu.memory_space<hbm>> -> memref<857088x128xf32, #tpu.memory_space<hbm>>
        tpu.wait_indirect_dma semaphore(%run_scoped3A_199 : memref<!tpu.dma_semaphore, #tpu.memory_space<semaphore_mem>>) src(%arg15 : memref<128x128xf32, #tpu.memory_space<vmem>>) dst(%dma_wait3A_211 : memref<857088x128xf32, #tpu.memory_space<hbm>>)
        tpu.yield
      }) : () -> ()
    } else {
    }
    %mul3A_17 = arith.constant 128 : i32
    %mul3A_18 = arith.muli %add3A, %mul3A_17 : i32
    %add3A_19 = arith.constant 8192 : i32
    %add3A_20 = arith.addi %mul3A_18, %add3A_19 : i32
    %multiple_of3A_21 = tpu.assume_multiple %add3A_20, 8 : i32
    %lt3A_22 = arith.constant 40064 : i32
    %lt3A_23 = arith.cmpi slt, %multiple_of3A_21, %lt3A_22 : i32
    %convert_element_type3A_24 = arith.extui %lt3A_23 : i1 to i32
    %cond3A_25 = arith.constant 0 : i32
    %cond3A_26 = arith.cmpi ne, %convert_element_type3A_24, %cond3A_25 : i32
    scf.if %cond3A_26 {
      %dma_start3A = arith.constant 0 : i32
      %dma_start3A_97 = arith.constant 0 : i32
      %dma_start3A_98 = tpu.memref_slice %arg9[%dma_start3A, %dma_start3A_97] : memref<1x128xi32, #tpu.memory_space<vmem>> -> memref<1x128xi32, #tpu.memory_space<vmem>>
      %dma_start3A_99 = tpu.memref_squeeze %dma_start3A_98 : memref<1x128xi32, #tpu.memory_space<vmem>> -> memref<128xi32, #tpu.memory_space<vmem>>
      %dma_start3A_100 = tpu.memref_slice %arg3[%multiple_of3A_21] : memref<40064xi32, #tpu.memory_space<hbm>> -> memref<128xi32, #tpu.memory_space<hbm>>
      %dma_start3A_101 = arith.constant 0 : i32
      %dma_start3A_102 = tpu.memref_slice %arg9[%dma_start3A, %dma_start3A_101] : memref<1x128xi32, #tpu.memory_space<vmem>> -> memref<1x128xi32, #tpu.memory_space<vmem>>
      %dma_start3A_103 = tpu.memref_squeeze %dma_start3A_102 : memref<1x128xi32, #tpu.memory_space<vmem>> -> memref<128xi32, #tpu.memory_space<vmem>>
      %dma_start3A_104 = tpu.memref_slice %arg3[%multiple_of3A_21] : memref<40064xi32, #tpu.memory_space<hbm>> -> memref<128xi32, #tpu.memory_space<hbm>>
      tpu.enqueue_dma source(%dma_start3A_104 : memref<128xi32, #tpu.memory_space<hbm>>) target(%dma_start3A_103 : memref<128xi32, #tpu.memory_space<vmem>>) target_semaphore(%arg16 : memref<!tpu.dma_semaphore, #tpu.memory_space<semaphore_mem>>)
      %dma_start3A_105 = arith.constant 0 : i32
      %dma_start3A_106 = arith.constant 0 : i32
      %dma_start3A_107 = tpu.memref_slice %arg10[%dma_start3A_105, %dma_start3A_106] : memref<1x128xi32, #tpu.memory_space<vmem>> -> memref<1x128xi32, #tpu.memory_space<vmem>>
      %dma_start3A_108 = tpu.memref_squeeze %dma_start3A_107 : memref<1x128xi32, #tpu.memory_space<vmem>> -> memref<128xi32, #tpu.memory_space<vmem>>
      %dma_start3A_109 = tpu.memref_slice %arg4[%multiple_of3A_21] : memref<40064xi32, #tpu.memory_space<hbm>> -> memref<128xi32, #tpu.memory_space<hbm>>
      %dma_start3A_110 = arith.constant 0 : i32
      %dma_start3A_111 = tpu.memref_slice %arg10[%dma_start3A_105, %dma_start3A_110] : memref<1x128xi32, #tpu.memory_space<vmem>> -> memref<1x128xi32, #tpu.memory_space<vmem>>
      %dma_start3A_112 = tpu.memref_squeeze %dma_start3A_111 : memref<1x128xi32, #tpu.memory_space<vmem>> -> memref<128xi32, #tpu.memory_space<vmem>>
      %dma_start3A_113 = tpu.memref_slice %arg4[%multiple_of3A_21] : memref<40064xi32, #tpu.memory_space<hbm>> -> memref<128xi32, #tpu.memory_space<hbm>>
      tpu.enqueue_dma source(%dma_start3A_113 : memref<128xi32, #tpu.memory_space<hbm>>) target(%dma_start3A_112 : memref<128xi32, #tpu.memory_space<vmem>>) target_semaphore(%arg16 : memref<!tpu.dma_semaphore, #tpu.memory_space<semaphore_mem>>)
      %dma_start3A_114 = arith.constant 0 : i32
      %dma_start3A_115 = arith.constant 0 : i32
      %dma_start3A_116 = tpu.memref_slice %arg11[%dma_start3A_114, %dma_start3A_115] : memref<1x128xi32, #tpu.memory_space<vmem>> -> memref<1x128xi32, #tpu.memory_space<vmem>>
      %dma_start3A_117 = tpu.memref_squeeze %dma_start3A_116 : memref<1x128xi32, #tpu.memory_space<vmem>> -> memref<128xi32, #tpu.memory_space<vmem>>
      %dma_start3A_118 = tpu.memref_slice %arg5[%multiple_of3A_21] : memref<40064xi32, #tpu.memory_space<hbm>> -> memref<128xi32, #tpu.memory_space<hbm>>
      %dma_start3A_119 = arith.constant 0 : i32
      %dma_start3A_120 = tpu.memref_slice %arg11[%dma_start3A_114, %dma_start3A_119] : memref<1x128xi32, #tpu.memory_space<vmem>> -> memref<1x128xi32, #tpu.memory_space<vmem>>
      %dma_start3A_121 = tpu.memref_squeeze %dma_start3A_120 : memref<1x128xi32, #tpu.memory_space<vmem>> -> memref<128xi32, #tpu.memory_space<vmem>>
      %dma_start3A_122 = tpu.memref_slice %arg5[%multiple_of3A_21] : memref<40064xi32, #tpu.memory_space<hbm>> -> memref<128xi32, #tpu.memory_space<hbm>>
      tpu.enqueue_dma source(%dma_start3A_122 : memref<128xi32, #tpu.memory_space<hbm>>) target(%dma_start3A_121 : memref<128xi32, #tpu.memory_space<vmem>>) target_semaphore(%arg16 : memref<!tpu.dma_semaphore, #tpu.memory_space<semaphore_mem>>)
      %dma_wait3A = arith.constant 0 : i32
      %dma_wait3A_123 = arith.constant 0 : i32
      %dma_wait3A_124 = tpu.memref_slice %arg9[%dma_wait3A, %dma_wait3A_123] : memref<1x128xi32, #tpu.memory_space<vmem>> -> memref<1x128xi32, #tpu.memory_space<vmem>>
      %dma_wait3A_125 = tpu.memref_squeeze %dma_wait3A_124 : memref<1x128xi32, #tpu.memory_space<vmem>> -> memref<128xi32, #tpu.memory_space<vmem>>
      %dma_wait3A_126 = tpu.memref_slice %arg3[%multiple_of3A_21] : memref<40064xi32, #tpu.memory_space<hbm>> -> memref<128xi32, #tpu.memory_space<hbm>>
      %dma_wait3A_127 = arith.constant 0 : i32
      %dma_wait3A_128 = tpu.memref_slice %arg9[%dma_wait3A, %dma_wait3A_127] : memref<1x128xi32, #tpu.memory_space<vmem>> -> memref<1x128xi32, #tpu.memory_space<vmem>>
      %dma_wait3A_129 = tpu.memref_squeeze %dma_wait3A_128 : memref<1x128xi32, #tpu.memory_space<vmem>> -> memref<128xi32, #tpu.memory_space<vmem>>
      %dma_wait3A_130 = tpu.memref_slice %arg3[%multiple_of3A_21] : memref<40064xi32, #tpu.memory_space<hbm>> -> memref<128xi32, #tpu.memory_space<hbm>>
      tpu.wait_dma2 semaphore(%arg16 : memref<!tpu.dma_semaphore, #tpu.memory_space<semaphore_mem>>) src(%dma_wait3A_130 : memref<128xi32, #tpu.memory_space<hbm>>) dst(%dma_wait3A_129 : memref<128xi32, #tpu.memory_space<vmem>>)
      %dma_wait3A_131 = arith.constant 0 : i32
      %dma_wait3A_132 = arith.constant 0 : i32
      %dma_wait3A_133 = tpu.memref_slice %arg10[%dma_wait3A_131, %dma_wait3A_132] : memref<1x128xi32, #tpu.memory_space<vmem>> -> memref<1x128xi32, #tpu.memory_space<vmem>>
      %dma_wait3A_134 = tpu.memref_squeeze %dma_wait3A_133 : memref<1x128xi32, #tpu.memory_space<vmem>> -> memref<128xi32, #tpu.memory_space<vmem>>
      %dma_wait3A_135 = tpu.memref_slice %arg4[%multiple_of3A_21] : memref<40064xi32, #tpu.memory_space<hbm>> -> memref<128xi32, #tpu.memory_space<hbm>>
      %dma_wait3A_136 = arith.constant 0 : i32
      %dma_wait3A_137 = tpu.memref_slice %arg10[%dma_wait3A_131, %dma_wait3A_136] : memref<1x128xi32, #tpu.memory_space<vmem>> -> memref<1x128xi32, #tpu.memory_space<vmem>>
      %dma_wait3A_138 = tpu.memref_squeeze %dma_wait3A_137 : memref<1x128xi32, #tpu.memory_space<vmem>> -> memref<128xi32, #tpu.memory_space<vmem>>
      %dma_wait3A_139 = tpu.memref_slice %arg4[%multiple_of3A_21] : memref<40064xi32, #tpu.memory_space<hbm>> -> memref<128xi32, #tpu.memory_space<hbm>>
      tpu.wait_dma2 semaphore(%arg16 : memref<!tpu.dma_semaphore, #tpu.memory_space<semaphore_mem>>) src(%dma_wait3A_139 : memref<128xi32, #tpu.memory_space<hbm>>) dst(%dma_wait3A_138 : memref<128xi32, #tpu.memory_space<vmem>>)
      %dma_wait3A_140 = arith.constant 0 : i32
      %dma_wait3A_141 = arith.constant 0 : i32
      %dma_wait3A_142 = tpu.memref_slice %arg11[%dma_wait3A_140, %dma_wait3A_141] : memref<1x128xi32, #tpu.memory_space<vmem>> -> memref<1x128xi32, #tpu.memory_space<vmem>>
      %dma_wait3A_143 = tpu.memref_squeeze %dma_wait3A_142 : memref<1x128xi32, #tpu.memory_space<vmem>> -> memref<128xi32, #tpu.memory_space<vmem>>
      %dma_wait3A_144 = tpu.memref_slice %arg5[%multiple_of3A_21] : memref<40064xi32, #tpu.memory_space<hbm>> -> memref<128xi32, #tpu.memory_space<hbm>>
      %dma_wait3A_145 = arith.constant 0 : i32
      %dma_wait3A_146 = tpu.memref_slice %arg11[%dma_wait3A_140, %dma_wait3A_145] : memref<1x128xi32, #tpu.memory_space<vmem>> -> memref<1x128xi32, #tpu.memory_space<vmem>>
      %dma_wait3A_147 = tpu.memref_squeeze %dma_wait3A_146 : memref<1x128xi32, #tpu.memory_space<vmem>> -> memref<128xi32, #tpu.memory_space<vmem>>
      %dma_wait3A_148 = tpu.memref_slice %arg5[%multiple_of3A_21] : memref<40064xi32, #tpu.memory_space<hbm>> -> memref<128xi32, #tpu.memory_space<hbm>>
      tpu.wait_dma2 semaphore(%arg16 : memref<!tpu.dma_semaphore, #tpu.memory_space<semaphore_mem>>) src(%dma_wait3A_148 : memref<128xi32, #tpu.memory_space<hbm>>) dst(%dma_wait3A_147 : memref<128xi32, #tpu.memory_space<vmem>>)
      %scan3A = arith.constant 0 : i32
      %scan3A_149 = arith.constant 8 : i32
      %scan3A_150 = arith.addi %scan3A, %scan3A_149 : i32
      %scan3A_151 = arith.constant 1 : i32
      scf.for %scan3A_199 = %scan3A to %scan3A_150 step %scan3A_151  : i32 {
        %mul3A_200 = arith.constant 16 : i32
        %mul3A_201 = arith.muli %scan3A_199, %mul3A_200 : i32
        %add3A_202 = arith.constant 0 : i32
        %add3A_203 = arith.addi %add3A_202, %mul3A_201 : i32
        %get3A = arith.constant 0 : i32
        %get3A_204 = arith.index_cast %get3A : i32 to index
        %get3A_205 = arith.index_cast %add3A_203 : i32 to index
        %get3A_206 = tpu.vector_load %arg9[%get3A_204, %get3A_205] {strides = array<i32>} : memref<1x128xi32, #tpu.memory_space<vmem>>, vector<1x16xi32>,
        %get3A_207 = vector.shape_cast %get3A_206 : vector<1x16xi32> to vector<16xi32>
        %get3A_208 = arith.constant 0 : i32
        %get3A_209 = arith.index_cast %get3A_208 : i32 to index
        %get3A_210 = arith.index_cast %add3A_203 : i32 to index
        %get3A_211 = tpu.vector_load %arg10[%get3A_209, %get3A_210] {strides = array<i32>} : memref<1x128xi32, #tpu.memory_space<vmem>>, vector<1x16xi32>,
        %get3A_212 = vector.shape_cast %get3A_211 : vector<1x16xi32> to vector<16xi32>
        %get3A_213 = arith.constant 0 : i32
        %get3A_214 = arith.index_cast %get3A_213 : i32 to index
        %get3A_215 = arith.index_cast %add3A_203 : i32 to index
        %get3A_216 = tpu.vector_load %arg11[%get3A_214, %get3A_215] {strides = array<i32>} : memref<1x128xi32, #tpu.memory_space<vmem>>, vector<1x16xi32>,
        %get3A_217 = vector.shape_cast %get3A_216 : vector<1x16xi32> to vector<16xi32>
        %mul3A_218 = arith.constant 214272 : i32
        %mul3A_219 = vector.broadcast %mul3A_218 : i32 to vector<16xi32>
        %mul3A_220 = arith.muli %get3A_207, %mul3A_219 : vector<16xi32>
        %mul3A_221 = arith.constant 432 : i32
        %mul3A_222 = vector.broadcast %mul3A_221 : i32 to vector<16xi32>
        %mul3A_223 = arith.muli %get3A_212, %mul3A_222 : vector<16xi32>
        %add3A_224 = arith.addi %mul3A_220, %mul3A_223 : vector<16xi32>
        %add3A_225 = arith.addi %add3A_224, %get3A_217 : vector<16xi32>
        %swap3A = arith.constant 0 : i32
        %swap3A_226 = arith.index_cast %swap3A : i32 to index
        %swap3A_227 = arith.index_cast %add3A_203 : i32 to index
        %swap3A_228 = tpu.vector_load %arg12[%swap3A_226, %swap3A_227] {strides = array<i32>} : memref<1x128xi32, #tpu.memory_space<vmem>>, vector<1x16xi32>,
        %swap3A_229 = vector.shape_cast %swap3A_228 : vector<1x16xi32> to vector<16xi32>
        %swap3A_230 = vector.shape_cast %add3A_225 : vector<16xi32> to vector<1x16xi32>
        tpu.vector_store %arg12[%swap3A_226, %swap3A_227], %swap3A_230 {strides = array<i32>} : memref<1x128xi32, #tpu.memory_space<vmem>>, vector<1x16xi32>,
      }
      %scan3A_152 = arith.constant 8 : i32
      %dma_start3A_153 = arith.constant 0 : i32
      %dma_start3A_154 = arith.constant 0 : i32
      %dma_start3A_155 = arith.constant 0 : i32
      %dma_start3A_156 = tpu.memref_slice %arg13[%dma_start3A_154, %dma_start3A_155] : memref<1x128xi32, #tpu.memory_space<vmem>> -> memref<1x128xi32, #tpu.memory_space<vmem>>
      %dma_start3A_157 = tpu.memref_squeeze %dma_start3A_156 : memref<1x128xi32, #tpu.memory_space<vmem>> -> memref<128xi32, #tpu.memory_space<vmem>>
      %dma_start3A_158 = arith.constant 0 : i32
      %dma_start3A_159 = tpu.memref_slice %arg12[%dma_start3A_153, %dma_start3A_158] : memref<1x128xi32, #tpu.memory_space<vmem>> -> memref<1x128xi32, #tpu.memory_space<vmem>>
      %dma_start3A_160 = tpu.memref_squeeze %dma_start3A_159 : memref<1x128xi32, #tpu.memory_space<vmem>> -> memref<128xi32, #tpu.memory_space<vmem>>
      %dma_start3A_161 = arith.constant 0 : i32
      %dma_start3A_162 = tpu.memref_slice %arg6[%dma_start3A_161] : memref<857088xi32, #tpu.memory_space<hbm>> -> memref<857088xi32, #tpu.memory_space<hbm>>
      tpu.enqueue_indirect_dma source(%dma_start3A_162 : memref<857088xi32, #tpu.memory_space<hbm>>) target(%dma_start3A_157 : memref<128xi32, #tpu.memory_space<vmem>>) offsets(%dma_start3A_160 : memref<128xi32, #tpu.memory_space<vmem>>) semaphore(%arg16 : memref<!tpu.dma_semaphore, #tpu.memory_space<semaphore_mem>>)
      %dma_start3A_163 = arith.constant 0 : i32
      %dma_start3A_164 = arith.constant 0 : i32
      %dma_start3A_165 = arith.constant 0 : i32
      %dma_start3A_166 = tpu.memref_slice %arg14[%dma_start3A_164, %dma_start3A_165] : memref<1x128xi32, #tpu.memory_space<vmem>> -> memref<1x128xi32, #tpu.memory_space<vmem>>
      %dma_start3A_167 = tpu.memref_squeeze %dma_start3A_166 : memref<1x128xi32, #tpu.memory_space<vmem>> -> memref<128xi32, #tpu.memory_space<vmem>>
      %dma_start3A_168 = arith.constant 0 : i32
      %dma_start3A_169 = tpu.memref_slice %arg12[%dma_start3A_163, %dma_start3A_168] : memref<1x128xi32, #tpu.memory_space<vmem>> -> memref<1x128xi32, #tpu.memory_space<vmem>>
      %dma_start3A_170 = tpu.memref_squeeze %dma_start3A_169 : memref<1x128xi32, #tpu.memory_space<vmem>> -> memref<128xi32, #tpu.memory_space<vmem>>
      %dma_start3A_171 = arith.constant 0 : i32
      %dma_start3A_172 = tpu.memref_slice %arg7[%dma_start3A_171] : memref<857088xi32, #tpu.memory_space<hbm>> -> memref<857088xi32, #tpu.memory_space<hbm>>
      tpu.enqueue_indirect_dma source(%dma_start3A_172 : memref<857088xi32, #tpu.memory_space<hbm>>) target(%dma_start3A_167 : memref<128xi32, #tpu.memory_space<vmem>>) offsets(%dma_start3A_170 : memref<128xi32, #tpu.memory_space<vmem>>) semaphore(%arg16 : memref<!tpu.dma_semaphore, #tpu.memory_space<semaphore_mem>>)
      %dma_wait3A_173 = arith.constant 0 : i32
      %dma_wait3A_174 = arith.constant 0 : i32
      %dma_wait3A_175 = arith.constant 0 : i32
      %dma_wait3A_176 = tpu.memref_slice %arg13[%dma_wait3A_174, %dma_wait3A_175] : memref<1x128xi32, #tpu.memory_space<vmem>> -> memref<1x128xi32, #tpu.memory_space<vmem>>
      %dma_wait3A_177 = tpu.memref_squeeze %dma_wait3A_176 : memref<1x128xi32, #tpu.memory_space<vmem>> -> memref<128xi32, #tpu.memory_space<vmem>>
      %dma_wait3A_178 = arith.constant 0 : i32
      %dma_wait3A_179 = tpu.memref_slice %arg12[%dma_wait3A_173, %dma_wait3A_178] : memref<1x128xi32, #tpu.memory_space<vmem>> -> memref<1x128xi32, #tpu.memory_space<vmem>>
      %dma_wait3A_180 = tpu.memref_squeeze %dma_wait3A_179 : memref<1x128xi32, #tpu.memory_space<vmem>> -> memref<128xi32, #tpu.memory_space<vmem>>
      %dma_wait3A_181 = arith.constant 0 : i32
      %dma_wait3A_182 = tpu.memref_slice %arg6[%dma_wait3A_181] : memref<857088xi32, #tpu.memory_space<hbm>> -> memref<857088xi32, #tpu.memory_space<hbm>>
      tpu.wait_indirect_dma semaphore(%arg16 : memref<!tpu.dma_semaphore, #tpu.memory_space<semaphore_mem>>) src(%dma_wait3A_182 : memref<857088xi32, #tpu.memory_space<hbm>>) dst(%dma_wait3A_177 : memref<128xi32, #tpu.memory_space<vmem>>)
      %dma_wait3A_183 = arith.constant 0 : i32
      %dma_wait3A_184 = arith.constant 0 : i32
      %dma_wait3A_185 = arith.constant 0 : i32
      %dma_wait3A_186 = tpu.memref_slice %arg14[%dma_wait3A_184, %dma_wait3A_185] : memref<1x128xi32, #tpu.memory_space<vmem>> -> memref<1x128xi32, #tpu.memory_space<vmem>>
      %dma_wait3A_187 = tpu.memref_squeeze %dma_wait3A_186 : memref<1x128xi32, #tpu.memory_space<vmem>> -> memref<128xi32, #tpu.memory_space<vmem>>
      %dma_wait3A_188 = arith.constant 0 : i32
      %dma_wait3A_189 = tpu.memref_slice %arg12[%dma_wait3A_183, %dma_wait3A_188] : memref<1x128xi32, #tpu.memory_space<vmem>> -> memref<1x128xi32, #tpu.memory_space<vmem>>
      %dma_wait3A_190 = tpu.memref_squeeze %dma_wait3A_189 : memref<1x128xi32, #tpu.memory_space<vmem>> -> memref<128xi32, #tpu.memory_space<vmem>>
      %dma_wait3A_191 = arith.constant 0 : i32
      %dma_wait3A_192 = tpu.memref_slice %arg7[%dma_wait3A_191] : memref<857088xi32, #tpu.memory_space<hbm>> -> memref<857088xi32, #tpu.memory_space<hbm>>
      tpu.wait_indirect_dma semaphore(%arg16 : memref<!tpu.dma_semaphore, #tpu.memory_space<semaphore_mem>>) src(%dma_wait3A_192 : memref<857088xi32, #tpu.memory_space<hbm>>) dst(%dma_wait3A_187 : memref<128xi32, #tpu.memory_space<vmem>>)
      %scan3A_193 = arith.constant 0 : i32
      %scan3A_194 = arith.constant 8 : i32
      %scan3A_195 = arith.addi %scan3A_193, %scan3A_194 : i32
      %scan3A_196 = arith.constant 1 : i32
      scf.for %scan3A_199 = %scan3A_193 to %scan3A_195 step %scan3A_196  : i32 {
        %mul3A_200 = arith.constant 16 : i32
        %mul3A_201 = arith.muli %scan3A_199, %mul3A_200 : i32
        %add3A_202 = arith.constant 0 : i32
        %add3A_203 = arith.addi %add3A_202, %mul3A_201 : i32
        %get3A = arith.constant 0 : i32
        %get3A_204 = arith.index_cast %get3A : i32 to index
        %get3A_205 = arith.index_cast %add3A_203 : i32 to index
        %get3A_206 = tpu.vector_load %arg13[%get3A_204, %get3A_205] {strides = array<i32>} : memref<1x128xi32, #tpu.memory_space<vmem>>, vector<1x16xi32>,
        %get3A_207 = vector.shape_cast %get3A_206 : vector<1x16xi32> to vector<16xi32>
        %get3A_208 = arith.constant 0 : i32
        %get3A_209 = arith.index_cast %get3A_208 : i32 to index
        %get3A_210 = arith.index_cast %add3A_203 : i32 to index
        %get3A_211 = tpu.vector_load %arg14[%get3A_209, %get3A_210] {strides = array<i32>} : memref<1x128xi32, #tpu.memory_space<vmem>>, vector<1x16xi32>,
        %get3A_212 = vector.shape_cast %get3A_211 : vector<1x16xi32> to vector<16xi32>
        %max3A = arith.maxsi %get3A_207, %get3A_212 : vector<16xi32>
        %swap3A = arith.constant 0 : i32
        %swap3A_213 = arith.index_cast %swap3A : i32 to index
        %swap3A_214 = arith.index_cast %add3A_203 : i32 to index
        %swap3A_215 = tpu.vector_load %arg13[%swap3A_213, %swap3A_214] {strides = array<i32>} : memref<1x128xi32, #tpu.memory_space<vmem>>, vector<1x16xi32>,
        %swap3A_216 = vector.shape_cast %swap3A_215 : vector<1x16xi32> to vector<16xi32>
        %swap3A_217 = vector.shape_cast %max3A : vector<16xi32> to vector<1x16xi32>
        tpu.vector_store %arg13[%swap3A_213, %swap3A_214], %swap3A_217 {strides = array<i32>} : memref<1x128xi32, #tpu.memory_space<vmem>>, vector<1x16xi32>,
      }
      %scan3A_197 = arith.constant 8 : i32
      %run_scoped3A = arith.constant 0 : i32
      "tpu.region"() ({
        %run_scoped3A_199 = tpu.sem_alloc : memref<!tpu.dma_semaphore, #tpu.memory_space<semaphore_mem>>
        %dma_start3A_200 = arith.constant 0 : i32
        %dma_start3A_201 = tpu.memref_slice %arg13[%run_scoped3A, %dma_start3A_200] : memref<1x128xi32, #tpu.memory_space<vmem>> -> memref<1x128xi32, #tpu.memory_space<vmem>>
        %dma_start3A_202 = tpu.memref_squeeze %dma_start3A_201 : memref<1x128xi32, #tpu.memory_space<vmem>> -> memref<128xi32, #tpu.memory_space<vmem>>
        %dma_start3A_203 = arith.constant 0 : i32
        %dma_start3A_204 = arith.constant 0 : i32
        %dma_start3A_205 = tpu.memref_slice %arg2[%dma_start3A_203, %dma_start3A_204] : memref<40000x128xf32, #tpu.memory_space<hbm>> -> memref<40000x128xf32, #tpu.memory_space<hbm>>
        tpu.enqueue_indirect_dma source(%dma_start3A_205 : memref<40000x128xf32, #tpu.memory_space<hbm>>) target(%arg15 : memref<128x128xf32, #tpu.memory_space<vmem>>) offsets(%dma_start3A_202 : memref<128xi32, #tpu.memory_space<vmem>>) semaphore(%run_scoped3A_199 : memref<!tpu.dma_semaphore, #tpu.memory_space<semaphore_mem>>)
        %dma_wait3A_206 = arith.constant 0 : i32
        %dma_wait3A_207 = tpu.memref_slice %arg13[%run_scoped3A, %dma_wait3A_206] : memref<1x128xi32, #tpu.memory_space<vmem>> -> memref<1x128xi32, #tpu.memory_space<vmem>>
        %dma_wait3A_208 = tpu.memref_squeeze %dma_wait3A_207 : memref<1x128xi32, #tpu.memory_space<vmem>> -> memref<128xi32, #tpu.memory_space<vmem>>
        %dma_wait3A_209 = arith.constant 0 : i32
        %dma_wait3A_210 = arith.constant 0 : i32
        %dma_wait3A_211 = tpu.memref_slice %arg2[%dma_wait3A_209, %dma_wait3A_210] : memref<40000x128xf32, #tpu.memory_space<hbm>> -> memref<40000x128xf32, #tpu.memory_space<hbm>>
        tpu.wait_indirect_dma semaphore(%run_scoped3A_199 : memref<!tpu.dma_semaphore, #tpu.memory_space<semaphore_mem>>) src(%dma_wait3A_211 : memref<40000x128xf32, #tpu.memory_space<hbm>>) dst(%arg15 : memref<128x128xf32, #tpu.memory_space<vmem>>)
        tpu.yield
      }) : () -> ()
      %run_scoped3A_198 = arith.constant 0 : i32
      "tpu.region"() ({
        %run_scoped3A_199 = tpu.sem_alloc : memref<!tpu.dma_semaphore, #tpu.memory_space<semaphore_mem>>
        %dma_start3A_200 = arith.constant 0 : i32
        %dma_start3A_201 = tpu.memref_slice %arg12[%run_scoped3A_198, %dma_start3A_200] : memref<1x128xi32, #tpu.memory_space<vmem>> -> memref<1x128xi32, #tpu.memory_space<vmem>>
        %dma_start3A_202 = tpu.memref_squeeze %dma_start3A_201 : memref<1x128xi32, #tpu.memory_space<vmem>> -> memref<128xi32, #tpu.memory_space<vmem>>
        %dma_start3A_203 = arith.constant 0 : i32
        %dma_start3A_204 = arith.constant 0 : i32
        %dma_start3A_205 = tpu.memref_slice %arg8[%dma_start3A_203, %dma_start3A_204] : memref<857088x128xf32, #tpu.memory_space<hbm>> -> memref<857088x128xf32, #tpu.memory_space<hbm>>
        tpu.enqueue_indirect_dma source(%arg15 : memref<128x128xf32, #tpu.memory_space<vmem>>) target(%dma_start3A_205 : memref<857088x128xf32, #tpu.memory_space<hbm>>) offsets(%dma_start3A_202 : memref<128xi32, #tpu.memory_space<vmem>>) semaphore(%run_scoped3A_199 : memref<!tpu.dma_semaphore, #tpu.memory_space<semaphore_mem>>)
        %dma_wait3A_206 = arith.constant 0 : i32
        %dma_wait3A_207 = tpu.memref_slice %arg12[%run_scoped3A_198, %dma_wait3A_206] : memref<1x128xi32, #tpu.memory_space<vmem>> -> memref<1x128xi32, #tpu.memory_space<vmem>>
        %dma_wait3A_208 = tpu.memref_squeeze %dma_wait3A_207 : memref<1x128xi32, #tpu.memory_space<vmem>> -> memref<128xi32, #tpu.memory_space<vmem>>
        %dma_wait3A_209 = arith.constant 0 : i32
        %dma_wait3A_210 = arith.constant 0 : i32
        %dma_wait3A_211 = tpu.memref_slice %arg8[%dma_wait3A_209, %dma_wait3A_210] : memref<857088x128xf32, #tpu.memory_space<hbm>> -> memref<857088x128xf32, #tpu.memory_space<hbm>>
        tpu.wait_indirect_dma semaphore(%run_scoped3A_199 : memref<!tpu.dma_semaphore, #tpu.memory_space<semaphore_mem>>) src(%arg15 : memref<128x128xf32, #tpu.memory_space<vmem>>) dst(%dma_wait3A_211 : memref<857088x128xf32, #tpu.memory_space<hbm>>)
        tpu.yield
      }) : () -> ()
    } else {
    }
    %mul3A_27 = arith.constant 128 : i32
    %mul3A_28 = arith.muli %add3A, %mul3A_27 : i32
    %add3A_29 = arith.constant 12288 : i32
    %add3A_30 = arith.addi %mul3A_28, %add3A_29 : i32
    %multiple_of3A_31 = tpu.assume_multiple %add3A_30, 8 : i32
    %lt3A_32 = arith.constant 40064 : i32
    %lt3A_33 = arith.cmpi slt, %multiple_of3A_31, %lt3A_32 : i32
    %convert_element_type3A_34 = arith.extui %lt3A_33 : i1 to i32
    %cond3A_35 = arith.constant 0 : i32
    %cond3A_36 = arith.cmpi ne, %convert_element_type3A_34, %cond3A_35 : i32
    scf.if %cond3A_36 {
      %dma_start3A = arith.constant 0 : i32
      %dma_start3A_97 = arith.constant 0 : i32
      %dma_start3A_98 = tpu.memref_slice %arg9[%dma_start3A, %dma_start3A_97] : memref<1x128xi32, #tpu.memory_space<vmem>> -> memref<1x128xi32, #tpu.memory_space<vmem>>
      %dma_start3A_99 = tpu.memref_squeeze %dma_start3A_98 : memref<1x128xi32, #tpu.memory_space<vmem>> -> memref<128xi32, #tpu.memory_space<vmem>>
      %dma_start3A_100 = tpu.memref_slice %arg3[%multiple_of3A_31] : memref<40064xi32, #tpu.memory_space<hbm>> -> memref<128xi32, #tpu.memory_space<hbm>>
      %dma_start3A_101 = arith.constant 0 : i32
      %dma_start3A_102 = tpu.memref_slice %arg9[%dma_start3A, %dma_start3A_101] : memref<1x128xi32, #tpu.memory_space<vmem>> -> memref<1x128xi32, #tpu.memory_space<vmem>>
      %dma_start3A_103 = tpu.memref_squeeze %dma_start3A_102 : memref<1x128xi32, #tpu.memory_space<vmem>> -> memref<128xi32, #tpu.memory_space<vmem>>
      %dma_start3A_104 = tpu.memref_slice %arg3[%multiple_of3A_31] : memref<40064xi32, #tpu.memory_space<hbm>> -> memref<128xi32, #tpu.memory_space<hbm>>
      tpu.enqueue_dma source(%dma_start3A_104 : memref<128xi32, #tpu.memory_space<hbm>>) target(%dma_start3A_103 : memref<128xi32, #tpu.memory_space<vmem>>) target_semaphore(%arg16 : memref<!tpu.dma_semaphore, #tpu.memory_space<semaphore_mem>>)
      %dma_start3A_105 = arith.constant 0 : i32
      %dma_start3A_106 = arith.constant 0 : i32
      %dma_start3A_107 = tpu.memref_slice %arg10[%dma_start3A_105, %dma_start3A_106] : memref<1x128xi32, #tpu.memory_space<vmem>> -> memref<1x128xi32, #tpu.memory_space<vmem>>
      %dma_start3A_108 = tpu.memref_squeeze %dma_start3A_107 : memref<1x128xi32, #tpu.memory_space<vmem>> -> memref<128xi32, #tpu.memory_space<vmem>>
      %dma_start3A_109 = tpu.memref_slice %arg4[%multiple_of3A_31] : memref<40064xi32, #tpu.memory_space<hbm>> -> memref<128xi32, #tpu.memory_space<hbm>>
      %dma_start3A_110 = arith.constant 0 : i32
      %dma_start3A_111 = tpu.memref_slice %arg10[%dma_start3A_105, %dma_start3A_110] : memref<1x128xi32, #tpu.memory_space<vmem>> -> memref<1x128xi32, #tpu.memory_space<vmem>>
      %dma_start3A_112 = tpu.memref_squeeze %dma_start3A_111 : memref<1x128xi32, #tpu.memory_space<vmem>> -> memref<128xi32, #tpu.memory_space<vmem>>
      %dma_start3A_113 = tpu.memref_slice %arg4[%multiple_of3A_31] : memref<40064xi32, #tpu.memory_space<hbm>> -> memref<128xi32, #tpu.memory_space<hbm>>
      tpu.enqueue_dma source(%dma_start3A_113 : memref<128xi32, #tpu.memory_space<hbm>>) target(%dma_start3A_112 : memref<128xi32, #tpu.memory_space<vmem>>) target_semaphore(%arg16 : memref<!tpu.dma_semaphore, #tpu.memory_space<semaphore_mem>>)
      %dma_start3A_114 = arith.constant 0 : i32
      %dma_start3A_115 = arith.constant 0 : i32
      %dma_start3A_116 = tpu.memref_slice %arg11[%dma_start3A_114, %dma_start3A_115] : memref<1x128xi32, #tpu.memory_space<vmem>> -> memref<1x128xi32, #tpu.memory_space<vmem>>
      %dma_start3A_117 = tpu.memref_squeeze %dma_start3A_116 : memref<1x128xi32, #tpu.memory_space<vmem>> -> memref<128xi32, #tpu.memory_space<vmem>>
      %dma_start3A_118 = tpu.memref_slice %arg5[%multiple_of3A_31] : memref<40064xi32, #tpu.memory_space<hbm>> -> memref<128xi32, #tpu.memory_space<hbm>>
      %dma_start3A_119 = arith.constant 0 : i32
      %dma_start3A_120 = tpu.memref_slice %arg11[%dma_start3A_114, %dma_start3A_119] : memref<1x128xi32, #tpu.memory_space<vmem>> -> memref<1x128xi32, #tpu.memory_space<vmem>>
      %dma_start3A_121 = tpu.memref_squeeze %dma_start3A_120 : memref<1x128xi32, #tpu.memory_space<vmem>> -> memref<128xi32, #tpu.memory_space<vmem>>
      %dma_start3A_122 = tpu.memref_slice %arg5[%multiple_of3A_31] : memref<40064xi32, #tpu.memory_space<hbm>> -> memref<128xi32, #tpu.memory_space<hbm>>
      tpu.enqueue_dma source(%dma_start3A_122 : memref<128xi32, #tpu.memory_space<hbm>>) target(%dma_start3A_121 : memref<128xi32, #tpu.memory_space<vmem>>) target_semaphore(%arg16 : memref<!tpu.dma_semaphore, #tpu.memory_space<semaphore_mem>>)
      %dma_wait3A = arith.constant 0 : i32
      %dma_wait3A_123 = arith.constant 0 : i32
      %dma_wait3A_124 = tpu.memref_slice %arg9[%dma_wait3A, %dma_wait3A_123] : memref<1x128xi32, #tpu.memory_space<vmem>> -> memref<1x128xi32, #tpu.memory_space<vmem>>
      %dma_wait3A_125 = tpu.memref_squeeze %dma_wait3A_124 : memref<1x128xi32, #tpu.memory_space<vmem>> -> memref<128xi32, #tpu.memory_space<vmem>>
      %dma_wait3A_126 = tpu.memref_slice %arg3[%multiple_of3A_31] : memref<40064xi32, #tpu.memory_space<hbm>> -> memref<128xi32, #tpu.memory_space<hbm>>
      %dma_wait3A_127 = arith.constant 0 : i32
      %dma_wait3A_128 = tpu.memref_slice %arg9[%dma_wait3A, %dma_wait3A_127] : memref<1x128xi32, #tpu.memory_space<vmem>> -> memref<1x128xi32, #tpu.memory_space<vmem>>
      %dma_wait3A_129 = tpu.memref_squeeze %dma_wait3A_128 : memref<1x128xi32, #tpu.memory_space<vmem>> -> memref<128xi32, #tpu.memory_space<vmem>>
      %dma_wait3A_130 = tpu.memref_slice %arg3[%multiple_of3A_31] : memref<40064xi32, #tpu.memory_space<hbm>> -> memref<128xi32, #tpu.memory_space<hbm>>
      tpu.wait_dma2 semaphore(%arg16 : memref<!tpu.dma_semaphore, #tpu.memory_space<semaphore_mem>>) src(%dma_wait3A_130 : memref<128xi32, #tpu.memory_space<hbm>>) dst(%dma_wait3A_129 : memref<128xi32, #tpu.memory_space<vmem>>)
      %dma_wait3A_131 = arith.constant 0 : i32
      %dma_wait3A_132 = arith.constant 0 : i32
      %dma_wait3A_133 = tpu.memref_slice %arg10[%dma_wait3A_131, %dma_wait3A_132] : memref<1x128xi32, #tpu.memory_space<vmem>> -> memref<1x128xi32, #tpu.memory_space<vmem>>
      %dma_wait3A_134 = tpu.memref_squeeze %dma_wait3A_133 : memref<1x128xi32, #tpu.memory_space<vmem>> -> memref<128xi32, #tpu.memory_space<vmem>>
      %dma_wait3A_135 = tpu.memref_slice %arg4[%multiple_of3A_31] : memref<40064xi32, #tpu.memory_space<hbm>> -> memref<128xi32, #tpu.memory_space<hbm>>
      %dma_wait3A_136 = arith.constant 0 : i32
      %dma_wait3A_137 = tpu.memref_slice %arg10[%dma_wait3A_131, %dma_wait3A_136] : memref<1x128xi32, #tpu.memory_space<vmem>> -> memref<1x128xi32, #tpu.memory_space<vmem>>
      %dma_wait3A_138 = tpu.memref_squeeze %dma_wait3A_137 : memref<1x128xi32, #tpu.memory_space<vmem>> -> memref<128xi32, #tpu.memory_space<vmem>>
      %dma_wait3A_139 = tpu.memref_slice %arg4[%multiple_of3A_31] : memref<40064xi32, #tpu.memory_space<hbm>> -> memref<128xi32, #tpu.memory_space<hbm>>
      tpu.wait_dma2 semaphore(%arg16 : memref<!tpu.dma_semaphore, #tpu.memory_space<semaphore_mem>>) src(%dma_wait3A_139 : memref<128xi32, #tpu.memory_space<hbm>>) dst(%dma_wait3A_138 : memref<128xi32, #tpu.memory_space<vmem>>)
      %dma_wait3A_140 = arith.constant 0 : i32
      %dma_wait3A_141 = arith.constant 0 : i32
      %dma_wait3A_142 = tpu.memref_slice %arg11[%dma_wait3A_140, %dma_wait3A_141] : memref<1x128xi32, #tpu.memory_space<vmem>> -> memref<1x128xi32, #tpu.memory_space<vmem>>
      %dma_wait3A_143 = tpu.memref_squeeze %dma_wait3A_142 : memref<1x128xi32, #tpu.memory_space<vmem>> -> memref<128xi32, #tpu.memory_space<vmem>>
      %dma_wait3A_144 = tpu.memref_slice %arg5[%multiple_of3A_31] : memref<40064xi32, #tpu.memory_space<hbm>> -> memref<128xi32, #tpu.memory_space<hbm>>
      %dma_wait3A_145 = arith.constant 0 : i32
      %dma_wait3A_146 = tpu.memref_slice %arg11[%dma_wait3A_140, %dma_wait3A_145] : memref<1x128xi32, #tpu.memory_space<vmem>> -> memref<1x128xi32, #tpu.memory_space<vmem>>
      %dma_wait3A_147 = tpu.memref_squeeze %dma_wait3A_146 : memref<1x128xi32, #tpu.memory_space<vmem>> -> memref<128xi32, #tpu.memory_space<vmem>>
      %dma_wait3A_148 = tpu.memref_slice %arg5[%multiple_of3A_31] : memref<40064xi32, #tpu.memory_space<hbm>> -> memref<128xi32, #tpu.memory_space<hbm>>
      tpu.wait_dma2 semaphore(%arg16 : memref<!tpu.dma_semaphore, #tpu.memory_space<semaphore_mem>>) src(%dma_wait3A_148 : memref<128xi32, #tpu.memory_space<hbm>>) dst(%dma_wait3A_147 : memref<128xi32, #tpu.memory_space<vmem>>)
      %scan3A = arith.constant 0 : i32
      %scan3A_149 = arith.constant 8 : i32
      %scan3A_150 = arith.addi %scan3A, %scan3A_149 : i32
      %scan3A_151 = arith.constant 1 : i32
      scf.for %scan3A_199 = %scan3A to %scan3A_150 step %scan3A_151  : i32 {
        %mul3A_200 = arith.constant 16 : i32
        %mul3A_201 = arith.muli %scan3A_199, %mul3A_200 : i32
        %add3A_202 = arith.constant 0 : i32
        %add3A_203 = arith.addi %add3A_202, %mul3A_201 : i32
        %get3A = arith.constant 0 : i32
        %get3A_204 = arith.index_cast %get3A : i32 to index
        %get3A_205 = arith.index_cast %add3A_203 : i32 to index
        %get3A_206 = tpu.vector_load %arg9[%get3A_204, %get3A_205] {strides = array<i32>} : memref<1x128xi32, #tpu.memory_space<vmem>>, vector<1x16xi32>,
        %get3A_207 = vector.shape_cast %get3A_206 : vector<1x16xi32> to vector<16xi32>
        %get3A_208 = arith.constant 0 : i32
        %get3A_209 = arith.index_cast %get3A_208 : i32 to index
        %get3A_210 = arith.index_cast %add3A_203 : i32 to index
        %get3A_211 = tpu.vector_load %arg10[%get3A_209, %get3A_210] {strides = array<i32>} : memref<1x128xi32, #tpu.memory_space<vmem>>, vector<1x16xi32>,
        %get3A_212 = vector.shape_cast %get3A_211 : vector<1x16xi32> to vector<16xi32>
        %get3A_213 = arith.constant 0 : i32
        %get3A_214 = arith.index_cast %get3A_213 : i32 to index
        %get3A_215 = arith.index_cast %add3A_203 : i32 to index
        %get3A_216 = tpu.vector_load %arg11[%get3A_214, %get3A_215] {strides = array<i32>} : memref<1x128xi32, #tpu.memory_space<vmem>>, vector<1x16xi32>,
        %get3A_217 = vector.shape_cast %get3A_216 : vector<1x16xi32> to vector<16xi32>
        %mul3A_218 = arith.constant 214272 : i32
        %mul3A_219 = vector.broadcast %mul3A_218 : i32 to vector<16xi32>
        %mul3A_220 = arith.muli %get3A_207, %mul3A_219 : vector<16xi32>
        %mul3A_221 = arith.constant 432 : i32
        %mul3A_222 = vector.broadcast %mul3A_221 : i32 to vector<16xi32>
        %mul3A_223 = arith.muli %get3A_212, %mul3A_222 : vector<16xi32>
        %add3A_224 = arith.addi %mul3A_220, %mul3A_223 : vector<16xi32>
        %add3A_225 = arith.addi %add3A_224, %get3A_217 : vector<16xi32>
        %swap3A = arith.constant 0 : i32
        %swap3A_226 = arith.index_cast %swap3A : i32 to index
        %swap3A_227 = arith.index_cast %add3A_203 : i32 to index
        %swap3A_228 = tpu.vector_load %arg12[%swap3A_226, %swap3A_227] {strides = array<i32>} : memref<1x128xi32, #tpu.memory_space<vmem>>, vector<1x16xi32>,
        %swap3A_229 = vector.shape_cast %swap3A_228 : vector<1x16xi32> to vector<16xi32>
        %swap3A_230 = vector.shape_cast %add3A_225 : vector<16xi32> to vector<1x16xi32>
        tpu.vector_store %arg12[%swap3A_226, %swap3A_227], %swap3A_230 {strides = array<i32>} : memref<1x128xi32, #tpu.memory_space<vmem>>, vector<1x16xi32>,
      }
      %scan3A_152 = arith.constant 8 : i32
      %dma_start3A_153 = arith.constant 0 : i32
      %dma_start3A_154 = arith.constant 0 : i32
      %dma_start3A_155 = arith.constant 0 : i32
      %dma_start3A_156 = tpu.memref_slice %arg13[%dma_start3A_154, %dma_start3A_155] : memref<1x128xi32, #tpu.memory_space<vmem>> -> memref<1x128xi32, #tpu.memory_space<vmem>>
      %dma_start3A_157 = tpu.memref_squeeze %dma_start3A_156 : memref<1x128xi32, #tpu.memory_space<vmem>> -> memref<128xi32, #tpu.memory_space<vmem>>
      %dma_start3A_158 = arith.constant 0 : i32
      %dma_start3A_159 = tpu.memref_slice %arg12[%dma_start3A_153, %dma_start3A_158] : memref<1x128xi32, #tpu.memory_space<vmem>> -> memref<1x128xi32, #tpu.memory_space<vmem>>
      %dma_start3A_160 = tpu.memref_squeeze %dma_start3A_159 : memref<1x128xi32, #tpu.memory_space<vmem>> -> memref<128xi32, #tpu.memory_space<vmem>>
      %dma_start3A_161 = arith.constant 0 : i32
      %dma_start3A_162 = tpu.memref_slice %arg6[%dma_start3A_161] : memref<857088xi32, #tpu.memory_space<hbm>> -> memref<857088xi32, #tpu.memory_space<hbm>>
      tpu.enqueue_indirect_dma source(%dma_start3A_162 : memref<857088xi32, #tpu.memory_space<hbm>>) target(%dma_start3A_157 : memref<128xi32, #tpu.memory_space<vmem>>) offsets(%dma_start3A_160 : memref<128xi32, #tpu.memory_space<vmem>>) semaphore(%arg16 : memref<!tpu.dma_semaphore, #tpu.memory_space<semaphore_mem>>)
      %dma_start3A_163 = arith.constant 0 : i32
      %dma_start3A_164 = arith.constant 0 : i32
      %dma_start3A_165 = arith.constant 0 : i32
      %dma_start3A_166 = tpu.memref_slice %arg14[%dma_start3A_164, %dma_start3A_165] : memref<1x128xi32, #tpu.memory_space<vmem>> -> memref<1x128xi32, #tpu.memory_space<vmem>>
      %dma_start3A_167 = tpu.memref_squeeze %dma_start3A_166 : memref<1x128xi32, #tpu.memory_space<vmem>> -> memref<128xi32, #tpu.memory_space<vmem>>
      %dma_start3A_168 = arith.constant 0 : i32
      %dma_start3A_169 = tpu.memref_slice %arg12[%dma_start3A_163, %dma_start3A_168] : memref<1x128xi32, #tpu.memory_space<vmem>> -> memref<1x128xi32, #tpu.memory_space<vmem>>
      %dma_start3A_170 = tpu.memref_squeeze %dma_start3A_169 : memref<1x128xi32, #tpu.memory_space<vmem>> -> memref<128xi32, #tpu.memory_space<vmem>>
      %dma_start3A_171 = arith.constant 0 : i32
      %dma_start3A_172 = tpu.memref_slice %arg7[%dma_start3A_171] : memref<857088xi32, #tpu.memory_space<hbm>> -> memref<857088xi32, #tpu.memory_space<hbm>>
      tpu.enqueue_indirect_dma source(%dma_start3A_172 : memref<857088xi32, #tpu.memory_space<hbm>>) target(%dma_start3A_167 : memref<128xi32, #tpu.memory_space<vmem>>) offsets(%dma_start3A_170 : memref<128xi32, #tpu.memory_space<vmem>>) semaphore(%arg16 : memref<!tpu.dma_semaphore, #tpu.memory_space<semaphore_mem>>)
      %dma_wait3A_173 = arith.constant 0 : i32
      %dma_wait3A_174 = arith.constant 0 : i32
      %dma_wait3A_175 = arith.constant 0 : i32
      %dma_wait3A_176 = tpu.memref_slice %arg13[%dma_wait3A_174, %dma_wait3A_175] : memref<1x128xi32, #tpu.memory_space<vmem>> -> memref<1x128xi32, #tpu.memory_space<vmem>>
      %dma_wait3A_177 = tpu.memref_squeeze %dma_wait3A_176 : memref<1x128xi32, #tpu.memory_space<vmem>> -> memref<128xi32, #tpu.memory_space<vmem>>
      %dma_wait3A_178 = arith.constant 0 : i32
      %dma_wait3A_179 = tpu.memref_slice %arg12[%dma_wait3A_173, %dma_wait3A_178] : memref<1x128xi32, #tpu.memory_space<vmem>> -> memref<1x128xi32, #tpu.memory_space<vmem>>
      %dma_wait3A_180 = tpu.memref_squeeze %dma_wait3A_179 : memref<1x128xi32, #tpu.memory_space<vmem>> -> memref<128xi32, #tpu.memory_space<vmem>>
      %dma_wait3A_181 = arith.constant 0 : i32
      %dma_wait3A_182 = tpu.memref_slice %arg6[%dma_wait3A_181] : memref<857088xi32, #tpu.memory_space<hbm>> -> memref<857088xi32, #tpu.memory_space<hbm>>
      tpu.wait_indirect_dma semaphore(%arg16 : memref<!tpu.dma_semaphore, #tpu.memory_space<semaphore_mem>>) src(%dma_wait3A_182 : memref<857088xi32, #tpu.memory_space<hbm>>) dst(%dma_wait3A_177 : memref<128xi32, #tpu.memory_space<vmem>>)
      %dma_wait3A_183 = arith.constant 0 : i32
      %dma_wait3A_184 = arith.constant 0 : i32
      %dma_wait3A_185 = arith.constant 0 : i32
      %dma_wait3A_186 = tpu.memref_slice %arg14[%dma_wait3A_184, %dma_wait3A_185] : memref<1x128xi32, #tpu.memory_space<vmem>> -> memref<1x128xi32, #tpu.memory_space<vmem>>
      %dma_wait3A_187 = tpu.memref_squeeze %dma_wait3A_186 : memref<1x128xi32, #tpu.memory_space<vmem>> -> memref<128xi32, #tpu.memory_space<vmem>>
      %dma_wait3A_188 = arith.constant 0 : i32
      %dma_wait3A_189 = tpu.memref_slice %arg12[%dma_wait3A_183, %dma_wait3A_188] : memref<1x128xi32, #tpu.memory_space<vmem>> -> memref<1x128xi32, #tpu.memory_space<vmem>>
      %dma_wait3A_190 = tpu.memref_squeeze %dma_wait3A_189 : memref<1x128xi32, #tpu.memory_space<vmem>> -> memref<128xi32, #tpu.memory_space<vmem>>
      %dma_wait3A_191 = arith.constant 0 : i32
      %dma_wait3A_192 = tpu.memref_slice %arg7[%dma_wait3A_191] : memref<857088xi32, #tpu.memory_space<hbm>> -> memref<857088xi32, #tpu.memory_space<hbm>>
      tpu.wait_indirect_dma semaphore(%arg16 : memref<!tpu.dma_semaphore, #tpu.memory_space<semaphore_mem>>) src(%dma_wait3A_192 : memref<857088xi32, #tpu.memory_space<hbm>>) dst(%dma_wait3A_187 : memref<128xi32, #tpu.memory_space<vmem>>)
      %scan3A_193 = arith.constant 0 : i32
      %scan3A_194 = arith.constant 8 : i32
      %scan3A_195 = arith.addi %scan3A_193, %scan3A_194 : i32
      %scan3A_196 = arith.constant 1 : i32
      scf.for %scan3A_199 = %scan3A_193 to %scan3A_195 step %scan3A_196  : i32 {
        %mul3A_200 = arith.constant 16 : i32
        %mul3A_201 = arith.muli %scan3A_199, %mul3A_200 : i32
        %add3A_202 = arith.constant 0 : i32
        %add3A_203 = arith.addi %add3A_202, %mul3A_201 : i32
        %get3A = arith.constant 0 : i32
        %get3A_204 = arith.index_cast %get3A : i32 to index
        %get3A_205 = arith.index_cast %add3A_203 : i32 to index
        %get3A_206 = tpu.vector_load %arg13[%get3A_204, %get3A_205] {strides = array<i32>} : memref<1x128xi32, #tpu.memory_space<vmem>>, vector<1x16xi32>,
        %get3A_207 = vector.shape_cast %get3A_206 : vector<1x16xi32> to vector<16xi32>
        %get3A_208 = arith.constant 0 : i32
        %get3A_209 = arith.index_cast %get3A_208 : i32 to index
        %get3A_210 = arith.index_cast %add3A_203 : i32 to index
        %get3A_211 = tpu.vector_load %arg14[%get3A_209, %get3A_210] {strides = array<i32>} : memref<1x128xi32, #tpu.memory_space<vmem>>, vector<1x16xi32>,
        %get3A_212 = vector.shape_cast %get3A_211 : vector<1x16xi32> to vector<16xi32>
        %max3A = arith.maxsi %get3A_207, %get3A_212 : vector<16xi32>
        %swap3A = arith.constant 0 : i32
        %swap3A_213 = arith.index_cast %swap3A : i32 to index
        %swap3A_214 = arith.index_cast %add3A_203 : i32 to index
        %swap3A_215 = tpu.vector_load %arg13[%swap3A_213, %swap3A_214] {strides = array<i32>} : memref<1x128xi32, #tpu.memory_space<vmem>>, vector<1x16xi32>,
        %swap3A_216 = vector.shape_cast %swap3A_215 : vector<1x16xi32> to vector<16xi32>
        %swap3A_217 = vector.shape_cast %max3A : vector<16xi32> to vector<1x16xi32>
        tpu.vector_store %arg13[%swap3A_213, %swap3A_214], %swap3A_217 {strides = array<i32>} : memref<1x128xi32, #tpu.memory_space<vmem>>, vector<1x16xi32>,
      }
      %scan3A_197 = arith.constant 8 : i32
      %run_scoped3A = arith.constant 0 : i32
      "tpu.region"() ({
        %run_scoped3A_199 = tpu.sem_alloc : memref<!tpu.dma_semaphore, #tpu.memory_space<semaphore_mem>>
        %dma_start3A_200 = arith.constant 0 : i32
        %dma_start3A_201 = tpu.memref_slice %arg13[%run_scoped3A, %dma_start3A_200] : memref<1x128xi32, #tpu.memory_space<vmem>> -> memref<1x128xi32, #tpu.memory_space<vmem>>
        %dma_start3A_202 = tpu.memref_squeeze %dma_start3A_201 : memref<1x128xi32, #tpu.memory_space<vmem>> -> memref<128xi32, #tpu.memory_space<vmem>>
        %dma_start3A_203 = arith.constant 0 : i32
        %dma_start3A_204 = arith.constant 0 : i32
        %dma_start3A_205 = tpu.memref_slice %arg2[%dma_start3A_203, %dma_start3A_204] : memref<40000x128xf32, #tpu.memory_space<hbm>> -> memref<40000x128xf32, #tpu.memory_space<hbm>>
        tpu.enqueue_indirect_dma source(%dma_start3A_205 : memref<40000x128xf32, #tpu.memory_space<hbm>>) target(%arg15 : memref<128x128xf32, #tpu.memory_space<vmem>>) offsets(%dma_start3A_202 : memref<128xi32, #tpu.memory_space<vmem>>) semaphore(%run_scoped3A_199 : memref<!tpu.dma_semaphore, #tpu.memory_space<semaphore_mem>>)
        %dma_wait3A_206 = arith.constant 0 : i32
        %dma_wait3A_207 = tpu.memref_slice %arg13[%run_scoped3A, %dma_wait3A_206] : memref<1x128xi32, #tpu.memory_space<vmem>> -> memref<1x128xi32, #tpu.memory_space<vmem>>
        %dma_wait3A_208 = tpu.memref_squeeze %dma_wait3A_207 : memref<1x128xi32, #tpu.memory_space<vmem>> -> memref<128xi32, #tpu.memory_space<vmem>>
        %dma_wait3A_209 = arith.constant 0 : i32
        %dma_wait3A_210 = arith.constant 0 : i32
        %dma_wait3A_211 = tpu.memref_slice %arg2[%dma_wait3A_209, %dma_wait3A_210] : memref<40000x128xf32, #tpu.memory_space<hbm>> -> memref<40000x128xf32, #tpu.memory_space<hbm>>
        tpu.wait_indirect_dma semaphore(%run_scoped3A_199 : memref<!tpu.dma_semaphore, #tpu.memory_space<semaphore_mem>>) src(%dma_wait3A_211 : memref<40000x128xf32, #tpu.memory_space<hbm>>) dst(%arg15 : memref<128x128xf32, #tpu.memory_space<vmem>>)
        tpu.yield
      }) : () -> ()
      %run_scoped3A_198 = arith.constant 0 : i32
      "tpu.region"() ({
        %run_scoped3A_199 = tpu.sem_alloc : memref<!tpu.dma_semaphore, #tpu.memory_space<semaphore_mem>>
        %dma_start3A_200 = arith.constant 0 : i32
        %dma_start3A_201 = tpu.memref_slice %arg12[%run_scoped3A_198, %dma_start3A_200] : memref<1x128xi32, #tpu.memory_space<vmem>> -> memref<1x128xi32, #tpu.memory_space<vmem>>
        %dma_start3A_202 = tpu.memref_squeeze %dma_start3A_201 : memref<1x128xi32, #tpu.memory_space<vmem>> -> memref<128xi32, #tpu.memory_space<vmem>>
        %dma_start3A_203 = arith.constant 0 : i32
        %dma_start3A_204 = arith.constant 0 : i32
        %dma_start3A_205 = tpu.memref_slice %arg8[%dma_start3A_203, %dma_start3A_204] : memref<857088x128xf32, #tpu.memory_space<hbm>> -> memref<857088x128xf32, #tpu.memory_space<hbm>>
        tpu.enqueue_indirect_dma source(%arg15 : memref<128x128xf32, #tpu.memory_space<vmem>>) target(%dma_start3A_205 : memref<857088x128xf32, #tpu.memory_space<hbm>>) offsets(%dma_start3A_202 : memref<128xi32, #tpu.memory_space<vmem>>) semaphore(%run_scoped3A_199 : memref<!tpu.dma_semaphore, #tpu.memory_space<semaphore_mem>>)
        %dma_wait3A_206 = arith.constant 0 : i32
        %dma_wait3A_207 = tpu.memref_slice %arg12[%run_scoped3A_198, %dma_wait3A_206] : memref<1x128xi32, #tpu.memory_space<vmem>> -> memref<1x128xi32, #tpu.memory_space<vmem>>
        %dma_wait3A_208 = tpu.memref_squeeze %dma_wait3A_207 : memref<1x128xi32, #tpu.memory_space<vmem>> -> memref<128xi32, #tpu.memory_space<vmem>>
        %dma_wait3A_209 = arith.constant 0 : i32
        %dma_wait3A_210 = arith.constant 0 : i32
        %dma_wait3A_211 = tpu.memref_slice %arg8[%dma_wait3A_209, %dma_wait3A_210] : memref<857088x128xf32, #tpu.memory_space<hbm>> -> memref<857088x128xf32, #tpu.memory_space<hbm>>
        tpu.wait_indirect_dma semaphore(%run_scoped3A_199 : memref<!tpu.dma_semaphore, #tpu.memory_space<semaphore_mem>>) src(%arg15 : memref<128x128xf32, #tpu.memory_space<vmem>>) dst(%dma_wait3A_211 : memref<857088x128xf32, #tpu.memory_space<hbm>>)
        tpu.yield
      }) : () -> ()
    } else {
    }
    %mul3A_37 = arith.constant 128 : i32
    %mul3A_38 = arith.muli %add3A, %mul3A_37 : i32
    %add3A_39 = arith.constant 16384 : i32
    %add3A_40 = arith.addi %mul3A_38, %add3A_39 : i32
    %multiple_of3A_41 = tpu.assume_multiple %add3A_40, 8 : i32
    %lt3A_42 = arith.constant 40064 : i32
    %lt3A_43 = arith.cmpi slt, %multiple_of3A_41, %lt3A_42 : i32
    %convert_element_type3A_44 = arith.extui %lt3A_43 : i1 to i32
    %cond3A_45 = arith.constant 0 : i32
    %cond3A_46 = arith.cmpi ne, %convert_element_type3A_44, %cond3A_45 : i32
    scf.if %cond3A_46 {
      %dma_start3A = arith.constant 0 : i32
      %dma_start3A_97 = arith.constant 0 : i32
      %dma_start3A_98 = tpu.memref_slice %arg9[%dma_start3A, %dma_start3A_97] : memref<1x128xi32, #tpu.memory_space<vmem>> -> memref<1x128xi32, #tpu.memory_space<vmem>>
      %dma_start3A_99 = tpu.memref_squeeze %dma_start3A_98 : memref<1x128xi32, #tpu.memory_space<vmem>> -> memref<128xi32, #tpu.memory_space<vmem>>
      %dma_start3A_100 = tpu.memref_slice %arg3[%multiple_of3A_41] : memref<40064xi32, #tpu.memory_space<hbm>> -> memref<128xi32, #tpu.memory_space<hbm>>
      %dma_start3A_101 = arith.constant 0 : i32
      %dma_start3A_102 = tpu.memref_slice %arg9[%dma_start3A, %dma_start3A_101] : memref<1x128xi32, #tpu.memory_space<vmem>> -> memref<1x128xi32, #tpu.memory_space<vmem>>
      %dma_start3A_103 = tpu.memref_squeeze %dma_start3A_102 : memref<1x128xi32, #tpu.memory_space<vmem>> -> memref<128xi32, #tpu.memory_space<vmem>>
      %dma_start3A_104 = tpu.memref_slice %arg3[%multiple_of3A_41] : memref<40064xi32, #tpu.memory_space<hbm>> -> memref<128xi32, #tpu.memory_space<hbm>>
      tpu.enqueue_dma source(%dma_start3A_104 : memref<128xi32, #tpu.memory_space<hbm>>) target(%dma_start3A_103 : memref<128xi32, #tpu.memory_space<vmem>>) target_semaphore(%arg16 : memref<!tpu.dma_semaphore, #tpu.memory_space<semaphore_mem>>)
      %dma_start3A_105 = arith.constant 0 : i32
      %dma_start3A_106 = arith.constant 0 : i32
      %dma_start3A_107 = tpu.memref_slice %arg10[%dma_start3A_105, %dma_start3A_106] : memref<1x128xi32, #tpu.memory_space<vmem>> -> memref<1x128xi32, #tpu.memory_space<vmem>>
      %dma_start3A_108 = tpu.memref_squeeze %dma_start3A_107 : memref<1x128xi32, #tpu.memory_space<vmem>> -> memref<128xi32, #tpu.memory_space<vmem>>
      %dma_start3A_109 = tpu.memref_slice %arg4[%multiple_of3A_41] : memref<40064xi32, #tpu.memory_space<hbm>> -> memref<128xi32, #tpu.memory_space<hbm>>
      %dma_start3A_110 = arith.constant 0 : i32
      %dma_start3A_111 = tpu.memref_slice %arg10[%dma_start3A_105, %dma_start3A_110] : memref<1x128xi32, #tpu.memory_space<vmem>> -> memref<1x128xi32, #tpu.memory_space<vmem>>
      %dma_start3A_112 = tpu.memref_squeeze %dma_start3A_111 : memref<1x128xi32, #tpu.memory_space<vmem>> -> memref<128xi32, #tpu.memory_space<vmem>>
      %dma_start3A_113 = tpu.memref_slice %arg4[%multiple_of3A_41] : memref<40064xi32, #tpu.memory_space<hbm>> -> memref<128xi32, #tpu.memory_space<hbm>>
      tpu.enqueue_dma source(%dma_start3A_113 : memref<128xi32, #tpu.memory_space<hbm>>) target(%dma_start3A_112 : memref<128xi32, #tpu.memory_space<vmem>>) target_semaphore(%arg16 : memref<!tpu.dma_semaphore, #tpu.memory_space<semaphore_mem>>)
      %dma_start3A_114 = arith.constant 0 : i32
      %dma_start3A_115 = arith.constant 0 : i32
      %dma_start3A_116 = tpu.memref_slice %arg11[%dma_start3A_114, %dma_start3A_115] : memref<1x128xi32, #tpu.memory_space<vmem>> -> memref<1x128xi32, #tpu.memory_space<vmem>>
      %dma_start3A_117 = tpu.memref_squeeze %dma_start3A_116 : memref<1x128xi32, #tpu.memory_space<vmem>> -> memref<128xi32, #tpu.memory_space<vmem>>
      %dma_start3A_118 = tpu.memref_slice %arg5[%multiple_of3A_41] : memref<40064xi32, #tpu.memory_space<hbm>> -> memref<128xi32, #tpu.memory_space<hbm>>
      %dma_start3A_119 = arith.constant 0 : i32
      %dma_start3A_120 = tpu.memref_slice %arg11[%dma_start3A_114, %dma_start3A_119] : memref<1x128xi32, #tpu.memory_space<vmem>> -> memref<1x128xi32, #tpu.memory_space<vmem>>
      %dma_start3A_121 = tpu.memref_squeeze %dma_start3A_120 : memref<1x128xi32, #tpu.memory_space<vmem>> -> memref<128xi32, #tpu.memory_space<vmem>>
      %dma_start3A_122 = tpu.memref_slice %arg5[%multiple_of3A_41] : memref<40064xi32, #tpu.memory_space<hbm>> -> memref<128xi32, #tpu.memory_space<hbm>>
      tpu.enqueue_dma source(%dma_start3A_122 : memref<128xi32, #tpu.memory_space<hbm>>) target(%dma_start3A_121 : memref<128xi32, #tpu.memory_space<vmem>>) target_semaphore(%arg16 : memref<!tpu.dma_semaphore, #tpu.memory_space<semaphore_mem>>)
      %dma_wait3A = arith.constant 0 : i32
      %dma_wait3A_123 = arith.constant 0 : i32
      %dma_wait3A_124 = tpu.memref_slice %arg9[%dma_wait3A, %dma_wait3A_123] : memref<1x128xi32, #tpu.memory_space<vmem>> -> memref<1x128xi32, #tpu.memory_space<vmem>>
      %dma_wait3A_125 = tpu.memref_squeeze %dma_wait3A_124 : memref<1x128xi32, #tpu.memory_space<vmem>> -> memref<128xi32, #tpu.memory_space<vmem>>
      %dma_wait3A_126 = tpu.memref_slice %arg3[%multiple_of3A_41] : memref<40064xi32, #tpu.memory_space<hbm>> -> memref<128xi32, #tpu.memory_space<hbm>>
      %dma_wait3A_127 = arith.constant 0 : i32
      %dma_wait3A_128 = tpu.memref_slice %arg9[%dma_wait3A, %dma_wait3A_127] : memref<1x128xi32, #tpu.memory_space<vmem>> -> memref<1x128xi32, #tpu.memory_space<vmem>>
      %dma_wait3A_129 = tpu.memref_squeeze %dma_wait3A_128 : memref<1x128xi32, #tpu.memory_space<vmem>> -> memref<128xi32, #tpu.memory_space<vmem>>
      %dma_wait3A_130 = tpu.memref_slice %arg3[%multiple_of3A_41] : memref<40064xi32, #tpu.memory_space<hbm>> -> memref<128xi32, #tpu.memory_space<hbm>>
      tpu.wait_dma2 semaphore(%arg16 : memref<!tpu.dma_semaphore, #tpu.memory_space<semaphore_mem>>) src(%dma_wait3A_130 : memref<128xi32, #tpu.memory_space<hbm>>) dst(%dma_wait3A_129 : memref<128xi32, #tpu.memory_space<vmem>>)
      %dma_wait3A_131 = arith.constant 0 : i32
      %dma_wait3A_132 = arith.constant 0 : i32
      %dma_wait3A_133 = tpu.memref_slice %arg10[%dma_wait3A_131, %dma_wait3A_132] : memref<1x128xi32, #tpu.memory_space<vmem>> -> memref<1x128xi32, #tpu.memory_space<vmem>>
      %dma_wait3A_134 = tpu.memref_squeeze %dma_wait3A_133 : memref<1x128xi32, #tpu.memory_space<vmem>> -> memref<128xi32, #tpu.memory_space<vmem>>
      %dma_wait3A_135 = tpu.memref_slice %arg4[%multiple_of3A_41] : memref<40064xi32, #tpu.memory_space<hbm>> -> memref<128xi32, #tpu.memory_space<hbm>>
      %dma_wait3A_136 = arith.constant 0 : i32
      %dma_wait3A_137 = tpu.memref_slice %arg10[%dma_wait3A_131, %dma_wait3A_136] : memref<1x128xi32, #tpu.memory_space<vmem>> -> memref<1x128xi32, #tpu.memory_space<vmem>>
      %dma_wait3A_138 = tpu.memref_squeeze %dma_wait3A_137 : memref<1x128xi32, #tpu.memory_space<vmem>> -> memref<128xi32, #tpu.memory_space<vmem>>
      %dma_wait3A_139 = tpu.memref_slice %arg4[%multiple_of3A_41] : memref<40064xi32, #tpu.memory_space<hbm>> -> memref<128xi32, #tpu.memory_space<hbm>>
      tpu.wait_dma2 semaphore(%arg16 : memref<!tpu.dma_semaphore, #tpu.memory_space<semaphore_mem>>) src(%dma_wait3A_139 : memref<128xi32, #tpu.memory_space<hbm>>) dst(%dma_wait3A_138 : memref<128xi32, #tpu.memory_space<vmem>>)
      %dma_wait3A_140 = arith.constant 0 : i32
      %dma_wait3A_141 = arith.constant 0 : i32
      %dma_wait3A_142 = tpu.memref_slice %arg11[%dma_wait3A_140, %dma_wait3A_141] : memref<1x128xi32, #tpu.memory_space<vmem>> -> memref<1x128xi32, #tpu.memory_space<vmem>>
      %dma_wait3A_143 = tpu.memref_squeeze %dma_wait3A_142 : memref<1x128xi32, #tpu.memory_space<vmem>> -> memref<128xi32, #tpu.memory_space<vmem>>
      %dma_wait3A_144 = tpu.memref_slice %arg5[%multiple_of3A_41] : memref<40064xi32, #tpu.memory_space<hbm>> -> memref<128xi32, #tpu.memory_space<hbm>>
      %dma_wait3A_145 = arith.constant 0 : i32
      %dma_wait3A_146 = tpu.memref_slice %arg11[%dma_wait3A_140, %dma_wait3A_145] : memref<1x128xi32, #tpu.memory_space<vmem>> -> memref<1x128xi32, #tpu.memory_space<vmem>>
      %dma_wait3A_147 = tpu.memref_squeeze %dma_wait3A_146 : memref<1x128xi32, #tpu.memory_space<vmem>> -> memref<128xi32, #tpu.memory_space<vmem>>
      %dma_wait3A_148 = tpu.memref_slice %arg5[%multiple_of3A_41] : memref<40064xi32, #tpu.memory_space<hbm>> -> memref<128xi32, #tpu.memory_space<hbm>>
      tpu.wait_dma2 semaphore(%arg16 : memref<!tpu.dma_semaphore, #tpu.memory_space<semaphore_mem>>) src(%dma_wait3A_148 : memref<128xi32, #tpu.memory_space<hbm>>) dst(%dma_wait3A_147 : memref<128xi32, #tpu.memory_space<vmem>>)
      %scan3A = arith.constant 0 : i32
      %scan3A_149 = arith.constant 8 : i32
      %scan3A_150 = arith.addi %scan3A, %scan3A_149 : i32
      %scan3A_151 = arith.constant 1 : i32
      scf.for %scan3A_199 = %scan3A to %scan3A_150 step %scan3A_151  : i32 {
        %mul3A_200 = arith.constant 16 : i32
        %mul3A_201 = arith.muli %scan3A_199, %mul3A_200 : i32
        %add3A_202 = arith.constant 0 : i32
        %add3A_203 = arith.addi %add3A_202, %mul3A_201 : i32
        %get3A = arith.constant 0 : i32
        %get3A_204 = arith.index_cast %get3A : i32 to index
        %get3A_205 = arith.index_cast %add3A_203 : i32 to index
        %get3A_206 = tpu.vector_load %arg9[%get3A_204, %get3A_205] {strides = array<i32>} : memref<1x128xi32, #tpu.memory_space<vmem>>, vector<1x16xi32>,
        %get3A_207 = vector.shape_cast %get3A_206 : vector<1x16xi32> to vector<16xi32>
        %get3A_208 = arith.constant 0 : i32
        %get3A_209 = arith.index_cast %get3A_208 : i32 to index
        %get3A_210 = arith.index_cast %add3A_203 : i32 to index
        %get3A_211 = tpu.vector_load %arg10[%get3A_209, %get3A_210] {strides = array<i32>} : memref<1x128xi32, #tpu.memory_space<vmem>>, vector<1x16xi32>,
        %get3A_212 = vector.shape_cast %get3A_211 : vector<1x16xi32> to vector<16xi32>
        %get3A_213 = arith.constant 0 : i32
        %get3A_214 = arith.index_cast %get3A_213 : i32 to index
        %get3A_215 = arith.index_cast %add3A_203 : i32 to index
        %get3A_216 = tpu.vector_load %arg11[%get3A_214, %get3A_215] {strides = array<i32>} : memref<1x128xi32, #tpu.memory_space<vmem>>, vector<1x16xi32>,
        %get3A_217 = vector.shape_cast %get3A_216 : vector<1x16xi32> to vector<16xi32>
        %mul3A_218 = arith.constant 214272 : i32
        %mul3A_219 = vector.broadcast %mul3A_218 : i32 to vector<16xi32>
        %mul3A_220 = arith.muli %get3A_207, %mul3A_219 : vector<16xi32>
        %mul3A_221 = arith.constant 432 : i32
        %mul3A_222 = vector.broadcast %mul3A_221 : i32 to vector<16xi32>
        %mul3A_223 = arith.muli %get3A_212, %mul3A_222 : vector<16xi32>
        %add3A_224 = arith.addi %mul3A_220, %mul3A_223 : vector<16xi32>
        %add3A_225 = arith.addi %add3A_224, %get3A_217 : vector<16xi32>
        %swap3A = arith.constant 0 : i32
        %swap3A_226 = arith.index_cast %swap3A : i32 to index
        %swap3A_227 = arith.index_cast %add3A_203 : i32 to index
        %swap3A_228 = tpu.vector_load %arg12[%swap3A_226, %swap3A_227] {strides = array<i32>} : memref<1x128xi32, #tpu.memory_space<vmem>>, vector<1x16xi32>,
        %swap3A_229 = vector.shape_cast %swap3A_228 : vector<1x16xi32> to vector<16xi32>
        %swap3A_230 = vector.shape_cast %add3A_225 : vector<16xi32> to vector<1x16xi32>
        tpu.vector_store %arg12[%swap3A_226, %swap3A_227], %swap3A_230 {strides = array<i32>} : memref<1x128xi32, #tpu.memory_space<vmem>>, vector<1x16xi32>,
      }
      %scan3A_152 = arith.constant 8 : i32
      %dma_start3A_153 = arith.constant 0 : i32
      %dma_start3A_154 = arith.constant 0 : i32
      %dma_start3A_155 = arith.constant 0 : i32
      %dma_start3A_156 = tpu.memref_slice %arg13[%dma_start3A_154, %dma_start3A_155] : memref<1x128xi32, #tpu.memory_space<vmem>> -> memref<1x128xi32, #tpu.memory_space<vmem>>
      %dma_start3A_157 = tpu.memref_squeeze %dma_start3A_156 : memref<1x128xi32, #tpu.memory_space<vmem>> -> memref<128xi32, #tpu.memory_space<vmem>>
      %dma_start3A_158 = arith.constant 0 : i32
      %dma_start3A_159 = tpu.memref_slice %arg12[%dma_start3A_153, %dma_start3A_158] : memref<1x128xi32, #tpu.memory_space<vmem>> -> memref<1x128xi32, #tpu.memory_space<vmem>>
      %dma_start3A_160 = tpu.memref_squeeze %dma_start3A_159 : memref<1x128xi32, #tpu.memory_space<vmem>> -> memref<128xi32, #tpu.memory_space<vmem>>
      %dma_start3A_161 = arith.constant 0 : i32
      %dma_start3A_162 = tpu.memref_slice %arg6[%dma_start3A_161] : memref<857088xi32, #tpu.memory_space<hbm>> -> memref<857088xi32, #tpu.memory_space<hbm>>
      tpu.enqueue_indirect_dma source(%dma_start3A_162 : memref<857088xi32, #tpu.memory_space<hbm>>) target(%dma_start3A_157 : memref<128xi32, #tpu.memory_space<vmem>>) offsets(%dma_start3A_160 : memref<128xi32, #tpu.memory_space<vmem>>) semaphore(%arg16 : memref<!tpu.dma_semaphore, #tpu.memory_space<semaphore_mem>>)
      %dma_start3A_163 = arith.constant 0 : i32
      %dma_start3A_164 = arith.constant 0 : i32
      %dma_start3A_165 = arith.constant 0 : i32
      %dma_start3A_166 = tpu.memref_slice %arg14[%dma_start3A_164, %dma_start3A_165] : memref<1x128xi32, #tpu.memory_space<vmem>> -> memref<1x128xi32, #tpu.memory_space<vmem>>
      %dma_start3A_167 = tpu.memref_squeeze %dma_start3A_166 : memref<1x128xi32, #tpu.memory_space<vmem>> -> memref<128xi32, #tpu.memory_space<vmem>>
      %dma_start3A_168 = arith.constant 0 : i32
      %dma_start3A_169 = tpu.memref_slice %arg12[%dma_start3A_163, %dma_start3A_168] : memref<1x128xi32, #tpu.memory_space<vmem>> -> memref<1x128xi32, #tpu.memory_space<vmem>>
      %dma_start3A_170 = tpu.memref_squeeze %dma_start3A_169 : memref<1x128xi32, #tpu.memory_space<vmem>> -> memref<128xi32, #tpu.memory_space<vmem>>
      %dma_start3A_171 = arith.constant 0 : i32
      %dma_start3A_172 = tpu.memref_slice %arg7[%dma_start3A_171] : memref<857088xi32, #tpu.memory_space<hbm>> -> memref<857088xi32, #tpu.memory_space<hbm>>
      tpu.enqueue_indirect_dma source(%dma_start3A_172 : memref<857088xi32, #tpu.memory_space<hbm>>) target(%dma_start3A_167 : memref<128xi32, #tpu.memory_space<vmem>>) offsets(%dma_start3A_170 : memref<128xi32, #tpu.memory_space<vmem>>) semaphore(%arg16 : memref<!tpu.dma_semaphore, #tpu.memory_space<semaphore_mem>>)
      %dma_wait3A_173 = arith.constant 0 : i32
      %dma_wait3A_174 = arith.constant 0 : i32
      %dma_wait3A_175 = arith.constant 0 : i32
      %dma_wait3A_176 = tpu.memref_slice %arg13[%dma_wait3A_174, %dma_wait3A_175] : memref<1x128xi32, #tpu.memory_space<vmem>> -> memref<1x128xi32, #tpu.memory_space<vmem>>
      %dma_wait3A_177 = tpu.memref_squeeze %dma_wait3A_176 : memref<1x128xi32, #tpu.memory_space<vmem>> -> memref<128xi32, #tpu.memory_space<vmem>>
      %dma_wait3A_178 = arith.constant 0 : i32
      %dma_wait3A_179 = tpu.memref_slice %arg12[%dma_wait3A_173, %dma_wait3A_178] : memref<1x128xi32, #tpu.memory_space<vmem>> -> memref<1x128xi32, #tpu.memory_space<vmem>>
      %dma_wait3A_180 = tpu.memref_squeeze %dma_wait3A_179 : memref<1x128xi32, #tpu.memory_space<vmem>> -> memref<128xi32, #tpu.memory_space<vmem>>
      %dma_wait3A_181 = arith.constant 0 : i32
      %dma_wait3A_182 = tpu.memref_slice %arg6[%dma_wait3A_181] : memref<857088xi32, #tpu.memory_space<hbm>> -> memref<857088xi32, #tpu.memory_space<hbm>>
      tpu.wait_indirect_dma semaphore(%arg16 : memref<!tpu.dma_semaphore, #tpu.memory_space<semaphore_mem>>) src(%dma_wait3A_182 : memref<857088xi32, #tpu.memory_space<hbm>>) dst(%dma_wait3A_177 : memref<128xi32, #tpu.memory_space<vmem>>)
      %dma_wait3A_183 = arith.constant 0 : i32
      %dma_wait3A_184 = arith.constant 0 : i32
      %dma_wait3A_185 = arith.constant 0 : i32
      %dma_wait3A_186 = tpu.memref_slice %arg14[%dma_wait3A_184, %dma_wait3A_185] : memref<1x128xi32, #tpu.memory_space<vmem>> -> memref<1x128xi32, #tpu.memory_space<vmem>>
      %dma_wait3A_187 = tpu.memref_squeeze %dma_wait3A_186 : memref<1x128xi32, #tpu.memory_space<vmem>> -> memref<128xi32, #tpu.memory_space<vmem>>
      %dma_wait3A_188 = arith.constant 0 : i32
      %dma_wait3A_189 = tpu.memref_slice %arg12[%dma_wait3A_183, %dma_wait3A_188] : memref<1x128xi32, #tpu.memory_space<vmem>> -> memref<1x128xi32, #tpu.memory_space<vmem>>
      %dma_wait3A_190 = tpu.memref_squeeze %dma_wait3A_189 : memref<1x128xi32, #tpu.memory_space<vmem>> -> memref<128xi32, #tpu.memory_space<vmem>>
      %dma_wait3A_191 = arith.constant 0 : i32
      %dma_wait3A_192 = tpu.memref_slice %arg7[%dma_wait3A_191] : memref<857088xi32, #tpu.memory_space<hbm>> -> memref<857088xi32, #tpu.memory_space<hbm>>
      tpu.wait_indirect_dma semaphore(%arg16 : memref<!tpu.dma_semaphore, #tpu.memory_space<semaphore_mem>>) src(%dma_wait3A_192 : memref<857088xi32, #tpu.memory_space<hbm>>) dst(%dma_wait3A_187 : memref<128xi32, #tpu.memory_space<vmem>>)
      %scan3A_193 = arith.constant 0 : i32
      %scan3A_194 = arith.constant 8 : i32
      %scan3A_195 = arith.addi %scan3A_193, %scan3A_194 : i32
      %scan3A_196 = arith.constant 1 : i32
      scf.for %scan3A_199 = %scan3A_193 to %scan3A_195 step %scan3A_196  : i32 {
        %mul3A_200 = arith.constant 16 : i32
        %mul3A_201 = arith.muli %scan3A_199, %mul3A_200 : i32
        %add3A_202 = arith.constant 0 : i32
        %add3A_203 = arith.addi %add3A_202, %mul3A_201 : i32
        %get3A = arith.constant 0 : i32
        %get3A_204 = arith.index_cast %get3A : i32 to index
        %get3A_205 = arith.index_cast %add3A_203 : i32 to index
        %get3A_206 = tpu.vector_load %arg13[%get3A_204, %get3A_205] {strides = array<i32>} : memref<1x128xi32, #tpu.memory_space<vmem>>, vector<1x16xi32>,
        %get3A_207 = vector.shape_cast %get3A_206 : vector<1x16xi32> to vector<16xi32>
        %get3A_208 = arith.constant 0 : i32
        %get3A_209 = arith.index_cast %get3A_208 : i32 to index
        %get3A_210 = arith.index_cast %add3A_203 : i32 to index
        %get3A_211 = tpu.vector_load %arg14[%get3A_209, %get3A_210] {strides = array<i32>} : memref<1x128xi32, #tpu.memory_space<vmem>>, vector<1x16xi32>,
        %get3A_212 = vector.shape_cast %get3A_211 : vector<1x16xi32> to vector<16xi32>
        %max3A = arith.maxsi %get3A_207, %get3A_212 : vector<16xi32>
        %swap3A = arith.constant 0 : i32
        %swap3A_213 = arith.index_cast %swap3A : i32 to index
        %swap3A_214 = arith.index_cast %add3A_203 : i32 to index
        %swap3A_215 = tpu.vector_load %arg13[%swap3A_213, %swap3A_214] {strides = array<i32>} : memref<1x128xi32, #tpu.memory_space<vmem>>, vector<1x16xi32>,
        %swap3A_216 = vector.shape_cast %swap3A_215 : vector<1x16xi32> to vector<16xi32>
        %swap3A_217 = vector.shape_cast %max3A : vector<16xi32> to vector<1x16xi32>
        tpu.vector_store %arg13[%swap3A_213, %swap3A_214], %swap3A_217 {strides = array<i32>} : memref<1x128xi32, #tpu.memory_space<vmem>>, vector<1x16xi32>,
      }
      %scan3A_197 = arith.constant 8 : i32
      %run_scoped3A = arith.constant 0 : i32
      "tpu.region"() ({
        %run_scoped3A_199 = tpu.sem_alloc : memref<!tpu.dma_semaphore, #tpu.memory_space<semaphore_mem>>
        %dma_start3A_200 = arith.constant 0 : i32
        %dma_start3A_201 = tpu.memref_slice %arg13[%run_scoped3A, %dma_start3A_200] : memref<1x128xi32, #tpu.memory_space<vmem>> -> memref<1x128xi32, #tpu.memory_space<vmem>>
        %dma_start3A_202 = tpu.memref_squeeze %dma_start3A_201 : memref<1x128xi32, #tpu.memory_space<vmem>> -> memref<128xi32, #tpu.memory_space<vmem>>
        %dma_start3A_203 = arith.constant 0 : i32
        %dma_start3A_204 = arith.constant 0 : i32
        %dma_start3A_205 = tpu.memref_slice %arg2[%dma_start3A_203, %dma_start3A_204] : memref<40000x128xf32, #tpu.memory_space<hbm>> -> memref<40000x128xf32, #tpu.memory_space<hbm>>
        tpu.enqueue_indirect_dma source(%dma_start3A_205 : memref<40000x128xf32, #tpu.memory_space<hbm>>) target(%arg15 : memref<128x128xf32, #tpu.memory_space<vmem>>) offsets(%dma_start3A_202 : memref<128xi32, #tpu.memory_space<vmem>>) semaphore(%run_scoped3A_199 : memref<!tpu.dma_semaphore, #tpu.memory_space<semaphore_mem>>)
        %dma_wait3A_206 = arith.constant 0 : i32
        %dma_wait3A_207 = tpu.memref_slice %arg13[%run_scoped3A, %dma_wait3A_206] : memref<1x128xi32, #tpu.memory_space<vmem>> -> memref<1x128xi32, #tpu.memory_space<vmem>>
        %dma_wait3A_208 = tpu.memref_squeeze %dma_wait3A_207 : memref<1x128xi32, #tpu.memory_space<vmem>> -> memref<128xi32, #tpu.memory_space<vmem>>
        %dma_wait3A_209 = arith.constant 0 : i32
        %dma_wait3A_210 = arith.constant 0 : i32
        %dma_wait3A_211 = tpu.memref_slice %arg2[%dma_wait3A_209, %dma_wait3A_210] : memref<40000x128xf32, #tpu.memory_space<hbm>> -> memref<40000x128xf32, #tpu.memory_space<hbm>>
        tpu.wait_indirect_dma semaphore(%run_scoped3A_199 : memref<!tpu.dma_semaphore, #tpu.memory_space<semaphore_mem>>) src(%dma_wait3A_211 : memref<40000x128xf32, #tpu.memory_space<hbm>>) dst(%arg15 : memref<128x128xf32, #tpu.memory_space<vmem>>)
        tpu.yield
      }) : () -> ()
      %run_scoped3A_198 = arith.constant 0 : i32
      "tpu.region"() ({
        %run_scoped3A_199 = tpu.sem_alloc : memref<!tpu.dma_semaphore, #tpu.memory_space<semaphore_mem>>
        %dma_start3A_200 = arith.constant 0 : i32
        %dma_start3A_201 = tpu.memref_slice %arg12[%run_scoped3A_198, %dma_start3A_200] : memref<1x128xi32, #tpu.memory_space<vmem>> -> memref<1x128xi32, #tpu.memory_space<vmem>>
        %dma_start3A_202 = tpu.memref_squeeze %dma_start3A_201 : memref<1x128xi32, #tpu.memory_space<vmem>> -> memref<128xi32, #tpu.memory_space<vmem>>
        %dma_start3A_203 = arith.constant 0 : i32
        %dma_start3A_204 = arith.constant 0 : i32
        %dma_start3A_205 = tpu.memref_slice %arg8[%dma_start3A_203, %dma_start3A_204] : memref<857088x128xf32, #tpu.memory_space<hbm>> -> memref<857088x128xf32, #tpu.memory_space<hbm>>
        tpu.enqueue_indirect_dma source(%arg15 : memref<128x128xf32, #tpu.memory_space<vmem>>) target(%dma_start3A_205 : memref<857088x128xf32, #tpu.memory_space<hbm>>) offsets(%dma_start3A_202 : memref<128xi32, #tpu.memory_space<vmem>>) semaphore(%run_scoped3A_199 : memref<!tpu.dma_semaphore, #tpu.memory_space<semaphore_mem>>)
        %dma_wait3A_206 = arith.constant 0 : i32
        %dma_wait3A_207 = tpu.memref_slice %arg12[%run_scoped3A_198, %dma_wait3A_206] : memref<1x128xi32, #tpu.memory_space<vmem>> -> memref<1x128xi32, #tpu.memory_space<vmem>>
        %dma_wait3A_208 = tpu.memref_squeeze %dma_wait3A_207 : memref<1x128xi32, #tpu.memory_space<vmem>> -> memref<128xi32, #tpu.memory_space<vmem>>
        %dma_wait3A_209 = arith.constant 0 : i32
        %dma_wait3A_210 = arith.constant 0 : i32
        %dma_wait3A_211 = tpu.memref_slice %arg8[%dma_wait3A_209, %dma_wait3A_210] : memref<857088x128xf32, #tpu.memory_space<hbm>> -> memref<857088x128xf32, #tpu.memory_space<hbm>>
        tpu.wait_indirect_dma semaphore(%run_scoped3A_199 : memref<!tpu.dma_semaphore, #tpu.memory_space<semaphore_mem>>) src(%arg15 : memref<128x128xf32, #tpu.memory_space<vmem>>) dst(%dma_wait3A_211 : memref<857088x128xf32, #tpu.memory_space<hbm>>)
        tpu.yield
      }) : () -> ()
    } else {
    }
    %mul3A_47 = arith.constant 128 : i32
    %mul3A_48 = arith.muli %add3A, %mul3A_47 : i32
    %add3A_49 = arith.constant 20480 : i32
    %add3A_50 = arith.addi %mul3A_48, %add3A_49 : i32
    %multiple_of3A_51 = tpu.assume_multiple %add3A_50, 8 : i32
    %lt3A_52 = arith.constant 40064 : i32
    %lt3A_53 = arith.cmpi slt, %multiple_of3A_51, %lt3A_52 : i32
    %convert_element_type3A_54 = arith.extui %lt3A_53 : i1 to i32
    %cond3A_55 = arith.constant 0 : i32
    %cond3A_56 = arith.cmpi ne, %convert_element_type3A_54, %cond3A_55 : i32
    scf.if %cond3A_56 {
      %dma_start3A = arith.constant 0 : i32
      %dma_start3A_97 = arith.constant 0 : i32
      %dma_start3A_98 = tpu.memref_slice %arg9[%dma_start3A, %dma_start3A_97] : memref<1x128xi32, #tpu.memory_space<vmem>> -> memref<1x128xi32, #tpu.memory_space<vmem>>
      %dma_start3A_99 = tpu.memref_squeeze %dma_start3A_98 : memref<1x128xi32, #tpu.memory_space<vmem>> -> memref<128xi32, #tpu.memory_space<vmem>>
      %dma_start3A_100 = tpu.memref_slice %arg3[%multiple_of3A_51] : memref<40064xi32, #tpu.memory_space<hbm>> -> memref<128xi32, #tpu.memory_space<hbm>>
      %dma_start3A_101 = arith.constant 0 : i32
      %dma_start3A_102 = tpu.memref_slice %arg9[%dma_start3A, %dma_start3A_101] : memref<1x128xi32, #tpu.memory_space<vmem>> -> memref<1x128xi32, #tpu.memory_space<vmem>>
      %dma_start3A_103 = tpu.memref_squeeze %dma_start3A_102 : memref<1x128xi32, #tpu.memory_space<vmem>> -> memref<128xi32, #tpu.memory_space<vmem>>
      %dma_start3A_104 = tpu.memref_slice %arg3[%multiple_of3A_51] : memref<40064xi32, #tpu.memory_space<hbm>> -> memref<128xi32, #tpu.memory_space<hbm>>
      tpu.enqueue_dma source(%dma_start3A_104 : memref<128xi32, #tpu.memory_space<hbm>>) target(%dma_start3A_103 : memref<128xi32, #tpu.memory_space<vmem>>) target_semaphore(%arg16 : memref<!tpu.dma_semaphore, #tpu.memory_space<semaphore_mem>>)
      %dma_start3A_105 = arith.constant 0 : i32
      %dma_start3A_106 = arith.constant 0 : i32
      %dma_start3A_107 = tpu.memref_slice %arg10[%dma_start3A_105, %dma_start3A_106] : memref<1x128xi32, #tpu.memory_space<vmem>> -> memref<1x128xi32, #tpu.memory_space<vmem>>
      %dma_start3A_108 = tpu.memref_squeeze %dma_start3A_107 : memref<1x128xi32, #tpu.memory_space<vmem>> -> memref<128xi32, #tpu.memory_space<vmem>>
      %dma_start3A_109 = tpu.memref_slice %arg4[%multiple_of3A_51] : memref<40064xi32, #tpu.memory_space<hbm>> -> memref<128xi32, #tpu.memory_space<hbm>>
      %dma_start3A_110 = arith.constant 0 : i32
      %dma_start3A_111 = tpu.memref_slice %arg10[%dma_start3A_105, %dma_start3A_110] : memref<1x128xi32, #tpu.memory_space<vmem>> -> memref<1x128xi32, #tpu.memory_space<vmem>>
      %dma_start3A_112 = tpu.memref_squeeze %dma_start3A_111 : memref<1x128xi32, #tpu.memory_space<vmem>> -> memref<128xi32, #tpu.memory_space<vmem>>
      %dma_start3A_113 = tpu.memref_slice %arg4[%multiple_of3A_51] : memref<40064xi32, #tpu.memory_space<hbm>> -> memref<128xi32, #tpu.memory_space<hbm>>
      tpu.enqueue_dma source(%dma_start3A_113 : memref<128xi32, #tpu.memory_space<hbm>>) target(%dma_start3A_112 : memref<128xi32, #tpu.memory_space<vmem>>) target_semaphore(%arg16 : memref<!tpu.dma_semaphore, #tpu.memory_space<semaphore_mem>>)
      %dma_start3A_114 = arith.constant 0 : i32
      %dma_start3A_115 = arith.constant 0 : i32
      %dma_start3A_116 = tpu.memref_slice %arg11[%dma_start3A_114, %dma_start3A_115] : memref<1x128xi32, #tpu.memory_space<vmem>> -> memref<1x128xi32, #tpu.memory_space<vmem>>
      %dma_start3A_117 = tpu.memref_squeeze %dma_start3A_116 : memref<1x128xi32, #tpu.memory_space<vmem>> -> memref<128xi32, #tpu.memory_space<vmem>>
      %dma_start3A_118 = tpu.memref_slice %arg5[%multiple_of3A_51] : memref<40064xi32, #tpu.memory_space<hbm>> -> memref<128xi32, #tpu.memory_space<hbm>>
      %dma_start3A_119 = arith.constant 0 : i32
      %dma_start3A_120 = tpu.memref_slice %arg11[%dma_start3A_114, %dma_start3A_119] : memref<1x128xi32, #tpu.memory_space<vmem>> -> memref<1x128xi32, #tpu.memory_space<vmem>>
      %dma_start3A_121 = tpu.memref_squeeze %dma_start3A_120 : memref<1x128xi32, #tpu.memory_space<vmem>> -> memref<128xi32, #tpu.memory_space<vmem>>
      %dma_start3A_122 = tpu.memref_slice %arg5[%multiple_of3A_51] : memref<40064xi32, #tpu.memory_space<hbm>> -> memref<128xi32, #tpu.memory_space<hbm>>
      tpu.enqueue_dma source(%dma_start3A_122 : memref<128xi32, #tpu.memory_space<hbm>>) target(%dma_start3A_121 : memref<128xi32, #tpu.memory_space<vmem>>) target_semaphore(%arg16 : memref<!tpu.dma_semaphore, #tpu.memory_space<semaphore_mem>>)
      %dma_wait3A = arith.constant 0 : i32
      %dma_wait3A_123 = arith.constant 0 : i32
      %dma_wait3A_124 = tpu.memref_slice %arg9[%dma_wait3A, %dma_wait3A_123] : memref<1x128xi32, #tpu.memory_space<vmem>> -> memref<1x128xi32, #tpu.memory_space<vmem>>
      %dma_wait3A_125 = tpu.memref_squeeze %dma_wait3A_124 : memref<1x128xi32, #tpu.memory_space<vmem>> -> memref<128xi32, #tpu.memory_space<vmem>>
      %dma_wait3A_126 = tpu.memref_slice %arg3[%multiple_of3A_51] : memref<40064xi32, #tpu.memory_space<hbm>> -> memref<128xi32, #tpu.memory_space<hbm>>
      %dma_wait3A_127 = arith.constant 0 : i32
      %dma_wait3A_128 = tpu.memref_slice %arg9[%dma_wait3A, %dma_wait3A_127] : memref<1x128xi32, #tpu.memory_space<vmem>> -> memref<1x128xi32, #tpu.memory_space<vmem>>
      %dma_wait3A_129 = tpu.memref_squeeze %dma_wait3A_128 : memref<1x128xi32, #tpu.memory_space<vmem>> -> memref<128xi32, #tpu.memory_space<vmem>>
      %dma_wait3A_130 = tpu.memref_slice %arg3[%multiple_of3A_51] : memref<40064xi32, #tpu.memory_space<hbm>> -> memref<128xi32, #tpu.memory_space<hbm>>
      tpu.wait_dma2 semaphore(%arg16 : memref<!tpu.dma_semaphore, #tpu.memory_space<semaphore_mem>>) src(%dma_wait3A_130 : memref<128xi32, #tpu.memory_space<hbm>>) dst(%dma_wait3A_129 : memref<128xi32, #tpu.memory_space<vmem>>)
      %dma_wait3A_131 = arith.constant 0 : i32
      %dma_wait3A_132 = arith.constant 0 : i32
      %dma_wait3A_133 = tpu.memref_slice %arg10[%dma_wait3A_131, %dma_wait3A_132] : memref<1x128xi32, #tpu.memory_space<vmem>> -> memref<1x128xi32, #tpu.memory_space<vmem>>
      %dma_wait3A_134 = tpu.memref_squeeze %dma_wait3A_133 : memref<1x128xi32, #tpu.memory_space<vmem>> -> memref<128xi32, #tpu.memory_space<vmem>>
      %dma_wait3A_135 = tpu.memref_slice %arg4[%multiple_of3A_51] : memref<40064xi32, #tpu.memory_space<hbm>> -> memref<128xi32, #tpu.memory_space<hbm>>
      %dma_wait3A_136 = arith.constant 0 : i32
      %dma_wait3A_137 = tpu.memref_slice %arg10[%dma_wait3A_131, %dma_wait3A_136] : memref<1x128xi32, #tpu.memory_space<vmem>> -> memref<1x128xi32, #tpu.memory_space<vmem>>
      %dma_wait3A_138 = tpu.memref_squeeze %dma_wait3A_137 : memref<1x128xi32, #tpu.memory_space<vmem>> -> memref<128xi32, #tpu.memory_space<vmem>>
      %dma_wait3A_139 = tpu.memref_slice %arg4[%multiple_of3A_51] : memref<40064xi32, #tpu.memory_space<hbm>> -> memref<128xi32, #tpu.memory_space<hbm>>
      tpu.wait_dma2 semaphore(%arg16 : memref<!tpu.dma_semaphore, #tpu.memory_space<semaphore_mem>>) src(%dma_wait3A_139 : memref<128xi32, #tpu.memory_space<hbm>>) dst(%dma_wait3A_138 : memref<128xi32, #tpu.memory_space<vmem>>)
      %dma_wait3A_140 = arith.constant 0 : i32
      %dma_wait3A_141 = arith.constant 0 : i32
      %dma_wait3A_142 = tpu.memref_slice %arg11[%dma_wait3A_140, %dma_wait3A_141] : memref<1x128xi32, #tpu.memory_space<vmem>> -> memref<1x128xi32, #tpu.memory_space<vmem>>
      %dma_wait3A_143 = tpu.memref_squeeze %dma_wait3A_142 : memref<1x128xi32, #tpu.memory_space<vmem>> -> memref<128xi32, #tpu.memory_space<vmem>>
      %dma_wait3A_144 = tpu.memref_slice %arg5[%multiple_of3A_51] : memref<40064xi32, #tpu.memory_space<hbm>> -> memref<128xi32, #tpu.memory_space<hbm>>
      %dma_wait3A_145 = arith.constant 0 : i32
      %dma_wait3A_146 = tpu.memref_slice %arg11[%dma_wait3A_140, %dma_wait3A_145] : memref<1x128xi32, #tpu.memory_space<vmem>> -> memref<1x128xi32, #tpu.memory_space<vmem>>
      %dma_wait3A_147 = tpu.memref_squeeze %dma_wait3A_146 : memref<1x128xi32, #tpu.memory_space<vmem>> -> memref<128xi32, #tpu.memory_space<vmem>>
      %dma_wait3A_148 = tpu.memref_slice %arg5[%multiple_of3A_51] : memref<40064xi32, #tpu.memory_space<hbm>> -> memref<128xi32, #tpu.memory_space<hbm>>
      tpu.wait_dma2 semaphore(%arg16 : memref<!tpu.dma_semaphore, #tpu.memory_space<semaphore_mem>>) src(%dma_wait3A_148 : memref<128xi32, #tpu.memory_space<hbm>>) dst(%dma_wait3A_147 : memref<128xi32, #tpu.memory_space<vmem>>)
      %scan3A = arith.constant 0 : i32
      %scan3A_149 = arith.constant 8 : i32
      %scan3A_150 = arith.addi %scan3A, %scan3A_149 : i32
      %scan3A_151 = arith.constant 1 : i32
      scf.for %scan3A_199 = %scan3A to %scan3A_150 step %scan3A_151  : i32 {
        %mul3A_200 = arith.constant 16 : i32
        %mul3A_201 = arith.muli %scan3A_199, %mul3A_200 : i32
        %add3A_202 = arith.constant 0 : i32
        %add3A_203 = arith.addi %add3A_202, %mul3A_201 : i32
        %get3A = arith.constant 0 : i32
        %get3A_204 = arith.index_cast %get3A : i32 to index
        %get3A_205 = arith.index_cast %add3A_203 : i32 to index
        %get3A_206 = tpu.vector_load %arg9[%get3A_204, %get3A_205] {strides = array<i32>} : memref<1x128xi32, #tpu.memory_space<vmem>>, vector<1x16xi32>,
        %get3A_207 = vector.shape_cast %get3A_206 : vector<1x16xi32> to vector<16xi32>
        %get3A_208 = arith.constant 0 : i32
        %get3A_209 = arith.index_cast %get3A_208 : i32 to index
        %get3A_210 = arith.index_cast %add3A_203 : i32 to index
        %get3A_211 = tpu.vector_load %arg10[%get3A_209, %get3A_210] {strides = array<i32>} : memref<1x128xi32, #tpu.memory_space<vmem>>, vector<1x16xi32>,
        %get3A_212 = vector.shape_cast %get3A_211 : vector<1x16xi32> to vector<16xi32>
        %get3A_213 = arith.constant 0 : i32
        %get3A_214 = arith.index_cast %get3A_213 : i32 to index
        %get3A_215 = arith.index_cast %add3A_203 : i32 to index
        %get3A_216 = tpu.vector_load %arg11[%get3A_214, %get3A_215] {strides = array<i32>} : memref<1x128xi32, #tpu.memory_space<vmem>>, vector<1x16xi32>,
        %get3A_217 = vector.shape_cast %get3A_216 : vector<1x16xi32> to vector<16xi32>
        %mul3A_218 = arith.constant 214272 : i32
        %mul3A_219 = vector.broadcast %mul3A_218 : i32 to vector<16xi32>
        %mul3A_220 = arith.muli %get3A_207, %mul3A_219 : vector<16xi32>
        %mul3A_221 = arith.constant 432 : i32
        %mul3A_222 = vector.broadcast %mul3A_221 : i32 to vector<16xi32>
        %mul3A_223 = arith.muli %get3A_212, %mul3A_222 : vector<16xi32>
        %add3A_224 = arith.addi %mul3A_220, %mul3A_223 : vector<16xi32>
        %add3A_225 = arith.addi %add3A_224, %get3A_217 : vector<16xi32>
        %swap3A = arith.constant 0 : i32
        %swap3A_226 = arith.index_cast %swap3A : i32 to index
        %swap3A_227 = arith.index_cast %add3A_203 : i32 to index
        %swap3A_228 = tpu.vector_load %arg12[%swap3A_226, %swap3A_227] {strides = array<i32>} : memref<1x128xi32, #tpu.memory_space<vmem>>, vector<1x16xi32>,
        %swap3A_229 = vector.shape_cast %swap3A_228 : vector<1x16xi32> to vector<16xi32>
        %swap3A_230 = vector.shape_cast %add3A_225 : vector<16xi32> to vector<1x16xi32>
        tpu.vector_store %arg12[%swap3A_226, %swap3A_227], %swap3A_230 {strides = array<i32>} : memref<1x128xi32, #tpu.memory_space<vmem>>, vector<1x16xi32>,
      }
      %scan3A_152 = arith.constant 8 : i32
      %dma_start3A_153 = arith.constant 0 : i32
      %dma_start3A_154 = arith.constant 0 : i32
      %dma_start3A_155 = arith.constant 0 : i32
      %dma_start3A_156 = tpu.memref_slice %arg13[%dma_start3A_154, %dma_start3A_155] : memref<1x128xi32, #tpu.memory_space<vmem>> -> memref<1x128xi32, #tpu.memory_space<vmem>>
      %dma_start3A_157 = tpu.memref_squeeze %dma_start3A_156 : memref<1x128xi32, #tpu.memory_space<vmem>> -> memref<128xi32, #tpu.memory_space<vmem>>
      %dma_start3A_158 = arith.constant 0 : i32
      %dma_start3A_159 = tpu.memref_slice %arg12[%dma_start3A_153, %dma_start3A_158] : memref<1x128xi32, #tpu.memory_space<vmem>> -> memref<1x128xi32, #tpu.memory_space<vmem>>
      %dma_start3A_160 = tpu.memref_squeeze %dma_start3A_159 : memref<1x128xi32, #tpu.memory_space<vmem>> -> memref<128xi32, #tpu.memory_space<vmem>>
      %dma_start3A_161 = arith.constant 0 : i32
      %dma_start3A_162 = tpu.memref_slice %arg6[%dma_start3A_161] : memref<857088xi32, #tpu.memory_space<hbm>> -> memref<857088xi32, #tpu.memory_space<hbm>>
      tpu.enqueue_indirect_dma source(%dma_start3A_162 : memref<857088xi32, #tpu.memory_space<hbm>>) target(%dma_start3A_157 : memref<128xi32, #tpu.memory_space<vmem>>) offsets(%dma_start3A_160 : memref<128xi32, #tpu.memory_space<vmem>>) semaphore(%arg16 : memref<!tpu.dma_semaphore, #tpu.memory_space<semaphore_mem>>)
      %dma_start3A_163 = arith.constant 0 : i32
      %dma_start3A_164 = arith.constant 0 : i32
      %dma_start3A_165 = arith.constant 0 : i32
      %dma_start3A_166 = tpu.memref_slice %arg14[%dma_start3A_164, %dma_start3A_165] : memref<1x128xi32, #tpu.memory_space<vmem>> -> memref<1x128xi32, #tpu.memory_space<vmem>>
      %dma_start3A_167 = tpu.memref_squeeze %dma_start3A_166 : memref<1x128xi32, #tpu.memory_space<vmem>> -> memref<128xi32, #tpu.memory_space<vmem>>
      %dma_start3A_168 = arith.constant 0 : i32
      %dma_start3A_169 = tpu.memref_slice %arg12[%dma_start3A_163, %dma_start3A_168] : memref<1x128xi32, #tpu.memory_space<vmem>> -> memref<1x128xi32, #tpu.memory_space<vmem>>
      %dma_start3A_170 = tpu.memref_squeeze %dma_start3A_169 : memref<1x128xi32, #tpu.memory_space<vmem>> -> memref<128xi32, #tpu.memory_space<vmem>>
      %dma_start3A_171 = arith.constant 0 : i32
      %dma_start3A_172 = tpu.memref_slice %arg7[%dma_start3A_171] : memref<857088xi32, #tpu.memory_space<hbm>> -> memref<857088xi32, #tpu.memory_space<hbm>>
      tpu.enqueue_indirect_dma source(%dma_start3A_172 : memref<857088xi32, #tpu.memory_space<hbm>>) target(%dma_start3A_167 : memref<128xi32, #tpu.memory_space<vmem>>) offsets(%dma_start3A_170 : memref<128xi32, #tpu.memory_space<vmem>>) semaphore(%arg16 : memref<!tpu.dma_semaphore, #tpu.memory_space<semaphore_mem>>)
      %dma_wait3A_173 = arith.constant 0 : i32
      %dma_wait3A_174 = arith.constant 0 : i32
      %dma_wait3A_175 = arith.constant 0 : i32
      %dma_wait3A_176 = tpu.memref_slice %arg13[%dma_wait3A_174, %dma_wait3A_175] : memref<1x128xi32, #tpu.memory_space<vmem>> -> memref<1x128xi32, #tpu.memory_space<vmem>>
      %dma_wait3A_177 = tpu.memref_squeeze %dma_wait3A_176 : memref<1x128xi32, #tpu.memory_space<vmem>> -> memref<128xi32, #tpu.memory_space<vmem>>
      %dma_wait3A_178 = arith.constant 0 : i32
      %dma_wait3A_179 = tpu.memref_slice %arg12[%dma_wait3A_173, %dma_wait3A_178] : memref<1x128xi32, #tpu.memory_space<vmem>> -> memref<1x128xi32, #tpu.memory_space<vmem>>
      %dma_wait3A_180 = tpu.memref_squeeze %dma_wait3A_179 : memref<1x128xi32, #tpu.memory_space<vmem>> -> memref<128xi32, #tpu.memory_space<vmem>>
      %dma_wait3A_181 = arith.constant 0 : i32
      %dma_wait3A_182 = tpu.memref_slice %arg6[%dma_wait3A_181] : memref<857088xi32, #tpu.memory_space<hbm>> -> memref<857088xi32, #tpu.memory_space<hbm>>
      tpu.wait_indirect_dma semaphore(%arg16 : memref<!tpu.dma_semaphore, #tpu.memory_space<semaphore_mem>>) src(%dma_wait3A_182 : memref<857088xi32, #tpu.memory_space<hbm>>) dst(%dma_wait3A_177 : memref<128xi32, #tpu.memory_space<vmem>>)
      %dma_wait3A_183 = arith.constant 0 : i32
      %dma_wait3A_184 = arith.constant 0 : i32
      %dma_wait3A_185 = arith.constant 0 : i32
      %dma_wait3A_186 = tpu.memref_slice %arg14[%dma_wait3A_184, %dma_wait3A_185] : memref<1x128xi32, #tpu.memory_space<vmem>> -> memref<1x128xi32, #tpu.memory_space<vmem>>
      %dma_wait3A_187 = tpu.memref_squeeze %dma_wait3A_186 : memref<1x128xi32, #tpu.memory_space<vmem>> -> memref<128xi32, #tpu.memory_space<vmem>>
      %dma_wait3A_188 = arith.constant 0 : i32
      %dma_wait3A_189 = tpu.memref_slice %arg12[%dma_wait3A_183, %dma_wait3A_188] : memref<1x128xi32, #tpu.memory_space<vmem>> -> memref<1x128xi32, #tpu.memory_space<vmem>>
      %dma_wait3A_190 = tpu.memref_squeeze %dma_wait3A_189 : memref<1x128xi32, #tpu.memory_space<vmem>> -> memref<128xi32, #tpu.memory_space<vmem>>
      %dma_wait3A_191 = arith.constant 0 : i32
      %dma_wait3A_192 = tpu.memref_slice %arg7[%dma_wait3A_191] : memref<857088xi32, #tpu.memory_space<hbm>> -> memref<857088xi32, #tpu.memory_space<hbm>>
      tpu.wait_indirect_dma semaphore(%arg16 : memref<!tpu.dma_semaphore, #tpu.memory_space<semaphore_mem>>) src(%dma_wait3A_192 : memref<857088xi32, #tpu.memory_space<hbm>>) dst(%dma_wait3A_187 : memref<128xi32, #tpu.memory_space<vmem>>)
      %scan3A_193 = arith.constant 0 : i32
      %scan3A_194 = arith.constant 8 : i32
      %scan3A_195 = arith.addi %scan3A_193, %scan3A_194 : i32
      %scan3A_196 = arith.constant 1 : i32
      scf.for %scan3A_199 = %scan3A_193 to %scan3A_195 step %scan3A_196  : i32 {
        %mul3A_200 = arith.constant 16 : i32
        %mul3A_201 = arith.muli %scan3A_199, %mul3A_200 : i32
        %add3A_202 = arith.constant 0 : i32
        %add3A_203 = arith.addi %add3A_202, %mul3A_201 : i32
        %get3A = arith.constant 0 : i32
        %get3A_204 = arith.index_cast %get3A : i32 to index
        %get3A_205 = arith.index_cast %add3A_203 : i32 to index
        %get3A_206 = tpu.vector_load %arg13[%get3A_204, %get3A_205] {strides = array<i32>} : memref<1x128xi32, #tpu.memory_space<vmem>>, vector<1x16xi32>,
        %get3A_207 = vector.shape_cast %get3A_206 : vector<1x16xi32> to vector<16xi32>
        %get3A_208 = arith.constant 0 : i32
        %get3A_209 = arith.index_cast %get3A_208 : i32 to index
        %get3A_210 = arith.index_cast %add3A_203 : i32 to index
        %get3A_211 = tpu.vector_load %arg14[%get3A_209, %get3A_210] {strides = array<i32>} : memref<1x128xi32, #tpu.memory_space<vmem>>, vector<1x16xi32>,
        %get3A_212 = vector.shape_cast %get3A_211 : vector<1x16xi32> to vector<16xi32>
        %max3A = arith.maxsi %get3A_207, %get3A_212 : vector<16xi32>
        %swap3A = arith.constant 0 : i32
        %swap3A_213 = arith.index_cast %swap3A : i32 to index
        %swap3A_214 = arith.index_cast %add3A_203 : i32 to index
        %swap3A_215 = tpu.vector_load %arg13[%swap3A_213, %swap3A_214] {strides = array<i32>} : memref<1x128xi32, #tpu.memory_space<vmem>>, vector<1x16xi32>,
        %swap3A_216 = vector.shape_cast %swap3A_215 : vector<1x16xi32> to vector<16xi32>
        %swap3A_217 = vector.shape_cast %max3A : vector<16xi32> to vector<1x16xi32>
        tpu.vector_store %arg13[%swap3A_213, %swap3A_214], %swap3A_217 {strides = array<i32>} : memref<1x128xi32, #tpu.memory_space<vmem>>, vector<1x16xi32>,
      }
      %scan3A_197 = arith.constant 8 : i32
      %run_scoped3A = arith.constant 0 : i32
      "tpu.region"() ({
        %run_scoped3A_199 = tpu.sem_alloc : memref<!tpu.dma_semaphore, #tpu.memory_space<semaphore_mem>>
        %dma_start3A_200 = arith.constant 0 : i32
        %dma_start3A_201 = tpu.memref_slice %arg13[%run_scoped3A, %dma_start3A_200] : memref<1x128xi32, #tpu.memory_space<vmem>> -> memref<1x128xi32, #tpu.memory_space<vmem>>
        %dma_start3A_202 = tpu.memref_squeeze %dma_start3A_201 : memref<1x128xi32, #tpu.memory_space<vmem>> -> memref<128xi32, #tpu.memory_space<vmem>>
        %dma_start3A_203 = arith.constant 0 : i32
        %dma_start3A_204 = arith.constant 0 : i32
        %dma_start3A_205 = tpu.memref_slice %arg2[%dma_start3A_203, %dma_start3A_204] : memref<40000x128xf32, #tpu.memory_space<hbm>> -> memref<40000x128xf32, #tpu.memory_space<hbm>>
        tpu.enqueue_indirect_dma source(%dma_start3A_205 : memref<40000x128xf32, #tpu.memory_space<hbm>>) target(%arg15 : memref<128x128xf32, #tpu.memory_space<vmem>>) offsets(%dma_start3A_202 : memref<128xi32, #tpu.memory_space<vmem>>) semaphore(%run_scoped3A_199 : memref<!tpu.dma_semaphore, #tpu.memory_space<semaphore_mem>>)
        %dma_wait3A_206 = arith.constant 0 : i32
        %dma_wait3A_207 = tpu.memref_slice %arg13[%run_scoped3A, %dma_wait3A_206] : memref<1x128xi32, #tpu.memory_space<vmem>> -> memref<1x128xi32, #tpu.memory_space<vmem>>
        %dma_wait3A_208 = tpu.memref_squeeze %dma_wait3A_207 : memref<1x128xi32, #tpu.memory_space<vmem>> -> memref<128xi32, #tpu.memory_space<vmem>>
        %dma_wait3A_209 = arith.constant 0 : i32
        %dma_wait3A_210 = arith.constant 0 : i32
        %dma_wait3A_211 = tpu.memref_slice %arg2[%dma_wait3A_209, %dma_wait3A_210] : memref<40000x128xf32, #tpu.memory_space<hbm>> -> memref<40000x128xf32, #tpu.memory_space<hbm>>
        tpu.wait_indirect_dma semaphore(%run_scoped3A_199 : memref<!tpu.dma_semaphore, #tpu.memory_space<semaphore_mem>>) src(%dma_wait3A_211 : memref<40000x128xf32, #tpu.memory_space<hbm>>) dst(%arg15 : memref<128x128xf32, #tpu.memory_space<vmem>>)
        tpu.yield
      }) : () -> ()
      %run_scoped3A_198 = arith.constant 0 : i32
      "tpu.region"() ({
        %run_scoped3A_199 = tpu.sem_alloc : memref<!tpu.dma_semaphore, #tpu.memory_space<semaphore_mem>>
        %dma_start3A_200 = arith.constant 0 : i32
        %dma_start3A_201 = tpu.memref_slice %arg12[%run_scoped3A_198, %dma_start3A_200] : memref<1x128xi32, #tpu.memory_space<vmem>> -> memref<1x128xi32, #tpu.memory_space<vmem>>
        %dma_start3A_202 = tpu.memref_squeeze %dma_start3A_201 : memref<1x128xi32, #tpu.memory_space<vmem>> -> memref<128xi32, #tpu.memory_space<vmem>>
        %dma_start3A_203 = arith.constant 0 : i32
        %dma_start3A_204 = arith.constant 0 : i32
        %dma_start3A_205 = tpu.memref_slice %arg8[%dma_start3A_203, %dma_start3A_204] : memref<857088x128xf32, #tpu.memory_space<hbm>> -> memref<857088x128xf32, #tpu.memory_space<hbm>>
        tpu.enqueue_indirect_dma source(%arg15 : memref<128x128xf32, #tpu.memory_space<vmem>>) target(%dma_start3A_205 : memref<857088x128xf32, #tpu.memory_space<hbm>>) offsets(%dma_start3A_202 : memref<128xi32, #tpu.memory_space<vmem>>) semaphore(%run_scoped3A_199 : memref<!tpu.dma_semaphore, #tpu.memory_space<semaphore_mem>>)
        %dma_wait3A_206 = arith.constant 0 : i32
        %dma_wait3A_207 = tpu.memref_slice %arg12[%run_scoped3A_198, %dma_wait3A_206] : memref<1x128xi32, #tpu.memory_space<vmem>> -> memref<1x128xi32, #tpu.memory_space<vmem>>
        %dma_wait3A_208 = tpu.memref_squeeze %dma_wait3A_207 : memref<1x128xi32, #tpu.memory_space<vmem>> -> memref<128xi32, #tpu.memory_space<vmem>>
        %dma_wait3A_209 = arith.constant 0 : i32
        %dma_wait3A_210 = arith.constant 0 : i32
        %dma_wait3A_211 = tpu.memref_slice %arg8[%dma_wait3A_209, %dma_wait3A_210] : memref<857088x128xf32, #tpu.memory_space<hbm>> -> memref<857088x128xf32, #tpu.memory_space<hbm>>
        tpu.wait_indirect_dma semaphore(%run_scoped3A_199 : memref<!tpu.dma_semaphore, #tpu.memory_space<semaphore_mem>>) src(%arg15 : memref<128x128xf32, #tpu.memory_space<vmem>>) dst(%dma_wait3A_211 : memref<857088x128xf32, #tpu.memory_space<hbm>>)
        tpu.yield
      }) : () -> ()
    } else {
    }
    %mul3A_57 = arith.constant 128 : i32
    %mul3A_58 = arith.muli %add3A, %mul3A_57 : i32
    %add3A_59 = arith.constant 24576 : i32
    %add3A_60 = arith.addi %mul3A_58, %add3A_59 : i32
    %multiple_of3A_61 = tpu.assume_multiple %add3A_60, 8 : i32
    %lt3A_62 = arith.constant 40064 : i32
    %lt3A_63 = arith.cmpi slt, %multiple_of3A_61, %lt3A_62 : i32
    %convert_element_type3A_64 = arith.extui %lt3A_63 : i1 to i32
    %cond3A_65 = arith.constant 0 : i32
    %cond3A_66 = arith.cmpi ne, %convert_element_type3A_64, %cond3A_65 : i32
    scf.if %cond3A_66 {
      %dma_start3A = arith.constant 0 : i32
      %dma_start3A_97 = arith.constant 0 : i32
      %dma_start3A_98 = tpu.memref_slice %arg9[%dma_start3A, %dma_start3A_97] : memref<1x128xi32, #tpu.memory_space<vmem>> -> memref<1x128xi32, #tpu.memory_space<vmem>>
      %dma_start3A_99 = tpu.memref_squeeze %dma_start3A_98 : memref<1x128xi32, #tpu.memory_space<vmem>> -> memref<128xi32, #tpu.memory_space<vmem>>
      %dma_start3A_100 = tpu.memref_slice %arg3[%multiple_of3A_61] : memref<40064xi32, #tpu.memory_space<hbm>> -> memref<128xi32, #tpu.memory_space<hbm>>
      %dma_start3A_101 = arith.constant 0 : i32
      %dma_start3A_102 = tpu.memref_slice %arg9[%dma_start3A, %dma_start3A_101] : memref<1x128xi32, #tpu.memory_space<vmem>> -> memref<1x128xi32, #tpu.memory_space<vmem>>
      %dma_start3A_103 = tpu.memref_squeeze %dma_start3A_102 : memref<1x128xi32, #tpu.memory_space<vmem>> -> memref<128xi32, #tpu.memory_space<vmem>>
      %dma_start3A_104 = tpu.memref_slice %arg3[%multiple_of3A_61] : memref<40064xi32, #tpu.memory_space<hbm>> -> memref<128xi32, #tpu.memory_space<hbm>>
      tpu.enqueue_dma source(%dma_start3A_104 : memref<128xi32, #tpu.memory_space<hbm>>) target(%dma_start3A_103 : memref<128xi32, #tpu.memory_space<vmem>>) target_semaphore(%arg16 : memref<!tpu.dma_semaphore, #tpu.memory_space<semaphore_mem>>)
      %dma_start3A_105 = arith.constant 0 : i32
      %dma_start3A_106 = arith.constant 0 : i32
      %dma_start3A_107 = tpu.memref_slice %arg10[%dma_start3A_105, %dma_start3A_106] : memref<1x128xi32, #tpu.memory_space<vmem>> -> memref<1x128xi32, #tpu.memory_space<vmem>>
      %dma_start3A_108 = tpu.memref_squeeze %dma_start3A_107 : memref<1x128xi32, #tpu.memory_space<vmem>> -> memref<128xi32, #tpu.memory_space<vmem>>
      %dma_start3A_109 = tpu.memref_slice %arg4[%multiple_of3A_61] : memref<40064xi32, #tpu.memory_space<hbm>> -> memref<128xi32, #tpu.memory_space<hbm>>
      %dma_start3A_110 = arith.constant 0 : i32
      %dma_start3A_111 = tpu.memref_slice %arg10[%dma_start3A_105, %dma_start3A_110] : memref<1x128xi32, #tpu.memory_space<vmem>> -> memref<1x128xi32, #tpu.memory_space<vmem>>
      %dma_start3A_112 = tpu.memref_squeeze %dma_start3A_111 : memref<1x128xi32, #tpu.memory_space<vmem>> -> memref<128xi32, #tpu.memory_space<vmem>>
      %dma_start3A_113 = tpu.memref_slice %arg4[%multiple_of3A_61] : memref<40064xi32, #tpu.memory_space<hbm>> -> memref<128xi32, #tpu.memory_space<hbm>>
      tpu.enqueue_dma source(%dma_start3A_113 : memref<128xi32, #tpu.memory_space<hbm>>) target(%dma_start3A_112 : memref<128xi32, #tpu.memory_space<vmem>>) target_semaphore(%arg16 : memref<!tpu.dma_semaphore, #tpu.memory_space<semaphore_mem>>)
      %dma_start3A_114 = arith.constant 0 : i32
      %dma_start3A_115 = arith.constant 0 : i32
      %dma_start3A_116 = tpu.memref_slice %arg11[%dma_start3A_114, %dma_start3A_115] : memref<1x128xi32, #tpu.memory_space<vmem>> -> memref<1x128xi32, #tpu.memory_space<vmem>>
      %dma_start3A_117 = tpu.memref_squeeze %dma_start3A_116 : memref<1x128xi32, #tpu.memory_space<vmem>> -> memref<128xi32, #tpu.memory_space<vmem>>
      %dma_start3A_118 = tpu.memref_slice %arg5[%multiple_of3A_61] : memref<40064xi32, #tpu.memory_space<hbm>> -> memref<128xi32, #tpu.memory_space<hbm>>
      %dma_start3A_119 = arith.constant 0 : i32
      %dma_start3A_120 = tpu.memref_slice %arg11[%dma_start3A_114, %dma_start3A_119] : memref<1x128xi32, #tpu.memory_space<vmem>> -> memref<1x128xi32, #tpu.memory_space<vmem>>
      %dma_start3A_121 = tpu.memref_squeeze %dma_start3A_120 : memref<1x128xi32, #tpu.memory_space<vmem>> -> memref<128xi32, #tpu.memory_space<vmem>>
      %dma_start3A_122 = tpu.memref_slice %arg5[%multiple_of3A_61] : memref<40064xi32, #tpu.memory_space<hbm>> -> memref<128xi32, #tpu.memory_space<hbm>>
      tpu.enqueue_dma source(%dma_start3A_122 : memref<128xi32, #tpu.memory_space<hbm>>) target(%dma_start3A_121 : memref<128xi32, #tpu.memory_space<vmem>>) target_semaphore(%arg16 : memref<!tpu.dma_semaphore, #tpu.memory_space<semaphore_mem>>)
      %dma_wait3A = arith.constant 0 : i32
      %dma_wait3A_123 = arith.constant 0 : i32
      %dma_wait3A_124 = tpu.memref_slice %arg9[%dma_wait3A, %dma_wait3A_123] : memref<1x128xi32, #tpu.memory_space<vmem>> -> memref<1x128xi32, #tpu.memory_space<vmem>>
      %dma_wait3A_125 = tpu.memref_squeeze %dma_wait3A_124 : memref<1x128xi32, #tpu.memory_space<vmem>> -> memref<128xi32, #tpu.memory_space<vmem>>
      %dma_wait3A_126 = tpu.memref_slice %arg3[%multiple_of3A_61] : memref<40064xi32, #tpu.memory_space<hbm>> -> memref<128xi32, #tpu.memory_space<hbm>>
      %dma_wait3A_127 = arith.constant 0 : i32
      %dma_wait3A_128 = tpu.memref_slice %arg9[%dma_wait3A, %dma_wait3A_127] : memref<1x128xi32, #tpu.memory_space<vmem>> -> memref<1x128xi32, #tpu.memory_space<vmem>>
      %dma_wait3A_129 = tpu.memref_squeeze %dma_wait3A_128 : memref<1x128xi32, #tpu.memory_space<vmem>> -> memref<128xi32, #tpu.memory_space<vmem>>
      %dma_wait3A_130 = tpu.memref_slice %arg3[%multiple_of3A_61] : memref<40064xi32, #tpu.memory_space<hbm>> -> memref<128xi32, #tpu.memory_space<hbm>>
      tpu.wait_dma2 semaphore(%arg16 : memref<!tpu.dma_semaphore, #tpu.memory_space<semaphore_mem>>) src(%dma_wait3A_130 : memref<128xi32, #tpu.memory_space<hbm>>) dst(%dma_wait3A_129 : memref<128xi32, #tpu.memory_space<vmem>>)
      %dma_wait3A_131 = arith.constant 0 : i32
      %dma_wait3A_132 = arith.constant 0 : i32
      %dma_wait3A_133 = tpu.memref_slice %arg10[%dma_wait3A_131, %dma_wait3A_132] : memref<1x128xi32, #tpu.memory_space<vmem>> -> memref<1x128xi32, #tpu.memory_space<vmem>>
      %dma_wait3A_134 = tpu.memref_squeeze %dma_wait3A_133 : memref<1x128xi32, #tpu.memory_space<vmem>> -> memref<128xi32, #tpu.memory_space<vmem>>
      %dma_wait3A_135 = tpu.memref_slice %arg4[%multiple_of3A_61] : memref<40064xi32, #tpu.memory_space<hbm>> -> memref<128xi32, #tpu.memory_space<hbm>>
      %dma_wait3A_136 = arith.constant 0 : i32
      %dma_wait3A_137 = tpu.memref_slice %arg10[%dma_wait3A_131, %dma_wait3A_136] : memref<1x128xi32, #tpu.memory_space<vmem>> -> memref<1x128xi32, #tpu.memory_space<vmem>>
      %dma_wait3A_138 = tpu.memref_squeeze %dma_wait3A_137 : memref<1x128xi32, #tpu.memory_space<vmem>> -> memref<128xi32, #tpu.memory_space<vmem>>
      %dma_wait3A_139 = tpu.memref_slice %arg4[%multiple_of3A_61] : memref<40064xi32, #tpu.memory_space<hbm>> -> memref<128xi32, #tpu.memory_space<hbm>>
      tpu.wait_dma2 semaphore(%arg16 : memref<!tpu.dma_semaphore, #tpu.memory_space<semaphore_mem>>) src(%dma_wait3A_139 : memref<128xi32, #tpu.memory_space<hbm>>) dst(%dma_wait3A_138 : memref<128xi32, #tpu.memory_space<vmem>>)
      %dma_wait3A_140 = arith.constant 0 : i32
      %dma_wait3A_141 = arith.constant 0 : i32
      %dma_wait3A_142 = tpu.memref_slice %arg11[%dma_wait3A_140, %dma_wait3A_141] : memref<1x128xi32, #tpu.memory_space<vmem>> -> memref<1x128xi32, #tpu.memory_space<vmem>>
      %dma_wait3A_143 = tpu.memref_squeeze %dma_wait3A_142 : memref<1x128xi32, #tpu.memory_space<vmem>> -> memref<128xi32, #tpu.memory_space<vmem>>
      %dma_wait3A_144 = tpu.memref_slice %arg5[%multiple_of3A_61] : memref<40064xi32, #tpu.memory_space<hbm>> -> memref<128xi32, #tpu.memory_space<hbm>>
      %dma_wait3A_145 = arith.constant 0 : i32
      %dma_wait3A_146 = tpu.memref_slice %arg11[%dma_wait3A_140, %dma_wait3A_145] : memref<1x128xi32, #tpu.memory_space<vmem>> -> memref<1x128xi32, #tpu.memory_space<vmem>>
      %dma_wait3A_147 = tpu.memref_squeeze %dma_wait3A_146 : memref<1x128xi32, #tpu.memory_space<vmem>> -> memref<128xi32, #tpu.memory_space<vmem>>
      %dma_wait3A_148 = tpu.memref_slice %arg5[%multiple_of3A_61] : memref<40064xi32, #tpu.memory_space<hbm>> -> memref<128xi32, #tpu.memory_space<hbm>>
      tpu.wait_dma2 semaphore(%arg16 : memref<!tpu.dma_semaphore, #tpu.memory_space<semaphore_mem>>) src(%dma_wait3A_148 : memref<128xi32, #tpu.memory_space<hbm>>) dst(%dma_wait3A_147 : memref<128xi32, #tpu.memory_space<vmem>>)
      %scan3A = arith.constant 0 : i32
      %scan3A_149 = arith.constant 8 : i32
      %scan3A_150 = arith.addi %scan3A, %scan3A_149 : i32
      %scan3A_151 = arith.constant 1 : i32
      scf.for %scan3A_199 = %scan3A to %scan3A_150 step %scan3A_151  : i32 {
        %mul3A_200 = arith.constant 16 : i32
        %mul3A_201 = arith.muli %scan3A_199, %mul3A_200 : i32
        %add3A_202 = arith.constant 0 : i32
        %add3A_203 = arith.addi %add3A_202, %mul3A_201 : i32
        %get3A = arith.constant 0 : i32
        %get3A_204 = arith.index_cast %get3A : i32 to index
        %get3A_205 = arith.index_cast %add3A_203 : i32 to index
        %get3A_206 = tpu.vector_load %arg9[%get3A_204, %get3A_205] {strides = array<i32>} : memref<1x128xi32, #tpu.memory_space<vmem>>, vector<1x16xi32>,
        %get3A_207 = vector.shape_cast %get3A_206 : vector<1x16xi32> to vector<16xi32>
        %get3A_208 = arith.constant 0 : i32
        %get3A_209 = arith.index_cast %get3A_208 : i32 to index
        %get3A_210 = arith.index_cast %add3A_203 : i32 to index
        %get3A_211 = tpu.vector_load %arg10[%get3A_209, %get3A_210] {strides = array<i32>} : memref<1x128xi32, #tpu.memory_space<vmem>>, vector<1x16xi32>,
        %get3A_212 = vector.shape_cast %get3A_211 : vector<1x16xi32> to vector<16xi32>
        %get3A_213 = arith.constant 0 : i32
        %get3A_214 = arith.index_cast %get3A_213 : i32 to index
        %get3A_215 = arith.index_cast %add3A_203 : i32 to index
        %get3A_216 = tpu.vector_load %arg11[%get3A_214, %get3A_215] {strides = array<i32>} : memref<1x128xi32, #tpu.memory_space<vmem>>, vector<1x16xi32>,
        %get3A_217 = vector.shape_cast %get3A_216 : vector<1x16xi32> to vector<16xi32>
        %mul3A_218 = arith.constant 214272 : i32
        %mul3A_219 = vector.broadcast %mul3A_218 : i32 to vector<16xi32>
        %mul3A_220 = arith.muli %get3A_207, %mul3A_219 : vector<16xi32>
        %mul3A_221 = arith.constant 432 : i32
        %mul3A_222 = vector.broadcast %mul3A_221 : i32 to vector<16xi32>
        %mul3A_223 = arith.muli %get3A_212, %mul3A_222 : vector<16xi32>
        %add3A_224 = arith.addi %mul3A_220, %mul3A_223 : vector<16xi32>
        %add3A_225 = arith.addi %add3A_224, %get3A_217 : vector<16xi32>
        %swap3A = arith.constant 0 : i32
        %swap3A_226 = arith.index_cast %swap3A : i32 to index
        %swap3A_227 = arith.index_cast %add3A_203 : i32 to index
        %swap3A_228 = tpu.vector_load %arg12[%swap3A_226, %swap3A_227] {strides = array<i32>} : memref<1x128xi32, #tpu.memory_space<vmem>>, vector<1x16xi32>,
        %swap3A_229 = vector.shape_cast %swap3A_228 : vector<1x16xi32> to vector<16xi32>
        %swap3A_230 = vector.shape_cast %add3A_225 : vector<16xi32> to vector<1x16xi32>
        tpu.vector_store %arg12[%swap3A_226, %swap3A_227], %swap3A_230 {strides = array<i32>} : memref<1x128xi32, #tpu.memory_space<vmem>>, vector<1x16xi32>,
      }
      %scan3A_152 = arith.constant 8 : i32
      %dma_start3A_153 = arith.constant 0 : i32
      %dma_start3A_154 = arith.constant 0 : i32
      %dma_start3A_155 = arith.constant 0 : i32
      %dma_start3A_156 = tpu.memref_slice %arg13[%dma_start3A_154, %dma_start3A_155] : memref<1x128xi32, #tpu.memory_space<vmem>> -> memref<1x128xi32, #tpu.memory_space<vmem>>
      %dma_start3A_157 = tpu.memref_squeeze %dma_start3A_156 : memref<1x128xi32, #tpu.memory_space<vmem>> -> memref<128xi32, #tpu.memory_space<vmem>>
      %dma_start3A_158 = arith.constant 0 : i32
      %dma_start3A_159 = tpu.memref_slice %arg12[%dma_start3A_153, %dma_start3A_158] : memref<1x128xi32, #tpu.memory_space<vmem>> -> memref<1x128xi32, #tpu.memory_space<vmem>>
      %dma_start3A_160 = tpu.memref_squeeze %dma_start3A_159 : memref<1x128xi32, #tpu.memory_space<vmem>> -> memref<128xi32, #tpu.memory_space<vmem>>
      %dma_start3A_161 = arith.constant 0 : i32
      %dma_start3A_162 = tpu.memref_slice %arg6[%dma_start3A_161] : memref<857088xi32, #tpu.memory_space<hbm>> -> memref<857088xi32, #tpu.memory_space<hbm>>
      tpu.enqueue_indirect_dma source(%dma_start3A_162 : memref<857088xi32, #tpu.memory_space<hbm>>) target(%dma_start3A_157 : memref<128xi32, #tpu.memory_space<vmem>>) offsets(%dma_start3A_160 : memref<128xi32, #tpu.memory_space<vmem>>) semaphore(%arg16 : memref<!tpu.dma_semaphore, #tpu.memory_space<semaphore_mem>>)
      %dma_start3A_163 = arith.constant 0 : i32
      %dma_start3A_164 = arith.constant 0 : i32
      %dma_start3A_165 = arith.constant 0 : i32
      %dma_start3A_166 = tpu.memref_slice %arg14[%dma_start3A_164, %dma_start3A_165] : memref<1x128xi32, #tpu.memory_space<vmem>> -> memref<1x128xi32, #tpu.memory_space<vmem>>
      %dma_start3A_167 = tpu.memref_squeeze %dma_start3A_166 : memref<1x128xi32, #tpu.memory_space<vmem>> -> memref<128xi32, #tpu.memory_space<vmem>>
      %dma_start3A_168 = arith.constant 0 : i32
      %dma_start3A_169 = tpu.memref_slice %arg12[%dma_start3A_163, %dma_start3A_168] : memref<1x128xi32, #tpu.memory_space<vmem>> -> memref<1x128xi32, #tpu.memory_space<vmem>>
      %dma_start3A_170 = tpu.memref_squeeze %dma_start3A_169 : memref<1x128xi32, #tpu.memory_space<vmem>> -> memref<128xi32, #tpu.memory_space<vmem>>
      %dma_start3A_171 = arith.constant 0 : i32
      %dma_start3A_172 = tpu.memref_slice %arg7[%dma_start3A_171] : memref<857088xi32, #tpu.memory_space<hbm>> -> memref<857088xi32, #tpu.memory_space<hbm>>
      tpu.enqueue_indirect_dma source(%dma_start3A_172 : memref<857088xi32, #tpu.memory_space<hbm>>) target(%dma_start3A_167 : memref<128xi32, #tpu.memory_space<vmem>>) offsets(%dma_start3A_170 : memref<128xi32, #tpu.memory_space<vmem>>) semaphore(%arg16 : memref<!tpu.dma_semaphore, #tpu.memory_space<semaphore_mem>>)
      %dma_wait3A_173 = arith.constant 0 : i32
      %dma_wait3A_174 = arith.constant 0 : i32
      %dma_wait3A_175 = arith.constant 0 : i32
      %dma_wait3A_176 = tpu.memref_slice %arg13[%dma_wait3A_174, %dma_wait3A_175] : memref<1x128xi32, #tpu.memory_space<vmem>> -> memref<1x128xi32, #tpu.memory_space<vmem>>
      %dma_wait3A_177 = tpu.memref_squeeze %dma_wait3A_176 : memref<1x128xi32, #tpu.memory_space<vmem>> -> memref<128xi32, #tpu.memory_space<vmem>>
      %dma_wait3A_178 = arith.constant 0 : i32
      %dma_wait3A_179 = tpu.memref_slice %arg12[%dma_wait3A_173, %dma_wait3A_178] : memref<1x128xi32, #tpu.memory_space<vmem>> -> memref<1x128xi32, #tpu.memory_space<vmem>>
      %dma_wait3A_180 = tpu.memref_squeeze %dma_wait3A_179 : memref<1x128xi32, #tpu.memory_space<vmem>> -> memref<128xi32, #tpu.memory_space<vmem>>
      %dma_wait3A_181 = arith.constant 0 : i32
      %dma_wait3A_182 = tpu.memref_slice %arg6[%dma_wait3A_181] : memref<857088xi32, #tpu.memory_space<hbm>> -> memref<857088xi32, #tpu.memory_space<hbm>>
      tpu.wait_indirect_dma semaphore(%arg16 : memref<!tpu.dma_semaphore, #tpu.memory_space<semaphore_mem>>) src(%dma_wait3A_182 : memref<857088xi32, #tpu.memory_space<hbm>>) dst(%dma_wait3A_177 : memref<128xi32, #tpu.memory_space<vmem>>)
      %dma_wait3A_183 = arith.constant 0 : i32
      %dma_wait3A_184 = arith.constant 0 : i32
      %dma_wait3A_185 = arith.constant 0 : i32
      %dma_wait3A_186 = tpu.memref_slice %arg14[%dma_wait3A_184, %dma_wait3A_185] : memref<1x128xi32, #tpu.memory_space<vmem>> -> memref<1x128xi32, #tpu.memory_space<vmem>>
      %dma_wait3A_187 = tpu.memref_squeeze %dma_wait3A_186 : memref<1x128xi32, #tpu.memory_space<vmem>> -> memref<128xi32, #tpu.memory_space<vmem>>
      %dma_wait3A_188 = arith.constant 0 : i32
      %dma_wait3A_189 = tpu.memref_slice %arg12[%dma_wait3A_183, %dma_wait3A_188] : memref<1x128xi32, #tpu.memory_space<vmem>> -> memref<1x128xi32, #tpu.memory_space<vmem>>
      %dma_wait3A_190 = tpu.memref_squeeze %dma_wait3A_189 : memref<1x128xi32, #tpu.memory_space<vmem>> -> memref<128xi32, #tpu.memory_space<vmem>>
      %dma_wait3A_191 = arith.constant 0 : i32
      %dma_wait3A_192 = tpu.memref_slice %arg7[%dma_wait3A_191] : memref<857088xi32, #tpu.memory_space<hbm>> -> memref<857088xi32, #tpu.memory_space<hbm>>
      tpu.wait_indirect_dma semaphore(%arg16 : memref<!tpu.dma_semaphore, #tpu.memory_space<semaphore_mem>>) src(%dma_wait3A_192 : memref<857088xi32, #tpu.memory_space<hbm>>) dst(%dma_wait3A_187 : memref<128xi32, #tpu.memory_space<vmem>>)
      %scan3A_193 = arith.constant 0 : i32
      %scan3A_194 = arith.constant 8 : i32
      %scan3A_195 = arith.addi %scan3A_193, %scan3A_194 : i32
      %scan3A_196 = arith.constant 1 : i32
      scf.for %scan3A_199 = %scan3A_193 to %scan3A_195 step %scan3A_196  : i32 {
        %mul3A_200 = arith.constant 16 : i32
        %mul3A_201 = arith.muli %scan3A_199, %mul3A_200 : i32
        %add3A_202 = arith.constant 0 : i32
        %add3A_203 = arith.addi %add3A_202, %mul3A_201 : i32
        %get3A = arith.constant 0 : i32
        %get3A_204 = arith.index_cast %get3A : i32 to index
        %get3A_205 = arith.index_cast %add3A_203 : i32 to index
        %get3A_206 = tpu.vector_load %arg13[%get3A_204, %get3A_205] {strides = array<i32>} : memref<1x128xi32, #tpu.memory_space<vmem>>, vector<1x16xi32>,
        %get3A_207 = vector.shape_cast %get3A_206 : vector<1x16xi32> to vector<16xi32>
        %get3A_208 = arith.constant 0 : i32
        %get3A_209 = arith.index_cast %get3A_208 : i32 to index
        %get3A_210 = arith.index_cast %add3A_203 : i32 to index
        %get3A_211 = tpu.vector_load %arg14[%get3A_209, %get3A_210] {strides = array<i32>} : memref<1x128xi32, #tpu.memory_space<vmem>>, vector<1x16xi32>,
        %get3A_212 = vector.shape_cast %get3A_211 : vector<1x16xi32> to vector<16xi32>
        %max3A = arith.maxsi %get3A_207, %get3A_212 : vector<16xi32>
        %swap3A = arith.constant 0 : i32
        %swap3A_213 = arith.index_cast %swap3A : i32 to index
        %swap3A_214 = arith.index_cast %add3A_203 : i32 to index
        %swap3A_215 = tpu.vector_load %arg13[%swap3A_213, %swap3A_214] {strides = array<i32>} : memref<1x128xi32, #tpu.memory_space<vmem>>, vector<1x16xi32>,
        %swap3A_216 = vector.shape_cast %swap3A_215 : vector<1x16xi32> to vector<16xi32>
        %swap3A_217 = vector.shape_cast %max3A : vector<16xi32> to vector<1x16xi32>
        tpu.vector_store %arg13[%swap3A_213, %swap3A_214], %swap3A_217 {strides = array<i32>} : memref<1x128xi32, #tpu.memory_space<vmem>>, vector<1x16xi32>,
      }
      %scan3A_197 = arith.constant 8 : i32
      %run_scoped3A = arith.constant 0 : i32
      "tpu.region"() ({
        %run_scoped3A_199 = tpu.sem_alloc : memref<!tpu.dma_semaphore, #tpu.memory_space<semaphore_mem>>
        %dma_start3A_200 = arith.constant 0 : i32
        %dma_start3A_201 = tpu.memref_slice %arg13[%run_scoped3A, %dma_start3A_200] : memref<1x128xi32, #tpu.memory_space<vmem>> -> memref<1x128xi32, #tpu.memory_space<vmem>>
        %dma_start3A_202 = tpu.memref_squeeze %dma_start3A_201 : memref<1x128xi32, #tpu.memory_space<vmem>> -> memref<128xi32, #tpu.memory_space<vmem>>
        %dma_start3A_203 = arith.constant 0 : i32
        %dma_start3A_204 = arith.constant 0 : i32
        %dma_start3A_205 = tpu.memref_slice %arg2[%dma_start3A_203, %dma_start3A_204] : memref<40000x128xf32, #tpu.memory_space<hbm>> -> memref<40000x128xf32, #tpu.memory_space<hbm>>
        tpu.enqueue_indirect_dma source(%dma_start3A_205 : memref<40000x128xf32, #tpu.memory_space<hbm>>) target(%arg15 : memref<128x128xf32, #tpu.memory_space<vmem>>) offsets(%dma_start3A_202 : memref<128xi32, #tpu.memory_space<vmem>>) semaphore(%run_scoped3A_199 : memref<!tpu.dma_semaphore, #tpu.memory_space<semaphore_mem>>)
        %dma_wait3A_206 = arith.constant 0 : i32
        %dma_wait3A_207 = tpu.memref_slice %arg13[%run_scoped3A, %dma_wait3A_206] : memref<1x128xi32, #tpu.memory_space<vmem>> -> memref<1x128xi32, #tpu.memory_space<vmem>>
        %dma_wait3A_208 = tpu.memref_squeeze %dma_wait3A_207 : memref<1x128xi32, #tpu.memory_space<vmem>> -> memref<128xi32, #tpu.memory_space<vmem>>
        %dma_wait3A_209 = arith.constant 0 : i32
        %dma_wait3A_210 = arith.constant 0 : i32
        %dma_wait3A_211 = tpu.memref_slice %arg2[%dma_wait3A_209, %dma_wait3A_210] : memref<40000x128xf32, #tpu.memory_space<hbm>> -> memref<40000x128xf32, #tpu.memory_space<hbm>>
        tpu.wait_indirect_dma semaphore(%run_scoped3A_199 : memref<!tpu.dma_semaphore, #tpu.memory_space<semaphore_mem>>) src(%dma_wait3A_211 : memref<40000x128xf32, #tpu.memory_space<hbm>>) dst(%arg15 : memref<128x128xf32, #tpu.memory_space<vmem>>)
        tpu.yield
      }) : () -> ()
      %run_scoped3A_198 = arith.constant 0 : i32
      "tpu.region"() ({
        %run_scoped3A_199 = tpu.sem_alloc : memref<!tpu.dma_semaphore, #tpu.memory_space<semaphore_mem>>
        %dma_start3A_200 = arith.constant 0 : i32
        %dma_start3A_201 = tpu.memref_slice %arg12[%run_scoped3A_198, %dma_start3A_200] : memref<1x128xi32, #tpu.memory_space<vmem>> -> memref<1x128xi32, #tpu.memory_space<vmem>>
        %dma_start3A_202 = tpu.memref_squeeze %dma_start3A_201 : memref<1x128xi32, #tpu.memory_space<vmem>> -> memref<128xi32, #tpu.memory_space<vmem>>
        %dma_start3A_203 = arith.constant 0 : i32
        %dma_start3A_204 = arith.constant 0 : i32
        %dma_start3A_205 = tpu.memref_slice %arg8[%dma_start3A_203, %dma_start3A_204] : memref<857088x128xf32, #tpu.memory_space<hbm>> -> memref<857088x128xf32, #tpu.memory_space<hbm>>
        tpu.enqueue_indirect_dma source(%arg15 : memref<128x128xf32, #tpu.memory_space<vmem>>) target(%dma_start3A_205 : memref<857088x128xf32, #tpu.memory_space<hbm>>) offsets(%dma_start3A_202 : memref<128xi32, #tpu.memory_space<vmem>>) semaphore(%run_scoped3A_199 : memref<!tpu.dma_semaphore, #tpu.memory_space<semaphore_mem>>)
        %dma_wait3A_206 = arith.constant 0 : i32
        %dma_wait3A_207 = tpu.memref_slice %arg12[%run_scoped3A_198, %dma_wait3A_206] : memref<1x128xi32, #tpu.memory_space<vmem>> -> memref<1x128xi32, #tpu.memory_space<vmem>>
        %dma_wait3A_208 = tpu.memref_squeeze %dma_wait3A_207 : memref<1x128xi32, #tpu.memory_space<vmem>> -> memref<128xi32, #tpu.memory_space<vmem>>
        %dma_wait3A_209 = arith.constant 0 : i32
        %dma_wait3A_210 = arith.constant 0 : i32
        %dma_wait3A_211 = tpu.memref_slice %arg8[%dma_wait3A_209, %dma_wait3A_210] : memref<857088x128xf32, #tpu.memory_space<hbm>> -> memref<857088x128xf32, #tpu.memory_space<hbm>>
        tpu.wait_indirect_dma semaphore(%run_scoped3A_199 : memref<!tpu.dma_semaphore, #tpu.memory_space<semaphore_mem>>) src(%arg15 : memref<128x128xf32, #tpu.memory_space<vmem>>) dst(%dma_wait3A_211 : memref<857088x128xf32, #tpu.memory_space<hbm>>)
        tpu.yield
      }) : () -> ()
    } else {
    }
    %mul3A_67 = arith.constant 128 : i32
    %mul3A_68 = arith.muli %add3A, %mul3A_67 : i32
    %add3A_69 = arith.constant 28672 : i32
    %add3A_70 = arith.addi %mul3A_68, %add3A_69 : i32
    %multiple_of3A_71 = tpu.assume_multiple %add3A_70, 8 : i32
    %lt3A_72 = arith.constant 40064 : i32
    %lt3A_73 = arith.cmpi slt, %multiple_of3A_71, %lt3A_72 : i32
    %convert_element_type3A_74 = arith.extui %lt3A_73 : i1 to i32
    %cond3A_75 = arith.constant 0 : i32
    %cond3A_76 = arith.cmpi ne, %convert_element_type3A_74, %cond3A_75 : i32
    scf.if %cond3A_76 {
      %dma_start3A = arith.constant 0 : i32
      %dma_start3A_97 = arith.constant 0 : i32
      %dma_start3A_98 = tpu.memref_slice %arg9[%dma_start3A, %dma_start3A_97] : memref<1x128xi32, #tpu.memory_space<vmem>> -> memref<1x128xi32, #tpu.memory_space<vmem>>
      %dma_start3A_99 = tpu.memref_squeeze %dma_start3A_98 : memref<1x128xi32, #tpu.memory_space<vmem>> -> memref<128xi32, #tpu.memory_space<vmem>>
      %dma_start3A_100 = tpu.memref_slice %arg3[%multiple_of3A_71] : memref<40064xi32, #tpu.memory_space<hbm>> -> memref<128xi32, #tpu.memory_space<hbm>>
      %dma_start3A_101 = arith.constant 0 : i32
      %dma_start3A_102 = tpu.memref_slice %arg9[%dma_start3A, %dma_start3A_101] : memref<1x128xi32, #tpu.memory_space<vmem>> -> memref<1x128xi32, #tpu.memory_space<vmem>>
      %dma_start3A_103 = tpu.memref_squeeze %dma_start3A_102 : memref<1x128xi32, #tpu.memory_space<vmem>> -> memref<128xi32, #tpu.memory_space<vmem>>
      %dma_start3A_104 = tpu.memref_slice %arg3[%multiple_of3A_71] : memref<40064xi32, #tpu.memory_space<hbm>> -> memref<128xi32, #tpu.memory_space<hbm>>
      tpu.enqueue_dma source(%dma_start3A_104 : memref<128xi32, #tpu.memory_space<hbm>>) target(%dma_start3A_103 : memref<128xi32, #tpu.memory_space<vmem>>) target_semaphore(%arg16 : memref<!tpu.dma_semaphore, #tpu.memory_space<semaphore_mem>>)
      %dma_start3A_105 = arith.constant 0 : i32
      %dma_start3A_106 = arith.constant 0 : i32
      %dma_start3A_107 = tpu.memref_slice %arg10[%dma_start3A_105, %dma_start3A_106] : memref<1x128xi32, #tpu.memory_space<vmem>> -> memref<1x128xi32, #tpu.memory_space<vmem>>
      %dma_start3A_108 = tpu.memref_squeeze %dma_start3A_107 : memref<1x128xi32, #tpu.memory_space<vmem>> -> memref<128xi32, #tpu.memory_space<vmem>>
      %dma_start3A_109 = tpu.memref_slice %arg4[%multiple_of3A_71] : memref<40064xi32, #tpu.memory_space<hbm>> -> memref<128xi32, #tpu.memory_space<hbm>>
      %dma_start3A_110 = arith.constant 0 : i32
      %dma_start3A_111 = tpu.memref_slice %arg10[%dma_start3A_105, %dma_start3A_110] : memref<1x128xi32, #tpu.memory_space<vmem>> -> memref<1x128xi32, #tpu.memory_space<vmem>>
      %dma_start3A_112 = tpu.memref_squeeze %dma_start3A_111 : memref<1x128xi32, #tpu.memory_space<vmem>> -> memref<128xi32, #tpu.memory_space<vmem>>
      %dma_start3A_113 = tpu.memref_slice %arg4[%multiple_of3A_71] : memref<40064xi32, #tpu.memory_space<hbm>> -> memref<128xi32, #tpu.memory_space<hbm>>
      tpu.enqueue_dma source(%dma_start3A_113 : memref<128xi32, #tpu.memory_space<hbm>>) target(%dma_start3A_112 : memref<128xi32, #tpu.memory_space<vmem>>) target_semaphore(%arg16 : memref<!tpu.dma_semaphore, #tpu.memory_space<semaphore_mem>>)
      %dma_start3A_114 = arith.constant 0 : i32
      %dma_start3A_115 = arith.constant 0 : i32
      %dma_start3A_116 = tpu.memref_slice %arg11[%dma_start3A_114, %dma_start3A_115] : memref<1x128xi32, #tpu.memory_space<vmem>> -> memref<1x128xi32, #tpu.memory_space<vmem>>
      %dma_start3A_117 = tpu.memref_squeeze %dma_start3A_116 : memref<1x128xi32, #tpu.memory_space<vmem>> -> memref<128xi32, #tpu.memory_space<vmem>>
      %dma_start3A_118 = tpu.memref_slice %arg5[%multiple_of3A_71] : memref<40064xi32, #tpu.memory_space<hbm>> -> memref<128xi32, #tpu.memory_space<hbm>>
      %dma_start3A_119 = arith.constant 0 : i32
      %dma_start3A_120 = tpu.memref_slice %arg11[%dma_start3A_114, %dma_start3A_119] : memref<1x128xi32, #tpu.memory_space<vmem>> -> memref<1x128xi32, #tpu.memory_space<vmem>>
      %dma_start3A_121 = tpu.memref_squeeze %dma_start3A_120 : memref<1x128xi32, #tpu.memory_space<vmem>> -> memref<128xi32, #tpu.memory_space<vmem>>
      %dma_start3A_122 = tpu.memref_slice %arg5[%multiple_of3A_71] : memref<40064xi32, #tpu.memory_space<hbm>> -> memref<128xi32, #tpu.memory_space<hbm>>
      tpu.enqueue_dma source(%dma_start3A_122 : memref<128xi32, #tpu.memory_space<hbm>>) target(%dma_start3A_121 : memref<128xi32, #tpu.memory_space<vmem>>) target_semaphore(%arg16 : memref<!tpu.dma_semaphore, #tpu.memory_space<semaphore_mem>>)
      %dma_wait3A = arith.constant 0 : i32
      %dma_wait3A_123 = arith.constant 0 : i32
      %dma_wait3A_124 = tpu.memref_slice %arg9[%dma_wait3A, %dma_wait3A_123] : memref<1x128xi32, #tpu.memory_space<vmem>> -> memref<1x128xi32, #tpu.memory_space<vmem>>
      %dma_wait3A_125 = tpu.memref_squeeze %dma_wait3A_124 : memref<1x128xi32, #tpu.memory_space<vmem>> -> memref<128xi32, #tpu.memory_space<vmem>>
      %dma_wait3A_126 = tpu.memref_slice %arg3[%multiple_of3A_71] : memref<40064xi32, #tpu.memory_space<hbm>> -> memref<128xi32, #tpu.memory_space<hbm>>
      %dma_wait3A_127 = arith.constant 0 : i32
      %dma_wait3A_128 = tpu.memref_slice %arg9[%dma_wait3A, %dma_wait3A_127] : memref<1x128xi32, #tpu.memory_space<vmem>> -> memref<1x128xi32, #tpu.memory_space<vmem>>
      %dma_wait3A_129 = tpu.memref_squeeze %dma_wait3A_128 : memref<1x128xi32, #tpu.memory_space<vmem>> -> memref<128xi32, #tpu.memory_space<vmem>>
      %dma_wait3A_130 = tpu.memref_slice %arg3[%multiple_of3A_71] : memref<40064xi32, #tpu.memory_space<hbm>> -> memref<128xi32, #tpu.memory_space<hbm>>
      tpu.wait_dma2 semaphore(%arg16 : memref<!tpu.dma_semaphore, #tpu.memory_space<semaphore_mem>>) src(%dma_wait3A_130 : memref<128xi32, #tpu.memory_space<hbm>>) dst(%dma_wait3A_129 : memref<128xi32, #tpu.memory_space<vmem>>)
      %dma_wait3A_131 = arith.constant 0 : i32
      %dma_wait3A_132 = arith.constant 0 : i32
      %dma_wait3A_133 = tpu.memref_slice %arg10[%dma_wait3A_131, %dma_wait3A_132] : memref<1x128xi32, #tpu.memory_space<vmem>> -> memref<1x128xi32, #tpu.memory_space<vmem>>
      %dma_wait3A_134 = tpu.memref_squeeze %dma_wait3A_133 : memref<1x128xi32, #tpu.memory_space<vmem>> -> memref<128xi32, #tpu.memory_space<vmem>>
      %dma_wait3A_135 = tpu.memref_slice %arg4[%multiple_of3A_71] : memref<40064xi32, #tpu.memory_space<hbm>> -> memref<128xi32, #tpu.memory_space<hbm>>
      %dma_wait3A_136 = arith.constant 0 : i32
      %dma_wait3A_137 = tpu.memref_slice %arg10[%dma_wait3A_131, %dma_wait3A_136] : memref<1x128xi32, #tpu.memory_space<vmem>> -> memref<1x128xi32, #tpu.memory_space<vmem>>
      %dma_wait3A_138 = tpu.memref_squeeze %dma_wait3A_137 : memref<1x128xi32, #tpu.memory_space<vmem>> -> memref<128xi32, #tpu.memory_space<vmem>>
      %dma_wait3A_139 = tpu.memref_slice %arg4[%multiple_of3A_71] : memref<40064xi32, #tpu.memory_space<hbm>> -> memref<128xi32, #tpu.memory_space<hbm>>
      tpu.wait_dma2 semaphore(%arg16 : memref<!tpu.dma_semaphore, #tpu.memory_space<semaphore_mem>>) src(%dma_wait3A_139 : memref<128xi32, #tpu.memory_space<hbm>>) dst(%dma_wait3A_138 : memref<128xi32, #tpu.memory_space<vmem>>)
      %dma_wait3A_140 = arith.constant 0 : i32
      %dma_wait3A_141 = arith.constant 0 : i32
      %dma_wait3A_142 = tpu.memref_slice %arg11[%dma_wait3A_140, %dma_wait3A_141] : memref<1x128xi32, #tpu.memory_space<vmem>> -> memref<1x128xi32, #tpu.memory_space<vmem>>
      %dma_wait3A_143 = tpu.memref_squeeze %dma_wait3A_142 : memref<1x128xi32, #tpu.memory_space<vmem>> -> memref<128xi32, #tpu.memory_space<vmem>>
      %dma_wait3A_144 = tpu.memref_slice %arg5[%multiple_of3A_71] : memref<40064xi32, #tpu.memory_space<hbm>> -> memref<128xi32, #tpu.memory_space<hbm>>
      %dma_wait3A_145 = arith.constant 0 : i32
      %dma_wait3A_146 = tpu.memref_slice %arg11[%dma_wait3A_140, %dma_wait3A_145] : memref<1x128xi32, #tpu.memory_space<vmem>> -> memref<1x128xi32, #tpu.memory_space<vmem>>
      %dma_wait3A_147 = tpu.memref_squeeze %dma_wait3A_146 : memref<1x128xi32, #tpu.memory_space<vmem>> -> memref<128xi32, #tpu.memory_space<vmem>>
      %dma_wait3A_148 = tpu.memref_slice %arg5[%multiple_of3A_71] : memref<40064xi32, #tpu.memory_space<hbm>> -> memref<128xi32, #tpu.memory_space<hbm>>
      tpu.wait_dma2 semaphore(%arg16 : memref<!tpu.dma_semaphore, #tpu.memory_space<semaphore_mem>>) src(%dma_wait3A_148 : memref<128xi32, #tpu.memory_space<hbm>>) dst(%dma_wait3A_147 : memref<128xi32, #tpu.memory_space<vmem>>)
      %scan3A = arith.constant 0 : i32
      %scan3A_149 = arith.constant 8 : i32
      %scan3A_150 = arith.addi %scan3A, %scan3A_149 : i32
      %scan3A_151 = arith.constant 1 : i32
      scf.for %scan3A_199 = %scan3A to %scan3A_150 step %scan3A_151  : i32 {
        %mul3A_200 = arith.constant 16 : i32
        %mul3A_201 = arith.muli %scan3A_199, %mul3A_200 : i32
        %add3A_202 = arith.constant 0 : i32
        %add3A_203 = arith.addi %add3A_202, %mul3A_201 : i32
        %get3A = arith.constant 0 : i32
        %get3A_204 = arith.index_cast %get3A : i32 to index
        %get3A_205 = arith.index_cast %add3A_203 : i32 to index
        %get3A_206 = tpu.vector_load %arg9[%get3A_204, %get3A_205] {strides = array<i32>} : memref<1x128xi32, #tpu.memory_space<vmem>>, vector<1x16xi32>,
        %get3A_207 = vector.shape_cast %get3A_206 : vector<1x16xi32> to vector<16xi32>
        %get3A_208 = arith.constant 0 : i32
        %get3A_209 = arith.index_cast %get3A_208 : i32 to index
        %get3A_210 = arith.index_cast %add3A_203 : i32 to index
        %get3A_211 = tpu.vector_load %arg10[%get3A_209, %get3A_210] {strides = array<i32>} : memref<1x128xi32, #tpu.memory_space<vmem>>, vector<1x16xi32>,
        %get3A_212 = vector.shape_cast %get3A_211 : vector<1x16xi32> to vector<16xi32>
        %get3A_213 = arith.constant 0 : i32
        %get3A_214 = arith.index_cast %get3A_213 : i32 to index
        %get3A_215 = arith.index_cast %add3A_203 : i32 to index
        %get3A_216 = tpu.vector_load %arg11[%get3A_214, %get3A_215] {strides = array<i32>} : memref<1x128xi32, #tpu.memory_space<vmem>>, vector<1x16xi32>,
        %get3A_217 = vector.shape_cast %get3A_216 : vector<1x16xi32> to vector<16xi32>
        %mul3A_218 = arith.constant 214272 : i32
        %mul3A_219 = vector.broadcast %mul3A_218 : i32 to vector<16xi32>
        %mul3A_220 = arith.muli %get3A_207, %mul3A_219 : vector<16xi32>
        %mul3A_221 = arith.constant 432 : i32
        %mul3A_222 = vector.broadcast %mul3A_221 : i32 to vector<16xi32>
        %mul3A_223 = arith.muli %get3A_212, %mul3A_222 : vector<16xi32>
        %add3A_224 = arith.addi %mul3A_220, %mul3A_223 : vector<16xi32>
        %add3A_225 = arith.addi %add3A_224, %get3A_217 : vector<16xi32>
        %swap3A = arith.constant 0 : i32
        %swap3A_226 = arith.index_cast %swap3A : i32 to index
        %swap3A_227 = arith.index_cast %add3A_203 : i32 to index
        %swap3A_228 = tpu.vector_load %arg12[%swap3A_226, %swap3A_227] {strides = array<i32>} : memref<1x128xi32, #tpu.memory_space<vmem>>, vector<1x16xi32>,
        %swap3A_229 = vector.shape_cast %swap3A_228 : vector<1x16xi32> to vector<16xi32>
        %swap3A_230 = vector.shape_cast %add3A_225 : vector<16xi32> to vector<1x16xi32>
        tpu.vector_store %arg12[%swap3A_226, %swap3A_227], %swap3A_230 {strides = array<i32>} : memref<1x128xi32, #tpu.memory_space<vmem>>, vector<1x16xi32>,
      }
      %scan3A_152 = arith.constant 8 : i32
      %dma_start3A_153 = arith.constant 0 : i32
      %dma_start3A_154 = arith.constant 0 : i32
      %dma_start3A_155 = arith.constant 0 : i32
      %dma_start3A_156 = tpu.memref_slice %arg13[%dma_start3A_154, %dma_start3A_155] : memref<1x128xi32, #tpu.memory_space<vmem>> -> memref<1x128xi32, #tpu.memory_space<vmem>>
      %dma_start3A_157 = tpu.memref_squeeze %dma_start3A_156 : memref<1x128xi32, #tpu.memory_space<vmem>> -> memref<128xi32, #tpu.memory_space<vmem>>
      %dma_start3A_158 = arith.constant 0 : i32
      %dma_start3A_159 = tpu.memref_slice %arg12[%dma_start3A_153, %dma_start3A_158] : memref<1x128xi32, #tpu.memory_space<vmem>> -> memref<1x128xi32, #tpu.memory_space<vmem>>
      %dma_start3A_160 = tpu.memref_squeeze %dma_start3A_159 : memref<1x128xi32, #tpu.memory_space<vmem>> -> memref<128xi32, #tpu.memory_space<vmem>>
      %dma_start3A_161 = arith.constant 0 : i32
      %dma_start3A_162 = tpu.memref_slice %arg6[%dma_start3A_161] : memref<857088xi32, #tpu.memory_space<hbm>> -> memref<857088xi32, #tpu.memory_space<hbm>>
      tpu.enqueue_indirect_dma source(%dma_start3A_162 : memref<857088xi32, #tpu.memory_space<hbm>>) target(%dma_start3A_157 : memref<128xi32, #tpu.memory_space<vmem>>) offsets(%dma_start3A_160 : memref<128xi32, #tpu.memory_space<vmem>>) semaphore(%arg16 : memref<!tpu.dma_semaphore, #tpu.memory_space<semaphore_mem>>)
      %dma_start3A_163 = arith.constant 0 : i32
      %dma_start3A_164 = arith.constant 0 : i32
      %dma_start3A_165 = arith.constant 0 : i32
      %dma_start3A_166 = tpu.memref_slice %arg14[%dma_start3A_164, %dma_start3A_165] : memref<1x128xi32, #tpu.memory_space<vmem>> -> memref<1x128xi32, #tpu.memory_space<vmem>>
      %dma_start3A_167 = tpu.memref_squeeze %dma_start3A_166 : memref<1x128xi32, #tpu.memory_space<vmem>> -> memref<128xi32, #tpu.memory_space<vmem>>
      %dma_start3A_168 = arith.constant 0 : i32
      %dma_start3A_169 = tpu.memref_slice %arg12[%dma_start3A_163, %dma_start3A_168] : memref<1x128xi32, #tpu.memory_space<vmem>> -> memref<1x128xi32, #tpu.memory_space<vmem>>
      %dma_start3A_170 = tpu.memref_squeeze %dma_start3A_169 : memref<1x128xi32, #tpu.memory_space<vmem>> -> memref<128xi32, #tpu.memory_space<vmem>>
      %dma_start3A_171 = arith.constant 0 : i32
      %dma_start3A_172 = tpu.memref_slice %arg7[%dma_start3A_171] : memref<857088xi32, #tpu.memory_space<hbm>> -> memref<857088xi32, #tpu.memory_space<hbm>>
      tpu.enqueue_indirect_dma source(%dma_start3A_172 : memref<857088xi32, #tpu.memory_space<hbm>>) target(%dma_start3A_167 : memref<128xi32, #tpu.memory_space<vmem>>) offsets(%dma_start3A_170 : memref<128xi32, #tpu.memory_space<vmem>>) semaphore(%arg16 : memref<!tpu.dma_semaphore, #tpu.memory_space<semaphore_mem>>)
      %dma_wait3A_173 = arith.constant 0 : i32
      %dma_wait3A_174 = arith.constant 0 : i32
      %dma_wait3A_175 = arith.constant 0 : i32
      %dma_wait3A_176 = tpu.memref_slice %arg13[%dma_wait3A_174, %dma_wait3A_175] : memref<1x128xi32, #tpu.memory_space<vmem>> -> memref<1x128xi32, #tpu.memory_space<vmem>>
      %dma_wait3A_177 = tpu.memref_squeeze %dma_wait3A_176 : memref<1x128xi32, #tpu.memory_space<vmem>> -> memref<128xi32, #tpu.memory_space<vmem>>
      %dma_wait3A_178 = arith.constant 0 : i32
      %dma_wait3A_179 = tpu.memref_slice %arg12[%dma_wait3A_173, %dma_wait3A_178] : memref<1x128xi32, #tpu.memory_space<vmem>> -> memref<1x128xi32, #tpu.memory_space<vmem>>
      %dma_wait3A_180 = tpu.memref_squeeze %dma_wait3A_179 : memref<1x128xi32, #tpu.memory_space<vmem>> -> memref<128xi32, #tpu.memory_space<vmem>>
      %dma_wait3A_181 = arith.constant 0 : i32
      %dma_wait3A_182 = tpu.memref_slice %arg6[%dma_wait3A_181] : memref<857088xi32, #tpu.memory_space<hbm>> -> memref<857088xi32, #tpu.memory_space<hbm>>
      tpu.wait_indirect_dma semaphore(%arg16 : memref<!tpu.dma_semaphore, #tpu.memory_space<semaphore_mem>>) src(%dma_wait3A_182 : memref<857088xi32, #tpu.memory_space<hbm>>) dst(%dma_wait3A_177 : memref<128xi32, #tpu.memory_space<vmem>>)
      %dma_wait3A_183 = arith.constant 0 : i32
      %dma_wait3A_184 = arith.constant 0 : i32
      %dma_wait3A_185 = arith.constant 0 : i32
      %dma_wait3A_186 = tpu.memref_slice %arg14[%dma_wait3A_184, %dma_wait3A_185] : memref<1x128xi32, #tpu.memory_space<vmem>> -> memref<1x128xi32, #tpu.memory_space<vmem>>
      %dma_wait3A_187 = tpu.memref_squeeze %dma_wait3A_186 : memref<1x128xi32, #tpu.memory_space<vmem>> -> memref<128xi32, #tpu.memory_space<vmem>>
      %dma_wait3A_188 = arith.constant 0 : i32
      %dma_wait3A_189 = tpu.memref_slice %arg12[%dma_wait3A_183, %dma_wait3A_188] : memref<1x128xi32, #tpu.memory_space<vmem>> -> memref<1x128xi32, #tpu.memory_space<vmem>>
      %dma_wait3A_190 = tpu.memref_squeeze %dma_wait3A_189 : memref<1x128xi32, #tpu.memory_space<vmem>> -> memref<128xi32, #tpu.memory_space<vmem>>
      %dma_wait3A_191 = arith.constant 0 : i32
      %dma_wait3A_192 = tpu.memref_slice %arg7[%dma_wait3A_191] : memref<857088xi32, #tpu.memory_space<hbm>> -> memref<857088xi32, #tpu.memory_space<hbm>>
      tpu.wait_indirect_dma semaphore(%arg16 : memref<!tpu.dma_semaphore, #tpu.memory_space<semaphore_mem>>) src(%dma_wait3A_192 : memref<857088xi32, #tpu.memory_space<hbm>>) dst(%dma_wait3A_187 : memref<128xi32, #tpu.memory_space<vmem>>)
      %scan3A_193 = arith.constant 0 : i32
      %scan3A_194 = arith.constant 8 : i32
      %scan3A_195 = arith.addi %scan3A_193, %scan3A_194 : i32
      %scan3A_196 = arith.constant 1 : i32
      scf.for %scan3A_199 = %scan3A_193 to %scan3A_195 step %scan3A_196  : i32 {
        %mul3A_200 = arith.constant 16 : i32
        %mul3A_201 = arith.muli %scan3A_199, %mul3A_200 : i32
        %add3A_202 = arith.constant 0 : i32
        %add3A_203 = arith.addi %add3A_202, %mul3A_201 : i32
        %get3A = arith.constant 0 : i32
        %get3A_204 = arith.index_cast %get3A : i32 to index
        %get3A_205 = arith.index_cast %add3A_203 : i32 to index
        %get3A_206 = tpu.vector_load %arg13[%get3A_204, %get3A_205] {strides = array<i32>} : memref<1x128xi32, #tpu.memory_space<vmem>>, vector<1x16xi32>,
        %get3A_207 = vector.shape_cast %get3A_206 : vector<1x16xi32> to vector<16xi32>
        %get3A_208 = arith.constant 0 : i32
        %get3A_209 = arith.index_cast %get3A_208 : i32 to index
        %get3A_210 = arith.index_cast %add3A_203 : i32 to index
        %get3A_211 = tpu.vector_load %arg14[%get3A_209, %get3A_210] {strides = array<i32>} : memref<1x128xi32, #tpu.memory_space<vmem>>, vector<1x16xi32>,
        %get3A_212 = vector.shape_cast %get3A_211 : vector<1x16xi32> to vector<16xi32>
        %max3A = arith.maxsi %get3A_207, %get3A_212 : vector<16xi32>
        %swap3A = arith.constant 0 : i32
        %swap3A_213 = arith.index_cast %swap3A : i32 to index
        %swap3A_214 = arith.index_cast %add3A_203 : i32 to index
        %swap3A_215 = tpu.vector_load %arg13[%swap3A_213, %swap3A_214] {strides = array<i32>} : memref<1x128xi32, #tpu.memory_space<vmem>>, vector<1x16xi32>,
        %swap3A_216 = vector.shape_cast %swap3A_215 : vector<1x16xi32> to vector<16xi32>
        %swap3A_217 = vector.shape_cast %max3A : vector<16xi32> to vector<1x16xi32>
        tpu.vector_store %arg13[%swap3A_213, %swap3A_214], %swap3A_217 {strides = array<i32>} : memref<1x128xi32, #tpu.memory_space<vmem>>, vector<1x16xi32>,
      }
      %scan3A_197 = arith.constant 8 : i32
      %run_scoped3A = arith.constant 0 : i32
      "tpu.region"() ({
        %run_scoped3A_199 = tpu.sem_alloc : memref<!tpu.dma_semaphore, #tpu.memory_space<semaphore_mem>>
        %dma_start3A_200 = arith.constant 0 : i32
        %dma_start3A_201 = tpu.memref_slice %arg13[%run_scoped3A, %dma_start3A_200] : memref<1x128xi32, #tpu.memory_space<vmem>> -> memref<1x128xi32, #tpu.memory_space<vmem>>
        %dma_start3A_202 = tpu.memref_squeeze %dma_start3A_201 : memref<1x128xi32, #tpu.memory_space<vmem>> -> memref<128xi32, #tpu.memory_space<vmem>>
        %dma_start3A_203 = arith.constant 0 : i32
        %dma_start3A_204 = arith.constant 0 : i32
        %dma_start3A_205 = tpu.memref_slice %arg2[%dma_start3A_203, %dma_start3A_204] : memref<40000x128xf32, #tpu.memory_space<hbm>> -> memref<40000x128xf32, #tpu.memory_space<hbm>>
        tpu.enqueue_indirect_dma source(%dma_start3A_205 : memref<40000x128xf32, #tpu.memory_space<hbm>>) target(%arg15 : memref<128x128xf32, #tpu.memory_space<vmem>>) offsets(%dma_start3A_202 : memref<128xi32, #tpu.memory_space<vmem>>) semaphore(%run_scoped3A_199 : memref<!tpu.dma_semaphore, #tpu.memory_space<semaphore_mem>>)
        %dma_wait3A_206 = arith.constant 0 : i32
        %dma_wait3A_207 = tpu.memref_slice %arg13[%run_scoped3A, %dma_wait3A_206] : memref<1x128xi32, #tpu.memory_space<vmem>> -> memref<1x128xi32, #tpu.memory_space<vmem>>
        %dma_wait3A_208 = tpu.memref_squeeze %dma_wait3A_207 : memref<1x128xi32, #tpu.memory_space<vmem>> -> memref<128xi32, #tpu.memory_space<vmem>>
        %dma_wait3A_209 = arith.constant 0 : i32
        %dma_wait3A_210 = arith.constant 0 : i32
        %dma_wait3A_211 = tpu.memref_slice %arg2[%dma_wait3A_209, %dma_wait3A_210] : memref<40000x128xf32, #tpu.memory_space<hbm>> -> memref<40000x128xf32, #tpu.memory_space<hbm>>
        tpu.wait_indirect_dma semaphore(%run_scoped3A_199 : memref<!tpu.dma_semaphore, #tpu.memory_space<semaphore_mem>>) src(%dma_wait3A_211 : memref<40000x128xf32, #tpu.memory_space<hbm>>) dst(%arg15 : memref<128x128xf32, #tpu.memory_space<vmem>>)
        tpu.yield
      }) : () -> ()
      %run_scoped3A_198 = arith.constant 0 : i32
      "tpu.region"() ({
        %run_scoped3A_199 = tpu.sem_alloc : memref<!tpu.dma_semaphore, #tpu.memory_space<semaphore_mem>>
        %dma_start3A_200 = arith.constant 0 : i32
        %dma_start3A_201 = tpu.memref_slice %arg12[%run_scoped3A_198, %dma_start3A_200] : memref<1x128xi32, #tpu.memory_space<vmem>> -> memref<1x128xi32, #tpu.memory_space<vmem>>
        %dma_start3A_202 = tpu.memref_squeeze %dma_start3A_201 : memref<1x128xi32, #tpu.memory_space<vmem>> -> memref<128xi32, #tpu.memory_space<vmem>>
        %dma_start3A_203 = arith.constant 0 : i32
        %dma_start3A_204 = arith.constant 0 : i32
        %dma_start3A_205 = tpu.memref_slice %arg8[%dma_start3A_203, %dma_start3A_204] : memref<857088x128xf32, #tpu.memory_space<hbm>> -> memref<857088x128xf32, #tpu.memory_space<hbm>>
        tpu.enqueue_indirect_dma source(%arg15 : memref<128x128xf32, #tpu.memory_space<vmem>>) target(%dma_start3A_205 : memref<857088x128xf32, #tpu.memory_space<hbm>>) offsets(%dma_start3A_202 : memref<128xi32, #tpu.memory_space<vmem>>) semaphore(%run_scoped3A_199 : memref<!tpu.dma_semaphore, #tpu.memory_space<semaphore_mem>>)
        %dma_wait3A_206 = arith.constant 0 : i32
        %dma_wait3A_207 = tpu.memref_slice %arg12[%run_scoped3A_198, %dma_wait3A_206] : memref<1x128xi32, #tpu.memory_space<vmem>> -> memref<1x128xi32, #tpu.memory_space<vmem>>
        %dma_wait3A_208 = tpu.memref_squeeze %dma_wait3A_207 : memref<1x128xi32, #tpu.memory_space<vmem>> -> memref<128xi32, #tpu.memory_space<vmem>>
        %dma_wait3A_209 = arith.constant 0 : i32
        %dma_wait3A_210 = arith.constant 0 : i32
        %dma_wait3A_211 = tpu.memref_slice %arg8[%dma_wait3A_209, %dma_wait3A_210] : memref<857088x128xf32, #tpu.memory_space<hbm>> -> memref<857088x128xf32, #tpu.memory_space<hbm>>
        tpu.wait_indirect_dma semaphore(%run_scoped3A_199 : memref<!tpu.dma_semaphore, #tpu.memory_space<semaphore_mem>>) src(%arg15 : memref<128x128xf32, #tpu.memory_space<vmem>>) dst(%dma_wait3A_211 : memref<857088x128xf32, #tpu.memory_space<hbm>>)
        tpu.yield
      }) : () -> ()
    } else {
    }
    %mul3A_77 = arith.constant 128 : i32
    %mul3A_78 = arith.muli %add3A, %mul3A_77 : i32
    %add3A_79 = arith.constant 32768 : i32
    %add3A_80 = arith.addi %mul3A_78, %add3A_79 : i32
    %multiple_of3A_81 = tpu.assume_multiple %add3A_80, 8 : i32
    %lt3A_82 = arith.constant 40064 : i32
    %lt3A_83 = arith.cmpi slt, %multiple_of3A_81, %lt3A_82 : i32
    %convert_element_type3A_84 = arith.extui %lt3A_83 : i1 to i32
    %cond3A_85 = arith.constant 0 : i32
    %cond3A_86 = arith.cmpi ne, %convert_element_type3A_84, %cond3A_85 : i32
    scf.if %cond3A_86 {
      %dma_start3A = arith.constant 0 : i32
      %dma_start3A_97 = arith.constant 0 : i32
      %dma_start3A_98 = tpu.memref_slice %arg9[%dma_start3A, %dma_start3A_97] : memref<1x128xi32, #tpu.memory_space<vmem>> -> memref<1x128xi32, #tpu.memory_space<vmem>>
      %dma_start3A_99 = tpu.memref_squeeze %dma_start3A_98 : memref<1x128xi32, #tpu.memory_space<vmem>> -> memref<128xi32, #tpu.memory_space<vmem>>
      %dma_start3A_100 = tpu.memref_slice %arg3[%multiple_of3A_81] : memref<40064xi32, #tpu.memory_space<hbm>> -> memref<128xi32, #tpu.memory_space<hbm>>
      %dma_start3A_101 = arith.constant 0 : i32
      %dma_start3A_102 = tpu.memref_slice %arg9[%dma_start3A, %dma_start3A_101] : memref<1x128xi32, #tpu.memory_space<vmem>> -> memref<1x128xi32, #tpu.memory_space<vmem>>
      %dma_start3A_103 = tpu.memref_squeeze %dma_start3A_102 : memref<1x128xi32, #tpu.memory_space<vmem>> -> memref<128xi32, #tpu.memory_space<vmem>>
      %dma_start3A_104 = tpu.memref_slice %arg3[%multiple_of3A_81] : memref<40064xi32, #tpu.memory_space<hbm>> -> memref<128xi32, #tpu.memory_space<hbm>>
      tpu.enqueue_dma source(%dma_start3A_104 : memref<128xi32, #tpu.memory_space<hbm>>) target(%dma_start3A_103 : memref<128xi32, #tpu.memory_space<vmem>>) target_semaphore(%arg16 : memref<!tpu.dma_semaphore, #tpu.memory_space<semaphore_mem>>)
      %dma_start3A_105 = arith.constant 0 : i32
      %dma_start3A_106 = arith.constant 0 : i32
      %dma_start3A_107 = tpu.memref_slice %arg10[%dma_start3A_105, %dma_start3A_106] : memref<1x128xi32, #tpu.memory_space<vmem>> -> memref<1x128xi32, #tpu.memory_space<vmem>>
      %dma_start3A_108 = tpu.memref_squeeze %dma_start3A_107 : memref<1x128xi32, #tpu.memory_space<vmem>> -> memref<128xi32, #tpu.memory_space<vmem>>
      %dma_start3A_109 = tpu.memref_slice %arg4[%multiple_of3A_81] : memref<40064xi32, #tpu.memory_space<hbm>> -> memref<128xi32, #tpu.memory_space<hbm>>
      %dma_start3A_110 = arith.constant 0 : i32
      %dma_start3A_111 = tpu.memref_slice %arg10[%dma_start3A_105, %dma_start3A_110] : memref<1x128xi32, #tpu.memory_space<vmem>> -> memref<1x128xi32, #tpu.memory_space<vmem>>
      %dma_start3A_112 = tpu.memref_squeeze %dma_start3A_111 : memref<1x128xi32, #tpu.memory_space<vmem>> -> memref<128xi32, #tpu.memory_space<vmem>>
      %dma_start3A_113 = tpu.memref_slice %arg4[%multiple_of3A_81] : memref<40064xi32, #tpu.memory_space<hbm>> -> memref<128xi32, #tpu.memory_space<hbm>>
      tpu.enqueue_dma source(%dma_start3A_113 : memref<128xi32, #tpu.memory_space<hbm>>) target(%dma_start3A_112 : memref<128xi32, #tpu.memory_space<vmem>>) target_semaphore(%arg16 : memref<!tpu.dma_semaphore, #tpu.memory_space<semaphore_mem>>)
      %dma_start3A_114 = arith.constant 0 : i32
      %dma_start3A_115 = arith.constant 0 : i32
      %dma_start3A_116 = tpu.memref_slice %arg11[%dma_start3A_114, %dma_start3A_115] : memref<1x128xi32, #tpu.memory_space<vmem>> -> memref<1x128xi32, #tpu.memory_space<vmem>>
      %dma_start3A_117 = tpu.memref_squeeze %dma_start3A_116 : memref<1x128xi32, #tpu.memory_space<vmem>> -> memref<128xi32, #tpu.memory_space<vmem>>
      %dma_start3A_118 = tpu.memref_slice %arg5[%multiple_of3A_81] : memref<40064xi32, #tpu.memory_space<hbm>> -> memref<128xi32, #tpu.memory_space<hbm>>
      %dma_start3A_119 = arith.constant 0 : i32
      %dma_start3A_120 = tpu.memref_slice %arg11[%dma_start3A_114, %dma_start3A_119] : memref<1x128xi32, #tpu.memory_space<vmem>> -> memref<1x128xi32, #tpu.memory_space<vmem>>
      %dma_start3A_121 = tpu.memref_squeeze %dma_start3A_120 : memref<1x128xi32, #tpu.memory_space<vmem>> -> memref<128xi32, #tpu.memory_space<vmem>>
      %dma_start3A_122 = tpu.memref_slice %arg5[%multiple_of3A_81] : memref<40064xi32, #tpu.memory_space<hbm>> -> memref<128xi32, #tpu.memory_space<hbm>>
      tpu.enqueue_dma source(%dma_start3A_122 : memref<128xi32, #tpu.memory_space<hbm>>) target(%dma_start3A_121 : memref<128xi32, #tpu.memory_space<vmem>>) target_semaphore(%arg16 : memref<!tpu.dma_semaphore, #tpu.memory_space<semaphore_mem>>)
      %dma_wait3A = arith.constant 0 : i32
      %dma_wait3A_123 = arith.constant 0 : i32
      %dma_wait3A_124 = tpu.memref_slice %arg9[%dma_wait3A, %dma_wait3A_123] : memref<1x128xi32, #tpu.memory_space<vmem>> -> memref<1x128xi32, #tpu.memory_space<vmem>>
      %dma_wait3A_125 = tpu.memref_squeeze %dma_wait3A_124 : memref<1x128xi32, #tpu.memory_space<vmem>> -> memref<128xi32, #tpu.memory_space<vmem>>
      %dma_wait3A_126 = tpu.memref_slice %arg3[%multiple_of3A_81] : memref<40064xi32, #tpu.memory_space<hbm>> -> memref<128xi32, #tpu.memory_space<hbm>>
      %dma_wait3A_127 = arith.constant 0 : i32
      %dma_wait3A_128 = tpu.memref_slice %arg9[%dma_wait3A, %dma_wait3A_127] : memref<1x128xi32, #tpu.memory_space<vmem>> -> memref<1x128xi32, #tpu.memory_space<vmem>>
      %dma_wait3A_129 = tpu.memref_squeeze %dma_wait3A_128 : memref<1x128xi32, #tpu.memory_space<vmem>> -> memref<128xi32, #tpu.memory_space<vmem>>
      %dma_wait3A_130 = tpu.memref_slice %arg3[%multiple_of3A_81] : memref<40064xi32, #tpu.memory_space<hbm>> -> memref<128xi32, #tpu.memory_space<hbm>>
      tpu.wait_dma2 semaphore(%arg16 : memref<!tpu.dma_semaphore, #tpu.memory_space<semaphore_mem>>) src(%dma_wait3A_130 : memref<128xi32, #tpu.memory_space<hbm>>) dst(%dma_wait3A_129 : memref<128xi32, #tpu.memory_space<vmem>>)
      %dma_wait3A_131 = arith.constant 0 : i32
      %dma_wait3A_132 = arith.constant 0 : i32
      %dma_wait3A_133 = tpu.memref_slice %arg10[%dma_wait3A_131, %dma_wait3A_132] : memref<1x128xi32, #tpu.memory_space<vmem>> -> memref<1x128xi32, #tpu.memory_space<vmem>>
      %dma_wait3A_134 = tpu.memref_squeeze %dma_wait3A_133 : memref<1x128xi32, #tpu.memory_space<vmem>> -> memref<128xi32, #tpu.memory_space<vmem>>
      %dma_wait3A_135 = tpu.memref_slice %arg4[%multiple_of3A_81] : memref<40064xi32, #tpu.memory_space<hbm>> -> memref<128xi32, #tpu.memory_space<hbm>>
      %dma_wait3A_136 = arith.constant 0 : i32
      %dma_wait3A_137 = tpu.memref_slice %arg10[%dma_wait3A_131, %dma_wait3A_136] : memref<1x128xi32, #tpu.memory_space<vmem>> -> memref<1x128xi32, #tpu.memory_space<vmem>>
      %dma_wait3A_138 = tpu.memref_squeeze %dma_wait3A_137 : memref<1x128xi32, #tpu.memory_space<vmem>> -> memref<128xi32, #tpu.memory_space<vmem>>
      %dma_wait3A_139 = tpu.memref_slice %arg4[%multiple_of3A_81] : memref<40064xi32, #tpu.memory_space<hbm>> -> memref<128xi32, #tpu.memory_space<hbm>>
      tpu.wait_dma2 semaphore(%arg16 : memref<!tpu.dma_semaphore, #tpu.memory_space<semaphore_mem>>) src(%dma_wait3A_139 : memref<128xi32, #tpu.memory_space<hbm>>) dst(%dma_wait3A_138 : memref<128xi32, #tpu.memory_space<vmem>>)
      %dma_wait3A_140 = arith.constant 0 : i32
      %dma_wait3A_141 = arith.constant 0 : i32
      %dma_wait3A_142 = tpu.memref_slice %arg11[%dma_wait3A_140, %dma_wait3A_141] : memref<1x128xi32, #tpu.memory_space<vmem>> -> memref<1x128xi32, #tpu.memory_space<vmem>>
      %dma_wait3A_143 = tpu.memref_squeeze %dma_wait3A_142 : memref<1x128xi32, #tpu.memory_space<vmem>> -> memref<128xi32, #tpu.memory_space<vmem>>
      %dma_wait3A_144 = tpu.memref_slice %arg5[%multiple_of3A_81] : memref<40064xi32, #tpu.memory_space<hbm>> -> memref<128xi32, #tpu.memory_space<hbm>>
      %dma_wait3A_145 = arith.constant 0 : i32
      %dma_wait3A_146 = tpu.memref_slice %arg11[%dma_wait3A_140, %dma_wait3A_145] : memref<1x128xi32, #tpu.memory_space<vmem>> -> memref<1x128xi32, #tpu.memory_space<vmem>>
      %dma_wait3A_147 = tpu.memref_squeeze %dma_wait3A_146 : memref<1x128xi32, #tpu.memory_space<vmem>> -> memref<128xi32, #tpu.memory_space<vmem>>
      %dma_wait3A_148 = tpu.memref_slice %arg5[%multiple_of3A_81] : memref<40064xi32, #tpu.memory_space<hbm>> -> memref<128xi32, #tpu.memory_space<hbm>>
      tpu.wait_dma2 semaphore(%arg16 : memref<!tpu.dma_semaphore, #tpu.memory_space<semaphore_mem>>) src(%dma_wait3A_148 : memref<128xi32, #tpu.memory_space<hbm>>) dst(%dma_wait3A_147 : memref<128xi32, #tpu.memory_space<vmem>>)
      %scan3A = arith.constant 0 : i32
      %scan3A_149 = arith.constant 8 : i32
      %scan3A_150 = arith.addi %scan3A, %scan3A_149 : i32
      %scan3A_151 = arith.constant 1 : i32
      scf.for %scan3A_199 = %scan3A to %scan3A_150 step %scan3A_151  : i32 {
        %mul3A_200 = arith.constant 16 : i32
        %mul3A_201 = arith.muli %scan3A_199, %mul3A_200 : i32
        %add3A_202 = arith.constant 0 : i32
        %add3A_203 = arith.addi %add3A_202, %mul3A_201 : i32
        %get3A = arith.constant 0 : i32
        %get3A_204 = arith.index_cast %get3A : i32 to index
        %get3A_205 = arith.index_cast %add3A_203 : i32 to index
        %get3A_206 = tpu.vector_load %arg9[%get3A_204, %get3A_205] {strides = array<i32>} : memref<1x128xi32, #tpu.memory_space<vmem>>, vector<1x16xi32>,
        %get3A_207 = vector.shape_cast %get3A_206 : vector<1x16xi32> to vector<16xi32>
        %get3A_208 = arith.constant 0 : i32
        %get3A_209 = arith.index_cast %get3A_208 : i32 to index
        %get3A_210 = arith.index_cast %add3A_203 : i32 to index
        %get3A_211 = tpu.vector_load %arg10[%get3A_209, %get3A_210] {strides = array<i32>} : memref<1x128xi32, #tpu.memory_space<vmem>>, vector<1x16xi32>,
        %get3A_212 = vector.shape_cast %get3A_211 : vector<1x16xi32> to vector<16xi32>
        %get3A_213 = arith.constant 0 : i32
        %get3A_214 = arith.index_cast %get3A_213 : i32 to index
        %get3A_215 = arith.index_cast %add3A_203 : i32 to index
        %get3A_216 = tpu.vector_load %arg11[%get3A_214, %get3A_215] {strides = array<i32>} : memref<1x128xi32, #tpu.memory_space<vmem>>, vector<1x16xi32>,
        %get3A_217 = vector.shape_cast %get3A_216 : vector<1x16xi32> to vector<16xi32>
        %mul3A_218 = arith.constant 214272 : i32
        %mul3A_219 = vector.broadcast %mul3A_218 : i32 to vector<16xi32>
        %mul3A_220 = arith.muli %get3A_207, %mul3A_219 : vector<16xi32>
        %mul3A_221 = arith.constant 432 : i32
        %mul3A_222 = vector.broadcast %mul3A_221 : i32 to vector<16xi32>
        %mul3A_223 = arith.muli %get3A_212, %mul3A_222 : vector<16xi32>
        %add3A_224 = arith.addi %mul3A_220, %mul3A_223 : vector<16xi32>
        %add3A_225 = arith.addi %add3A_224, %get3A_217 : vector<16xi32>
        %swap3A = arith.constant 0 : i32
        %swap3A_226 = arith.index_cast %swap3A : i32 to index
        %swap3A_227 = arith.index_cast %add3A_203 : i32 to index
        %swap3A_228 = tpu.vector_load %arg12[%swap3A_226, %swap3A_227] {strides = array<i32>} : memref<1x128xi32, #tpu.memory_space<vmem>>, vector<1x16xi32>,
        %swap3A_229 = vector.shape_cast %swap3A_228 : vector<1x16xi32> to vector<16xi32>
        %swap3A_230 = vector.shape_cast %add3A_225 : vector<16xi32> to vector<1x16xi32>
        tpu.vector_store %arg12[%swap3A_226, %swap3A_227], %swap3A_230 {strides = array<i32>} : memref<1x128xi32, #tpu.memory_space<vmem>>, vector<1x16xi32>,
      }
      %scan3A_152 = arith.constant 8 : i32
      %dma_start3A_153 = arith.constant 0 : i32
      %dma_start3A_154 = arith.constant 0 : i32
      %dma_start3A_155 = arith.constant 0 : i32
      %dma_start3A_156 = tpu.memref_slice %arg13[%dma_start3A_154, %dma_start3A_155] : memref<1x128xi32, #tpu.memory_space<vmem>> -> memref<1x128xi32, #tpu.memory_space<vmem>>
      %dma_start3A_157 = tpu.memref_squeeze %dma_start3A_156 : memref<1x128xi32, #tpu.memory_space<vmem>> -> memref<128xi32, #tpu.memory_space<vmem>>
      %dma_start3A_158 = arith.constant 0 : i32
      %dma_start3A_159 = tpu.memref_slice %arg12[%dma_start3A_153, %dma_start3A_158] : memref<1x128xi32, #tpu.memory_space<vmem>> -> memref<1x128xi32, #tpu.memory_space<vmem>>
      %dma_start3A_160 = tpu.memref_squeeze %dma_start3A_159 : memref<1x128xi32, #tpu.memory_space<vmem>> -> memref<128xi32, #tpu.memory_space<vmem>>
      %dma_start3A_161 = arith.constant 0 : i32
      %dma_start3A_162 = tpu.memref_slice %arg6[%dma_start3A_161] : memref<857088xi32, #tpu.memory_space<hbm>> -> memref<857088xi32, #tpu.memory_space<hbm>>
      tpu.enqueue_indirect_dma source(%dma_start3A_162 : memref<857088xi32, #tpu.memory_space<hbm>>) target(%dma_start3A_157 : memref<128xi32, #tpu.memory_space<vmem>>) offsets(%dma_start3A_160 : memref<128xi32, #tpu.memory_space<vmem>>) semaphore(%arg16 : memref<!tpu.dma_semaphore, #tpu.memory_space<semaphore_mem>>)
      %dma_start3A_163 = arith.constant 0 : i32
      %dma_start3A_164 = arith.constant 0 : i32
      %dma_start3A_165 = arith.constant 0 : i32
      %dma_start3A_166 = tpu.memref_slice %arg14[%dma_start3A_164, %dma_start3A_165] : memref<1x128xi32, #tpu.memory_space<vmem>> -> memref<1x128xi32, #tpu.memory_space<vmem>>
      %dma_start3A_167 = tpu.memref_squeeze %dma_start3A_166 : memref<1x128xi32, #tpu.memory_space<vmem>> -> memref<128xi32, #tpu.memory_space<vmem>>
      %dma_start3A_168 = arith.constant 0 : i32
      %dma_start3A_169 = tpu.memref_slice %arg12[%dma_start3A_163, %dma_start3A_168] : memref<1x128xi32, #tpu.memory_space<vmem>> -> memref<1x128xi32, #tpu.memory_space<vmem>>
      %dma_start3A_170 = tpu.memref_squeeze %dma_start3A_169 : memref<1x128xi32, #tpu.memory_space<vmem>> -> memref<128xi32, #tpu.memory_space<vmem>>
      %dma_start3A_171 = arith.constant 0 : i32
      %dma_start3A_172 = tpu.memref_slice %arg7[%dma_start3A_171] : memref<857088xi32, #tpu.memory_space<hbm>> -> memref<857088xi32, #tpu.memory_space<hbm>>
      tpu.enqueue_indirect_dma source(%dma_start3A_172 : memref<857088xi32, #tpu.memory_space<hbm>>) target(%dma_start3A_167 : memref<128xi32, #tpu.memory_space<vmem>>) offsets(%dma_start3A_170 : memref<128xi32, #tpu.memory_space<vmem>>) semaphore(%arg16 : memref<!tpu.dma_semaphore, #tpu.memory_space<semaphore_mem>>)
      %dma_wait3A_173 = arith.constant 0 : i32
      %dma_wait3A_174 = arith.constant 0 : i32
      %dma_wait3A_175 = arith.constant 0 : i32
      %dma_wait3A_176 = tpu.memref_slice %arg13[%dma_wait3A_174, %dma_wait3A_175] : memref<1x128xi32, #tpu.memory_space<vmem>> -> memref<1x128xi32, #tpu.memory_space<vmem>>
      %dma_wait3A_177 = tpu.memref_squeeze %dma_wait3A_176 : memref<1x128xi32, #tpu.memory_space<vmem>> -> memref<128xi32, #tpu.memory_space<vmem>>
      %dma_wait3A_178 = arith.constant 0 : i32
      %dma_wait3A_179 = tpu.memref_slice %arg12[%dma_wait3A_173, %dma_wait3A_178] : memref<1x128xi32, #tpu.memory_space<vmem>> -> memref<1x128xi32, #tpu.memory_space<vmem>>
      %dma_wait3A_180 = tpu.memref_squeeze %dma_wait3A_179 : memref<1x128xi32, #tpu.memory_space<vmem>> -> memref<128xi32, #tpu.memory_space<vmem>>
      %dma_wait3A_181 = arith.constant 0 : i32
      %dma_wait3A_182 = tpu.memref_slice %arg6[%dma_wait3A_181] : memref<857088xi32, #tpu.memory_space<hbm>> -> memref<857088xi32, #tpu.memory_space<hbm>>
      tpu.wait_indirect_dma semaphore(%arg16 : memref<!tpu.dma_semaphore, #tpu.memory_space<semaphore_mem>>) src(%dma_wait3A_182 : memref<857088xi32, #tpu.memory_space<hbm>>) dst(%dma_wait3A_177 : memref<128xi32, #tpu.memory_space<vmem>>)
      %dma_wait3A_183 = arith.constant 0 : i32
      %dma_wait3A_184 = arith.constant 0 : i32
      %dma_wait3A_185 = arith.constant 0 : i32
      %dma_wait3A_186 = tpu.memref_slice %arg14[%dma_wait3A_184, %dma_wait3A_185] : memref<1x128xi32, #tpu.memory_space<vmem>> -> memref<1x128xi32, #tpu.memory_space<vmem>>
      %dma_wait3A_187 = tpu.memref_squeeze %dma_wait3A_186 : memref<1x128xi32, #tpu.memory_space<vmem>> -> memref<128xi32, #tpu.memory_space<vmem>>
      %dma_wait3A_188 = arith.constant 0 : i32
      %dma_wait3A_189 = tpu.memref_slice %arg12[%dma_wait3A_183, %dma_wait3A_188] : memref<1x128xi32, #tpu.memory_space<vmem>> -> memref<1x128xi32, #tpu.memory_space<vmem>>
      %dma_wait3A_190 = tpu.memref_squeeze %dma_wait3A_189 : memref<1x128xi32, #tpu.memory_space<vmem>> -> memref<128xi32, #tpu.memory_space<vmem>>
      %dma_wait3A_191 = arith.constant 0 : i32
      %dma_wait3A_192 = tpu.memref_slice %arg7[%dma_wait3A_191] : memref<857088xi32, #tpu.memory_space<hbm>> -> memref<857088xi32, #tpu.memory_space<hbm>>
      tpu.wait_indirect_dma semaphore(%arg16 : memref<!tpu.dma_semaphore, #tpu.memory_space<semaphore_mem>>) src(%dma_wait3A_192 : memref<857088xi32, #tpu.memory_space<hbm>>) dst(%dma_wait3A_187 : memref<128xi32, #tpu.memory_space<vmem>>)
      %scan3A_193 = arith.constant 0 : i32
      %scan3A_194 = arith.constant 8 : i32
      %scan3A_195 = arith.addi %scan3A_193, %scan3A_194 : i32
      %scan3A_196 = arith.constant 1 : i32
      scf.for %scan3A_199 = %scan3A_193 to %scan3A_195 step %scan3A_196  : i32 {
        %mul3A_200 = arith.constant 16 : i32
        %mul3A_201 = arith.muli %scan3A_199, %mul3A_200 : i32
        %add3A_202 = arith.constant 0 : i32
        %add3A_203 = arith.addi %add3A_202, %mul3A_201 : i32
        %get3A = arith.constant 0 : i32
        %get3A_204 = arith.index_cast %get3A : i32 to index
        %get3A_205 = arith.index_cast %add3A_203 : i32 to index
        %get3A_206 = tpu.vector_load %arg13[%get3A_204, %get3A_205] {strides = array<i32>} : memref<1x128xi32, #tpu.memory_space<vmem>>, vector<1x16xi32>,
        %get3A_207 = vector.shape_cast %get3A_206 : vector<1x16xi32> to vector<16xi32>
        %get3A_208 = arith.constant 0 : i32
        %get3A_209 = arith.index_cast %get3A_208 : i32 to index
        %get3A_210 = arith.index_cast %add3A_203 : i32 to index
        %get3A_211 = tpu.vector_load %arg14[%get3A_209, %get3A_210] {strides = array<i32>} : memref<1x128xi32, #tpu.memory_space<vmem>>, vector<1x16xi32>,
        %get3A_212 = vector.shape_cast %get3A_211 : vector<1x16xi32> to vector<16xi32>
        %max3A = arith.maxsi %get3A_207, %get3A_212 : vector<16xi32>
        %swap3A = arith.constant 0 : i32
        %swap3A_213 = arith.index_cast %swap3A : i32 to index
        %swap3A_214 = arith.index_cast %add3A_203 : i32 to index
        %swap3A_215 = tpu.vector_load %arg13[%swap3A_213, %swap3A_214] {strides = array<i32>} : memref<1x128xi32, #tpu.memory_space<vmem>>, vector<1x16xi32>,
        %swap3A_216 = vector.shape_cast %swap3A_215 : vector<1x16xi32> to vector<16xi32>
        %swap3A_217 = vector.shape_cast %max3A : vector<16xi32> to vector<1x16xi32>
        tpu.vector_store %arg13[%swap3A_213, %swap3A_214], %swap3A_217 {strides = array<i32>} : memref<1x128xi32, #tpu.memory_space<vmem>>, vector<1x16xi32>,
      }
      %scan3A_197 = arith.constant 8 : i32
      %run_scoped3A = arith.constant 0 : i32
      "tpu.region"() ({
        %run_scoped3A_199 = tpu.sem_alloc : memref<!tpu.dma_semaphore, #tpu.memory_space<semaphore_mem>>
        %dma_start3A_200 = arith.constant 0 : i32
        %dma_start3A_201 = tpu.memref_slice %arg13[%run_scoped3A, %dma_start3A_200] : memref<1x128xi32, #tpu.memory_space<vmem>> -> memref<1x128xi32, #tpu.memory_space<vmem>>
        %dma_start3A_202 = tpu.memref_squeeze %dma_start3A_201 : memref<1x128xi32, #tpu.memory_space<vmem>> -> memref<128xi32, #tpu.memory_space<vmem>>
        %dma_start3A_203 = arith.constant 0 : i32
        %dma_start3A_204 = arith.constant 0 : i32
        %dma_start3A_205 = tpu.memref_slice %arg2[%dma_start3A_203, %dma_start3A_204] : memref<40000x128xf32, #tpu.memory_space<hbm>> -> memref<40000x128xf32, #tpu.memory_space<hbm>>
        tpu.enqueue_indirect_dma source(%dma_start3A_205 : memref<40000x128xf32, #tpu.memory_space<hbm>>) target(%arg15 : memref<128x128xf32, #tpu.memory_space<vmem>>) offsets(%dma_start3A_202 : memref<128xi32, #tpu.memory_space<vmem>>) semaphore(%run_scoped3A_199 : memref<!tpu.dma_semaphore, #tpu.memory_space<semaphore_mem>>)
        %dma_wait3A_206 = arith.constant 0 : i32
        %dma_wait3A_207 = tpu.memref_slice %arg13[%run_scoped3A, %dma_wait3A_206] : memref<1x128xi32, #tpu.memory_space<vmem>> -> memref<1x128xi32, #tpu.memory_space<vmem>>
        %dma_wait3A_208 = tpu.memref_squeeze %dma_wait3A_207 : memref<1x128xi32, #tpu.memory_space<vmem>> -> memref<128xi32, #tpu.memory_space<vmem>>
        %dma_wait3A_209 = arith.constant 0 : i32
        %dma_wait3A_210 = arith.constant 0 : i32
        %dma_wait3A_211 = tpu.memref_slice %arg2[%dma_wait3A_209, %dma_wait3A_210] : memref<40000x128xf32, #tpu.memory_space<hbm>> -> memref<40000x128xf32, #tpu.memory_space<hbm>>
        tpu.wait_indirect_dma semaphore(%run_scoped3A_199 : memref<!tpu.dma_semaphore, #tpu.memory_space<semaphore_mem>>) src(%dma_wait3A_211 : memref<40000x128xf32, #tpu.memory_space<hbm>>) dst(%arg15 : memref<128x128xf32, #tpu.memory_space<vmem>>)
        tpu.yield
      }) : () -> ()
      %run_scoped3A_198 = arith.constant 0 : i32
      "tpu.region"() ({
        %run_scoped3A_199 = tpu.sem_alloc : memref<!tpu.dma_semaphore, #tpu.memory_space<semaphore_mem>>
        %dma_start3A_200 = arith.constant 0 : i32
        %dma_start3A_201 = tpu.memref_slice %arg12[%run_scoped3A_198, %dma_start3A_200] : memref<1x128xi32, #tpu.memory_space<vmem>> -> memref<1x128xi32, #tpu.memory_space<vmem>>
        %dma_start3A_202 = tpu.memref_squeeze %dma_start3A_201 : memref<1x128xi32, #tpu.memory_space<vmem>> -> memref<128xi32, #tpu.memory_space<vmem>>
        %dma_start3A_203 = arith.constant 0 : i32
        %dma_start3A_204 = arith.constant 0 : i32
        %dma_start3A_205 = tpu.memref_slice %arg8[%dma_start3A_203, %dma_start3A_204] : memref<857088x128xf32, #tpu.memory_space<hbm>> -> memref<857088x128xf32, #tpu.memory_space<hbm>>
        tpu.enqueue_indirect_dma source(%arg15 : memref<128x128xf32, #tpu.memory_space<vmem>>) target(%dma_start3A_205 : memref<857088x128xf32, #tpu.memory_space<hbm>>) offsets(%dma_start3A_202 : memref<128xi32, #tpu.memory_space<vmem>>) semaphore(%run_scoped3A_199 : memref<!tpu.dma_semaphore, #tpu.memory_space<semaphore_mem>>)
        %dma_wait3A_206 = arith.constant 0 : i32
        %dma_wait3A_207 = tpu.memref_slice %arg12[%run_scoped3A_198, %dma_wait3A_206] : memref<1x128xi32, #tpu.memory_space<vmem>> -> memref<1x128xi32, #tpu.memory_space<vmem>>
        %dma_wait3A_208 = tpu.memref_squeeze %dma_wait3A_207 : memref<1x128xi32, #tpu.memory_space<vmem>> -> memref<128xi32, #tpu.memory_space<vmem>>
        %dma_wait3A_209 = arith.constant 0 : i32
        %dma_wait3A_210 = arith.constant 0 : i32
        %dma_wait3A_211 = tpu.memref_slice %arg8[%dma_wait3A_209, %dma_wait3A_210] : memref<857088x128xf32, #tpu.memory_space<hbm>> -> memref<857088x128xf32, #tpu.memory_space<hbm>>
        tpu.wait_indirect_dma semaphore(%run_scoped3A_199 : memref<!tpu.dma_semaphore, #tpu.memory_space<semaphore_mem>>) src(%arg15 : memref<128x128xf32, #tpu.memory_space<vmem>>) dst(%dma_wait3A_211 : memref<857088x128xf32, #tpu.memory_space<hbm>>)
        tpu.yield
      }) : () -> ()
    } else {
    }
    %mul3A_87 = arith.constant 128 : i32
    %mul3A_88 = arith.muli %add3A, %mul3A_87 : i32
    %add3A_89 = arith.constant 36864 : i32
    %add3A_90 = arith.addi %mul3A_88, %add3A_89 : i32
    %multiple_of3A_91 = tpu.assume_multiple %add3A_90, 8 : i32
    %lt3A_92 = arith.constant 40064 : i32
    %lt3A_93 = arith.cmpi slt, %multiple_of3A_91, %lt3A_92 : i32
    %convert_element_type3A_94 = arith.extui %lt3A_93 : i1 to i32
    %cond3A_95 = arith.constant 0 : i32
    %cond3A_96 = arith.cmpi ne, %convert_element_type3A_94, %cond3A_95 : i32
    scf.if %cond3A_96 {
      %dma_start3A = arith.constant 0 : i32
      %dma_start3A_97 = arith.constant 0 : i32
      %dma_start3A_98 = tpu.memref_slice %arg9[%dma_start3A, %dma_start3A_97] : memref<1x128xi32, #tpu.memory_space<vmem>> -> memref<1x128xi32, #tpu.memory_space<vmem>>
      %dma_start3A_99 = tpu.memref_squeeze %dma_start3A_98 : memref<1x128xi32, #tpu.memory_space<vmem>> -> memref<128xi32, #tpu.memory_space<vmem>>
      %dma_start3A_100 = tpu.memref_slice %arg3[%multiple_of3A_91] : memref<40064xi32, #tpu.memory_space<hbm>> -> memref<128xi32, #tpu.memory_space<hbm>>
      %dma_start3A_101 = arith.constant 0 : i32
      %dma_start3A_102 = tpu.memref_slice %arg9[%dma_start3A, %dma_start3A_101] : memref<1x128xi32, #tpu.memory_space<vmem>> -> memref<1x128xi32, #tpu.memory_space<vmem>>
      %dma_start3A_103 = tpu.memref_squeeze %dma_start3A_102 : memref<1x128xi32, #tpu.memory_space<vmem>> -> memref<128xi32, #tpu.memory_space<vmem>>
      %dma_start3A_104 = tpu.memref_slice %arg3[%multiple_of3A_91] : memref<40064xi32, #tpu.memory_space<hbm>> -> memref<128xi32, #tpu.memory_space<hbm>>
      tpu.enqueue_dma source(%dma_start3A_104 : memref<128xi32, #tpu.memory_space<hbm>>) target(%dma_start3A_103 : memref<128xi32, #tpu.memory_space<vmem>>) target_semaphore(%arg16 : memref<!tpu.dma_semaphore, #tpu.memory_space<semaphore_mem>>)
      %dma_start3A_105 = arith.constant 0 : i32
      %dma_start3A_106 = arith.constant 0 : i32
      %dma_start3A_107 = tpu.memref_slice %arg10[%dma_start3A_105, %dma_start3A_106] : memref<1x128xi32, #tpu.memory_space<vmem>> -> memref<1x128xi32, #tpu.memory_space<vmem>>
      %dma_start3A_108 = tpu.memref_squeeze %dma_start3A_107 : memref<1x128xi32, #tpu.memory_space<vmem>> -> memref<128xi32, #tpu.memory_space<vmem>>
      %dma_start3A_109 = tpu.memref_slice %arg4[%multiple_of3A_91] : memref<40064xi32, #tpu.memory_space<hbm>> -> memref<128xi32, #tpu.memory_space<hbm>>
      %dma_start3A_110 = arith.constant 0 : i32
      %dma_start3A_111 = tpu.memref_slice %arg10[%dma_start3A_105, %dma_start3A_110] : memref<1x128xi32, #tpu.memory_space<vmem>> -> memref<1x128xi32, #tpu.memory_space<vmem>>
      %dma_start3A_112 = tpu.memref_squeeze %dma_start3A_111 : memref<1x128xi32, #tpu.memory_space<vmem>> -> memref<128xi32, #tpu.memory_space<vmem>>
      %dma_start3A_113 = tpu.memref_slice %arg4[%multiple_of3A_91] : memref<40064xi32, #tpu.memory_space<hbm>> -> memref<128xi32, #tpu.memory_space<hbm>>
      tpu.enqueue_dma source(%dma_start3A_113 : memref<128xi32, #tpu.memory_space<hbm>>) target(%dma_start3A_112 : memref<128xi32, #tpu.memory_space<vmem>>) target_semaphore(%arg16 : memref<!tpu.dma_semaphore, #tpu.memory_space<semaphore_mem>>)
      %dma_start3A_114 = arith.constant 0 : i32
      %dma_start3A_115 = arith.constant 0 : i32
      %dma_start3A_116 = tpu.memref_slice %arg11[%dma_start3A_114, %dma_start3A_115] : memref<1x128xi32, #tpu.memory_space<vmem>> -> memref<1x128xi32, #tpu.memory_space<vmem>>
      %dma_start3A_117 = tpu.memref_squeeze %dma_start3A_116 : memref<1x128xi32, #tpu.memory_space<vmem>> -> memref<128xi32, #tpu.memory_space<vmem>>
      %dma_start3A_118 = tpu.memref_slice %arg5[%multiple_of3A_91] : memref<40064xi32, #tpu.memory_space<hbm>> -> memref<128xi32, #tpu.memory_space<hbm>>
      %dma_start3A_119 = arith.constant 0 : i32
      %dma_start3A_120 = tpu.memref_slice %arg11[%dma_start3A_114, %dma_start3A_119] : memref<1x128xi32, #tpu.memory_space<vmem>> -> memref<1x128xi32, #tpu.memory_space<vmem>>
      %dma_start3A_121 = tpu.memref_squeeze %dma_start3A_120 : memref<1x128xi32, #tpu.memory_space<vmem>> -> memref<128xi32, #tpu.memory_space<vmem>>
      %dma_start3A_122 = tpu.memref_slice %arg5[%multiple_of3A_91] : memref<40064xi32, #tpu.memory_space<hbm>> -> memref<128xi32, #tpu.memory_space<hbm>>
      tpu.enqueue_dma source(%dma_start3A_122 : memref<128xi32, #tpu.memory_space<hbm>>) target(%dma_start3A_121 : memref<128xi32, #tpu.memory_space<vmem>>) target_semaphore(%arg16 : memref<!tpu.dma_semaphore, #tpu.memory_space<semaphore_mem>>)
      %dma_wait3A = arith.constant 0 : i32
      %dma_wait3A_123 = arith.constant 0 : i32
      %dma_wait3A_124 = tpu.memref_slice %arg9[%dma_wait3A, %dma_wait3A_123] : memref<1x128xi32, #tpu.memory_space<vmem>> -> memref<1x128xi32, #tpu.memory_space<vmem>>
      %dma_wait3A_125 = tpu.memref_squeeze %dma_wait3A_124 : memref<1x128xi32, #tpu.memory_space<vmem>> -> memref<128xi32, #tpu.memory_space<vmem>>
      %dma_wait3A_126 = tpu.memref_slice %arg3[%multiple_of3A_91] : memref<40064xi32, #tpu.memory_space<hbm>> -> memref<128xi32, #tpu.memory_space<hbm>>
      %dma_wait3A_127 = arith.constant 0 : i32
      %dma_wait3A_128 = tpu.memref_slice %arg9[%dma_wait3A, %dma_wait3A_127] : memref<1x128xi32, #tpu.memory_space<vmem>> -> memref<1x128xi32, #tpu.memory_space<vmem>>
      %dma_wait3A_129 = tpu.memref_squeeze %dma_wait3A_128 : memref<1x128xi32, #tpu.memory_space<vmem>> -> memref<128xi32, #tpu.memory_space<vmem>>
      %dma_wait3A_130 = tpu.memref_slice %arg3[%multiple_of3A_91] : memref<40064xi32, #tpu.memory_space<hbm>> -> memref<128xi32, #tpu.memory_space<hbm>>
      tpu.wait_dma2 semaphore(%arg16 : memref<!tpu.dma_semaphore, #tpu.memory_space<semaphore_mem>>) src(%dma_wait3A_130 : memref<128xi32, #tpu.memory_space<hbm>>) dst(%dma_wait3A_129 : memref<128xi32, #tpu.memory_space<vmem>>)
      %dma_wait3A_131 = arith.constant 0 : i32
      %dma_wait3A_132 = arith.constant 0 : i32
      %dma_wait3A_133 = tpu.memref_slice %arg10[%dma_wait3A_131, %dma_wait3A_132] : memref<1x128xi32, #tpu.memory_space<vmem>> -> memref<1x128xi32, #tpu.memory_space<vmem>>
      %dma_wait3A_134 = tpu.memref_squeeze %dma_wait3A_133 : memref<1x128xi32, #tpu.memory_space<vmem>> -> memref<128xi32, #tpu.memory_space<vmem>>
      %dma_wait3A_135 = tpu.memref_slice %arg4[%multiple_of3A_91] : memref<40064xi32, #tpu.memory_space<hbm>> -> memref<128xi32, #tpu.memory_space<hbm>>
      %dma_wait3A_136 = arith.constant 0 : i32
      %dma_wait3A_137 = tpu.memref_slice %arg10[%dma_wait3A_131, %dma_wait3A_136] : memref<1x128xi32, #tpu.memory_space<vmem>> -> memref<1x128xi32, #tpu.memory_space<vmem>>
      %dma_wait3A_138 = tpu.memref_squeeze %dma_wait3A_137 : memref<1x128xi32, #tpu.memory_space<vmem>> -> memref<128xi32, #tpu.memory_space<vmem>>
      %dma_wait3A_139 = tpu.memref_slice %arg4[%multiple_of3A_91] : memref<40064xi32, #tpu.memory_space<hbm>> -> memref<128xi32, #tpu.memory_space<hbm>>
      tpu.wait_dma2 semaphore(%arg16 : memref<!tpu.dma_semaphore, #tpu.memory_space<semaphore_mem>>) src(%dma_wait3A_139 : memref<128xi32, #tpu.memory_space<hbm>>) dst(%dma_wait3A_138 : memref<128xi32, #tpu.memory_space<vmem>>)
      %dma_wait3A_140 = arith.constant 0 : i32
      %dma_wait3A_141 = arith.constant 0 : i32
      %dma_wait3A_142 = tpu.memref_slice %arg11[%dma_wait3A_140, %dma_wait3A_141] : memref<1x128xi32, #tpu.memory_space<vmem>> -> memref<1x128xi32, #tpu.memory_space<vmem>>
      %dma_wait3A_143 = tpu.memref_squeeze %dma_wait3A_142 : memref<1x128xi32, #tpu.memory_space<vmem>> -> memref<128xi32, #tpu.memory_space<vmem>>
      %dma_wait3A_144 = tpu.memref_slice %arg5[%multiple_of3A_91] : memref<40064xi32, #tpu.memory_space<hbm>> -> memref<128xi32, #tpu.memory_space<hbm>>
      %dma_wait3A_145 = arith.constant 0 : i32
      %dma_wait3A_146 = tpu.memref_slice %arg11[%dma_wait3A_140, %dma_wait3A_145] : memref<1x128xi32, #tpu.memory_space<vmem>> -> memref<1x128xi32, #tpu.memory_space<vmem>>
      %dma_wait3A_147 = tpu.memref_squeeze %dma_wait3A_146 : memref<1x128xi32, #tpu.memory_space<vmem>> -> memref<128xi32, #tpu.memory_space<vmem>>
      %dma_wait3A_148 = tpu.memref_slice %arg5[%multiple_of3A_91] : memref<40064xi32, #tpu.memory_space<hbm>> -> memref<128xi32, #tpu.memory_space<hbm>>
      tpu.wait_dma2 semaphore(%arg16 : memref<!tpu.dma_semaphore, #tpu.memory_space<semaphore_mem>>) src(%dma_wait3A_148 : memref<128xi32, #tpu.memory_space<hbm>>) dst(%dma_wait3A_147 : memref<128xi32, #tpu.memory_space<vmem>>)
      %scan3A = arith.constant 0 : i32
      %scan3A_149 = arith.constant 8 : i32
      %scan3A_150 = arith.addi %scan3A, %scan3A_149 : i32
      %scan3A_151 = arith.constant 1 : i32
      scf.for %scan3A_199 = %scan3A to %scan3A_150 step %scan3A_151  : i32 {
        %mul3A_200 = arith.constant 16 : i32
        %mul3A_201 = arith.muli %scan3A_199, %mul3A_200 : i32
        %add3A_202 = arith.constant 0 : i32
        %add3A_203 = arith.addi %add3A_202, %mul3A_201 : i32
        %get3A = arith.constant 0 : i32
        %get3A_204 = arith.index_cast %get3A : i32 to index
        %get3A_205 = arith.index_cast %add3A_203 : i32 to index
        %get3A_206 = tpu.vector_load %arg9[%get3A_204, %get3A_205] {strides = array<i32>} : memref<1x128xi32, #tpu.memory_space<vmem>>, vector<1x16xi32>,
        %get3A_207 = vector.shape_cast %get3A_206 : vector<1x16xi32> to vector<16xi32>
        %get3A_208 = arith.constant 0 : i32
        %get3A_209 = arith.index_cast %get3A_208 : i32 to index
        %get3A_210 = arith.index_cast %add3A_203 : i32 to index
        %get3A_211 = tpu.vector_load %arg10[%get3A_209, %get3A_210] {strides = array<i32>} : memref<1x128xi32, #tpu.memory_space<vmem>>, vector<1x16xi32>,
        %get3A_212 = vector.shape_cast %get3A_211 : vector<1x16xi32> to vector<16xi32>
        %get3A_213 = arith.constant 0 : i32
        %get3A_214 = arith.index_cast %get3A_213 : i32 to index
        %get3A_215 = arith.index_cast %add3A_203 : i32 to index
        %get3A_216 = tpu.vector_load %arg11[%get3A_214, %get3A_215] {strides = array<i32>} : memref<1x128xi32, #tpu.memory_space<vmem>>, vector<1x16xi32>,
        %get3A_217 = vector.shape_cast %get3A_216 : vector<1x16xi32> to vector<16xi32>
        %mul3A_218 = arith.constant 214272 : i32
        %mul3A_219 = vector.broadcast %mul3A_218 : i32 to vector<16xi32>
        %mul3A_220 = arith.muli %get3A_207, %mul3A_219 : vector<16xi32>
        %mul3A_221 = arith.constant 432 : i32
        %mul3A_222 = vector.broadcast %mul3A_221 : i32 to vector<16xi32>
        %mul3A_223 = arith.muli %get3A_212, %mul3A_222 : vector<16xi32>
        %add3A_224 = arith.addi %mul3A_220, %mul3A_223 : vector<16xi32>
        %add3A_225 = arith.addi %add3A_224, %get3A_217 : vector<16xi32>
        %swap3A = arith.constant 0 : i32
        %swap3A_226 = arith.index_cast %swap3A : i32 to index
        %swap3A_227 = arith.index_cast %add3A_203 : i32 to index
        %swap3A_228 = tpu.vector_load %arg12[%swap3A_226, %swap3A_227] {strides = array<i32>} : memref<1x128xi32, #tpu.memory_space<vmem>>, vector<1x16xi32>,
        %swap3A_229 = vector.shape_cast %swap3A_228 : vector<1x16xi32> to vector<16xi32>
        %swap3A_230 = vector.shape_cast %add3A_225 : vector<16xi32> to vector<1x16xi32>
        tpu.vector_store %arg12[%swap3A_226, %swap3A_227], %swap3A_230 {strides = array<i32>} : memref<1x128xi32, #tpu.memory_space<vmem>>, vector<1x16xi32>,
      }
      %scan3A_152 = arith.constant 8 : i32
      %dma_start3A_153 = arith.constant 0 : i32
      %dma_start3A_154 = arith.constant 0 : i32
      %dma_start3A_155 = arith.constant 0 : i32
      %dma_start3A_156 = tpu.memref_slice %arg13[%dma_start3A_154, %dma_start3A_155] : memref<1x128xi32, #tpu.memory_space<vmem>> -> memref<1x128xi32, #tpu.memory_space<vmem>>
      %dma_start3A_157 = tpu.memref_squeeze %dma_start3A_156 : memref<1x128xi32, #tpu.memory_space<vmem>> -> memref<128xi32, #tpu.memory_space<vmem>>
      %dma_start3A_158 = arith.constant 0 : i32
      %dma_start3A_159 = tpu.memref_slice %arg12[%dma_start3A_153, %dma_start3A_158] : memref<1x128xi32, #tpu.memory_space<vmem>> -> memref<1x128xi32, #tpu.memory_space<vmem>>
      %dma_start3A_160 = tpu.memref_squeeze %dma_start3A_159 : memref<1x128xi32, #tpu.memory_space<vmem>> -> memref<128xi32, #tpu.memory_space<vmem>>
      %dma_start3A_161 = arith.constant 0 : i32
      %dma_start3A_162 = tpu.memref_slice %arg6[%dma_start3A_161] : memref<857088xi32, #tpu.memory_space<hbm>> -> memref<857088xi32, #tpu.memory_space<hbm>>
      tpu.enqueue_indirect_dma source(%dma_start3A_162 : memref<857088xi32, #tpu.memory_space<hbm>>) target(%dma_start3A_157 : memref<128xi32, #tpu.memory_space<vmem>>) offsets(%dma_start3A_160 : memref<128xi32, #tpu.memory_space<vmem>>) semaphore(%arg16 : memref<!tpu.dma_semaphore, #tpu.memory_space<semaphore_mem>>)
      %dma_start3A_163 = arith.constant 0 : i32
      %dma_start3A_164 = arith.constant 0 : i32
      %dma_start3A_165 = arith.constant 0 : i32
      %dma_start3A_166 = tpu.memref_slice %arg14[%dma_start3A_164, %dma_start3A_165] : memref<1x128xi32, #tpu.memory_space<vmem>> -> memref<1x128xi32, #tpu.memory_space<vmem>>
      %dma_start3A_167 = tpu.memref_squeeze %dma_start3A_166 : memref<1x128xi32, #tpu.memory_space<vmem>> -> memref<128xi32, #tpu.memory_space<vmem>>
      %dma_start3A_168 = arith.constant 0 : i32
      %dma_start3A_169 = tpu.memref_slice %arg12[%dma_start3A_163, %dma_start3A_168] : memref<1x128xi32, #tpu.memory_space<vmem>> -> memref<1x128xi32, #tpu.memory_space<vmem>>
      %dma_start3A_170 = tpu.memref_squeeze %dma_start3A_169 : memref<1x128xi32, #tpu.memory_space<vmem>> -> memref<128xi32, #tpu.memory_space<vmem>>
      %dma_start3A_171 = arith.constant 0 : i32
      %dma_start3A_172 = tpu.memref_slice %arg7[%dma_start3A_171] : memref<857088xi32, #tpu.memory_space<hbm>> -> memref<857088xi32, #tpu.memory_space<hbm>>
      tpu.enqueue_indirect_dma source(%dma_start3A_172 : memref<857088xi32, #tpu.memory_space<hbm>>) target(%dma_start3A_167 : memref<128xi32, #tpu.memory_space<vmem>>) offsets(%dma_start3A_170 : memref<128xi32, #tpu.memory_space<vmem>>) semaphore(%arg16 : memref<!tpu.dma_semaphore, #tpu.memory_space<semaphore_mem>>)
      %dma_wait3A_173 = arith.constant 0 : i32
      %dma_wait3A_174 = arith.constant 0 : i32
      %dma_wait3A_175 = arith.constant 0 : i32
      %dma_wait3A_176 = tpu.memref_slice %arg13[%dma_wait3A_174, %dma_wait3A_175] : memref<1x128xi32, #tpu.memory_space<vmem>> -> memref<1x128xi32, #tpu.memory_space<vmem>>
      %dma_wait3A_177 = tpu.memref_squeeze %dma_wait3A_176 : memref<1x128xi32, #tpu.memory_space<vmem>> -> memref<128xi32, #tpu.memory_space<vmem>>
      %dma_wait3A_178 = arith.constant 0 : i32
      %dma_wait3A_179 = tpu.memref_slice %arg12[%dma_wait3A_173, %dma_wait3A_178] : memref<1x128xi32, #tpu.memory_space<vmem>> -> memref<1x128xi32, #tpu.memory_space<vmem>>
      %dma_wait3A_180 = tpu.memref_squeeze %dma_wait3A_179 : memref<1x128xi32, #tpu.memory_space<vmem>> -> memref<128xi32, #tpu.memory_space<vmem>>
      %dma_wait3A_181 = arith.constant 0 : i32
      %dma_wait3A_182 = tpu.memref_slice %arg6[%dma_wait3A_181] : memref<857088xi32, #tpu.memory_space<hbm>> -> memref<857088xi32, #tpu.memory_space<hbm>>
      tpu.wait_indirect_dma semaphore(%arg16 : memref<!tpu.dma_semaphore, #tpu.memory_space<semaphore_mem>>) src(%dma_wait3A_182 : memref<857088xi32, #tpu.memory_space<hbm>>) dst(%dma_wait3A_177 : memref<128xi32, #tpu.memory_space<vmem>>)
      %dma_wait3A_183 = arith.constant 0 : i32
      %dma_wait3A_184 = arith.constant 0 : i32
      %dma_wait3A_185 = arith.constant 0 : i32
      %dma_wait3A_186 = tpu.memref_slice %arg14[%dma_wait3A_184, %dma_wait3A_185] : memref<1x128xi32, #tpu.memory_space<vmem>> -> memref<1x128xi32, #tpu.memory_space<vmem>>
      %dma_wait3A_187 = tpu.memref_squeeze %dma_wait3A_186 : memref<1x128xi32, #tpu.memory_space<vmem>> -> memref<128xi32, #tpu.memory_space<vmem>>
      %dma_wait3A_188 = arith.constant 0 : i32
      %dma_wait3A_189 = tpu.memref_slice %arg12[%dma_wait3A_183, %dma_wait3A_188] : memref<1x128xi32, #tpu.memory_space<vmem>> -> memref<1x128xi32, #tpu.memory_space<vmem>>
      %dma_wait3A_190 = tpu.memref_squeeze %dma_wait3A_189 : memref<1x128xi32, #tpu.memory_space<vmem>> -> memref<128xi32, #tpu.memory_space<vmem>>
      %dma_wait3A_191 = arith.constant 0 : i32
      %dma_wait3A_192 = tpu.memref_slice %arg7[%dma_wait3A_191] : memref<857088xi32, #tpu.memory_space<hbm>> -> memref<857088xi32, #tpu.memory_space<hbm>>
      tpu.wait_indirect_dma semaphore(%arg16 : memref<!tpu.dma_semaphore, #tpu.memory_space<semaphore_mem>>) src(%dma_wait3A_192 : memref<857088xi32, #tpu.memory_space<hbm>>) dst(%dma_wait3A_187 : memref<128xi32, #tpu.memory_space<vmem>>)
      %scan3A_193 = arith.constant 0 : i32
      %scan3A_194 = arith.constant 8 : i32
      %scan3A_195 = arith.addi %scan3A_193, %scan3A_194 : i32
      %scan3A_196 = arith.constant 1 : i32
      scf.for %scan3A_199 = %scan3A_193 to %scan3A_195 step %scan3A_196  : i32 {
        %mul3A_200 = arith.constant 16 : i32
        %mul3A_201 = arith.muli %scan3A_199, %mul3A_200 : i32
        %add3A_202 = arith.constant 0 : i32
        %add3A_203 = arith.addi %add3A_202, %mul3A_201 : i32
        %get3A = arith.constant 0 : i32
        %get3A_204 = arith.index_cast %get3A : i32 to index
        %get3A_205 = arith.index_cast %add3A_203 : i32 to index
        %get3A_206 = tpu.vector_load %arg13[%get3A_204, %get3A_205] {strides = array<i32>} : memref<1x128xi32, #tpu.memory_space<vmem>>, vector<1x16xi32>,
        %get3A_207 = vector.shape_cast %get3A_206 : vector<1x16xi32> to vector<16xi32>
        %get3A_208 = arith.constant 0 : i32
        %get3A_209 = arith.index_cast %get3A_208 : i32 to index
        %get3A_210 = arith.index_cast %add3A_203 : i32 to index
        %get3A_211 = tpu.vector_load %arg14[%get3A_209, %get3A_210] {strides = array<i32>} : memref<1x128xi32, #tpu.memory_space<vmem>>, vector<1x16xi32>,
        %get3A_212 = vector.shape_cast %get3A_211 : vector<1x16xi32> to vector<16xi32>
        %max3A = arith.maxsi %get3A_207, %get3A_212 : vector<16xi32>
        %swap3A = arith.constant 0 : i32
        %swap3A_213 = arith.index_cast %swap3A : i32 to index
        %swap3A_214 = arith.index_cast %add3A_203 : i32 to index
        %swap3A_215 = tpu.vector_load %arg13[%swap3A_213, %swap3A_214] {strides = array<i32>} : memref<1x128xi32, #tpu.memory_space<vmem>>, vector<1x16xi32>,
        %swap3A_216 = vector.shape_cast %swap3A_215 : vector<1x16xi32> to vector<16xi32>
        %swap3A_217 = vector.shape_cast %max3A : vector<16xi32> to vector<1x16xi32>
        tpu.vector_store %arg13[%swap3A_213, %swap3A_214], %swap3A_217 {strides = array<i32>} : memref<1x128xi32, #tpu.memory_space<vmem>>, vector<1x16xi32>,
      }
      %scan3A_197 = arith.constant 8 : i32
      %run_scoped3A = arith.constant 0 : i32
      "tpu.region"() ({
        %run_scoped3A_199 = tpu.sem_alloc : memref<!tpu.dma_semaphore, #tpu.memory_space<semaphore_mem>>
        %dma_start3A_200 = arith.constant 0 : i32
        %dma_start3A_201 = tpu.memref_slice %arg13[%run_scoped3A, %dma_start3A_200] : memref<1x128xi32, #tpu.memory_space<vmem>> -> memref<1x128xi32, #tpu.memory_space<vmem>>
        %dma_start3A_202 = tpu.memref_squeeze %dma_start3A_201 : memref<1x128xi32, #tpu.memory_space<vmem>> -> memref<128xi32, #tpu.memory_space<vmem>>
        %dma_start3A_203 = arith.constant 0 : i32
        %dma_start3A_204 = arith.constant 0 : i32
        %dma_start3A_205 = tpu.memref_slice %arg2[%dma_start3A_203, %dma_start3A_204] : memref<40000x128xf32, #tpu.memory_space<hbm>> -> memref<40000x128xf32, #tpu.memory_space<hbm>>
        tpu.enqueue_indirect_dma source(%dma_start3A_205 : memref<40000x128xf32, #tpu.memory_space<hbm>>) target(%arg15 : memref<128x128xf32, #tpu.memory_space<vmem>>) offsets(%dma_start3A_202 : memref<128xi32, #tpu.memory_space<vmem>>) semaphore(%run_scoped3A_199 : memref<!tpu.dma_semaphore, #tpu.memory_space<semaphore_mem>>)
        %dma_wait3A_206 = arith.constant 0 : i32
        %dma_wait3A_207 = tpu.memref_slice %arg13[%run_scoped3A, %dma_wait3A_206] : memref<1x128xi32, #tpu.memory_space<vmem>> -> memref<1x128xi32, #tpu.memory_space<vmem>>
        %dma_wait3A_208 = tpu.memref_squeeze %dma_wait3A_207 : memref<1x128xi32, #tpu.memory_space<vmem>> -> memref<128xi32, #tpu.memory_space<vmem>>
        %dma_wait3A_209 = arith.constant 0 : i32
        %dma_wait3A_210 = arith.constant 0 : i32
        %dma_wait3A_211 = tpu.memref_slice %arg2[%dma_wait3A_209, %dma_wait3A_210] : memref<40000x128xf32, #tpu.memory_space<hbm>> -> memref<40000x128xf32, #tpu.memory_space<hbm>>
        tpu.wait_indirect_dma semaphore(%run_scoped3A_199 : memref<!tpu.dma_semaphore, #tpu.memory_space<semaphore_mem>>) src(%dma_wait3A_211 : memref<40000x128xf32, #tpu.memory_space<hbm>>) dst(%arg15 : memref<128x128xf32, #tpu.memory_space<vmem>>)
        tpu.yield
      }) : () -> ()
      %run_scoped3A_198 = arith.constant 0 : i32
      "tpu.region"() ({
        %run_scoped3A_199 = tpu.sem_alloc : memref<!tpu.dma_semaphore, #tpu.memory_space<semaphore_mem>>
        %dma_start3A_200 = arith.constant 0 : i32
        %dma_start3A_201 = tpu.memref_slice %arg12[%run_scoped3A_198, %dma_start3A_200] : memref<1x128xi32, #tpu.memory_space<vmem>> -> memref<1x128xi32, #tpu.memory_space<vmem>>
        %dma_start3A_202 = tpu.memref_squeeze %dma_start3A_201 : memref<1x128xi32, #tpu.memory_space<vmem>> -> memref<128xi32, #tpu.memory_space<vmem>>
        %dma_start3A_203 = arith.constant 0 : i32
        %dma_start3A_204 = arith.constant 0 : i32
        %dma_start3A_205 = tpu.memref_slice %arg8[%dma_start3A_203, %dma_start3A_204] : memref<857088x128xf32, #tpu.memory_space<hbm>> -> memref<857088x128xf32, #tpu.memory_space<hbm>>
        tpu.enqueue_indirect_dma source(%arg15 : memref<128x128xf32, #tpu.memory_space<vmem>>) target(%dma_start3A_205 : memref<857088x128xf32, #tpu.memory_space<hbm>>) offsets(%dma_start3A_202 : memref<128xi32, #tpu.memory_space<vmem>>) semaphore(%run_scoped3A_199 : memref<!tpu.dma_semaphore, #tpu.memory_space<semaphore_mem>>)
        %dma_wait3A_206 = arith.constant 0 : i32
        %dma_wait3A_207 = tpu.memref_slice %arg12[%run_scoped3A_198, %dma_wait3A_206] : memref<1x128xi32, #tpu.memory_space<vmem>> -> memref<1x128xi32, #tpu.memory_space<vmem>>
        %dma_wait3A_208 = tpu.memref_squeeze %dma_wait3A_207 : memref<1x128xi32, #tpu.memory_space<vmem>> -> memref<128xi32, #tpu.memory_space<vmem>>
        %dma_wait3A_209 = arith.constant 0 : i32
        %dma_wait3A_210 = arith.constant 0 : i32
        %dma_wait3A_211 = tpu.memref_slice %arg8[%dma_wait3A_209, %dma_wait3A_210] : memref<857088x128xf32, #tpu.memory_space<hbm>> -> memref<857088x128xf32, #tpu.memory_space<hbm>>
        tpu.wait_indirect_dma semaphore(%run_scoped3A_199 : memref<!tpu.dma_semaphore, #tpu.memory_space<semaphore_mem>>) src(%arg15 : memref<128x128xf32, #tpu.memory_space<vmem>>) dst(%dma_wait3A_211 : memref<857088x128xf32, #tpu.memory_space<hbm>>)
        tpu.yield
      }) : () -> ()
    } else {
    }
    return
  }
}

module attributes {stable_mosaic.version = 14 : i64} {
  func.func @_tc_body(%arg0: i32, %arg1: i32, %arg2: memref<1x6912x128xf32, #tpu.memory_space<vmem>>, %arg3: memref<1x1x6912xi32, #tpu.memory_space<vmem>>, %arg4: memref<1x1x6912xi32, #tpu.memory_space<vmem>>, %arg5: memref<1x64x16x432xf32, #tpu.memory_space<vmem>>) attributes {dimension_semantics = [#tpu.dimension_semantics<arbitrary>, #tpu.dimension_semantics<arbitrary>], iteration_bounds = array<i64: 4, 31>, scalar_prefetch = 0 : i64, scratch_operands = 0 : i64, tpu.core_type = #tpu.core_type<tc>, window_params = [{transform_indices = @transform_0, window_bounds = array<i64: 1, 6912, 128>}, {transform_indices = @transform_1, window_bounds = array<i64: 1, 1, 6912>}, {transform_indices = @transform_2, window_bounds = array<i64: 1, 1, 6912>}, {transform_indices = @transform_3, window_bounds = array<i64: 1, 64, 16, 432>}]} {
    %iota3A = tpu.iota {dimensions = array<i32: 0>} : vector<64x128xi32>
    %iota3A_0 = tpu.iota {dimensions = array<i32: 1>} : vector<64x128xi32>
    %eq3A = arith.cmpi eq, %iota3A, %iota3A_0 : vector<64x128xi32>
    %convert_element_type3A = arith.extui %eq3A : vector<64x128xi1> to vector<64x128xi32>
    %convert_element_type3A_1 = arith.sitofp %convert_element_type3A : vector<64x128xi32> to vector<64x128xf32>
    %convert_element_type3A_2 = arith.truncf %convert_element_type3A_1 : vector<64x128xf32> to vector<64x128xbf16>
    %get3A = arith.constant 0 : index
    %get3A_3 = arith.constant 0 : index
    %get3A_4 = arith.constant 0 : index
    %get3A_5 = vector.load %arg2[%get3A, %get3A_3, %get3A_4] : memref<1x6912x128xf32, #tpu.memory_space<vmem>>, vector<1x432x128xf32>
    %get3A_6 = vector.shape_cast %get3A_5 : vector<1x432x128xf32> to vector<432x128xf32>
    %convert_element_type3A_7 = arith.truncf %get3A_6 : vector<432x128xf32> to vector<432x128xbf16>
    %dot_general3A = arith.constant dense<0.000000e+00> : vector<64x432xf32>
    %dot_general3A_8 = tpu.matmul %convert_element_type3A_2, %convert_element_type3A_7, %dot_general3A {dimension_numbers = #tpu.dot_dimension_numbers<[1], [1], [0], [0], [0, 0, 1, 0], [], []>, transpose_lhs_hint = false} : vector<64x128xbf16>, vector<432x128xbf16>, vector<64x432xf32> -> vector<64x432xf32>
    %get3A_9 = arith.constant 0 : index
    %get3A_10 = arith.constant 0 : index
    %get3A_11 = arith.constant 0 : index
    %get3A_12 = vector.load %arg3[%get3A_9, %get3A_10, %get3A_11] : memref<1x1x6912xi32, #tpu.memory_space<vmem>>, vector<1x1x432xi32>
    %get3A_13 = vector.shape_cast %get3A_12 : vector<1x1x432xi32> to vector<1x432xi32>
    %ge3A = arith.constant 0 : i32
    %ge3A_14 = vector.broadcast %ge3A : i32 to vector<1x432xi32>
    %ge3A_15 = arith.cmpi sge, %get3A_13, %ge3A_14 : vector<1x432xi32>
    %get3A_16 = arith.constant 0 : index
    %get3A_17 = arith.constant 0 : index
    %get3A_18 = arith.constant 0 : index
    %get3A_19 = vector.load %arg4[%get3A_16, %get3A_17, %get3A_18] : memref<1x1x6912xi32, #tpu.memory_space<vmem>>, vector<1x1x432xi32>
    %get3A_20 = vector.shape_cast %get3A_19 : vector<1x1x432xi32> to vector<1x432xi32>
    %ge3A_21 = arith.constant 0 : i32
    %ge3A_22 = vector.broadcast %ge3A_21 : i32 to vector<1x432xi32>
    %ge3A_23 = arith.cmpi sge, %get3A_20, %ge3A_22 : vector<1x432xi32>
    %or3A = arith.ori %ge3A_15, %ge3A_23 : vector<1x432xi1>
    %jit3A = arith.constant 0.000000e+00 : f32
    %broadcast_in_dim3A = vector.shape_cast %or3A : vector<1x432xi1> to vector<1x432xi1>
    %broadcast_in_dim3A_24 = vector.broadcast %broadcast_in_dim3A : vector<1x432xi1> to vector<64x432xi1>
    %broadcast_in_dim3A_25 = vector.broadcast %jit3A : f32 to vector<64x432xf32>
    %select_n3A = arith.select %broadcast_in_dim3A_24, %dot_general3A_8, %broadcast_in_dim3A_25 : vector<64x432xi1>, vector<64x432xf32>
    %swap3A = arith.constant 0 : index
    %swap3A_26 = arith.constant 0 : index
    %swap3A_27 = arith.constant 0 : index
    %swap3A_28 = arith.constant 0 : index
    %swap3A_29 = vector.load %arg5[%swap3A, %swap3A_26, %swap3A_27, %swap3A_28] : memref<1x64x16x432xf32, #tpu.memory_space<vmem>>, vector<1x64x1x432xf32>
    %swap3A_30 = vector.shape_cast %swap3A_29 : vector<1x64x1x432xf32> to vector<64x432xf32>
    %swap3A_31 = vector.shape_cast %select_n3A : vector<64x432xf32> to vector<1x64x1x432xf32>
    tpu.vector_store %arg5[%swap3A, %swap3A_26, %swap3A_27, %swap3A_28], %swap3A_31 {strides = array<i32>} : memref<1x64x16x432xf32, #tpu.memory_space<vmem>>, vector<1x64x1x432xf32>,
    %get3A_32 = arith.constant 0 : index
    %get3A_33 = arith.constant 432 : index
    %get3A_34 = arith.constant 0 : index
    %get3A_35 = vector.load %arg2[%get3A_32, %get3A_33, %get3A_34] : memref<1x6912x128xf32, #tpu.memory_space<vmem>>, vector<1x432x128xf32>
    %get3A_36 = vector.shape_cast %get3A_35 : vector<1x432x128xf32> to vector<432x128xf32>
    %convert_element_type3A_37 = arith.truncf %get3A_36 : vector<432x128xf32> to vector<432x128xbf16>
    %dot_general3A_38 = arith.constant dense<0.000000e+00> : vector<64x432xf32>
    %dot_general3A_39 = tpu.matmul %convert_element_type3A_2, %convert_element_type3A_37, %dot_general3A_38 {dimension_numbers = #tpu.dot_dimension_numbers<[1], [1], [0], [0], [0, 0, 1, 0], [], []>, transpose_lhs_hint = false} : vector<64x128xbf16>, vector<432x128xbf16>, vector<64x432xf32> -> vector<64x432xf32>
    %get3A_40 = arith.constant 0 : index
    %get3A_41 = arith.constant 0 : index
    %get3A_42 = arith.constant 432 : index
    %get3A_43 = vector.load %arg3[%get3A_40, %get3A_41, %get3A_42] : memref<1x1x6912xi32, #tpu.memory_space<vmem>>, vector<1x1x432xi32>
    %get3A_44 = vector.shape_cast %get3A_43 : vector<1x1x432xi32> to vector<1x432xi32>
    %ge3A_45 = arith.constant 0 : i32
    %ge3A_46 = vector.broadcast %ge3A_45 : i32 to vector<1x432xi32>
    %ge3A_47 = arith.cmpi sge, %get3A_44, %ge3A_46 : vector<1x432xi32>
    %get3A_48 = arith.constant 0 : index
    %get3A_49 = arith.constant 0 : index
    %get3A_50 = arith.constant 432 : index
    %get3A_51 = vector.load %arg4[%get3A_48, %get3A_49, %get3A_50] : memref<1x1x6912xi32, #tpu.memory_space<vmem>>, vector<1x1x432xi32>
    %get3A_52 = vector.shape_cast %get3A_51 : vector<1x1x432xi32> to vector<1x432xi32>
    %ge3A_53 = arith.constant 0 : i32
    %ge3A_54 = vector.broadcast %ge3A_53 : i32 to vector<1x432xi32>
    %ge3A_55 = arith.cmpi sge, %get3A_52, %ge3A_54 : vector<1x432xi32>
    %or3A_56 = arith.ori %ge3A_47, %ge3A_55 : vector<1x432xi1>
    %jit3A_57 = arith.constant 0.000000e+00 : f32
    %broadcast_in_dim3A_58 = vector.shape_cast %or3A_56 : vector<1x432xi1> to vector<1x432xi1>
    %broadcast_in_dim3A_59 = vector.broadcast %broadcast_in_dim3A_58 : vector<1x432xi1> to vector<64x432xi1>
    %broadcast_in_dim3A_60 = vector.broadcast %jit3A_57 : f32 to vector<64x432xf32>
    %select_n3A_61 = arith.select %broadcast_in_dim3A_59, %dot_general3A_39, %broadcast_in_dim3A_60 : vector<64x432xi1>, vector<64x432xf32>
    %swap3A_62 = arith.constant 0 : index
    %swap3A_63 = arith.constant 0 : index
    %swap3A_64 = arith.constant 1 : index
    %swap3A_65 = arith.constant 0 : index
    %swap3A_66 = vector.load %arg5[%swap3A_62, %swap3A_63, %swap3A_64, %swap3A_65] : memref<1x64x16x432xf32, #tpu.memory_space<vmem>>, vector<1x64x1x432xf32>
    %swap3A_67 = vector.shape_cast %swap3A_66 : vector<1x64x1x432xf32> to vector<64x432xf32>
    %swap3A_68 = vector.shape_cast %select_n3A_61 : vector<64x432xf32> to vector<1x64x1x432xf32>
    tpu.vector_store %arg5[%swap3A_62, %swap3A_63, %swap3A_64, %swap3A_65], %swap3A_68 {strides = array<i32>} : memref<1x64x16x432xf32, #tpu.memory_space<vmem>>, vector<1x64x1x432xf32>,
    %get3A_69 = arith.constant 0 : index
    %get3A_70 = arith.constant 864 : index
    %get3A_71 = arith.constant 0 : index
    %get3A_72 = vector.load %arg2[%get3A_69, %get3A_70, %get3A_71] : memref<1x6912x128xf32, #tpu.memory_space<vmem>>, vector<1x432x128xf32>
    %get3A_73 = vector.shape_cast %get3A_72 : vector<1x432x128xf32> to vector<432x128xf32>
    %convert_element_type3A_74 = arith.truncf %get3A_73 : vector<432x128xf32> to vector<432x128xbf16>
    %dot_general3A_75 = arith.constant dense<0.000000e+00> : vector<64x432xf32>
    %dot_general3A_76 = tpu.matmul %convert_element_type3A_2, %convert_element_type3A_74, %dot_general3A_75 {dimension_numbers = #tpu.dot_dimension_numbers<[1], [1], [0], [0], [0, 0, 1, 0], [], []>, transpose_lhs_hint = false} : vector<64x128xbf16>, vector<432x128xbf16>, vector<64x432xf32> -> vector<64x432xf32>
    %get3A_77 = arith.constant 0 : index
    %get3A_78 = arith.constant 0 : index
    %get3A_79 = arith.constant 864 : index
    %get3A_80 = vector.load %arg3[%get3A_77, %get3A_78, %get3A_79] : memref<1x1x6912xi32, #tpu.memory_space<vmem>>, vector<1x1x432xi32>
    %get3A_81 = vector.shape_cast %get3A_80 : vector<1x1x432xi32> to vector<1x432xi32>
    %ge3A_82 = arith.constant 0 : i32
    %ge3A_83 = vector.broadcast %ge3A_82 : i32 to vector<1x432xi32>
    %ge3A_84 = arith.cmpi sge, %get3A_81, %ge3A_83 : vector<1x432xi32>
    %get3A_85 = arith.constant 0 : index
    %get3A_86 = arith.constant 0 : index
    %get3A_87 = arith.constant 864 : index
    %get3A_88 = vector.load %arg4[%get3A_85, %get3A_86, %get3A_87] : memref<1x1x6912xi32, #tpu.memory_space<vmem>>, vector<1x1x432xi32>
    %get3A_89 = vector.shape_cast %get3A_88 : vector<1x1x432xi32> to vector<1x432xi32>
    %ge3A_90 = arith.constant 0 : i32
    %ge3A_91 = vector.broadcast %ge3A_90 : i32 to vector<1x432xi32>
    %ge3A_92 = arith.cmpi sge, %get3A_89, %ge3A_91 : vector<1x432xi32>
    %or3A_93 = arith.ori %ge3A_84, %ge3A_92 : vector<1x432xi1>
    %jit3A_94 = arith.constant 0.000000e+00 : f32
    %broadcast_in_dim3A_95 = vector.shape_cast %or3A_93 : vector<1x432xi1> to vector<1x432xi1>
    %broadcast_in_dim3A_96 = vector.broadcast %broadcast_in_dim3A_95 : vector<1x432xi1> to vector<64x432xi1>
    %broadcast_in_dim3A_97 = vector.broadcast %jit3A_94 : f32 to vector<64x432xf32>
    %select_n3A_98 = arith.select %broadcast_in_dim3A_96, %dot_general3A_76, %broadcast_in_dim3A_97 : vector<64x432xi1>, vector<64x432xf32>
    %swap3A_99 = arith.constant 0 : index
    %swap3A_100 = arith.constant 0 : index
    %swap3A_101 = arith.constant 2 : index
    %swap3A_102 = arith.constant 0 : index
    %swap3A_103 = vector.load %arg5[%swap3A_99, %swap3A_100, %swap3A_101, %swap3A_102] : memref<1x64x16x432xf32, #tpu.memory_space<vmem>>, vector<1x64x1x432xf32>
    %swap3A_104 = vector.shape_cast %swap3A_103 : vector<1x64x1x432xf32> to vector<64x432xf32>
    %swap3A_105 = vector.shape_cast %select_n3A_98 : vector<64x432xf32> to vector<1x64x1x432xf32>
    tpu.vector_store %arg5[%swap3A_99, %swap3A_100, %swap3A_101, %swap3A_102], %swap3A_105 {strides = array<i32>} : memref<1x64x16x432xf32, #tpu.memory_space<vmem>>, vector<1x64x1x432xf32>,
    %get3A_106 = arith.constant 0 : index
    %get3A_107 = arith.constant 1296 : index
    %get3A_108 = arith.constant 0 : index
    %get3A_109 = vector.load %arg2[%get3A_106, %get3A_107, %get3A_108] : memref<1x6912x128xf32, #tpu.memory_space<vmem>>, vector<1x432x128xf32>
    %get3A_110 = vector.shape_cast %get3A_109 : vector<1x432x128xf32> to vector<432x128xf32>
    %convert_element_type3A_111 = arith.truncf %get3A_110 : vector<432x128xf32> to vector<432x128xbf16>
    %dot_general3A_112 = arith.constant dense<0.000000e+00> : vector<64x432xf32>
    %dot_general3A_113 = tpu.matmul %convert_element_type3A_2, %convert_element_type3A_111, %dot_general3A_112 {dimension_numbers = #tpu.dot_dimension_numbers<[1], [1], [0], [0], [0, 0, 1, 0], [], []>, transpose_lhs_hint = false} : vector<64x128xbf16>, vector<432x128xbf16>, vector<64x432xf32> -> vector<64x432xf32>
    %get3A_114 = arith.constant 0 : index
    %get3A_115 = arith.constant 0 : index
    %get3A_116 = arith.constant 1296 : index
    %get3A_117 = vector.load %arg3[%get3A_114, %get3A_115, %get3A_116] : memref<1x1x6912xi32, #tpu.memory_space<vmem>>, vector<1x1x432xi32>
    %get3A_118 = vector.shape_cast %get3A_117 : vector<1x1x432xi32> to vector<1x432xi32>
    %ge3A_119 = arith.constant 0 : i32
    %ge3A_120 = vector.broadcast %ge3A_119 : i32 to vector<1x432xi32>
    %ge3A_121 = arith.cmpi sge, %get3A_118, %ge3A_120 : vector<1x432xi32>
    %get3A_122 = arith.constant 0 : index
    %get3A_123 = arith.constant 0 : index
    %get3A_124 = arith.constant 1296 : index
    %get3A_125 = vector.load %arg4[%get3A_122, %get3A_123, %get3A_124] : memref<1x1x6912xi32, #tpu.memory_space<vmem>>, vector<1x1x432xi32>
    %get3A_126 = vector.shape_cast %get3A_125 : vector<1x1x432xi32> to vector<1x432xi32>
    %ge3A_127 = arith.constant 0 : i32
    %ge3A_128 = vector.broadcast %ge3A_127 : i32 to vector<1x432xi32>
    %ge3A_129 = arith.cmpi sge, %get3A_126, %ge3A_128 : vector<1x432xi32>
    %or3A_130 = arith.ori %ge3A_121, %ge3A_129 : vector<1x432xi1>
    %jit3A_131 = arith.constant 0.000000e+00 : f32
    %broadcast_in_dim3A_132 = vector.shape_cast %or3A_130 : vector<1x432xi1> to vector<1x432xi1>
    %broadcast_in_dim3A_133 = vector.broadcast %broadcast_in_dim3A_132 : vector<1x432xi1> to vector<64x432xi1>
    %broadcast_in_dim3A_134 = vector.broadcast %jit3A_131 : f32 to vector<64x432xf32>
    %select_n3A_135 = arith.select %broadcast_in_dim3A_133, %dot_general3A_113, %broadcast_in_dim3A_134 : vector<64x432xi1>, vector<64x432xf32>
    %swap3A_136 = arith.constant 0 : index
    %swap3A_137 = arith.constant 0 : index
    %swap3A_138 = arith.constant 3 : index
    %swap3A_139 = arith.constant 0 : index
    %swap3A_140 = vector.load %arg5[%swap3A_136, %swap3A_137, %swap3A_138, %swap3A_139] : memref<1x64x16x432xf32, #tpu.memory_space<vmem>>, vector<1x64x1x432xf32>
    %swap3A_141 = vector.shape_cast %swap3A_140 : vector<1x64x1x432xf32> to vector<64x432xf32>
    %swap3A_142 = vector.shape_cast %select_n3A_135 : vector<64x432xf32> to vector<1x64x1x432xf32>
    tpu.vector_store %arg5[%swap3A_136, %swap3A_137, %swap3A_138, %swap3A_139], %swap3A_142 {strides = array<i32>} : memref<1x64x16x432xf32, #tpu.memory_space<vmem>>, vector<1x64x1x432xf32>,
    %get3A_143 = arith.constant 0 : index
    %get3A_144 = arith.constant 1728 : index
    %get3A_145 = arith.constant 0 : index
    %get3A_146 = vector.load %arg2[%get3A_143, %get3A_144, %get3A_145] : memref<1x6912x128xf32, #tpu.memory_space<vmem>>, vector<1x432x128xf32>
    %get3A_147 = vector.shape_cast %get3A_146 : vector<1x432x128xf32> to vector<432x128xf32>
    %convert_element_type3A_148 = arith.truncf %get3A_147 : vector<432x128xf32> to vector<432x128xbf16>
    %dot_general3A_149 = arith.constant dense<0.000000e+00> : vector<64x432xf32>
    %dot_general3A_150 = tpu.matmul %convert_element_type3A_2, %convert_element_type3A_148, %dot_general3A_149 {dimension_numbers = #tpu.dot_dimension_numbers<[1], [1], [0], [0], [0, 0, 1, 0], [], []>, transpose_lhs_hint = false} : vector<64x128xbf16>, vector<432x128xbf16>, vector<64x432xf32> -> vector<64x432xf32>
    %get3A_151 = arith.constant 0 : index
    %get3A_152 = arith.constant 0 : index
    %get3A_153 = arith.constant 1728 : index
    %get3A_154 = vector.load %arg3[%get3A_151, %get3A_152, %get3A_153] : memref<1x1x6912xi32, #tpu.memory_space<vmem>>, vector<1x1x432xi32>
    %get3A_155 = vector.shape_cast %get3A_154 : vector<1x1x432xi32> to vector<1x432xi32>
    %ge3A_156 = arith.constant 0 : i32
    %ge3A_157 = vector.broadcast %ge3A_156 : i32 to vector<1x432xi32>
    %ge3A_158 = arith.cmpi sge, %get3A_155, %ge3A_157 : vector<1x432xi32>
    %get3A_159 = arith.constant 0 : index
    %get3A_160 = arith.constant 0 : index
    %get3A_161 = arith.constant 1728 : index
    %get3A_162 = vector.load %arg4[%get3A_159, %get3A_160, %get3A_161] : memref<1x1x6912xi32, #tpu.memory_space<vmem>>, vector<1x1x432xi32>
    %get3A_163 = vector.shape_cast %get3A_162 : vector<1x1x432xi32> to vector<1x432xi32>
    %ge3A_164 = arith.constant 0 : i32
    %ge3A_165 = vector.broadcast %ge3A_164 : i32 to vector<1x432xi32>
    %ge3A_166 = arith.cmpi sge, %get3A_163, %ge3A_165 : vector<1x432xi32>
    %or3A_167 = arith.ori %ge3A_158, %ge3A_166 : vector<1x432xi1>
    %jit3A_168 = arith.constant 0.000000e+00 : f32
    %broadcast_in_dim3A_169 = vector.shape_cast %or3A_167 : vector<1x432xi1> to vector<1x432xi1>
    %broadcast_in_dim3A_170 = vector.broadcast %broadcast_in_dim3A_169 : vector<1x432xi1> to vector<64x432xi1>
    %broadcast_in_dim3A_171 = vector.broadcast %jit3A_168 : f32 to vector<64x432xf32>
    %select_n3A_172 = arith.select %broadcast_in_dim3A_170, %dot_general3A_150, %broadcast_in_dim3A_171 : vector<64x432xi1>, vector<64x432xf32>
    %swap3A_173 = arith.constant 0 : index
    %swap3A_174 = arith.constant 0 : index
    %swap3A_175 = arith.constant 4 : index
    %swap3A_176 = arith.constant 0 : index
    %swap3A_177 = vector.load %arg5[%swap3A_173, %swap3A_174, %swap3A_175, %swap3A_176] : memref<1x64x16x432xf32, #tpu.memory_space<vmem>>, vector<1x64x1x432xf32>
    %swap3A_178 = vector.shape_cast %swap3A_177 : vector<1x64x1x432xf32> to vector<64x432xf32>
    %swap3A_179 = vector.shape_cast %select_n3A_172 : vector<64x432xf32> to vector<1x64x1x432xf32>
    tpu.vector_store %arg5[%swap3A_173, %swap3A_174, %swap3A_175, %swap3A_176], %swap3A_179 {strides = array<i32>} : memref<1x64x16x432xf32, #tpu.memory_space<vmem>>, vector<1x64x1x432xf32>,
    %get3A_180 = arith.constant 0 : index
    %get3A_181 = arith.constant 2160 : index
    %get3A_182 = arith.constant 0 : index
    %get3A_183 = vector.load %arg2[%get3A_180, %get3A_181, %get3A_182] : memref<1x6912x128xf32, #tpu.memory_space<vmem>>, vector<1x432x128xf32>
    %get3A_184 = vector.shape_cast %get3A_183 : vector<1x432x128xf32> to vector<432x128xf32>
    %convert_element_type3A_185 = arith.truncf %get3A_184 : vector<432x128xf32> to vector<432x128xbf16>
    %dot_general3A_186 = arith.constant dense<0.000000e+00> : vector<64x432xf32>
    %dot_general3A_187 = tpu.matmul %convert_element_type3A_2, %convert_element_type3A_185, %dot_general3A_186 {dimension_numbers = #tpu.dot_dimension_numbers<[1], [1], [0], [0], [0, 0, 1, 0], [], []>, transpose_lhs_hint = false} : vector<64x128xbf16>, vector<432x128xbf16>, vector<64x432xf32> -> vector<64x432xf32>
    %get3A_188 = arith.constant 0 : index
    %get3A_189 = arith.constant 0 : index
    %get3A_190 = arith.constant 2160 : index
    %get3A_191 = vector.load %arg3[%get3A_188, %get3A_189, %get3A_190] : memref<1x1x6912xi32, #tpu.memory_space<vmem>>, vector<1x1x432xi32>
    %get3A_192 = vector.shape_cast %get3A_191 : vector<1x1x432xi32> to vector<1x432xi32>
    %ge3A_193 = arith.constant 0 : i32
    %ge3A_194 = vector.broadcast %ge3A_193 : i32 to vector<1x432xi32>
    %ge3A_195 = arith.cmpi sge, %get3A_192, %ge3A_194 : vector<1x432xi32>
    %get3A_196 = arith.constant 0 : index
    %get3A_197 = arith.constant 0 : index
    %get3A_198 = arith.constant 2160 : index
    %get3A_199 = vector.load %arg4[%get3A_196, %get3A_197, %get3A_198] : memref<1x1x6912xi32, #tpu.memory_space<vmem>>, vector<1x1x432xi32>
    %get3A_200 = vector.shape_cast %get3A_199 : vector<1x1x432xi32> to vector<1x432xi32>
    %ge3A_201 = arith.constant 0 : i32
    %ge3A_202 = vector.broadcast %ge3A_201 : i32 to vector<1x432xi32>
    %ge3A_203 = arith.cmpi sge, %get3A_200, %ge3A_202 : vector<1x432xi32>
    %or3A_204 = arith.ori %ge3A_195, %ge3A_203 : vector<1x432xi1>
    %jit3A_205 = arith.constant 0.000000e+00 : f32
    %broadcast_in_dim3A_206 = vector.shape_cast %or3A_204 : vector<1x432xi1> to vector<1x432xi1>
    %broadcast_in_dim3A_207 = vector.broadcast %broadcast_in_dim3A_206 : vector<1x432xi1> to vector<64x432xi1>
    %broadcast_in_dim3A_208 = vector.broadcast %jit3A_205 : f32 to vector<64x432xf32>
    %select_n3A_209 = arith.select %broadcast_in_dim3A_207, %dot_general3A_187, %broadcast_in_dim3A_208 : vector<64x432xi1>, vector<64x432xf32>
    %swap3A_210 = arith.constant 0 : index
    %swap3A_211 = arith.constant 0 : index
    %swap3A_212 = arith.constant 5 : index
    %swap3A_213 = arith.constant 0 : index
    %swap3A_214 = vector.load %arg5[%swap3A_210, %swap3A_211, %swap3A_212, %swap3A_213] : memref<1x64x16x432xf32, #tpu.memory_space<vmem>>, vector<1x64x1x432xf32>
    %swap3A_215 = vector.shape_cast %swap3A_214 : vector<1x64x1x432xf32> to vector<64x432xf32>
    %swap3A_216 = vector.shape_cast %select_n3A_209 : vector<64x432xf32> to vector<1x64x1x432xf32>
    tpu.vector_store %arg5[%swap3A_210, %swap3A_211, %swap3A_212, %swap3A_213], %swap3A_216 {strides = array<i32>} : memref<1x64x16x432xf32, #tpu.memory_space<vmem>>, vector<1x64x1x432xf32>,
    %get3A_217 = arith.constant 0 : index
    %get3A_218 = arith.constant 2592 : index
    %get3A_219 = arith.constant 0 : index
    %get3A_220 = vector.load %arg2[%get3A_217, %get3A_218, %get3A_219] : memref<1x6912x128xf32, #tpu.memory_space<vmem>>, vector<1x432x128xf32>
    %get3A_221 = vector.shape_cast %get3A_220 : vector<1x432x128xf32> to vector<432x128xf32>
    %convert_element_type3A_222 = arith.truncf %get3A_221 : vector<432x128xf32> to vector<432x128xbf16>
    %dot_general3A_223 = arith.constant dense<0.000000e+00> : vector<64x432xf32>
    %dot_general3A_224 = tpu.matmul %convert_element_type3A_2, %convert_element_type3A_222, %dot_general3A_223 {dimension_numbers = #tpu.dot_dimension_numbers<[1], [1], [0], [0], [0, 0, 1, 0], [], []>, transpose_lhs_hint = false} : vector<64x128xbf16>, vector<432x128xbf16>, vector<64x432xf32> -> vector<64x432xf32>
    %get3A_225 = arith.constant 0 : index
    %get3A_226 = arith.constant 0 : index
    %get3A_227 = arith.constant 2592 : index
    %get3A_228 = vector.load %arg3[%get3A_225, %get3A_226, %get3A_227] : memref<1x1x6912xi32, #tpu.memory_space<vmem>>, vector<1x1x432xi32>
    %get3A_229 = vector.shape_cast %get3A_228 : vector<1x1x432xi32> to vector<1x432xi32>
    %ge3A_230 = arith.constant 0 : i32
    %ge3A_231 = vector.broadcast %ge3A_230 : i32 to vector<1x432xi32>
    %ge3A_232 = arith.cmpi sge, %get3A_229, %ge3A_231 : vector<1x432xi32>
    %get3A_233 = arith.constant 0 : index
    %get3A_234 = arith.constant 0 : index
    %get3A_235 = arith.constant 2592 : index
    %get3A_236 = vector.load %arg4[%get3A_233, %get3A_234, %get3A_235] : memref<1x1x6912xi32, #tpu.memory_space<vmem>>, vector<1x1x432xi32>
    %get3A_237 = vector.shape_cast %get3A_236 : vector<1x1x432xi32> to vector<1x432xi32>
    %ge3A_238 = arith.constant 0 : i32
    %ge3A_239 = vector.broadcast %ge3A_238 : i32 to vector<1x432xi32>
    %ge3A_240 = arith.cmpi sge, %get3A_237, %ge3A_239 : vector<1x432xi32>
    %or3A_241 = arith.ori %ge3A_232, %ge3A_240 : vector<1x432xi1>
    %jit3A_242 = arith.constant 0.000000e+00 : f32
    %broadcast_in_dim3A_243 = vector.shape_cast %or3A_241 : vector<1x432xi1> to vector<1x432xi1>
    %broadcast_in_dim3A_244 = vector.broadcast %broadcast_in_dim3A_243 : vector<1x432xi1> to vector<64x432xi1>
    %broadcast_in_dim3A_245 = vector.broadcast %jit3A_242 : f32 to vector<64x432xf32>
    %select_n3A_246 = arith.select %broadcast_in_dim3A_244, %dot_general3A_224, %broadcast_in_dim3A_245 : vector<64x432xi1>, vector<64x432xf32>
    %swap3A_247 = arith.constant 0 : index
    %swap3A_248 = arith.constant 0 : index
    %swap3A_249 = arith.constant 6 : index
    %swap3A_250 = arith.constant 0 : index
    %swap3A_251 = vector.load %arg5[%swap3A_247, %swap3A_248, %swap3A_249, %swap3A_250] : memref<1x64x16x432xf32, #tpu.memory_space<vmem>>, vector<1x64x1x432xf32>
    %swap3A_252 = vector.shape_cast %swap3A_251 : vector<1x64x1x432xf32> to vector<64x432xf32>
    %swap3A_253 = vector.shape_cast %select_n3A_246 : vector<64x432xf32> to vector<1x64x1x432xf32>
    tpu.vector_store %arg5[%swap3A_247, %swap3A_248, %swap3A_249, %swap3A_250], %swap3A_253 {strides = array<i32>} : memref<1x64x16x432xf32, #tpu.memory_space<vmem>>, vector<1x64x1x432xf32>,
    %get3A_254 = arith.constant 0 : index
    %get3A_255 = arith.constant 3024 : index
    %get3A_256 = arith.constant 0 : index
    %get3A_257 = vector.load %arg2[%get3A_254, %get3A_255, %get3A_256] : memref<1x6912x128xf32, #tpu.memory_space<vmem>>, vector<1x432x128xf32>
    %get3A_258 = vector.shape_cast %get3A_257 : vector<1x432x128xf32> to vector<432x128xf32>
    %convert_element_type3A_259 = arith.truncf %get3A_258 : vector<432x128xf32> to vector<432x128xbf16>
    %dot_general3A_260 = arith.constant dense<0.000000e+00> : vector<64x432xf32>
    %dot_general3A_261 = tpu.matmul %convert_element_type3A_2, %convert_element_type3A_259, %dot_general3A_260 {dimension_numbers = #tpu.dot_dimension_numbers<[1], [1], [0], [0], [0, 0, 1, 0], [], []>, transpose_lhs_hint = false} : vector<64x128xbf16>, vector<432x128xbf16>, vector<64x432xf32> -> vector<64x432xf32>
    %get3A_262 = arith.constant 0 : index
    %get3A_263 = arith.constant 0 : index
    %get3A_264 = arith.constant 3024 : index
    %get3A_265 = vector.load %arg3[%get3A_262, %get3A_263, %get3A_264] : memref<1x1x6912xi32, #tpu.memory_space<vmem>>, vector<1x1x432xi32>
    %get3A_266 = vector.shape_cast %get3A_265 : vector<1x1x432xi32> to vector<1x432xi32>
    %ge3A_267 = arith.constant 0 : i32
    %ge3A_268 = vector.broadcast %ge3A_267 : i32 to vector<1x432xi32>
    %ge3A_269 = arith.cmpi sge, %get3A_266, %ge3A_268 : vector<1x432xi32>
    %get3A_270 = arith.constant 0 : index
    %get3A_271 = arith.constant 0 : index
    %get3A_272 = arith.constant 3024 : index
    %get3A_273 = vector.load %arg4[%get3A_270, %get3A_271, %get3A_272] : memref<1x1x6912xi32, #tpu.memory_space<vmem>>, vector<1x1x432xi32>
    %get3A_274 = vector.shape_cast %get3A_273 : vector<1x1x432xi32> to vector<1x432xi32>
    %ge3A_275 = arith.constant 0 : i32
    %ge3A_276 = vector.broadcast %ge3A_275 : i32 to vector<1x432xi32>
    %ge3A_277 = arith.cmpi sge, %get3A_274, %ge3A_276 : vector<1x432xi32>
    %or3A_278 = arith.ori %ge3A_269, %ge3A_277 : vector<1x432xi1>
    %jit3A_279 = arith.constant 0.000000e+00 : f32
    %broadcast_in_dim3A_280 = vector.shape_cast %or3A_278 : vector<1x432xi1> to vector<1x432xi1>
    %broadcast_in_dim3A_281 = vector.broadcast %broadcast_in_dim3A_280 : vector<1x432xi1> to vector<64x432xi1>
    %broadcast_in_dim3A_282 = vector.broadcast %jit3A_279 : f32 to vector<64x432xf32>
    %select_n3A_283 = arith.select %broadcast_in_dim3A_281, %dot_general3A_261, %broadcast_in_dim3A_282 : vector<64x432xi1>, vector<64x432xf32>
    %swap3A_284 = arith.constant 0 : index
    %swap3A_285 = arith.constant 0 : index
    %swap3A_286 = arith.constant 7 : index
    %swap3A_287 = arith.constant 0 : index
    %swap3A_288 = vector.load %arg5[%swap3A_284, %swap3A_285, %swap3A_286, %swap3A_287] : memref<1x64x16x432xf32, #tpu.memory_space<vmem>>, vector<1x64x1x432xf32>
    %swap3A_289 = vector.shape_cast %swap3A_288 : vector<1x64x1x432xf32> to vector<64x432xf32>
    %swap3A_290 = vector.shape_cast %select_n3A_283 : vector<64x432xf32> to vector<1x64x1x432xf32>
    tpu.vector_store %arg5[%swap3A_284, %swap3A_285, %swap3A_286, %swap3A_287], %swap3A_290 {strides = array<i32>} : memref<1x64x16x432xf32, #tpu.memory_space<vmem>>, vector<1x64x1x432xf32>,
    %get3A_291 = arith.constant 0 : index
    %get3A_292 = arith.constant 3456 : index
    %get3A_293 = arith.constant 0 : index
    %get3A_294 = vector.load %arg2[%get3A_291, %get3A_292, %get3A_293] : memref<1x6912x128xf32, #tpu.memory_space<vmem>>, vector<1x432x128xf32>
    %get3A_295 = vector.shape_cast %get3A_294 : vector<1x432x128xf32> to vector<432x128xf32>
    %convert_element_type3A_296 = arith.truncf %get3A_295 : vector<432x128xf32> to vector<432x128xbf16>
    %dot_general3A_297 = arith.constant dense<0.000000e+00> : vector<64x432xf32>
    %dot_general3A_298 = tpu.matmul %convert_element_type3A_2, %convert_element_type3A_296, %dot_general3A_297 {dimension_numbers = #tpu.dot_dimension_numbers<[1], [1], [0], [0], [0, 0, 1, 0], [], []>, transpose_lhs_hint = false} : vector<64x128xbf16>, vector<432x128xbf16>, vector<64x432xf32> -> vector<64x432xf32>
    %get3A_299 = arith.constant 0 : index
    %get3A_300 = arith.constant 0 : index
    %get3A_301 = arith.constant 3456 : index
    %get3A_302 = vector.load %arg3[%get3A_299, %get3A_300, %get3A_301] : memref<1x1x6912xi32, #tpu.memory_space<vmem>>, vector<1x1x432xi32>
    %get3A_303 = vector.shape_cast %get3A_302 : vector<1x1x432xi32> to vector<1x432xi32>
    %ge3A_304 = arith.constant 0 : i32
    %ge3A_305 = vector.broadcast %ge3A_304 : i32 to vector<1x432xi32>
    %ge3A_306 = arith.cmpi sge, %get3A_303, %ge3A_305 : vector<1x432xi32>
    %get3A_307 = arith.constant 0 : index
    %get3A_308 = arith.constant 0 : index
    %get3A_309 = arith.constant 3456 : index
    %get3A_310 = vector.load %arg4[%get3A_307, %get3A_308, %get3A_309] : memref<1x1x6912xi32, #tpu.memory_space<vmem>>, vector<1x1x432xi32>
    %get3A_311 = vector.shape_cast %get3A_310 : vector<1x1x432xi32> to vector<1x432xi32>
    %ge3A_312 = arith.constant 0 : i32
    %ge3A_313 = vector.broadcast %ge3A_312 : i32 to vector<1x432xi32>
    %ge3A_314 = arith.cmpi sge, %get3A_311, %ge3A_313 : vector<1x432xi32>
    %or3A_315 = arith.ori %ge3A_306, %ge3A_314 : vector<1x432xi1>
    %jit3A_316 = arith.constant 0.000000e+00 : f32
    %broadcast_in_dim3A_317 = vector.shape_cast %or3A_315 : vector<1x432xi1> to vector<1x432xi1>
    %broadcast_in_dim3A_318 = vector.broadcast %broadcast_in_dim3A_317 : vector<1x432xi1> to vector<64x432xi1>
    %broadcast_in_dim3A_319 = vector.broadcast %jit3A_316 : f32 to vector<64x432xf32>
    %select_n3A_320 = arith.select %broadcast_in_dim3A_318, %dot_general3A_298, %broadcast_in_dim3A_319 : vector<64x432xi1>, vector<64x432xf32>
    %swap3A_321 = arith.constant 0 : index
    %swap3A_322 = arith.constant 0 : index
    %swap3A_323 = arith.constant 8 : index
    %swap3A_324 = arith.constant 0 : index
    %swap3A_325 = vector.load %arg5[%swap3A_321, %swap3A_322, %swap3A_323, %swap3A_324] : memref<1x64x16x432xf32, #tpu.memory_space<vmem>>, vector<1x64x1x432xf32>
    %swap3A_326 = vector.shape_cast %swap3A_325 : vector<1x64x1x432xf32> to vector<64x432xf32>
    %swap3A_327 = vector.shape_cast %select_n3A_320 : vector<64x432xf32> to vector<1x64x1x432xf32>
    tpu.vector_store %arg5[%swap3A_321, %swap3A_322, %swap3A_323, %swap3A_324], %swap3A_327 {strides = array<i32>} : memref<1x64x16x432xf32, #tpu.memory_space<vmem>>, vector<1x64x1x432xf32>,
    %get3A_328 = arith.constant 0 : index
    %get3A_329 = arith.constant 3888 : index
    %get3A_330 = arith.constant 0 : index
    %get3A_331 = vector.load %arg2[%get3A_328, %get3A_329, %get3A_330] : memref<1x6912x128xf32, #tpu.memory_space<vmem>>, vector<1x432x128xf32>
    %get3A_332 = vector.shape_cast %get3A_331 : vector<1x432x128xf32> to vector<432x128xf32>
    %convert_element_type3A_333 = arith.truncf %get3A_332 : vector<432x128xf32> to vector<432x128xbf16>
    %dot_general3A_334 = arith.constant dense<0.000000e+00> : vector<64x432xf32>
    %dot_general3A_335 = tpu.matmul %convert_element_type3A_2, %convert_element_type3A_333, %dot_general3A_334 {dimension_numbers = #tpu.dot_dimension_numbers<[1], [1], [0], [0], [0, 0, 1, 0], [], []>, transpose_lhs_hint = false} : vector<64x128xbf16>, vector<432x128xbf16>, vector<64x432xf32> -> vector<64x432xf32>
    %get3A_336 = arith.constant 0 : index
    %get3A_337 = arith.constant 0 : index
    %get3A_338 = arith.constant 3888 : index
    %get3A_339 = vector.load %arg3[%get3A_336, %get3A_337, %get3A_338] : memref<1x1x6912xi32, #tpu.memory_space<vmem>>, vector<1x1x432xi32>
    %get3A_340 = vector.shape_cast %get3A_339 : vector<1x1x432xi32> to vector<1x432xi32>
    %ge3A_341 = arith.constant 0 : i32
    %ge3A_342 = vector.broadcast %ge3A_341 : i32 to vector<1x432xi32>
    %ge3A_343 = arith.cmpi sge, %get3A_340, %ge3A_342 : vector<1x432xi32>
    %get3A_344 = arith.constant 0 : index
    %get3A_345 = arith.constant 0 : index
    %get3A_346 = arith.constant 3888 : index
    %get3A_347 = vector.load %arg4[%get3A_344, %get3A_345, %get3A_346] : memref<1x1x6912xi32, #tpu.memory_space<vmem>>, vector<1x1x432xi32>
    %get3A_348 = vector.shape_cast %get3A_347 : vector<1x1x432xi32> to vector<1x432xi32>
    %ge3A_349 = arith.constant 0 : i32
    %ge3A_350 = vector.broadcast %ge3A_349 : i32 to vector<1x432xi32>
    %ge3A_351 = arith.cmpi sge, %get3A_348, %ge3A_350 : vector<1x432xi32>
    %or3A_352 = arith.ori %ge3A_343, %ge3A_351 : vector<1x432xi1>
    %jit3A_353 = arith.constant 0.000000e+00 : f32
    %broadcast_in_dim3A_354 = vector.shape_cast %or3A_352 : vector<1x432xi1> to vector<1x432xi1>
    %broadcast_in_dim3A_355 = vector.broadcast %broadcast_in_dim3A_354 : vector<1x432xi1> to vector<64x432xi1>
    %broadcast_in_dim3A_356 = vector.broadcast %jit3A_353 : f32 to vector<64x432xf32>
    %select_n3A_357 = arith.select %broadcast_in_dim3A_355, %dot_general3A_335, %broadcast_in_dim3A_356 : vector<64x432xi1>, vector<64x432xf32>
    %swap3A_358 = arith.constant 0 : index
    %swap3A_359 = arith.constant 0 : index
    %swap3A_360 = arith.constant 9 : index
    %swap3A_361 = arith.constant 0 : index
    %swap3A_362 = vector.load %arg5[%swap3A_358, %swap3A_359, %swap3A_360, %swap3A_361] : memref<1x64x16x432xf32, #tpu.memory_space<vmem>>, vector<1x64x1x432xf32>
    %swap3A_363 = vector.shape_cast %swap3A_362 : vector<1x64x1x432xf32> to vector<64x432xf32>
    %swap3A_364 = vector.shape_cast %select_n3A_357 : vector<64x432xf32> to vector<1x64x1x432xf32>
    tpu.vector_store %arg5[%swap3A_358, %swap3A_359, %swap3A_360, %swap3A_361], %swap3A_364 {strides = array<i32>} : memref<1x64x16x432xf32, #tpu.memory_space<vmem>>, vector<1x64x1x432xf32>,
    %get3A_365 = arith.constant 0 : index
    %get3A_366 = arith.constant 4320 : index
    %get3A_367 = arith.constant 0 : index
    %get3A_368 = vector.load %arg2[%get3A_365, %get3A_366, %get3A_367] : memref<1x6912x128xf32, #tpu.memory_space<vmem>>, vector<1x432x128xf32>
    %get3A_369 = vector.shape_cast %get3A_368 : vector<1x432x128xf32> to vector<432x128xf32>
    %convert_element_type3A_370 = arith.truncf %get3A_369 : vector<432x128xf32> to vector<432x128xbf16>
    %dot_general3A_371 = arith.constant dense<0.000000e+00> : vector<64x432xf32>
    %dot_general3A_372 = tpu.matmul %convert_element_type3A_2, %convert_element_type3A_370, %dot_general3A_371 {dimension_numbers = #tpu.dot_dimension_numbers<[1], [1], [0], [0], [0, 0, 1, 0], [], []>, transpose_lhs_hint = false} : vector<64x128xbf16>, vector<432x128xbf16>, vector<64x432xf32> -> vector<64x432xf32>
    %get3A_373 = arith.constant 0 : index
    %get3A_374 = arith.constant 0 : index
    %get3A_375 = arith.constant 4320 : index
    %get3A_376 = vector.load %arg3[%get3A_373, %get3A_374, %get3A_375] : memref<1x1x6912xi32, #tpu.memory_space<vmem>>, vector<1x1x432xi32>
    %get3A_377 = vector.shape_cast %get3A_376 : vector<1x1x432xi32> to vector<1x432xi32>
    %ge3A_378 = arith.constant 0 : i32
    %ge3A_379 = vector.broadcast %ge3A_378 : i32 to vector<1x432xi32>
    %ge3A_380 = arith.cmpi sge, %get3A_377, %ge3A_379 : vector<1x432xi32>
    %get3A_381 = arith.constant 0 : index
    %get3A_382 = arith.constant 0 : index
    %get3A_383 = arith.constant 4320 : index
    %get3A_384 = vector.load %arg4[%get3A_381, %get3A_382, %get3A_383] : memref<1x1x6912xi32, #tpu.memory_space<vmem>>, vector<1x1x432xi32>
    %get3A_385 = vector.shape_cast %get3A_384 : vector<1x1x432xi32> to vector<1x432xi32>
    %ge3A_386 = arith.constant 0 : i32
    %ge3A_387 = vector.broadcast %ge3A_386 : i32 to vector<1x432xi32>
    %ge3A_388 = arith.cmpi sge, %get3A_385, %ge3A_387 : vector<1x432xi32>
    %or3A_389 = arith.ori %ge3A_380, %ge3A_388 : vector<1x432xi1>
    %jit3A_390 = arith.constant 0.000000e+00 : f32
    %broadcast_in_dim3A_391 = vector.shape_cast %or3A_389 : vector<1x432xi1> to vector<1x432xi1>
    %broadcast_in_dim3A_392 = vector.broadcast %broadcast_in_dim3A_391 : vector<1x432xi1> to vector<64x432xi1>
    %broadcast_in_dim3A_393 = vector.broadcast %jit3A_390 : f32 to vector<64x432xf32>
    %select_n3A_394 = arith.select %broadcast_in_dim3A_392, %dot_general3A_372, %broadcast_in_dim3A_393 : vector<64x432xi1>, vector<64x432xf32>
    %swap3A_395 = arith.constant 0 : index
    %swap3A_396 = arith.constant 0 : index
    %swap3A_397 = arith.constant 10 : index
    %swap3A_398 = arith.constant 0 : index
    %swap3A_399 = vector.load %arg5[%swap3A_395, %swap3A_396, %swap3A_397, %swap3A_398] : memref<1x64x16x432xf32, #tpu.memory_space<vmem>>, vector<1x64x1x432xf32>
    %swap3A_400 = vector.shape_cast %swap3A_399 : vector<1x64x1x432xf32> to vector<64x432xf32>
    %swap3A_401 = vector.shape_cast %select_n3A_394 : vector<64x432xf32> to vector<1x64x1x432xf32>
    tpu.vector_store %arg5[%swap3A_395, %swap3A_396, %swap3A_397, %swap3A_398], %swap3A_401 {strides = array<i32>} : memref<1x64x16x432xf32, #tpu.memory_space<vmem>>, vector<1x64x1x432xf32>,
    %get3A_402 = arith.constant 0 : index
    %get3A_403 = arith.constant 4752 : index
    %get3A_404 = arith.constant 0 : index
    %get3A_405 = vector.load %arg2[%get3A_402, %get3A_403, %get3A_404] : memref<1x6912x128xf32, #tpu.memory_space<vmem>>, vector<1x432x128xf32>
    %get3A_406 = vector.shape_cast %get3A_405 : vector<1x432x128xf32> to vector<432x128xf32>
    %convert_element_type3A_407 = arith.truncf %get3A_406 : vector<432x128xf32> to vector<432x128xbf16>
    %dot_general3A_408 = arith.constant dense<0.000000e+00> : vector<64x432xf32>
    %dot_general3A_409 = tpu.matmul %convert_element_type3A_2, %convert_element_type3A_407, %dot_general3A_408 {dimension_numbers = #tpu.dot_dimension_numbers<[1], [1], [0], [0], [0, 0, 1, 0], [], []>, transpose_lhs_hint = false} : vector<64x128xbf16>, vector<432x128xbf16>, vector<64x432xf32> -> vector<64x432xf32>
    %get3A_410 = arith.constant 0 : index
    %get3A_411 = arith.constant 0 : index
    %get3A_412 = arith.constant 4752 : index
    %get3A_413 = vector.load %arg3[%get3A_410, %get3A_411, %get3A_412] : memref<1x1x6912xi32, #tpu.memory_space<vmem>>, vector<1x1x432xi32>
    %get3A_414 = vector.shape_cast %get3A_413 : vector<1x1x432xi32> to vector<1x432xi32>
    %ge3A_415 = arith.constant 0 : i32
    %ge3A_416 = vector.broadcast %ge3A_415 : i32 to vector<1x432xi32>
    %ge3A_417 = arith.cmpi sge, %get3A_414, %ge3A_416 : vector<1x432xi32>
    %get3A_418 = arith.constant 0 : index
    %get3A_419 = arith.constant 0 : index
    %get3A_420 = arith.constant 4752 : index
    %get3A_421 = vector.load %arg4[%get3A_418, %get3A_419, %get3A_420] : memref<1x1x6912xi32, #tpu.memory_space<vmem>>, vector<1x1x432xi32>
    %get3A_422 = vector.shape_cast %get3A_421 : vector<1x1x432xi32> to vector<1x432xi32>
    %ge3A_423 = arith.constant 0 : i32
    %ge3A_424 = vector.broadcast %ge3A_423 : i32 to vector<1x432xi32>
    %ge3A_425 = arith.cmpi sge, %get3A_422, %ge3A_424 : vector<1x432xi32>
    %or3A_426 = arith.ori %ge3A_417, %ge3A_425 : vector<1x432xi1>
    %jit3A_427 = arith.constant 0.000000e+00 : f32
    %broadcast_in_dim3A_428 = vector.shape_cast %or3A_426 : vector<1x432xi1> to vector<1x432xi1>
    %broadcast_in_dim3A_429 = vector.broadcast %broadcast_in_dim3A_428 : vector<1x432xi1> to vector<64x432xi1>
    %broadcast_in_dim3A_430 = vector.broadcast %jit3A_427 : f32 to vector<64x432xf32>
    %select_n3A_431 = arith.select %broadcast_in_dim3A_429, %dot_general3A_409, %broadcast_in_dim3A_430 : vector<64x432xi1>, vector<64x432xf32>
    %swap3A_432 = arith.constant 0 : index
    %swap3A_433 = arith.constant 0 : index
    %swap3A_434 = arith.constant 11 : index
    %swap3A_435 = arith.constant 0 : index
    %swap3A_436 = vector.load %arg5[%swap3A_432, %swap3A_433, %swap3A_434, %swap3A_435] : memref<1x64x16x432xf32, #tpu.memory_space<vmem>>, vector<1x64x1x432xf32>
    %swap3A_437 = vector.shape_cast %swap3A_436 : vector<1x64x1x432xf32> to vector<64x432xf32>
    %swap3A_438 = vector.shape_cast %select_n3A_431 : vector<64x432xf32> to vector<1x64x1x432xf32>
    tpu.vector_store %arg5[%swap3A_432, %swap3A_433, %swap3A_434, %swap3A_435], %swap3A_438 {strides = array<i32>} : memref<1x64x16x432xf32, #tpu.memory_space<vmem>>, vector<1x64x1x432xf32>,
    %get3A_439 = arith.constant 0 : index
    %get3A_440 = arith.constant 5184 : index
    %get3A_441 = arith.constant 0 : index
    %get3A_442 = vector.load %arg2[%get3A_439, %get3A_440, %get3A_441] : memref<1x6912x128xf32, #tpu.memory_space<vmem>>, vector<1x432x128xf32>
    %get3A_443 = vector.shape_cast %get3A_442 : vector<1x432x128xf32> to vector<432x128xf32>
    %convert_element_type3A_444 = arith.truncf %get3A_443 : vector<432x128xf32> to vector<432x128xbf16>
    %dot_general3A_445 = arith.constant dense<0.000000e+00> : vector<64x432xf32>
    %dot_general3A_446 = tpu.matmul %convert_element_type3A_2, %convert_element_type3A_444, %dot_general3A_445 {dimension_numbers = #tpu.dot_dimension_numbers<[1], [1], [0], [0], [0, 0, 1, 0], [], []>, transpose_lhs_hint = false} : vector<64x128xbf16>, vector<432x128xbf16>, vector<64x432xf32> -> vector<64x432xf32>
    %get3A_447 = arith.constant 0 : index
    %get3A_448 = arith.constant 0 : index
    %get3A_449 = arith.constant 5184 : index
    %get3A_450 = vector.load %arg3[%get3A_447, %get3A_448, %get3A_449] : memref<1x1x6912xi32, #tpu.memory_space<vmem>>, vector<1x1x432xi32>
    %get3A_451 = vector.shape_cast %get3A_450 : vector<1x1x432xi32> to vector<1x432xi32>
    %ge3A_452 = arith.constant 0 : i32
    %ge3A_453 = vector.broadcast %ge3A_452 : i32 to vector<1x432xi32>
    %ge3A_454 = arith.cmpi sge, %get3A_451, %ge3A_453 : vector<1x432xi32>
    %get3A_455 = arith.constant 0 : index
    %get3A_456 = arith.constant 0 : index
    %get3A_457 = arith.constant 5184 : index
    %get3A_458 = vector.load %arg4[%get3A_455, %get3A_456, %get3A_457] : memref<1x1x6912xi32, #tpu.memory_space<vmem>>, vector<1x1x432xi32>
    %get3A_459 = vector.shape_cast %get3A_458 : vector<1x1x432xi32> to vector<1x432xi32>
    %ge3A_460 = arith.constant 0 : i32
    %ge3A_461 = vector.broadcast %ge3A_460 : i32 to vector<1x432xi32>
    %ge3A_462 = arith.cmpi sge, %get3A_459, %ge3A_461 : vector<1x432xi32>
    %or3A_463 = arith.ori %ge3A_454, %ge3A_462 : vector<1x432xi1>
    %jit3A_464 = arith.constant 0.000000e+00 : f32
    %broadcast_in_dim3A_465 = vector.shape_cast %or3A_463 : vector<1x432xi1> to vector<1x432xi1>
    %broadcast_in_dim3A_466 = vector.broadcast %broadcast_in_dim3A_465 : vector<1x432xi1> to vector<64x432xi1>
    %broadcast_in_dim3A_467 = vector.broadcast %jit3A_464 : f32 to vector<64x432xf32>
    %select_n3A_468 = arith.select %broadcast_in_dim3A_466, %dot_general3A_446, %broadcast_in_dim3A_467 : vector<64x432xi1>, vector<64x432xf32>
    %swap3A_469 = arith.constant 0 : index
    %swap3A_470 = arith.constant 0 : index
    %swap3A_471 = arith.constant 12 : index
    %swap3A_472 = arith.constant 0 : index
    %swap3A_473 = vector.load %arg5[%swap3A_469, %swap3A_470, %swap3A_471, %swap3A_472] : memref<1x64x16x432xf32, #tpu.memory_space<vmem>>, vector<1x64x1x432xf32>
    %swap3A_474 = vector.shape_cast %swap3A_473 : vector<1x64x1x432xf32> to vector<64x432xf32>
    %swap3A_475 = vector.shape_cast %select_n3A_468 : vector<64x432xf32> to vector<1x64x1x432xf32>
    tpu.vector_store %arg5[%swap3A_469, %swap3A_470, %swap3A_471, %swap3A_472], %swap3A_475 {strides = array<i32>} : memref<1x64x16x432xf32, #tpu.memory_space<vmem>>, vector<1x64x1x432xf32>,
    %get3A_476 = arith.constant 0 : index
    %get3A_477 = arith.constant 5616 : index
    %get3A_478 = arith.constant 0 : index
    %get3A_479 = vector.load %arg2[%get3A_476, %get3A_477, %get3A_478] : memref<1x6912x128xf32, #tpu.memory_space<vmem>>, vector<1x432x128xf32>
    %get3A_480 = vector.shape_cast %get3A_479 : vector<1x432x128xf32> to vector<432x128xf32>
    %convert_element_type3A_481 = arith.truncf %get3A_480 : vector<432x128xf32> to vector<432x128xbf16>
    %dot_general3A_482 = arith.constant dense<0.000000e+00> : vector<64x432xf32>
    %dot_general3A_483 = tpu.matmul %convert_element_type3A_2, %convert_element_type3A_481, %dot_general3A_482 {dimension_numbers = #tpu.dot_dimension_numbers<[1], [1], [0], [0], [0, 0, 1, 0], [], []>, transpose_lhs_hint = false} : vector<64x128xbf16>, vector<432x128xbf16>, vector<64x432xf32> -> vector<64x432xf32>
    %get3A_484 = arith.constant 0 : index
    %get3A_485 = arith.constant 0 : index
    %get3A_486 = arith.constant 5616 : index
    %get3A_487 = vector.load %arg3[%get3A_484, %get3A_485, %get3A_486] : memref<1x1x6912xi32, #tpu.memory_space<vmem>>, vector<1x1x432xi32>
    %get3A_488 = vector.shape_cast %get3A_487 : vector<1x1x432xi32> to vector<1x432xi32>
    %ge3A_489 = arith.constant 0 : i32
    %ge3A_490 = vector.broadcast %ge3A_489 : i32 to vector<1x432xi32>
    %ge3A_491 = arith.cmpi sge, %get3A_488, %ge3A_490 : vector<1x432xi32>
    %get3A_492 = arith.constant 0 : index
    %get3A_493 = arith.constant 0 : index
    %get3A_494 = arith.constant 5616 : index
    %get3A_495 = vector.load %arg4[%get3A_492, %get3A_493, %get3A_494] : memref<1x1x6912xi32, #tpu.memory_space<vmem>>, vector<1x1x432xi32>
    %get3A_496 = vector.shape_cast %get3A_495 : vector<1x1x432xi32> to vector<1x432xi32>
    %ge3A_497 = arith.constant 0 : i32
    %ge3A_498 = vector.broadcast %ge3A_497 : i32 to vector<1x432xi32>
    %ge3A_499 = arith.cmpi sge, %get3A_496, %ge3A_498 : vector<1x432xi32>
    %or3A_500 = arith.ori %ge3A_491, %ge3A_499 : vector<1x432xi1>
    %jit3A_501 = arith.constant 0.000000e+00 : f32
    %broadcast_in_dim3A_502 = vector.shape_cast %or3A_500 : vector<1x432xi1> to vector<1x432xi1>
    %broadcast_in_dim3A_503 = vector.broadcast %broadcast_in_dim3A_502 : vector<1x432xi1> to vector<64x432xi1>
    %broadcast_in_dim3A_504 = vector.broadcast %jit3A_501 : f32 to vector<64x432xf32>
    %select_n3A_505 = arith.select %broadcast_in_dim3A_503, %dot_general3A_483, %broadcast_in_dim3A_504 : vector<64x432xi1>, vector<64x432xf32>
    %swap3A_506 = arith.constant 0 : index
    %swap3A_507 = arith.constant 0 : index
    %swap3A_508 = arith.constant 13 : index
    %swap3A_509 = arith.constant 0 : index
    %swap3A_510 = vector.load %arg5[%swap3A_506, %swap3A_507, %swap3A_508, %swap3A_509] : memref<1x64x16x432xf32, #tpu.memory_space<vmem>>, vector<1x64x1x432xf32>
    %swap3A_511 = vector.shape_cast %swap3A_510 : vector<1x64x1x432xf32> to vector<64x432xf32>
    %swap3A_512 = vector.shape_cast %select_n3A_505 : vector<64x432xf32> to vector<1x64x1x432xf32>
    tpu.vector_store %arg5[%swap3A_506, %swap3A_507, %swap3A_508, %swap3A_509], %swap3A_512 {strides = array<i32>} : memref<1x64x16x432xf32, #tpu.memory_space<vmem>>, vector<1x64x1x432xf32>,
    %get3A_513 = arith.constant 0 : index
    %get3A_514 = arith.constant 6048 : index
    %get3A_515 = arith.constant 0 : index
    %get3A_516 = vector.load %arg2[%get3A_513, %get3A_514, %get3A_515] : memref<1x6912x128xf32, #tpu.memory_space<vmem>>, vector<1x432x128xf32>
    %get3A_517 = vector.shape_cast %get3A_516 : vector<1x432x128xf32> to vector<432x128xf32>
    %convert_element_type3A_518 = arith.truncf %get3A_517 : vector<432x128xf32> to vector<432x128xbf16>
    %dot_general3A_519 = arith.constant dense<0.000000e+00> : vector<64x432xf32>
    %dot_general3A_520 = tpu.matmul %convert_element_type3A_2, %convert_element_type3A_518, %dot_general3A_519 {dimension_numbers = #tpu.dot_dimension_numbers<[1], [1], [0], [0], [0, 0, 1, 0], [], []>, transpose_lhs_hint = false} : vector<64x128xbf16>, vector<432x128xbf16>, vector<64x432xf32> -> vector<64x432xf32>
    %get3A_521 = arith.constant 0 : index
    %get3A_522 = arith.constant 0 : index
    %get3A_523 = arith.constant 6048 : index
    %get3A_524 = vector.load %arg3[%get3A_521, %get3A_522, %get3A_523] : memref<1x1x6912xi32, #tpu.memory_space<vmem>>, vector<1x1x432xi32>
    %get3A_525 = vector.shape_cast %get3A_524 : vector<1x1x432xi32> to vector<1x432xi32>
    %ge3A_526 = arith.constant 0 : i32
    %ge3A_527 = vector.broadcast %ge3A_526 : i32 to vector<1x432xi32>
    %ge3A_528 = arith.cmpi sge, %get3A_525, %ge3A_527 : vector<1x432xi32>
    %get3A_529 = arith.constant 0 : index
    %get3A_530 = arith.constant 0 : index
    %get3A_531 = arith.constant 6048 : index
    %get3A_532 = vector.load %arg4[%get3A_529, %get3A_530, %get3A_531] : memref<1x1x6912xi32, #tpu.memory_space<vmem>>, vector<1x1x432xi32>
    %get3A_533 = vector.shape_cast %get3A_532 : vector<1x1x432xi32> to vector<1x432xi32>
    %ge3A_534 = arith.constant 0 : i32
    %ge3A_535 = vector.broadcast %ge3A_534 : i32 to vector<1x432xi32>
    %ge3A_536 = arith.cmpi sge, %get3A_533, %ge3A_535 : vector<1x432xi32>
    %or3A_537 = arith.ori %ge3A_528, %ge3A_536 : vector<1x432xi1>
    %jit3A_538 = arith.constant 0.000000e+00 : f32
    %broadcast_in_dim3A_539 = vector.shape_cast %or3A_537 : vector<1x432xi1> to vector<1x432xi1>
    %broadcast_in_dim3A_540 = vector.broadcast %broadcast_in_dim3A_539 : vector<1x432xi1> to vector<64x432xi1>
    %broadcast_in_dim3A_541 = vector.broadcast %jit3A_538 : f32 to vector<64x432xf32>
    %select_n3A_542 = arith.select %broadcast_in_dim3A_540, %dot_general3A_520, %broadcast_in_dim3A_541 : vector<64x432xi1>, vector<64x432xf32>
    %swap3A_543 = arith.constant 0 : index
    %swap3A_544 = arith.constant 0 : index
    %swap3A_545 = arith.constant 14 : index
    %swap3A_546 = arith.constant 0 : index
    %swap3A_547 = vector.load %arg5[%swap3A_543, %swap3A_544, %swap3A_545, %swap3A_546] : memref<1x64x16x432xf32, #tpu.memory_space<vmem>>, vector<1x64x1x432xf32>
    %swap3A_548 = vector.shape_cast %swap3A_547 : vector<1x64x1x432xf32> to vector<64x432xf32>
    %swap3A_549 = vector.shape_cast %select_n3A_542 : vector<64x432xf32> to vector<1x64x1x432xf32>
    tpu.vector_store %arg5[%swap3A_543, %swap3A_544, %swap3A_545, %swap3A_546], %swap3A_549 {strides = array<i32>} : memref<1x64x16x432xf32, #tpu.memory_space<vmem>>, vector<1x64x1x432xf32>,
    %get3A_550 = arith.constant 0 : index
    %get3A_551 = arith.constant 6480 : index
    %get3A_552 = arith.constant 0 : index
    %get3A_553 = vector.load %arg2[%get3A_550, %get3A_551, %get3A_552] : memref<1x6912x128xf32, #tpu.memory_space<vmem>>, vector<1x432x128xf32>
    %get3A_554 = vector.shape_cast %get3A_553 : vector<1x432x128xf32> to vector<432x128xf32>
    %convert_element_type3A_555 = arith.truncf %get3A_554 : vector<432x128xf32> to vector<432x128xbf16>
    %dot_general3A_556 = arith.constant dense<0.000000e+00> : vector<64x432xf32>
    %dot_general3A_557 = tpu.matmul %convert_element_type3A_2, %convert_element_type3A_555, %dot_general3A_556 {dimension_numbers = #tpu.dot_dimension_numbers<[1], [1], [0], [0], [0, 0, 1, 0], [], []>, transpose_lhs_hint = false} : vector<64x128xbf16>, vector<432x128xbf16>, vector<64x432xf32> -> vector<64x432xf32>
    %get3A_558 = arith.constant 0 : index
    %get3A_559 = arith.constant 0 : index
    %get3A_560 = arith.constant 6480 : index
    %get3A_561 = vector.load %arg3[%get3A_558, %get3A_559, %get3A_560] : memref<1x1x6912xi32, #tpu.memory_space<vmem>>, vector<1x1x432xi32>
    %get3A_562 = vector.shape_cast %get3A_561 : vector<1x1x432xi32> to vector<1x432xi32>
    %ge3A_563 = arith.constant 0 : i32
    %ge3A_564 = vector.broadcast %ge3A_563 : i32 to vector<1x432xi32>
    %ge3A_565 = arith.cmpi sge, %get3A_562, %ge3A_564 : vector<1x432xi32>
    %get3A_566 = arith.constant 0 : index
    %get3A_567 = arith.constant 0 : index
    %get3A_568 = arith.constant 6480 : index
    %get3A_569 = vector.load %arg4[%get3A_566, %get3A_567, %get3A_568] : memref<1x1x6912xi32, #tpu.memory_space<vmem>>, vector<1x1x432xi32>
    %get3A_570 = vector.shape_cast %get3A_569 : vector<1x1x432xi32> to vector<1x432xi32>
    %ge3A_571 = arith.constant 0 : i32
    %ge3A_572 = vector.broadcast %ge3A_571 : i32 to vector<1x432xi32>
    %ge3A_573 = arith.cmpi sge, %get3A_570, %ge3A_572 : vector<1x432xi32>
    %or3A_574 = arith.ori %ge3A_565, %ge3A_573 : vector<1x432xi1>
    %jit3A_575 = arith.constant 0.000000e+00 : f32
    %broadcast_in_dim3A_576 = vector.shape_cast %or3A_574 : vector<1x432xi1> to vector<1x432xi1>
    %broadcast_in_dim3A_577 = vector.broadcast %broadcast_in_dim3A_576 : vector<1x432xi1> to vector<64x432xi1>
    %broadcast_in_dim3A_578 = vector.broadcast %jit3A_575 : f32 to vector<64x432xf32>
    %select_n3A_579 = arith.select %broadcast_in_dim3A_577, %dot_general3A_557, %broadcast_in_dim3A_578 : vector<64x432xi1>, vector<64x432xf32>
    %swap3A_580 = arith.constant 0 : index
    %swap3A_581 = arith.constant 0 : index
    %swap3A_582 = arith.constant 15 : index
    %swap3A_583 = arith.constant 0 : index
    %swap3A_584 = vector.load %arg5[%swap3A_580, %swap3A_581, %swap3A_582, %swap3A_583] : memref<1x64x16x432xf32, #tpu.memory_space<vmem>>, vector<1x64x1x432xf32>
    %swap3A_585 = vector.shape_cast %swap3A_584 : vector<1x64x1x432xf32> to vector<64x432xf32>
    %swap3A_586 = vector.shape_cast %select_n3A_579 : vector<64x432xf32> to vector<1x64x1x432xf32>
    tpu.vector_store %arg5[%swap3A_580, %swap3A_581, %swap3A_582, %swap3A_583], %swap3A_586 {strides = array<i32>} : memref<1x64x16x432xf32, #tpu.memory_space<vmem>>, vector<1x64x1x432xf32>,
    return
  }
  func.func @transform_0(%arg0: i32, %arg1: i32) -> (i32, i32, i32) {
    %c0_i32 = arith.constant 0 : i32
    %c0_i32_0 = arith.constant 0 : i32
    return %arg0, %arg1, %c0_i32 : i32, i32, i32
  }
  func.func @transform_1(%arg0: i32, %arg1: i32) -> (i32, i32, i32) {
    %mul3A = arith.constant 31 : i32
    %mul3A_0 = arith.muli %arg0, %mul3A : i32
    %add3A = arith.addi %mul3A_0, %arg1 : i32
    %c0_i32 = arith.constant 0 : i32
    %c0_i32_1 = arith.constant 0 : i32
    %c0_i32_2 = arith.constant 0 : i32
    return %add3A, %c0_i32, %c0_i32_1 : i32, i32, i32
  }
  func.func @transform_2(%arg0: i32, %arg1: i32) -> (i32, i32, i32) {
    %mul3A = arith.constant 31 : i32
    %mul3A_0 = arith.muli %arg0, %mul3A : i32
    %add3A = arith.addi %mul3A_0, %arg1 : i32
    %c0_i32 = arith.constant 0 : i32
    %c0_i32_1 = arith.constant 0 : i32
    %c0_i32_2 = arith.constant 0 : i32
    return %add3A, %c0_i32, %c0_i32_1 : i32, i32, i32
  }
  func.func @transform_3(%arg0: i32, %arg1: i32) -> (i32, i32, i32, i32) {
    %c0_i32 = arith.constant 0 : i32
    %c0_i32_0 = arith.constant 0 : i32
    %c0_i32_1 = arith.constant 0 : i32
    return %arg0, %c0_i32, %arg1, %c0_i32_0 : i32, i32, i32, i32
  }
}

</mosaic_0001>

<sc_bundles>
// kernel: kernel.5.cloned.1.call-start
scs
__scs_entry_jumppad:
0x0: {  	(pc) =	sbr.rel $0x88, $3  }
0x1: {  	(tag) =	ssettag $0x0;
	lr =	simm.s32 $0x1  }
0x2: {  	[smem:$0x3F9F] =	sst lr;
	_ =	strace $0xD0000000  }
0x3: {  	_ = 	snop  }
0x4: {  	_ = 	snop  }
0x5: {  	_ = 	snop  }
0x6: {  	_ = 	snop  }
0x7: {  	_ = 	snop  }
__scs_overlays_trampoline_lowered:
0x8: {  	[smem:$0x3FAE] =	sst s0  }
0x9: {  	[smem:$0x3FAF] =	sst s1  }
0xa: {  	[smem:$0x3FB0] =	sst s2  }
0xb: {  	[smem:$0x3FB1] =	sst s3  }
0xc: {  	[smem:$0x3FB2] =	sst s4  }
0xd: {  	[smem:$0x3FB3] =	sst s5  }
0xe: {  	[smem:$0x3FB4] =	sst s6  }
0xf: {  	[smem:$0x3FB5] =	sst s7  }
0x10: {  	[smem:$0x3FB6] =	sst s8  }
0x11: {  	[smem:$0x3FB7] =	sst s9;
	s0 =	simm.s32 @!p0 $0x0  }
0x12: {  	s1 =	sld [smem:$0x3F9D];
	s0 =	simm.s32 @p0 $0x1  }
0x13: {  	[smem:$0x3FB8] =	sst s0;
	s0 =	simm.s32 @!p1 $0x0  }
0x14: {  	s2 =	sld [smem:$0x3F9C];
	s0 =	simm.s32 @p1 $0x1  }
0x15: {  	[smem:$0x3FB9] =	sst s0;
	s0 =	simm.s32 @!p2 $0x0  }
0x16: {  	s3 =	sld [smem:$0x3FDB];
	s0 =	simm.s32 @p2 $0x1  }
0x17: {  	s4 =	simm.s32 $0x1BF5;
	[smem:$0x3FBB] =	sst s0  }
0x18: {  	s0 =	sld [smem:$0x3F9E];
	_ =	swait.ge [sflag:s4], $0x0  }
0x19: {  	s7 =	sld [smem:$0x3F9F]  }
0x1a: {  	s8 =	sadd.s32 $0xFFFFE003, lr  }
0x1b: {  	s9 =	sadd.s32 $0xFFFFFEF7, lr;
	s5 =	simm.s32 $0xFFFFFFFF;
	p2 =	slt.u32 s8, $0xFFFFF086  }
0x1c: {  	p1 =	slt.u32 s9, $0xF7A;
	s5 =	simm.s32 @!p2 $0x0  }
0x1d: {  	s5 =	simm.s32 @p1 $0x1;
	p0 =	seq.s32 s7, s2  }
0x1e: {  	s7 =	smul.u32 @!p0 $0xF7A, s2;
	p2 =	seq.s32 @!p0 s5, $0x0  }
0x1f: {  	s9 =	smul.u32 $0xF7A, s1;
	s8 =	simm.s32 @!p0 $0x1BF5;
	p2 =	por !p2, p0  }
0x20: {  	[sflag:s8] =	ssyncset.s32 @!p0 $0xFFFFF086;
	s6 =	sadd.s32 @!p0 s3, s7;
	s7 =	simm.s32 @!p0 $0x108  }
0x21: {  	s3 =	sadd.s32 s3, s9;
	s6 =	sadd.s32 @!p0 $0x88, s6;
	s7 =	simm.s32 @p2 $0x1082  }
0x22: {  	[simem:s7], [sflag:s8] =	dma.local @!p0 [hbm:s6], $0xF7A  }
0x23: {  	s9 =	sor.u32 $0xD0000000, s2;
	s6 =	simm.s32 $0x108;
	_ =	swait.ge @!p0 [sflag:s8], $0x0  }
0x24: {  	s3 =	sadd.s32 $0x88, s3;
	s6 =	simm.s32 @!p1 $0x1082;
	[sflag:s4] =	ssyncset.s32 $0xFFFFF086  }
0x25: {  	[simem:s6], [sflag:s4] =	dma.local [hbm:s3], $0xF7A  }
0x26: {  	[smem:$0x3F9F] =	sst s1;
	(tag) =	ssettag s2;
	_ =	strace s9  }
0x27: {  	s1 =	sld [smem:$0x3FAF]  }
0x28: {  	s2 =	sld [smem:$0x3FB0]  }
0x29: {  	s4 =	sld [smem:$0x3FB2]  }
0x2a: {  	p0 =	seq.s32 s5, $0x0;
	s5 =	sld [smem:$0x3FB3]  }
0x2b: {  	s6 =	sld [smem:$0x3FB4]  }
0x2c: {  	s7 =	sld [smem:$0x3FB5]  }
0x2d: {  	s3 =	simm.s32 $0x108;
	s8 =	sld [smem:$0x3FB6]  }
0x2e: {  	s3 =	simm.s32 @!p0 $0x1082;
	s9 =	sld [smem:$0x3FB7]  }
0x2f: {  	lr =	sadd.s32 s0, s3;
	s0 =	sld [smem:$0x3FAE]  }
0x30: {  	s3 =	sld [smem:$0x3FB1]  }
0x31: {  	[smem:$0x3FBA] =	sst s10  }
0x32: {  	s10 =	sld [smem:$0x3FB8];
	_ =	sdelay $0x3  }
0x33: {  	p0 =	seq.s32 s10, $0x1;
	s10 =	sld [smem:$0x3FBA];
	_ =	sdelay $0x3  }
0x34: {  	[smem:$0x3FBA] =	sst s10  }
0x35: {  	s10 =	sld [smem:$0x3FB9];
	_ =	sdelay $0x3  }
0x36: {  	p1 =	seq.s32 s10, $0x1;
	s10 =	sld [smem:$0x3FBA];
	_ =	sdelay $0x3  }
0x37: {  	[smem:$0x3FBA] =	sst s10  }
0x38: {  	s10 =	sld [smem:$0x3FBB]  }
0x39: {  	_ = 	snop;
	(pc) =	sbr.ind lr, $3  }
0x3a: {  	_ = 	snop  }
0x3b: {  	_ = 	snop  }
0x3c: {  	p2 =	seq.s32 s10, $0x1;
	s10 =	sld [smem:$0x3FBA]  }
0x3d: {  	_ =	shalt  }
0x3e: {  	_ =	shalt  }
0x3f: {  	_ =	shalt  }
0x40: {  	_ =	shalt  }
0x41: {  	_ =	shalt  }
0x42: {  	_ =	shalt  }
0x43: {  	_ =	shalt  }
0x44: {  	_ =	shalt  }
0x45: {  	_ =	shalt  }
0x46: {  	_ =	shalt  }
0x47: {  	_ =	shalt  }
0x48: {  	_ =	shalt  }
0x49: {  	_ =	shalt  }
0x4a: {  	_ =	shalt  }
0x4b: {  	_ =	shalt  }
0x4c: {  	_ =	shalt  }
0x4d: {  	_ =	shalt  }
0x4e: {  	_ =	shalt  }
0x4f: {  	_ =	shalt  }
0x50: {  	_ =	shalt  }
0x51: {  	_ =	shalt  }
0x52: {  	_ =	shalt  }
0x53: {  	_ =	shalt  }
0x54: {  	_ =	shalt  }
0x55: {  	_ =	shalt  }
0x56: {  	_ =	shalt  }
0x57: {  	_ =	shalt  }
0x58: {  	_ =	shalt  }
0x59: {  	_ =	shalt  }
0x5a: {  	_ =	shalt  }
0x5b: {  	_ =	shalt  }
0x5c: {  	_ =	shalt  }
0x5d: {  	_ =	shalt  }
0x5e: {  	_ =	shalt  }
0x5f: {  	_ =	shalt  }
0x60: {  	_ =	shalt  }
0x61: {  	_ =	shalt  }
0x62: {  	_ =	shalt  }
0x63: {  	_ =	shalt  }
0x64: {  	_ =	shalt  }
0x65: {  	_ =	shalt  }
0x66: {  	_ =	shalt  }
0x67: {  	_ =	shalt  }
0x68: {  	_ =	shalt  }
0x69: {  	_ =	shalt  }
0x6a: {  	_ =	shalt  }
0x6b: {  	_ =	shalt  }
0x6c: {  	_ =	shalt  }
0x6d: {  	_ =	shalt  }
0x6e: {  	_ =	shalt  }
0x6f: {  	_ =	shalt  }
0x70: {  	_ =	shalt  }
0x71: {  	_ =	shalt  }
0x72: {  	_ =	shalt  }
0x73: {  	_ =	shalt  }
0x74: {  	_ =	shalt  }
0x75: {  	_ =	shalt  }
0x76: {  	_ =	shalt  }
0x77: {  	_ =	shalt  }
0x78: {  	_ =	shalt  }
0x79: {  	_ =	shalt  }
0x7a: {  	_ =	shalt  }
0x7b: {  	_ =	shalt  }
0x7c: {  	_ =	shalt  }
0x7d: {  	_ =	shalt  }
0x7e: {  	_ =	shalt  }
0x7f: {  	_ =	shalt  }
0x80: {  	_ =	shalt  }
0x81: {  	_ =	shalt  }
0x82: {  	_ =	shalt  }
0x83: {  	_ =	shalt  }
0x84: {  	_ =	shalt  }
0x85: {  	_ =	shalt  }
0x86: {  	_ =	shalt  }
0x87: {  	_ =	shalt  }
.Lfunc_end0:
.L_simem_size_0:
called_computation_lowered:
.L_overlay_start_0:
0x88: {  	s2 =	sld [smem:$0x3FD9]  }
0x89: {  	s3 =	sld [smem:$0x3FFE];
	_ =	sdelay $0x1  }
0x8a: {  	s1 =	srdreg.scid  }
0x8b: {  	s0 =	sand.u32 $0x1, s1  }
0x8c: {  	s16 =	sshll.u32 s0, $0xA;
	s2 =	sadd.s32 s3, s2  }
0x8d: {  	s2 =	sadd.s32 s2, s16  }
0x8e: {  	[smem:$0x3FC6] =	sst s2  }
0x8f: {  	_ = 	snop  }
0x90: {  	(tm) =	ssettm $0x1  }
0x91: {  	s17 =	sld [smem:$0x3FFB];
	_ =	sdelay $0x3  }
0x92: {  	_ =	strace s17  }
0x93: {  	s2 =	sld [smem:$0x3FFC];
	_ =	sdelay $0x3  }
0x94: {  	_ =	strace s2  }
0x95: {  	s2 =	sld [smem:$0x3FFD];
	_ =	sdelay $0x3  }
0x96: {  	_ =	strace s2  }
0x97: {  	_ =	strace $0x8FFFFFFF  }
0x98: {  	s18 =	sld [smem:$0x3FDB];
	_ =	sdelay $0x1  }
0x99: {  	s19 =	simm.s32 $_scs_section_size  }
0x9a: {  	s4 =	simm.s32 $_size__tile_overlayer_lowered;
	s5 =	simm.s32 $_tile_overlayer_lowered  }
0x9b: {  	s22 =	simm.s32 $0x1BFF;
	s21 =	sshll.u32 s5, $0x1;
	s2 =	sadd.s32 s19, s18  }
0x9c: {  	s6 =	simm.s32 $0x0;
	s20 =	sshll.u32 s4, $0x1;
	s4 =	sadd.s32 s21, s2  }
0x9d: {  	[timem:s6], [sflag:s22] =	dma.local [hbm:s4], s20  }
0x9e: {  	_ =	swait.ge [sflag:s22], s20  }
0x9f: {  	s3 =	ssub.s32 $0x0, s20;
	[sflag:s22] =	ssyncset.done $0x0  }
0xa0: {  	[sflag:s22] =	ssyncadd.s32 s3;
	_ =	sdelay $0x1  }
0xa1: {  	s23 =	simm.s32 $0x1B8B  }
0xa2: {  	_ =	swait.ge [sflag:s23], $0x1  }
0xa3: {  	[sflag:s23] =	ssyncset.done $0x0  }
0xa4: {  	s25 =	simm.s32 $0x1B8E;
	s24 =	sld [smem:$0x3FFE];
	[sflag:s23] =	ssyncadd.s32 $0xFFFFFFFF  }
0xa5: {  	s26 =	simm.s32 $execute0_lowered;
	[smem:$0x3FD2] =	sst s25  }
0xa6: {  	s4 =	sshll.u32 s26, $0x1;
	_ =	strace $0x80000046;
	[dreg:$0x1] =	wrdreg $0xFFFFFFFF  }
0xa7: {  	s28 =	simm.s32 $_size_execute0_lowered;
	s2 =	sadd.s32 s2, s4;
	[dreg:$0x0] =	wrdreg $0x0  }
0xa8: {  	s4 =	sshll.u32 s28, $0x1;
	[dreg:$0x2] =	wrdreg s2  }
0xa9: {  	[dreg:$0x3] =	wrdreg s4  }
0xaa: {  	[dreg:$0x4] =	wrdreg $0xC0  }
0xab: {  	_ =	task [dreg:s6], $0x5FFFF  }
0xac: {  	[dreg:$0x1] =	wrdreg $0xFFFFFFFF  }
0xad: {  	[dreg:$0x0] =	wrdreg $0x60  }
0xae: {  	[dreg:$0x2] =	wrdreg s24  }
0xaf: {  	[dreg:$0x3] =	wrdreg $0x9  }
0xb0: {  	_ =	task.clear_ibuf [dreg:s6], $0x4FFFF;
	_ =	strace $0x90000046  }
0xb1: {  	s29 =	simm.s32 $0x9;
	_ =	strace $0x80000048  }
0xb2: {  	_ =	swait.ge [sflag:s29], $0x1  }
0xb3: {  	[sflag:s29] =	ssyncadd.s32 $0xFFFFFFFF  }
0xb4: {  	_ =	strace $0x90000048  }
0xb5: {  	_ =	sfence  }
0xb6: {  	s30 =	sld [smem:$0x0];
	_ =	sdelay $0x2  }
0xb7: {  	s31 =	sshll.u32 s1, $0xD;
	s1 =	sshrl.u32 s1, $0x2  }
0xb8: {  	s3 =	sand.u32 $0x4000, s31;
	s1 =	sadd.s32 s1, s30  }
0xb9: {  	s0 =	sor.u32 s3, s0;
	s1 =	sshll.u32 s1, $0x11  }
0xba: {  	s0 =	sor.u32 s1, s0  }
0xbb: {  	s0 =	sadd.s32 $0x8F2B, s0  }
0xbc: {  	[sflag:s0] =	ssyncadd.remote.s32 $0x1  }
0xbd: {  	_ =	sfence.sel $0xFFFF  }
0xbe: {  	[dreg:$0x0] =	wrdreg $0xFFFFFFFF;
	(pc) =	sbr.abs _section_cstart, $3  }
0xbf: {  	[dreg:$0x1] =	wrdreg $0xFFFFFFFF  }
0xc0: {  	_ =	task.clear_ibuf [dreg:s6], $0x2FFFF;
	_ =	strace $0x9FFFFFFF  }
0xc1: {  	(tm) =	ssettm $0x7FFFFFFF  }
tec
execute0_lowered:
.L_overlay_start_1:
0x0: {  	(tag) =	ssettag $0x1  }
0x1: {  	s7 =	rddreg [dreg:$0x0]  }
0x2: {  	s0 =	rddreg [dreg:$0x1];
	s1 =	simm.s32 $0x0  }
0x3: {  	s2 =	srdreg.scid;
	s11 =	simm.s32 $0x1E400;
	s13 =	simm.s32 $0x2  }
0x4: {  	s14 =	simm.s32 $0x0;
	[smem:$0x7FF] =	sst s1;
	s6 =	sand.u32 $0x1, s2  }
0x5: {  	s3 =	sadd.s32 $0x2C00, s7;
	s4 =	sadd.s32 $0x1800, s7;
	s2 =	stileid.u32  }
0x6: {  	s5 =	sadd.s32 $0x400, s7;
	_ =	strace $0x80000047;
	s8 =	ssub.s32 $0x2, s6  }
0x7: {  	s10 =	smul.u32 $0xD140, s2;
	p0 =	seq.s32 s6, $0x1;
	s9 =	sshrl.u32 s8, $0x1  }
0x8: {  	s6 =	smul.u32 $0x4E20, s6;
	s11 =	simm.s32 @!p0 $0x4000;
	s8 =	ssub.s32 s8, s9  }
0x9: {  	s31 =	sshrl.u32 s10, $0x3;
	s11 =	sadd.s32 s11, s7;
	s12 =	sadd.s32 $0xD140, s10  }
0xa: {  	v0 =	vmov s10;
	s9 =	simm.s32 $0xD180;
	s10 =	simm.s32 $0xD980;
	s7 =	smax.u32 s8, $0x1  }
0xb: {  	v2 =	vimm.s32 $0xFFFFFFFF;
	v3 =	vimm.f32 $0.0e+00;
	s8 =	sadd.s32 s11, s31;
	s11 =	simm.s32 $0xE180;
	v1 =	vmov s12;
	s12 =	simm.s32 $0x1  }
.LBB2_1:
0xc: {  	s15 =	simm.s32 $0x40;
	s16 =	simm.s32 $0x0  }
.LBB2_2:
0xd: {  	p0 =	sne.s32 s15, $0x344C0;
	[tilespmem:s16+$0x0] =	vst v2;
	s16 =	smov.u32 s15;
	s15 =	sadd.s32 $0x40, s15  }
.Ltmp0:
0xe: {  	(pc) =	sbr.rel @p0 .LBB2_2-.Ltmp0, $2  }
0xf: {  	_ =	sdelay $0x2  }
0x10: {  	s16 =	sshra.s32 s16, $0x2  }
0x11: {  	[tilespmem:s16+$0x0] =	vst v2;
	s15 =	simm.s32 $0x0;
	s16 =	smov.u32 s6;
	s17 =	simm.s32 $0x0  }
.LBB2_4:
0x12: {  	s18 =	smul.u32 $0x7D0, s17;
	_ =	sdelay $0x1  }
0x13: {  	s18 =	sadd.s32 s6, s18  }
0x14: {  	s18 =	sshrl.u32 s18, $0x3  }
0x15: {  	s19 =	sadd.s32 s3, s18  }
0x16: {  	[tilespmem:s9], [sflag:$0x1] =	stream.linear.gather [hbm4b:s19+s15], $0x7D0, $0x38;
	[tilespmem:$0xE980] =	vst v63  }
0x17: {  	s29 =	sadd.s32 s4, s18  }
0x18: {  	[tilespmem:s10], [sflag:$0x1] =	stream.linear.gather [hbm4b:s29+s15], $0x7D0, $0x38;
	[tilespmem:$0xE980] =	vst v63  }
0x19: {  	s18 =	sadd.s32 s5, s18  }
0x1a: {  	[tilespmem:s11], [sflag:$0x1] =	stream.linear.gather [hbm4b:s18+s15], $0x7D0, $0x38;
	[tilespmem:$0xE980] =	vst v63  }
0x1b: {  	_ =	swait.ge [sflag:s12], $0x7D0  }
0x1c: {  	[sflag:s12] =	ssyncset.done $0x0  }
0x1d: {  	[sflag:s12] =	ssyncadd.s32 $0xFFFFF830  }
0x1e: {  	_ =	swait.ge [sflag:s12], $0x7D0  }
0x1f: {  	[sflag:s12] =	ssyncset.done $0x0  }
0x20: {  	[sflag:s12] =	ssyncadd.s32 $0xFFFFF830  }
0x21: {  	_ =	swait.ge [sflag:s12], $0x7D0  }
0x22: {  	[sflag:s12] =	ssyncset.done $0x0  }
0x23: {  	s30 =	simm.s32 $0x0;
	[sflag:s12] =	ssyncadd.s32 $0xFFFFF830  }
0x24: {  	v4 =	vld [tilespmem:s30+$0xD980]  }
0x25: {  	v5 =	vld [tilespmem:s30+$0xD180];
	_ =	sdelay $0x2  }
0x26: {  	v6 =	vld [tilespmem:s30+$0xE180];
	_ =	sdelay $0x1  }
0x27: {  	v5 =	vmul.u32 $0x34500, v5;
	v4 =	vmul.u32 $0x1B0, v4;
	_ =	sdelay $0x1  }
0x28: {  	v4 =	vadd.s32 v5, v4  }
0x29: {  	v4 =	vadd.s32 v6, v4  }
0x2a: {  	vm0 =	vge.s32 v4, v0;
	vm1 =	vlt.s32 v4, v1  }
0x2b: {  	vm0 =	vmand vm0, vm1  }
0x2c: {  	v5 =	vsel vm0, $0x3F800000, v3  }
0x2d: {  	(xrf0) =	vmax.scan.msk.f32 $0xffff, v5;
	_ =	sdelay $0x5  }
0x2e: {  	v5, _, _ =	vpop (xrf0)  }
0x2f: {  	(v2sf) =	vpush v5, $0xF;
	_ =	sdelay $0xe  }
0x30: {  	s31 =	spop (v2sf)  }
0x31: {  	p1 =	sgt.f32 s31, $0.0e+00;
	_ =	sdelay $0x1  }
0x32: {  	v4 =	vshll.u32 @p1 v4, $0x4;
	v5 =	vlaneseq.u32 @p1  }
0x33: {  	v4 =	vor.u32 @p1 v5, v4  }
0x34: {  	v5 =	vxor.u32 @p1 $0x80000000, v4  }
0x35: {  	(xrf1) =	vsort.ascd.msk.u32 @p1 $0xffff, v5, v4;
	_ =	sdelay $0x6  }
0x36: {  	v5 =	vimm.s32 @p1 $0x87654321  }
0x37: {  	v5 =	vunpack.c.l.s4.s8 @p1 v5  }
0x38: {  	v4 =	vimm.s32 @p1 $0xFFEDCBA9  }
0x39: {  	v4 =	vunpack.c.l.s4.s8 @p1 v4;
	v5 =	vunpack.c.0.s8.s32 @p1 v5;
	_ =	sdelay $0x1  }
0x3a: {  	v4 =	vunpack.c.0.s8.s32 @p1 v4;
	_ =	sdelay $0x1  }
0x3b: {  	v4 =	vcombine.low @p1 v5, v4;
	v5, _, _ =	vpop @p1 (xrf1)  }
0x3c: {  	v6 =	vxor.u32 @p1 $0x80000000, v5  }
0x3d: {  	v4 =	vperm.xlane @p1 v6, v4;
	_ =	sdelay $0x1  }
0x3e: {  	v6 =	vshra.s32 @p1 v6, $0x4;
	v4 =	vshra.s32 @p1 v4, $0x4  }
0x3f: {  	vm1 =	vcmask @p1 $0x3F3C;
	vm0 =	vne.s32 @p1 v4, v6  }
0x40: {  	vm0 =	vmor @p1 vm0, vm1;
	vm1 =	vge.s32 @p1 v6, v0  }
0x41: {  	vm0 =	vmand @p1 vm1, vm0;
	vm1 =	vlt.s32 @p1 v6, v1  }
0x42: {  	v4 =	vsub.s32 @p1 v6, v0;
	vm0 =	vmand @p1 vm1, vm0  }
0x43: {  	v4 =	vnsel @p1 vm0, $0x0, v4;
	_ =	sdelay $0x2  }
0x44: {  	v5 =	vand.u32 @p1 $0xF, v5  }
0x45: {  	s19 =	smov.u32 s16;
	s18 =	simm.s32 $0x40;
	s20 =	simm.s32 @p1 $0x0;
	v5 =	vor.u32 @p1 s16, v5  }
.LBB2_5:
0x46: {  	s21 =	sshra.s32 s18, $0x2;
	[tilespmem:v4+s20+$0x0] =	vst.idx.msk @p1 vm0, v5  }
0x47: {  	s18 =	sadd.s32 $0x40, s18;
	v4 =	vld [tilespmem:s21+$0xD980]  }
0x48: {  	p0 =	sne.s32 s18, $0x1F40;
	v5 =	vld [tilespmem:s21+$0xD180];
	_ =	sdelay $0x2  }
0x49: {  	v6 =	vld [tilespmem:s21+$0xE180];
	_ =	sdelay $0x1  }
0x4a: {  	v4 =	vmul.u32 $0x1B0, v4;
	v5 =	vmul.u32 $0x34500, v5;
	_ =	sdelay $0x1  }
0x4b: {  	v4 =	vadd.s32 v5, v4  }
0x4c: {  	v4 =	vadd.s32 v6, v4  }
0x4d: {  	vm0 =	vge.s32 v4, v0;
	vm1 =	vlt.s32 v4, v1  }
0x4e: {  	vm0 =	vmand vm0, vm1  }
0x4f: {  	v5 =	vsel vm0, $0x3F800000, v3  }
0x50: {  	(xrf0) =	vmax.scan.msk.f32 $0xffff, v5;
	_ =	sdelay $0x5  }
0x51: {  	v5, _, _ =	vpop (xrf0)  }
0x52: {  	(v2sf) =	vpush v5, $0xF;
	_ =	sdelay $0xe  }
0x53: {  	s20 =	spop (v2sf)  }
0x54: {  	p1 =	sgt.f32 s20, $0.0e+00;
	_ =	sdelay $0x1  }
0x55: {  	v4 =	vshll.u32 @p1 v4, $0x4;
	v5 =	vlaneseq.u32 @p1  }
0x56: {  	v4 =	vor.u32 @p1 v5, v4  }
0x57: {  	v5 =	vxor.u32 @p1 $0x80000000, v4  }
0x58: {  	(xrf1) =	vsort.ascd.msk.u32 @p1 $0xffff, v5, v4;
	_ =	sdelay $0x8  }
0x59: {  	v4 =	vimm.s32 @p1 $0xFFEDCBA9;
	v5 =	vimm.s32 @p1 $0x87654321  }
0x5a: {  	v4 =	vunpack.c.l.s4.s8 @p1 v4;
	v5 =	vunpack.c.l.s4.s8 @p1 v5;
	_ =	sdelay $0x1  }
0x5b: {  	v4 =	vunpack.c.0.s8.s32 @p1 v4;
	v6 =	vunpack.c.0.s8.s32 @p1 v5;
	_ =	sdelay $0x1  }
0x5c: {  	v4 =	vcombine.low @p1 v6, v4;
	v5, _, _ =	vpop @p1 (xrf1)  }
0x5d: {  	v6 =	vxor.u32 @p1 $0x80000000, v5  }
0x5e: {  	v4 =	vperm.xlane @p1 v6, v4;
	_ =	sdelay $0x1  }
0x5f: {  	v6 =	vshra.s32 @p1 v6, $0x4;
	v4 =	vshra.s32 @p1 v4, $0x4  }
0x60: {  	vm1 =	vcmask @p1 $0x3F3C;
	vm0 =	vne.s32 @p1 v4, v6  }
0x61: {  	vm0 =	vmor @p1 vm0, vm1;
	vm1 =	vge.s32 @p1 v6, v0  }
0x62: {  	vm0 =	vmand @p1 vm1, vm0;
	vm1 =	vlt.s32 @p1 v6, v1  }
0x63: {  	v4 =	vsub.s32 @p1 v6, v0;
	vm0 =	vmand @p1 vm1, vm0  }
.Ltmp1:
0x64: {  	v4 =	vnsel @p1 vm0, $0x0, v4;
	(pc) =	sbr.rel @p0 .LBB2_5-.Ltmp1, $3  }
0x65: {  	_ =	sdelay $0x1  }
0x66: {  	s19 =	sadd.s32 $0x10, s19;
	v5 =	vand.u32 @p1 $0xF, v5  }
0x67: {  	s20 =	simm.s32 @p1 $0x0;
	v5 =	vor.u32 @p1 s19, v5  }
0x68: {  	s17 =	sadd.s32 $0x1, s17  }
0x69: {  	p0 =	sne.s32 s17, $0xA  }
.Ltmp2:
0x6a: {  	_ = 	snop;
	(pc) =	sbr.rel @p0 .LBB2_4-.Ltmp2, $2  }
0x6b: {  	_ =	sdelay $0x2  }
0x6c: {  	[tilespmem:v4+s20+$0x0] =	vst.idx.msk @p1 vm0, v5;
	s16 =	sadd.s32 $0x7D0, s16  }
0x6d: {  	s14 =	sadd.s32 $0x1, s14  }
0x6e: {  	p0 =	sne.s32 s14, s7  }
.Ltmp3:
0x6f: {  	_ = 	snop;
	(pc) =	sbr.rel @p0 .LBB2_1-.Ltmp3, $4  }
0x70: {  	[hbm4b:s8+s1] =	stream.linear.scatter [tilespmem:s1], [sflag:$0x2], $0xD140, $0x38;
	[tilespmem:$0xE980] =	vst v63  }
0x71: {  	_ =	swait.ge [sflag:s13], $0xD140  }
0x72: {  	[sflag:s13] =	ssyncset.done $0x0  }
0x73: {  	[sflag:s13] =	ssyncadd.s32 $0xFFFF2EC0  }
0x74: {  	_ =	sfence.sel $0x180000  }
0x75: {  	[bflag:$0x0] =	sbarrier.arrive $0xFFFF  }
0x76: {  	p0 =	sne.s32 s2, $0x0;
	_ =	strace $0x90000047  }
0x77: {  	s0 =	sadd.s32 @!p0 $0x100000, s0;
	[bflag:$0x2] =	sbarrier.arrive $0xFFFF  }
0x78: {  	[sflag:s0] =	ssyncadd.tile.s32 @!p0 $0x1;
	_ =	shalt  }
.Lfunc_end2:
_tile_overlayer_lowered:
.L_overlay_start_2:
0x79: {  	(tag) =	ssettag $0x2  }
0x7a: {  	s0 =	rddreg [dreg:$0x0];
	s2 =	stileid.u32  }
0x7b: {  	s1 =	rddreg [dreg:$0x1];
	p0 =	sne.s32 s2, $0x0  }
0x7c: {  	s3 =	rddreg [dreg:$0x2];
	[bflag:$0x3] =	sbarrier.arrive $0xFFFF;
	s2 =	simm.s32 @!p0 $0x1C02  }
0x7d: {  	[timem:s3], [sflag:s2] =	dma.local @!p0 [hbm:s0], s1  }
0x7e: {  	s0 =	simm.s32 @!p0 $0x2  }
0x7f: {  	_ =	swait.ge @!p0 [sflag:s0], s1  }
0x80: {  	s1 =	ssub.s32 @!p0 $0x0, s1;
	[sflag:s0] =	ssyncset.done @!p0 $0x0  }
0x81: {  	[sflag:s0] =	ssyncadd.s32 @!p0 s1  }
0x82: {  	[bflag:$0x3] =	sbarrier.arrive $0xFFFF  }
0x83: {  	_ =	shalt  }

// kernel: kernel.8.cloned.1.call-start
scs
__scs_entry_jumppad:
0x0: {  	(pc) =	sbr.rel $0x88, $3  }
0x1: {  	(tag) =	ssettag $0x0;
	lr =	simm.s32 $0x1  }
0x2: {  	[smem:$0x3F9F] =	sst lr;
	_ =	strace $0xD0000000  }
0x3: {  	_ = 	snop  }
0x4: {  	_ = 	snop  }
0x5: {  	_ = 	snop  }
0x6: {  	_ = 	snop  }
0x7: {  	_ = 	snop  }
__scs_overlays_trampoline_lowered:
0x8: {  	[smem:$0x3FAE] =	sst s0  }
0x9: {  	[smem:$0x3FAF] =	sst s1  }
0xa: {  	[smem:$0x3FB0] =	sst s2  }
0xb: {  	[smem:$0x3FB1] =	sst s3  }
0xc: {  	[smem:$0x3FB2] =	sst s4  }
0xd: {  	[smem:$0x3FB3] =	sst s5  }
0xe: {  	[smem:$0x3FB4] =	sst s6  }
0xf: {  	[smem:$0x3FB5] =	sst s7  }
0x10: {  	[smem:$0x3FB6] =	sst s8  }
0x11: {  	[smem:$0x3FB7] =	sst s9;
	s0 =	simm.s32 @!p0 $0x0  }
0x12: {  	s1 =	sld [smem:$0x3F9D];
	s0 =	simm.s32 @p0 $0x1  }
0x13: {  	[smem:$0x3FB8] =	sst s0;
	s0 =	simm.s32 @!p1 $0x0  }
0x14: {  	s2 =	sld [smem:$0x3F9C];
	s0 =	simm.s32 @p1 $0x1  }
0x15: {  	[smem:$0x3FB9] =	sst s0;
	s0 =	simm.s32 @!p2 $0x0  }
0x16: {  	s3 =	sld [smem:$0x3FDB];
	s0 =	simm.s32 @p2 $0x1  }
0x17: {  	s4 =	simm.s32 $0x1BF5;
	[smem:$0x3FBB] =	sst s0  }
0x18: {  	s0 =	sld [smem:$0x3F9E];
	_ =	swait.ge [sflag:s4], $0x0  }
0x19: {  	s7 =	sld [smem:$0x3F9F]  }
0x1a: {  	s8 =	sadd.s32 $0xFFFFE003, lr  }
0x1b: {  	s9 =	sadd.s32 $0xFFFFFEF7, lr;
	s5 =	simm.s32 $0xFFFFFFFF;
	p2 =	slt.u32 s8, $0xFFFFF086  }
0x1c: {  	p1 =	slt.u32 s9, $0xF7A;
	s5 =	simm.s32 @!p2 $0x0  }
0x1d: {  	s5 =	simm.s32 @p1 $0x1;
	p0 =	seq.s32 s7, s2  }
0x1e: {  	s7 =	smul.u32 @!p0 $0xF7A, s2;
	p2 =	seq.s32 @!p0 s5, $0x0  }
0x1f: {  	s9 =	smul.u32 $0xF7A, s1;
	s8 =	simm.s32 @!p0 $0x1BF5;
	p2 =	por !p2, p0  }
0x20: {  	[sflag:s8] =	ssyncset.s32 @!p0 $0xFFFFF086;
	s6 =	sadd.s32 @!p0 s3, s7;
	s7 =	simm.s32 @!p0 $0x108  }
0x21: {  	s3 =	sadd.s32 s3, s9;
	s6 =	sadd.s32 @!p0 $0x88, s6;
	s7 =	simm.s32 @p2 $0x1082  }
0x22: {  	[simem:s7], [sflag:s8] =	dma.local @!p0 [hbm:s6], $0xF7A  }
0x23: {  	s9 =	sor.u32 $0xD0000000, s2;
	s6 =	simm.s32 $0x108;
	_ =	swait.ge @!p0 [sflag:s8], $0x0  }
0x24: {  	s3 =	sadd.s32 $0x88, s3;
	s6 =	simm.s32 @!p1 $0x1082;
	[sflag:s4] =	ssyncset.s32 $0xFFFFF086  }
0x25: {  	[simem:s6], [sflag:s4] =	dma.local [hbm:s3], $0xF7A  }
0x26: {  	[smem:$0x3F9F] =	sst s1;
	(tag) =	ssettag s2;
	_ =	strace s9  }
0x27: {  	s1 =	sld [smem:$0x3FAF]  }
0x28: {  	s2 =	sld [smem:$0x3FB0]  }
0x29: {  	s4 =	sld [smem:$0x3FB2]  }
0x2a: {  	p0 =	seq.s32 s5, $0x0;
	s5 =	sld [smem:$0x3FB3]  }
0x2b: {  	s6 =	sld [smem:$0x3FB4]  }
0x2c: {  	s7 =	sld [smem:$0x3FB5]  }
0x2d: {  	s3 =	simm.s32 $0x108;
	s8 =	sld [smem:$0x3FB6]  }
0x2e: {  	s3 =	simm.s32 @!p0 $0x1082;
	s9 =	sld [smem:$0x3FB7]  }
0x2f: {  	lr =	sadd.s32 s0, s3;
	s0 =	sld [smem:$0x3FAE]  }
0x30: {  	s3 =	sld [smem:$0x3FB1]  }
0x31: {  	[smem:$0x3FBA] =	sst s10  }
0x32: {  	s10 =	sld [smem:$0x3FB8];
	_ =	sdelay $0x3  }
0x33: {  	p0 =	seq.s32 s10, $0x1;
	s10 =	sld [smem:$0x3FBA];
	_ =	sdelay $0x3  }
0x34: {  	[smem:$0x3FBA] =	sst s10  }
0x35: {  	s10 =	sld [smem:$0x3FB9];
	_ =	sdelay $0x3  }
0x36: {  	p1 =	seq.s32 s10, $0x1;
	s10 =	sld [smem:$0x3FBA];
	_ =	sdelay $0x3  }
0x37: {  	[smem:$0x3FBA] =	sst s10  }
0x38: {  	s10 =	sld [smem:$0x3FBB]  }
0x39: {  	_ = 	snop;
	(pc) =	sbr.ind lr, $3  }
0x3a: {  	_ = 	snop  }
0x3b: {  	_ = 	snop  }
0x3c: {  	p2 =	seq.s32 s10, $0x1;
	s10 =	sld [smem:$0x3FBA]  }
0x3d: {  	_ =	shalt  }
0x3e: {  	_ =	shalt  }
0x3f: {  	_ =	shalt  }
0x40: {  	_ =	shalt  }
0x41: {  	_ =	shalt  }
0x42: {  	_ =	shalt  }
0x43: {  	_ =	shalt  }
0x44: {  	_ =	shalt  }
0x45: {  	_ =	shalt  }
0x46: {  	_ =	shalt  }
0x47: {  	_ =	shalt  }
0x48: {  	_ =	shalt  }
0x49: {  	_ =	shalt  }
0x4a: {  	_ =	shalt  }
0x4b: {  	_ =	shalt  }
0x4c: {  	_ =	shalt  }
0x4d: {  	_ =	shalt  }
0x4e: {  	_ =	shalt  }
0x4f: {  	_ =	shalt  }
0x50: {  	_ =	shalt  }
0x51: {  	_ =	shalt  }
0x52: {  	_ =	shalt  }
0x53: {  	_ =	shalt  }
0x54: {  	_ =	shalt  }
0x55: {  	_ =	shalt  }
0x56: {  	_ =	shalt  }
0x57: {  	_ =	shalt  }
0x58: {  	_ =	shalt  }
0x59: {  	_ =	shalt  }
0x5a: {  	_ =	shalt  }
0x5b: {  	_ =	shalt  }
0x5c: {  	_ =	shalt  }
0x5d: {  	_ =	shalt  }
0x5e: {  	_ =	shalt  }
0x5f: {  	_ =	shalt  }
0x60: {  	_ =	shalt  }
0x61: {  	_ =	shalt  }
0x62: {  	_ =	shalt  }
0x63: {  	_ =	shalt  }
0x64: {  	_ =	shalt  }
0x65: {  	_ =	shalt  }
0x66: {  	_ =	shalt  }
0x67: {  	_ =	shalt  }
0x68: {  	_ =	shalt  }
0x69: {  	_ =	shalt  }
0x6a: {  	_ =	shalt  }
0x6b: {  	_ =	shalt  }
0x6c: {  	_ =	shalt  }
0x6d: {  	_ =	shalt  }
0x6e: {  	_ =	shalt  }
0x6f: {  	_ =	shalt  }
0x70: {  	_ =	shalt  }
0x71: {  	_ =	shalt  }
0x72: {  	_ =	shalt  }
0x73: {  	_ =	shalt  }
0x74: {  	_ =	shalt  }
0x75: {  	_ =	shalt  }
0x76: {  	_ =	shalt  }
0x77: {  	_ =	shalt  }
0x78: {  	_ =	shalt  }
0x79: {  	_ =	shalt  }
0x7a: {  	_ =	shalt  }
0x7b: {  	_ =	shalt  }
0x7c: {  	_ =	shalt  }
0x7d: {  	_ =	shalt  }
0x7e: {  	_ =	shalt  }
0x7f: {  	_ =	shalt  }
0x80: {  	_ =	shalt  }
0x81: {  	_ =	shalt  }
0x82: {  	_ =	shalt  }
0x83: {  	_ =	shalt  }
0x84: {  	_ =	shalt  }
0x85: {  	_ =	shalt  }
0x86: {  	_ =	shalt  }
0x87: {  	_ =	shalt  }
.Lfunc_end0:
.L_simem_size_0:
called_computation.1_lowered:
.L_overlay_start_0:
0x88: {  	s2 =	sld [smem:$0x3FD9]  }
0x89: {  	s3 =	sld [smem:$0x3FFE];
	_ =	sdelay $0x1  }
0x8a: {  	s1 =	srdreg.scid  }
0x8b: {  	s0 =	sand.u32 $0x1, s1  }
0x8c: {  	s17 =	sshll.u32 s0, $0xA;
	s2 =	sadd.s32 s3, s2  }
0x8d: {  	s2 =	sadd.s32 s2, s17  }
0x8e: {  	[smem:$0x3FC6] =	sst s2  }
0x8f: {  	_ = 	snop  }
0x90: {  	s2 =	sld [smem:$0x3FD0];
	(tm) =	ssettm $0x1  }
0x91: {  	s18 =	sld [smem:$0x3FFB];
	_ =	sdelay $0x3  }
0x92: {  	_ =	strace s18  }
0x93: {  	s3 =	sld [smem:$0x3FFC];
	_ =	sdelay $0x3  }
0x94: {  	_ =	strace s3  }
0x95: {  	s3 =	sld [smem:$0x3FFD];
	_ =	sdelay $0x3  }
0x96: {  	_ =	strace s3  }
0x97: {  	_ =	strace $0x8FFFFFFF  }
0x98: {  	s19 =	sld [smem:$0x3FDB];
	_ =	sdelay $0x1  }
0x99: {  	s4 =	simm.s32 $_scs_section_size  }
0x9a: {  	s5 =	simm.s32 $_size__tile_overlayer_lowered;
	s6 =	simm.s32 $_tile_overlayer_lowered  }
0x9b: {  	s22 =	simm.s32 $0x1BFF;
	s21 =	sshll.u32 s6, $0x1;
	s3 =	sadd.s32 s4, s19  }
0x9c: {  	s7 =	simm.s32 $0x0;
	s20 =	sshll.u32 s5, $0x1;
	s5 =	sadd.s32 s21, s3  }
0x9d: {  	[timem:s7], [sflag:s22] =	dma.local [hbm:s5], s20  }
0x9e: {  	_ =	swait.ge [sflag:s22], s20  }
0x9f: {  	s4 =	ssub.s32 $0x0, s20;
	[sflag:s22] =	ssyncset.done $0x0  }
0xa0: {  	[sflag:s22] =	ssyncadd.s32 s4;
	_ =	sdelay $0x1  }
0xa1: {  	s23 =	simm.s32 $0x1B8B  }
0xa2: {  	_ =	swait.ge [sflag:s23], $0x1  }
0xa3: {  	[sflag:s23] =	ssyncset.done $0x0  }
0xa4: {  	s25 =	simm.s32 $0x1B8E;
	s24 =	sld [smem:$0x3FFE];
	[sflag:s23] =	ssyncadd.s32 $0xFFFFFFFF  }
0xa5: {  	s26 =	simm.s32 $execute0_lowered;
	[smem:$0x3FD2] =	sst s25  }
0xa6: {  	s5 =	sshll.u32 s26, $0x1;
	_ =	strace $0x80000049;
	[dreg:$0x1] =	wrdreg $0xFFFFFFFF  }
0xa7: {  	s28 =	simm.s32 $_size_execute0_lowered;
	s3 =	sadd.s32 s3, s5;
	[dreg:$0x0] =	wrdreg $0x0  }
0xa8: {  	s5 =	sshll.u32 s28, $0x1;
	[dreg:$0x2] =	wrdreg s3  }
0xa9: {  	[dreg:$0x3] =	wrdreg s5  }
0xaa: {  	[dreg:$0x4] =	wrdreg $0xC0  }
0xab: {  	_ =	task [dreg:s7], $0x5FFFF  }
0xac: {  	[dreg:$0x1] =	wrdreg $0xFFFFFFFF  }
0xad: {  	[dreg:$0x0] =	wrdreg $0x60  }
0xae: {  	[dreg:$0x2] =	wrdreg s2  }
0xaf: {  	[dreg:$0x3] =	wrdreg s24  }
0xb0: {  	[dreg:$0x4] =	wrdreg $0x9  }
0xb1: {  	_ =	task.clear_ibuf [dreg:s7], $0x5FFFF;
	_ =	strace $0x90000049  }
0xb2: {  	s29 =	simm.s32 $0x9;
	_ =	strace $0x8000004B  }
0xb3: {  	_ =	swait.ge [sflag:s29], $0x1  }
0xb4: {  	[sflag:s29] =	ssyncadd.s32 $0xFFFFFFFF  }
0xb5: {  	_ =	strace $0x9000004B  }
0xb6: {  	_ =	sfence  }
0xb7: {  	s30 =	sld [smem:$0x0];
	_ =	sdelay $0x2  }
0xb8: {  	s31 =	sshll.u32 s1, $0xD;
	s1 =	sshrl.u32 s1, $0x2  }
0xb9: {  	s3 =	sand.u32 $0x4000, s31;
	s1 =	sadd.s32 s1, s30  }
0xba: {  	s0 =	sor.u32 s3, s0;
	s1 =	sshll.u32 s1, $0x11  }
0xbb: {  	s0 =	sor.u32 s1, s0  }
0xbc: {  	s0 =	sadd.s32 $0x8F2B, s0  }
0xbd: {  	[sflag:s0] =	ssyncadd.remote.s32 $0x1  }
0xbe: {  	_ =	sfence.sel $0xFFFF  }
0xbf: {  	[dreg:$0x0] =	wrdreg $0xFFFFFFFF;
	(pc) =	sbr.abs _section_cstart, $3  }
0xc0: {  	[dreg:$0x1] =	wrdreg $0xFFFFFFFF  }
0xc1: {  	_ =	task.clear_ibuf [dreg:s7], $0x2FFFF;
	_ =	strace $0x9FFFFFFF  }
0xc2: {  	(tm) =	ssettm $0x7FFFFFFF  }
0xc3: {  	_ =	shalt  }
tec
execute0_lowered:
.L_overlay_start_1:
0x0: {  	(tag) =	ssettag $0x1  }
0x1: {  	s2 =	rddreg [dreg:$0x1]  }
0x2: {  	s0 =	srdreg.scid;
	s1 =	simm.s32 $0x0;
	s31 =	rddreg [dreg:$0x0]  }
0x3: {  	s3 =	stileid.u32;
	s0 =	sand.u32 $0x1, s0;
	[smem:$0x7FF] =	sst s1  }
0x4: {  	s3 =	sshll.u32 s3, $0x8;
	s5 =	sadd.s32 $0x3B400, s2;
	s8 =	sadd.s32 $0x38C00, s2  }
0x5: {  	s28 =	sadd.s32 $0x1E400, s2;
	s4 =	sshll.u32 s0, $0x7;
	s0 =	ssub.s32 $0x2, s0  }
0x6: {  	s3 =	sor.u32 s4, s3;
	s4 =	sadd.s32 $0x3A000, s2;
	s6 =	sshrl.u32 s0, $0x1  }
0x7: {  	s7 =	sshrl.u32 s3, $0x3;
	s6 =	ssub.s32 s0, s6;
	p0 =	sgt.u32 s3, $0xC7F  }
0x8: {  	s15 =	sor.u32 $0x200, s7;
	s17 =	sor.u32 $0x400, s7;
	s19 =	sor.u32 $0x600, s7  }
0x9: {  	s22 =	sor.u32 $0x800, s7;
	s25 =	sor.u32 $0xA00, s7;
	s26 =	sor.u32 $0xC00, s7  }
0xa: {  	s11 =	sor.u32 $0x1000, s7;
	s29 =	sadd.s32 s4, s7;
	s9 =	sadd.s32 s5, s15  }
0xb: {  	s30 =	sadd.s32 s8, s7;
	s16 =	sadd.s32 s4, s15;
	[dreg:$0x3] =	wrdreg s9  }
0xc: {  	s12 =	sor.u32 $0x1200, s7;
	s0 =	sadd.s32 s8, s15;
	[dreg:$0x4] =	wrdreg s16  }
0xd: {  	s3 =	smax.u32 s6, $0x1;
	s18 =	sadd.s32 s5, s17;
	[dreg:$0x5] =	wrdreg s0  }
0xe: {  	s6 =	simm.s32 $0x1;
	s10 =	sadd.s32 s4, s17;
	[dreg:$0x6] =	wrdreg s18  }
0xf: {  	s20 =	sadd.s32 s5, s19;
	s21 =	sadd.s32 s4, s19;
	[dreg:$0x7] =	wrdreg s10  }
0x10: {  	s23 =	sadd.s32 s5, s22;
	s24 =	sadd.s32 s4, s22;
	[dreg:$0x9] =	wrdreg s20  }
0x11: {  	s13 =	sadd.s32 s8, s22;
	s14 =	sadd.s32 s5, s25;
	[dreg:$0xa] =	wrdreg s21  }
0x12: {  	s15 =	sadd.s32 s4, s25;
	s9 =	sadd.s32 s8, s17;
	[dreg:$0xc] =	wrdreg s23  }
0x13: {  	s0 =	sadd.s32 s8, s19;
	[dreg:$0xd] =	wrdreg s24;
	s16 =	sadd.s32 s8, s25  }
0x14: {  	s17 =	sadd.s32 s5, s26;
	s18 =	sadd.s32 s4, s26;
	s19 =	sadd.s32 s8, s26  }
0x15: {  	s10 =	sor.u32 $0xE00, s7;
	s23 =	sadd.s32 s5, s11;
	s24 =	sadd.s32 s4, s11  }
0x16: {  	s25 =	sadd.s32 s8, s11;
	s26 =	sadd.s32 s5, s7;
	[dreg:$0x8] =	wrdreg s9  }
0x17: {  	s7 =	simm.s32 $0x180;
	s11 =	simm.s32 $0x2;
	[dreg:$0xb] =	wrdreg s0  }
0x18: {  	s20 =	sadd.s32 s5, s10;
	s21 =	sadd.s32 s4, s10;
	s22 =	sadd.s32 s8, s10  }
.Ltmp0:
0x19: {  	s5 =	sadd.s32 s5, s12;
	s4 =	sadd.s32 s4, s12;
	(pc) =	sbr.rel .LBB2_1-.Ltmp0, $4  }
0x1a: {  	s0 =	sadd.s32 s8, s12;
	s8 =	simm.s32 $0x200;
	[dreg:$0xe] =	wrdreg s5  }
0x1b: {  	s9 =	simm.s32 $0x280;
	s10 =	simm.s32 $0x300;
	[dreg:$0xf] =	wrdreg s4  }
0x1c: {  	[dreg:$0x10] =	wrdreg s0;
	s0 =	sadd.s32 $0x4000, s2;
	s2 =	sadd.s32 $0x3C800, s2  }
0x1d: {  	s4 =	simm.s32 $0x80;
	s5 =	simm.s32 $0x100;
	_ =	strace $0x8000004A  }
.LBB2_3:
0x1e: {  	s3 =	sadd.s32 $0xFFFFFFFF, s3  }
0x1f: {  	p1 =	sne.s32 s3, $0x0  }
.Ltmp1:
0x20: {  	_ = 	snop;
	(pc) =	sbr.rel @!p1 .LBB2_4-.Ltmp1, $1  }
0x21: {  	_ =	sdelay $0x3  }
.LBB2_1:
0x22: {  	[tilespmem:s1], [sflag:$0x1] =	stream.linear.gather [hbm4b:s26+s1], $0x80, $0x38;
	[tilespmem:$0x4300] =	vst v63  }
0x23: {  	_ = 	snop  }
0x24: {  	[tilespmem:s4], [sflag:$0x1] =	stream.linear.gather [hbm4b:s29+s1], $0x80, $0x38;
	[tilespmem:$0x4300] =	vst v63  }
0x25: {  	_ = 	snop  }
0x26: {  	[tilespmem:s5], [sflag:$0x1] =	stream.linear.gather [hbm4b:s30+s1], $0x80, $0x38;
	[tilespmem:$0x4300] =	vst v63  }
0x27: {  	_ =	swait.ge [sflag:s6], $0x80  }
0x28: {  	[sflag:s6] =	ssyncset.done $0x0  }
0x29: {  	[sflag:s6] =	ssyncadd.s32 $0xFFFFFF80  }
0x2a: {  	_ =	swait.ge [sflag:s6], $0x80  }
0x2b: {  	[sflag:s6] =	ssyncset.done $0x0  }
0x2c: {  	[sflag:s6] =	ssyncadd.s32 $0xFFFFFF80  }
0x2d: {  	_ =	swait.ge [sflag:s6], $0x80  }
0x2e: {  	[sflag:s6] =	ssyncset.done $0x0  }
0x2f: {  	[sflag:s6] =	ssyncadd.s32 $0xFFFFFF80  }
0x30: {  	v0 =	vld [tilespmem:$0x0]  }
0x31: {  	v1 =	vld [tilespmem:$0x80]  }
0x32: {  	v2 =	vld [tilespmem:$0x100]  }
0x33: {  	v3 =	vld [tilespmem:$0x10]  }
0x34: {  	v4 =	vld [tilespmem:$0x90]  }
0x35: {  	v5 =	vld [tilespmem:$0x110]  }
0x36: {  	v6 =	vld [tilespmem:$0x20]  }
0x37: {  	v7 =	vld [tilespmem:$0xA0]  }
0x38: {  	v8 =	vld [tilespmem:$0x120]  }
0x39: {  	v9 =	vld [tilespmem:$0x30]  }
0x3a: {  	v10 =	vld [tilespmem:$0xB0]  }
0x3b: {  	v11 =	vld [tilespmem:$0x130]  }
0x3c: {  	v12 =	vld [tilespmem:$0x40]  }
0x3d: {  	v13 =	vld [tilespmem:$0xC0]  }
0x3e: {  	v15 =	vld [tilespmem:$0x50]  }
0x3f: {  	v16 =	vld [tilespmem:$0xD0]  }
0x40: {  	v17 =	vld [tilespmem:$0x60]  }
0x41: {  	v18 =	vld [tilespmem:$0xE0];
	v0 =	vmul.u32 $0x34500, v0;
	v1 =	vmul.u32 $0x1B0, v1;
	v3 =	vmul.u32 $0x34500, v3  }
0x42: {  	v52 =	vld [tilespmem:$0x70];
	v4 =	vmul.u32 $0x1B0, v4;
	v6 =	vmul.u32 $0x34500, v6;
	v7 =	vmul.u32 $0x1B0, v7  }
0x43: {  	v55 =	vld [tilespmem:$0xF0];
	v50 =	vmul.u32 $0x34500, v9;
	v51 =	vmul.u32 $0x1B0, v10;
	v56 =	vmul.u32 $0x34500, v12  }
0x44: {  	v58 =	vld [tilespmem:$0x150];
	v57 =	vmul.u32 $0x1B0, v13;
	v63 =	vmul.u32 $0x34500, v15;
	v0 =	vadd.s32 v0, v1  }
0x45: {  	v61 =	vld [tilespmem:$0x160];
	v12 =	vmul.u32 $0x1B0, v16;
	v53 =	vadd.s32 v3, v4;
	v0 =	vadd.s32 v2, v0  }
0x46: {  	v14 =	vld [tilespmem:$0x140];
	v15 =	vmul.u32 $0x34500, v17;
	v54 =	vadd.s32 v6, v7;
	v59 =	vadd.s32 v5, v53;
	[tilespmem:$0x180] =	vst v0  }
0x47: {  	v13 =	vld [tilespmem:$0x170];
	v16 =	vmul.u32 $0x1B0, v18;
	v1 =	vadd.s32 v50, v51;
	v60 =	vadd.s32 v8, v54;
	[tilespmem:$0x190] =	vst v59  }
0x48: {  	v18 =	vmul.u32 $0x34500, v52;
	v17 =	vadd.s32 v63, v12;
	v1 =	vadd.s32 v11, v1;
	[tilespmem:$0x1A0] =	vst v60  }
0x49: {  	v4 =	vmul.u32 $0x1B0, v55;
	v20 =	vadd.s32 v15, v16;
	v19 =	vadd.s32 v58, v17;
	[tilespmem:$0x1B0] =	vst v1  }
0x4a: {  	v62 =	vadd.s32 v56, v57;
	v21 =	vadd.s32 v61, v20;
	[tilespmem:$0x1D0] =	vst v19  }
0x4b: {  	v0 =	vadd.s32 v14, v62;
	v22 =	vadd.s32 v18, v4;
	[tilespmem:$0x1E0] =	vst v21  }
0x4c: {  	[tilespmem:$0x1C0] =	vst v0;
	v23 =	vadd.s32 v13, v22  }
0x4d: {  	[tilespmem:$0x1F0] =	vst v23  }
0x4e: {  	[tilespmem:s8], [sflag:$0x1] =	stream.indirect.gather [hbm4b:s0+s4], $0x1, s7, s4, $0xb8;
	[tilespmem:$0x4300] =	vst v63  }
0x4f: {  	_ = 	snop  }
0x50: {  	[tilespmem:s9], [sflag:$0x1] =	stream.indirect.gather [hbm4b:s28+s4], $0x1, s7, s4, $0xb8;
	[tilespmem:$0x4300] =	vst v63  }
0x51: {  	_ =	swait.ge [sflag:s6], $0x80  }
0x52: {  	[sflag:s6] =	ssyncset.done $0x0  }
0x53: {  	[sflag:s6] =	ssyncadd.s32 $0xFFFFFF80  }
0x54: {  	_ =	swait.ge [sflag:s6], $0x80  }
0x55: {  	[sflag:s6] =	ssyncset.done $0x0  }
0x56: {  	[sflag:s6] =	ssyncadd.s32 $0xFFFFFF80  }
0x57: {  	v24 =	vld [tilespmem:$0x200]  }
0x58: {  	v25 =	vld [tilespmem:$0x280]  }
0x59: {  	v26 =	vld [tilespmem:$0x210]  }
0x5a: {  	v27 =	vld [tilespmem:$0x290]  }
0x5b: {  	v28 =	vld [tilespmem:$0x220]  }
0x5c: {  	v29 =	vld [tilespmem:$0x2A0]  }
0x5d: {  	v30 =	vld [tilespmem:$0x230]  }
0x5e: {  	v31 =	vld [tilespmem:$0x2B0]  }
0x5f: {  	v32 =	vld [tilespmem:$0x240]  }
0x60: {  	v33 =	vld [tilespmem:$0x2C0]  }
0x61: {  	v34 =	vld [tilespmem:$0x250]  }
0x62: {  	v35 =	vld [tilespmem:$0x2D0]  }
0x63: {  	v36 =	vld [tilespmem:$0x260]  }
0x64: {  	v37 =	vld [tilespmem:$0x2E0];
	vm0 =	vgt.s32 v24, v25  }
0x65: {  	v38 =	vld [tilespmem:$0x270];
	vm5 =	vgt.s32 v26, v27;
	v0 =	vsel vm0, v24, v25  }
0x66: {  	v40 =	vld [tilespmem:$0x2F0];
	vm6 =	vgt.s32 v28, v29;
	v39 =	vsel vm5, v26, v27;
	[tilespmem:$0x200] =	vst v0  }
0x67: {  	vm7 =	vgt.s32 v30, v31;
	v41 =	vsel vm6, v28, v29;
	[tilespmem:$0x210] =	vst v39  }
0x68: {  	vm8 =	vgt.s32 v32, v33;
	v42 =	vsel vm7, v30, v31;
	[tilespmem:$0x220] =	vst v41  }
0x69: {  	vm9 =	vgt.s32 v34, v35;
	v43 =	vsel vm8, v32, v33;
	[tilespmem:$0x230] =	vst v42  }
0x6a: {  	vm10 =	vgt.s32 v36, v37;
	v44 =	vsel vm9, v34, v35;
	[tilespmem:$0x240] =	vst v43  }
0x6b: {  	vm11 =	vgt.s32 v38, v40;
	v45 =	vsel vm10, v36, v37;
	[tilespmem:$0x250] =	vst v44  }
0x6c: {  	v46 =	vsel vm11, v38, v40;
	[tilespmem:$0x260] =	vst v45  }
0x6d: {  	[tilespmem:$0x270] =	vst v46  }
0x6e: {  	[tilespmem:s10], [sflag:$0x2] =	stream.indirect.gather [hbm4b:s31+s4], $0x80, s8, s4, $0xb8;
	[tilespmem:$0x4300] =	vst v63  }
0x6f: {  	_ =	swait.ge [sflag:s11], $0x4000  }
0x70: {  	[sflag:s11] =	ssyncset.done $0x0  }
0x71: {  	[sflag:s11] =	ssyncadd.s32 $0xFFFFC000  }
0x72: {  	[hbm4b:s2+s4] =	stream.indirect.scatter [tilespmem:s10], [sflag:$0x2], $0x80, s7, s4, $0xb8;
	[tilespmem:$0x4300] =	vst v63  }
0x73: {  	_ =	swait.ge [sflag:s11], $0x4000  }
0x74: {  	[sflag:s11] =	ssyncset.done $0x0  }
0x75: {  	s12 =	rddreg [dreg:$0x3];
	[sflag:s11] =	ssyncadd.s32 $0xFFFFC000  }
0x76: {  	[tilespmem:s1], [sflag:$0x1] =	stream.linear.gather [hbm4b:s12+s1], $0x80, $0x38;
	[tilespmem:$0x4300] =	vst v63  }
0x77: {  	s12 =	rddreg [dreg:$0x4]  }
0x78: {  	[tilespmem:s4], [sflag:$0x1] =	stream.linear.gather [hbm4b:s12+s1], $0x80, $0x38;
	[tilespmem:$0x4300] =	vst v63  }
0x79: {  	s12 =	rddreg [dreg:$0x5]  }
0x7a: {  	[tilespmem:s5], [sflag:$0x1] =	stream.linear.gather [hbm4b:s12+s1], $0x80, $0x38;
	[tilespmem:$0x4300] =	vst v63  }
0x7b: {  	_ =	swait.ge [sflag:s6], $0x80  }
0x7c: {  	[sflag:s6] =	ssyncset.done $0x0  }
0x7d: {  	[sflag:s6] =	ssyncadd.s32 $0xFFFFFF80  }
0x7e: {  	_ =	swait.ge [sflag:s6], $0x80  }
0x7f: {  	[sflag:s6] =	ssyncset.done $0x0  }
0x80: {  	[sflag:s6] =	ssyncadd.s32 $0xFFFFFF80  }
0x81: {  	_ =	swait.ge [sflag:s6], $0x80  }
0x82: {  	[sflag:s6] =	ssyncset.done $0x0  }
0x83: {  	[sflag:s6] =	ssyncadd.s32 $0xFFFFFF80  }
0x84: {  	v47 =	vld [tilespmem:$0x0]  }
0x85: {  	v48 =	vld [tilespmem:$0x80]  }
0x86: {  	v49 =	vld [tilespmem:$0x100]  }
0x87: {  	v50 =	vld [tilespmem:$0x10]  }
0x88: {  	v51 =	vld [tilespmem:$0x90]  }
0x89: {  	v52 =	vld [tilespmem:$0x110]  }
0x8a: {  	v53 =	vld [tilespmem:$0x20]  }
0x8b: {  	v54 =	vld [tilespmem:$0xA0]  }
0x8c: {  	v55 =	vld [tilespmem:$0x120]  }
0x8d: {  	v56 =	vld [tilespmem:$0x30]  }
0x8e: {  	v57 =	vld [tilespmem:$0xB0]  }
0x8f: {  	v58 =	vld [tilespmem:$0x130]  }
0x90: {  	v59 =	vld [tilespmem:$0x40]  }
0x91: {  	v60 =	vld [tilespmem:$0xC0]  }
0x92: {  	v62 =	vld [tilespmem:$0x50]  }
0x93: {  	v63 =	vld [tilespmem:$0xD0]  }
0x94: {  	v21 =	vld [tilespmem:$0x60]  }
0x95: {  	v22 =	vld [tilespmem:$0xE0];
	v0 =	vmul.u32 $0x34500, v47;
	v1 =	vmul.u32 $0x1B0, v48;
	v3 =	vmul.u32 $0x34500, v50  }
0x96: {  	v25 =	vld [tilespmem:$0x70];
	v4 =	vmul.u32 $0x1B0, v51;
	v6 =	vmul.u32 $0x34500, v53;
	v7 =	vmul.u32 $0x1B0, v54  }
0x97: {  	v28 =	vld [tilespmem:$0xF0];
	v23 =	vmul.u32 $0x34500, v56;
	v24 =	vmul.u32 $0x1B0, v57;
	v29 =	vmul.u32 $0x34500, v59  }
0x98: {  	v31 =	vld [tilespmem:$0x150];
	v30 =	vmul.u32 $0x1B0, v60;
	v36 =	vmul.u32 $0x34500, v62;
	v0 =	vadd.s32 v0, v1  }
0x99: {  	v34 =	vld [tilespmem:$0x160];
	v37 =	vmul.u32 $0x1B0, v63;
	v26 =	vadd.s32 v3, v4;
	v0 =	vadd.s32 v49, v0  }
0x9a: {  	v61 =	vld [tilespmem:$0x140];
	v39 =	vmul.u32 $0x34500, v21;
	v27 =	vadd.s32 v6, v7;
	v32 =	vadd.s32 v52, v26;
	[tilespmem:$0x180] =	vst v0  }
0x9b: {  	v38 =	vld [tilespmem:$0x170];
	v40 =	vmul.u32 $0x1B0, v22;
	v1 =	vadd.s32 v23, v24;
	v33 =	vadd.s32 v55, v27;
	[tilespmem:$0x190] =	vst v32  }
0x9c: {  	v42 =	vmul.u32 $0x34500, v25;
	v41 =	vadd.s32 v36, v37;
	v1 =	vadd.s32 v58, v1;
	[tilespmem:$0x1A0] =	vst v33  }
0x9d: {  	v4 =	vmul.u32 $0x1B0, v28;
	v44 =	vadd.s32 v39, v40;
	v43 =	vadd.s32 v31, v41;
	[tilespmem:$0x1B0] =	vst v1  }
0x9e: {  	v35 =	vadd.s32 v29, v30;
	v45 =	vadd.s32 v34, v44;
	[tilespmem:$0x1D0] =	vst v43  }
0x9f: {  	v0 =	vadd.s32 v61, v35;
	v46 =	vadd.s32 v42, v4;
	[tilespmem:$0x1E0] =	vst v45  }
0xa0: {  	[tilespmem:$0x1C0] =	vst v0;
	v47 =	vadd.s32 v38, v46  }
0xa1: {  	[tilespmem:$0x1F0] =	vst v47  }
0xa2: {  	[tilespmem:s8], [sflag:$0x1] =	stream.indirect.gather [hbm4b:s0+s4], $0x1, s7, s4, $0xb8;
	[tilespmem:$0x4300] =	vst v63  }
0xa3: {  	_ = 	snop  }
0xa4: {  	[tilespmem:s9], [sflag:$0x1] =	stream.indirect.gather [hbm4b:s28+s4], $0x1, s7, s4, $0xb8;
	[tilespmem:$0x4300] =	vst v63  }
0xa5: {  	_ =	swait.ge [sflag:s6], $0x80  }
0xa6: {  	[sflag:s6] =	ssyncset.done $0x0  }
0xa7: {  	[sflag:s6] =	ssyncadd.s32 $0xFFFFFF80  }
0xa8: {  	_ =	swait.ge [sflag:s6], $0x80  }
0xa9: {  	[sflag:s6] =	ssyncset.done $0x0  }
0xaa: {  	[sflag:s6] =	ssyncadd.s32 $0xFFFFFF80  }
0xab: {  	v48 =	vld [tilespmem:$0x200]  }
0xac: {  	v49 =	vld [tilespmem:$0x280]  }
0xad: {  	v50 =	vld [tilespmem:$0x210]  }
0xae: {  	v51 =	vld [tilespmem:$0x290]  }
0xaf: {  	v52 =	vld [tilespmem:$0x220]  }
0xb0: {  	v53 =	vld [tilespmem:$0x2A0]  }
0xb1: {  	v54 =	vld [tilespmem:$0x230]  }
0xb2: {  	v55 =	vld [tilespmem:$0x2B0]  }
0xb3: {  	v56 =	vld [tilespmem:$0x240]  }
0xb4: {  	v57 =	vld [tilespmem:$0x2C0]  }
0xb5: {  	v58 =	vld [tilespmem:$0x250]  }
0xb6: {  	v59 =	vld [tilespmem:$0x2D0]  }
0xb7: {  	v60 =	vld [tilespmem:$0x260]  }
0xb8: {  	v61 =	vld [tilespmem:$0x2E0];
	vm12 =	vgt.s32 v48, v49  }
0xb9: {  	v62 =	vld [tilespmem:$0x270];
	vm13 =	vgt.s32 v50, v51;
	v0 =	vsel vm12, v48, v49  }
0xba: {  	v14 =	vld [tilespmem:$0x2F0];
	vm14 =	vgt.s32 v52, v53;
	v63 =	vsel vm13, v50, v51;
	[tilespmem:$0x200] =	vst v0  }
0xbb: {  	vm15 =	vgt.s32 v54, v55;
	v15 =	vsel vm14, v52, v53;
	[tilespmem:$0x210] =	vst v63  }
0xbc: {  	vm4 =	vgt.s32 v56, v57;
	v16 =	vsel vm15, v54, v55;
	[tilespmem:$0x220] =	vst v15  }
0xbd: {  	vm5 =	vgt.s32 v58, v59;
	v17 =	vsel vm4, v56, v57;
	[tilespmem:$0x230] =	vst v16  }
0xbe: {  	vm6 =	vgt.s32 v60, v61;
	v18 =	vsel vm5, v58, v59;
	[tilespmem:$0x240] =	vst v17  }
0xbf: {  	vm7 =	vgt.s32 v62, v14;
	v19 =	vsel vm6, v60, v61;
	[tilespmem:$0x250] =	vst v18  }
0xc0: {  	v20 =	vsel vm7, v62, v14;
	[tilespmem:$0x260] =	vst v19  }
0xc1: {  	[tilespmem:$0x270] =	vst v20  }
0xc2: {  	[tilespmem:s10], [sflag:$0x2] =	stream.indirect.gather [hbm4b:s31+s4], $0x80, s8, s4, $0xb8;
	[tilespmem:$0x4300] =	vst v63  }
0xc3: {  	_ =	swait.ge [sflag:s11], $0x4000  }
0xc4: {  	[sflag:s11] =	ssyncset.done $0x0  }
0xc5: {  	[sflag:s11] =	ssyncadd.s32 $0xFFFFC000  }
0xc6: {  	[hbm4b:s2+s4] =	stream.indirect.scatter [tilespmem:s10], [sflag:$0x2], $0x80, s7, s4, $0xb8;
	[tilespmem:$0x4300] =	vst v63  }
0xc7: {  	_ =	swait.ge [sflag:s11], $0x4000  }
0xc8: {  	[sflag:s11] =	ssyncset.done $0x0  }
0xc9: {  	s12 =	rddreg [dreg:$0x6];
	[sflag:s11] =	ssyncadd.s32 $0xFFFFC000  }
0xca: {  	[tilespmem:s1], [sflag:$0x1] =	stream.linear.gather [hbm4b:s12+s1], $0x80, $0x38;
	[tilespmem:$0x4300] =	vst v63  }
0xcb: {  	s12 =	rddreg [dreg:$0x7]  }
0xcc: {  	[tilespmem:s4], [sflag:$0x1] =	stream.linear.gather [hbm4b:s12+s1], $0x80, $0x38;
	[tilespmem:$0x4300] =	vst v63  }
0xcd: {  	s12 =	rddreg [dreg:$0x8]  }
0xce: {  	[tilespmem:s5], [sflag:$0x1] =	stream.linear.gather [hbm4b:s12+s1], $0x80, $0x38;
	[tilespmem:$0x4300] =	vst v63  }
0xcf: {  	_ =	swait.ge [sflag:s6], $0x80  }
0xd0: {  	[sflag:s6] =	ssyncset.done $0x0  }
0xd1: {  	[sflag:s6] =	ssyncadd.s32 $0xFFFFFF80  }
0xd2: {  	_ =	swait.ge [sflag:s6], $0x80  }
0xd3: {  	[sflag:s6] =	ssyncset.done $0x0  }
0xd4: {  	[sflag:s6] =	ssyncadd.s32 $0xFFFFFF80  }
0xd5: {  	_ =	swait.ge [sflag:s6], $0x80  }
0xd6: {  	[sflag:s6] =	ssyncset.done $0x0  }
0xd7: {  	[sflag:s6] =	ssyncadd.s32 $0xFFFFFF80  }
0xd8: {  	v21 =	vld [tilespmem:$0x0]  }
0xd9: {  	v22 =	vld [tilespmem:$0x80]  }
0xda: {  	v23 =	vld [tilespmem:$0x100]  }
0xdb: {  	v24 =	vld [tilespmem:$0x10]  }
0xdc: {  	v25 =	vld [tilespmem:$0x90]  }
0xdd: {  	v26 =	vld [tilespmem:$0x110]  }
0xde: {  	v27 =	vld [tilespmem:$0x20]  }
0xdf: {  	v28 =	vld [tilespmem:$0xA0]  }
0xe0: {  	v29 =	vld [tilespmem:$0x120]  }
0xe1: {  	v30 =	vld [tilespmem:$0x30]  }
0xe2: {  	v31 =	vld [tilespmem:$0xB0]  }
0xe3: {  	v32 =	vld [tilespmem:$0x130]  }
0xe4: {  	v33 =	vld [tilespmem:$0x40]  }
0xe5: {  	v34 =	vld [tilespmem:$0xC0]  }
0xe6: {  	v35 =	vld [tilespmem:$0x50]  }
0xe7: {  	v36 =	vld [tilespmem:$0xD0]  }
0xe8: {  	v37 =	vld [tilespmem:$0x60]  }
0xe9: {  	v39 =	vld [tilespmem:$0xE0];
	v0 =	vmul.u32 $0x34500, v21;
	v1 =	vmul.u32 $0x1B0, v22;
	v3 =	vmul.u32 $0x34500, v24  }
0xea: {  	v55 =	vld [tilespmem:$0x70];
	v4 =	vmul.u32 $0x1B0, v25;
	v6 =	vmul.u32 $0x34500, v27;
	v7 =	vmul.u32 $0x1B0, v28  }
0xeb: {  	v43 =	vld [tilespmem:$0x140];
	v41 =	vmul.u32 $0x34500, v30;
	v42 =	vmul.u32 $0x1B0, v31;
	v47 =	vmul.u32 $0x34500, v33  }
0xec: {  	v58 =	vld [tilespmem:$0xF0];
	v48 =	vmul.u32 $0x1B0, v34;
	v50 =	vmul.u32 $0x34500, v35;
	v0 =	vadd.s32 v0, v1  }
0xed: {  	v45 =	vld [tilespmem:$0x150];
	v51 =	vmul.u32 $0x1B0, v36;
	v38 =	vadd.s32 v3, v4;
	v0 =	vadd.s32 v23, v0  }
0xee: {  	v49 =	vld [tilespmem:$0x160];
	v53 =	vmul.u32 $0x34500, v37;
	v40 =	vadd.s32 v6, v7;
	v1 =	vadd.s32 v26, v38;
	[tilespmem:$0x180] =	vst v0  }
0xef: {  	v60 =	vld [tilespmem:$0x170];
	v61 =	vmul.u32 $0x34500, v55;
	v52 =	vadd.s32 v47, v48;
	v44 =	vadd.s32 v29, v40;
	[tilespmem:$0x190] =	vst v1  }
0xf0: {  	v46 =	vadd.s32 v41, v42;
	v3 =	vmul.u32 $0x1B0, v39;
	v54 =	vadd.s32 v43, v52;
	[tilespmem:$0x1A0] =	vst v44  }
0xf1: {  	v62 =	vmul.u32 $0x1B0, v58;
	v0 =	vadd.s32 v32, v46;
	v1 =	vadd.s32 v50, v51;
	[tilespmem:$0x1C0] =	vst v54  }
0xf2: {  	v57 =	vadd.s32 v53, v3;
	[tilespmem:$0x1B0] =	vst v0;
	v56 =	vadd.s32 v45, v1  }
0xf3: {  	v59 =	vadd.s32 v49, v57;
	v1 =	vadd.s32 v61, v62;
	[tilespmem:$0x1D0] =	vst v56  }
0xf4: {  	[tilespmem:$0x1E0] =	vst v59;
	v0 =	vadd.s32 v60, v1  }
0xf5: {  	[tilespmem:$0x1F0] =	vst v0  }
0xf6: {  	[tilespmem:s8], [sflag:$0x1] =	stream.indirect.gather [hbm4b:s0+s4], $0x1, s7, s4, $0xb8;
	[tilespmem:$0x4300] =	vst v63  }
0xf7: {  	_ = 	snop  }
0xf8: {  	[tilespmem:s9], [sflag:$0x1] =	stream.indirect.gather [hbm4b:s28+s4], $0x1, s7, s4, $0xb8;
	[tilespmem:$0x4300] =	vst v63  }
0xf9: {  	_ =	swait.ge [sflag:s6], $0x80  }
0xfa: {  	[sflag:s6] =	ssyncset.done $0x0  }
0xfb: {  	[sflag:s6] =	ssyncadd.s32 $0xFFFFFF80  }
0xfc: {  	_ =	swait.ge [sflag:s6], $0x80  }
0xfd: {  	[sflag:s6] =	ssyncset.done $0x0  }
0xfe: {  	[sflag:s6] =	ssyncadd.s32 $0xFFFFFF80  }
0xff: {  	v63 =	vld [tilespmem:$0x200]  }
0x100: {  	v16 =	vld [tilespmem:$0x280]  }
0x101: {  	v17 =	vld [tilespmem:$0x210]  }
0x102: {  	v18 =	vld [tilespmem:$0x290]  }
0x103: {  	v19 =	vld [tilespmem:$0x220]  }
0x104: {  	v20 =	vld [tilespmem:$0x2A0]  }
0x105: {  	v21 =	vld [tilespmem:$0x230]  }
0x106: {  	v22 =	vld [tilespmem:$0x2B0]  }
0x107: {  	v23 =	vld [tilespmem:$0x240]  }
0x108: {  	v24 =	vld [tilespmem:$0x2C0]  }
0x109: {  	v25 =	vld [tilespmem:$0x250]  }
0x10a: {  	v26 =	vld [tilespmem:$0x2D0]  }
0x10b: {  	v27 =	vld [tilespmem:$0x260]  }
0x10c: {  	v28 =	vld [tilespmem:$0x2E0];
	vm8 =	vgt.s32 v63, v16  }
0x10d: {  	v29 =	vld [tilespmem:$0x270];
	vm9 =	vgt.s32 v17, v18;
	v0 =	vsel vm8, v63, v16  }
0x10e: {  	v31 =	vld [tilespmem:$0x2F0];
	vm10 =	vgt.s32 v19, v20;
	v30 =	vsel vm9, v17, v18;
	[tilespmem:$0x200] =	vst v0  }
0x10f: {  	vm11 =	vgt.s32 v21, v22;
	v32 =	vsel vm10, v19, v20;
	[tilespmem:$0x210] =	vst v30  }
0x110: {  	vm12 =	vgt.s32 v23, v24;
	v33 =	vsel vm11, v21, v22;
	[tilespmem:$0x220] =	vst v32  }
0x111: {  	vm13 =	vgt.s32 v25, v26;
	v34 =	vsel vm12, v23, v24;
	[tilespmem:$0x230] =	vst v33  }
0x112: {  	vm14 =	vgt.s32 v27, v28;
	v35 =	vsel vm13, v25, v26;
	[tilespmem:$0x240] =	vst v34  }
0x113: {  	vm15 =	vgt.s32 v29, v31;
	v36 =	vsel vm14, v27, v28;
	[tilespmem:$0x250] =	vst v35  }
0x114: {  	v37 =	vsel vm15, v29, v31;
	[tilespmem:$0x260] =	vst v36  }
0x115: {  	[tilespmem:$0x270] =	vst v37  }
0x116: {  	[tilespmem:s10], [sflag:$0x2] =	stream.indirect.gather [hbm4b:s31+s4], $0x80, s8, s4, $0xb8;
	[tilespmem:$0x4300] =	vst v63  }
0x117: {  	_ =	swait.ge [sflag:s11], $0x4000  }
0x118: {  	[sflag:s11] =	ssyncset.done $0x0  }
0x119: {  	[sflag:s11] =	ssyncadd.s32 $0xFFFFC000  }
0x11a: {  	[hbm4b:s2+s4] =	stream.indirect.scatter [tilespmem:s10], [sflag:$0x2], $0x80, s7, s4, $0xb8;
	[tilespmem:$0x4300] =	vst v63  }
0x11b: {  	_ =	swait.ge [sflag:s11], $0x4000  }
0x11c: {  	[sflag:s11] =	ssyncset.done $0x0  }
0x11d: {  	s12 =	rddreg [dreg:$0x9];
	[sflag:s11] =	ssyncadd.s32 $0xFFFFC000  }
0x11e: {  	[tilespmem:s1], [sflag:$0x1] =	stream.linear.gather [hbm4b:s12+s1], $0x80, $0x38;
	[tilespmem:$0x4300] =	vst v63  }
0x11f: {  	s12 =	rddreg [dreg:$0xa]  }
0x120: {  	[tilespmem:s4], [sflag:$0x1] =	stream.linear.gather [hbm4b:s12+s1], $0x80, $0x38;
	[tilespmem:$0x4300] =	vst v63  }
0x121: {  	s12 =	rddreg [dreg:$0xb]  }
0x122: {  	[tilespmem:s5], [sflag:$0x1] =	stream.linear.gather [hbm4b:s12+s1], $0x80, $0x38;
	[tilespmem:$0x4300] =	vst v63  }
0x123: {  	_ =	swait.ge [sflag:s6], $0x80  }
0x124: {  	[sflag:s6] =	ssyncset.done $0x0  }
0x125: {  	[sflag:s6] =	ssyncadd.s32 $0xFFFFFF80  }
0x126: {  	_ =	swait.ge [sflag:s6], $0x80  }
0x127: {  	[sflag:s6] =	ssyncset.done $0x0  }
0x128: {  	[sflag:s6] =	ssyncadd.s32 $0xFFFFFF80  }
0x129: {  	_ =	swait.ge [sflag:s6], $0x80  }
0x12a: {  	[sflag:s6] =	ssyncset.done $0x0  }
0x12b: {  	[sflag:s6] =	ssyncadd.s32 $0xFFFFFF80  }
0x12c: {  	v38 =	vld [tilespmem:$0x0]  }
0x12d: {  	v39 =	vld [tilespmem:$0x80]  }
0x12e: {  	v40 =	vld [tilespmem:$0x100]  }
0x12f: {  	v41 =	vld [tilespmem:$0x10]  }
0x130: {  	v42 =	vld [tilespmem:$0x90]  }
0x131: {  	v43 =	vld [tilespmem:$0x110]  }
0x132: {  	v44 =	vld [tilespmem:$0x20]  }
0x133: {  	v45 =	vld [tilespmem:$0xA0]  }
0x134: {  	v46 =	vld [tilespmem:$0x120]  }
0x135: {  	v47 =	vld [tilespmem:$0x30]  }
0x136: {  	v48 =	vld [tilespmem:$0xB0]  }
0x137: {  	v49 =	vld [tilespmem:$0x130]  }
0x138: {  	v50 =	vld [tilespmem:$0x40]  }
0x139: {  	v51 =	vld [tilespmem:$0xC0]  }
0x13a: {  	v53 =	vld [tilespmem:$0x50]  }
0x13b: {  	v54 =	vld [tilespmem:$0xD0]  }
0x13c: {  	v55 =	vld [tilespmem:$0x60]  }
0x13d: {  	v56 =	vld [tilespmem:$0xE0];
	v0 =	vmul.u32 $0x34500, v38;
	v1 =	vmul.u32 $0x1B0, v39;
	v3 =	vmul.u32 $0x34500, v41  }
0x13e: {  	v59 =	vld [tilespmem:$0x70];
	v4 =	vmul.u32 $0x1B0, v42;
	v6 =	vmul.u32 $0x34500, v44;
	v7 =	vmul.u32 $0x1B0, v45  }
0x13f: {  	v62 =	vld [tilespmem:$0xF0];
	v57 =	vmul.u32 $0x34500, v47;
	v58 =	vmul.u32 $0x1B0, v48;
	v63 =	vmul.u32 $0x34500, v50  }
0x140: {  	v13 =	vld [tilespmem:$0x150];
	v12 =	vmul.u32 $0x1B0, v51;
	v23 =	vmul.u32 $0x34500, v53;
	v0 =	vadd.s32 v0, v1  }
0x141: {  	v21 =	vld [tilespmem:$0x160];
	v24 =	vmul.u32 $0x1B0, v54;
	v60 =	vadd.s32 v3, v4;
	v0 =	vadd.s32 v40, v0  }
0x142: {  	v52 =	vld [tilespmem:$0x140];
	v26 =	vmul.u32 $0x34500, v55;
	v61 =	vadd.s32 v6, v7;
	v19 =	vadd.s32 v43, v60;
	[tilespmem:$0x180] =	vst v0  }
0x143: {  	v25 =	vld [tilespmem:$0x170];
	v27 =	vmul.u32 $0x1B0, v56;
	v1 =	vadd.s32 v57, v58;
	v20 =	vadd.s32 v46, v61;
	[tilespmem:$0x190] =	vst v19  }
0x144: {  	v29 =	vmul.u32 $0x34500, v59;
	v28 =	vadd.s32 v23, v24;
	v1 =	vadd.s32 v49, v1;
	[tilespmem:$0x1A0] =	vst v20  }
0x145: {  	v4 =	vmul.u32 $0x1B0, v62;
	v31 =	vadd.s32 v26, v27;
	v30 =	vadd.s32 v13, v28;
	[tilespmem:$0x1B0] =	vst v1  }
0x146: {  	v22 =	vadd.s32 v63, v12;
	v32 =	vadd.s32 v21, v31;
	[tilespmem:$0x1D0] =	vst v30  }
0x147: {  	v0 =	vadd.s32 v52, v22;
	v33 =	vadd.s32 v29, v4;
	[tilespmem:$0x1E0] =	vst v32  }
0x148: {  	[tilespmem:$0x1C0] =	vst v0;
	v34 =	vadd.s32 v25, v33  }
0x149: {  	[tilespmem:$0x1F0] =	vst v34  }
0x14a: {  	[tilespmem:s8], [sflag:$0x1] =	stream.indirect.gather [hbm4b:s0+s4], $0x1, s7, s4, $0xb8;
	[tilespmem:$0x4300] =	vst v63  }
0x14b: {  	_ = 	snop  }
0x14c: {  	[tilespmem:s9], [sflag:$0x1] =	stream.indirect.gather [hbm4b:s28+s4], $0x1, s7, s4, $0xb8;
	[tilespmem:$0x4300] =	vst v63  }
0x14d: {  	_ =	swait.ge [sflag:s6], $0x80  }
0x14e: {  	[sflag:s6] =	ssyncset.done $0x0  }
0x14f: {  	[sflag:s6] =	ssyncadd.s32 $0xFFFFFF80  }
0x150: {  	_ =	swait.ge [sflag:s6], $0x80  }
0x151: {  	[sflag:s6] =	ssyncset.done $0x0  }
0x152: {  	[sflag:s6] =	ssyncadd.s32 $0xFFFFFF80  }
0x153: {  	v35 =	vld [tilespmem:$0x200]  }
0x154: {  	v36 =	vld [tilespmem:$0x280]  }
0x155: {  	v37 =	vld [tilespmem:$0x210]  }
0x156: {  	v38 =	vld [tilespmem:$0x290]  }
0x157: {  	v39 =	vld [tilespmem:$0x220]  }
0x158: {  	v40 =	vld [tilespmem:$0x2A0]  }
0x159: {  	v41 =	vld [tilespmem:$0x230]  }
0x15a: {  	v42 =	vld [tilespmem:$0x2B0]  }
0x15b: {  	v43 =	vld [tilespmem:$0x240]  }
0x15c: {  	v44 =	vld [tilespmem:$0x2C0]  }
0x15d: {  	v45 =	vld [tilespmem:$0x250]  }
0x15e: {  	v46 =	vld [tilespmem:$0x2D0]  }
0x15f: {  	v47 =	vld [tilespmem:$0x260]  }
0x160: {  	v48 =	vld [tilespmem:$0x2E0];
	vm4 =	vgt.s32 v35, v36  }
0x161: {  	v49 =	vld [tilespmem:$0x270];
	vm5 =	vgt.s32 v37, v38;
	v0 =	vsel vm4, v35, v36  }
0x162: {  	v51 =	vld [tilespmem:$0x2F0];
	vm6 =	vgt.s32 v39, v40;
	v50 =	vsel vm5, v37, v38;
	[tilespmem:$0x200] =	vst v0  }
0x163: {  	vm7 =	vgt.s32 v41, v42;
	v52 =	vsel vm6, v39, v40;
	[tilespmem:$0x210] =	vst v50  }
0x164: {  	vm8 =	vgt.s32 v43, v44;
	v53 =	vsel vm7, v41, v42;
	[tilespmem:$0x220] =	vst v52  }
0x165: {  	vm9 =	vgt.s32 v45, v46;
	v54 =	vsel vm8, v43, v44;
	[tilespmem:$0x230] =	vst v53  }
0x166: {  	vm10 =	vgt.s32 v47, v48;
	v55 =	vsel vm9, v45, v46;
	[tilespmem:$0x240] =	vst v54  }
0x167: {  	vm11 =	vgt.s32 v49, v51;
	v56 =	vsel vm10, v47, v48;
	[tilespmem:$0x250] =	vst v55  }
0x168: {  	v57 =	vsel vm11, v49, v51;
	[tilespmem:$0x260] =	vst v56  }
0x169: {  	[tilespmem:$0x270] =	vst v57  }
0x16a: {  	[tilespmem:s10], [sflag:$0x2] =	stream.indirect.gather [hbm4b:s31+s4], $0x80, s8, s4, $0xb8;
	[tilespmem:$0x4300] =	vst v63  }
0x16b: {  	_ =	swait.ge [sflag:s11], $0x4000  }
0x16c: {  	[sflag:s11] =	ssyncset.done $0x0  }
0x16d: {  	[sflag:s11] =	ssyncadd.s32 $0xFFFFC000  }
0x16e: {  	[hbm4b:s2+s4] =	stream.indirect.scatter [tilespmem:s10], [sflag:$0x2], $0x80, s7, s4, $0xb8;
	[tilespmem:$0x4300] =	vst v63  }
0x16f: {  	_ =	swait.ge [sflag:s11], $0x4000  }
0x170: {  	[sflag:s11] =	ssyncset.done $0x0  }
0x171: {  	s12 =	rddreg [dreg:$0xc];
	[sflag:s11] =	ssyncadd.s32 $0xFFFFC000  }
0x172: {  	[tilespmem:s1], [sflag:$0x1] =	stream.linear.gather [hbm4b:s12+s1], $0x80, $0x38;
	[tilespmem:$0x4300] =	vst v63  }
0x173: {  	s12 =	rddreg [dreg:$0xd]  }
0x174: {  	[tilespmem:s4], [sflag:$0x1] =	stream.linear.gather [hbm4b:s12+s1], $0x80, $0x38;
	[tilespmem:$0x4300] =	vst v63  }
0x175: {  	_ = 	snop  }
0x176: {  	[tilespmem:s5], [sflag:$0x1] =	stream.linear.gather [hbm4b:s13+s1], $0x80, $0x38;
	[tilespmem:$0x4300] =	vst v63  }
0x177: {  	_ =	swait.ge [sflag:s6], $0x80  }
0x178: {  	[sflag:s6] =	ssyncset.done $0x0  }
0x179: {  	[sflag:s6] =	ssyncadd.s32 $0xFFFFFF80  }
0x17a: {  	_ =	swait.ge [sflag:s6], $0x80  }
0x17b: {  	[sflag:s6] =	ssyncset.done $0x0  }
0x17c: {  	[sflag:s6] =	ssyncadd.s32 $0xFFFFFF80  }
0x17d: {  	_ =	swait.ge [sflag:s6], $0x80  }
0x17e: {  	[sflag:s6] =	ssyncset.done $0x0  }
0x17f: {  	[sflag:s6] =	ssyncadd.s32 $0xFFFFFF80  }
0x180: {  	v58 =	vld [tilespmem:$0x0]  }
0x181: {  	v59 =	vld [tilespmem:$0x80]  }
0x182: {  	v60 =	vld [tilespmem:$0x100]  }
0x183: {  	v61 =	vld [tilespmem:$0x10]  }
0x184: {  	v62 =	vld [tilespmem:$0x90]  }
0x185: {  	v63 =	vld [tilespmem:$0x110]  }
0x186: {  	v20 =	vld [tilespmem:$0x20]  }
0x187: {  	v21 =	vld [tilespmem:$0xA0]  }
0x188: {  	v22 =	vld [tilespmem:$0x120]  }
0x189: {  	v23 =	vld [tilespmem:$0x30]  }
0x18a: {  	v24 =	vld [tilespmem:$0xB0]  }
0x18b: {  	v25 =	vld [tilespmem:$0x130]  }
0x18c: {  	v26 =	vld [tilespmem:$0x40]  }
0x18d: {  	v27 =	vld [tilespmem:$0xC0]  }
0x18e: {  	v29 =	vld [tilespmem:$0x50]  }
0x18f: {  	v30 =	vld [tilespmem:$0xD0]  }
0x190: {  	v31 =	vld [tilespmem:$0x60]  }
0x191: {  	v32 =	vld [tilespmem:$0xE0];
	v0 =	vmul.u32 $0x34500, v58;
	v1 =	vmul.u32 $0x1B0, v59;
	v3 =	vmul.u32 $0x34500, v61  }
0x192: {  	v35 =	vld [tilespmem:$0x70];
	v4 =	vmul.u32 $0x1B0, v62;
	v6 =	vmul.u32 $0x34500, v20;
	v7 =	vmul.u32 $0x1B0, v21  }
0x193: {  	v38 =	vld [tilespmem:$0xF0];
	v33 =	vmul.u32 $0x34500, v23;
	v34 =	vmul.u32 $0x1B0, v24;
	v39 =	vmul.u32 $0x34500, v26  }
0x194: {  	v41 =	vld [tilespmem:$0x150];
	v40 =	vmul.u32 $0x1B0, v27;
	v46 =	vmul.u32 $0x34500, v29;
	v0 =	vadd.s32 v0, v1  }
0x195: {  	v44 =	vld [tilespmem:$0x160];
	v47 =	vmul.u32 $0x1B0, v30;
	v36 =	vadd.s32 v3, v4;
	v0 =	vadd.s32 v60, v0  }
0x196: {  	v28 =	vld [tilespmem:$0x140];
	v49 =	vmul.u32 $0x34500, v31;
	v37 =	vadd.s32 v6, v7;
	v42 =	vadd.s32 v63, v36;
	[tilespmem:$0x180] =	vst v0  }
0x197: {  	v48 =	vld [tilespmem:$0x170];
	v50 =	vmul.u32 $0x1B0, v32;
	v1 =	vadd.s32 v33, v34;
	v43 =	vadd.s32 v22, v37;
	[tilespmem:$0x190] =	vst v42  }
0x198: {  	v52 =	vmul.u32 $0x34500, v35;
	v51 =	vadd.s32 v46, v47;
	v1 =	vadd.s32 v25, v1;
	[tilespmem:$0x1A0] =	vst v43  }
0x199: {  	v4 =	vmul.u32 $0x1B0, v38;
	v54 =	vadd.s32 v49, v50;
	v53 =	vadd.s32 v41, v51;
	[tilespmem:$0x1B0] =	vst v1  }
0x19a: {  	v45 =	vadd.s32 v39, v40;
	v55 =	vadd.s32 v44, v54;
	[tilespmem:$0x1D0] =	vst v53  }
0x19b: {  	v0 =	vadd.s32 v28, v45;
	v56 =	vadd.s32 v52, v4;
	[tilespmem:$0x1E0] =	vst v55  }
0x19c: {  	[tilespmem:$0x1C0] =	vst v0;
	v57 =	vadd.s32 v48, v56  }
0x19d: {  	[tilespmem:$0x1F0] =	vst v57  }
0x19e: {  	[tilespmem:s8], [sflag:$0x1] =	stream.indirect.gather [hbm4b:s0+s4], $0x1, s7, s4, $0xb8;
	[tilespmem:$0x4300] =	vst v63  }
0x19f: {  	_ = 	snop  }
0x1a0: {  	[tilespmem:s9], [sflag:$0x1] =	stream.indirect.gather [hbm4b:s28+s4], $0x1, s7, s4, $0xb8;
	[tilespmem:$0x4300] =	vst v63  }
0x1a1: {  	_ =	swait.ge [sflag:s6], $0x80  }
0x1a2: {  	[sflag:s6] =	ssyncset.done $0x0  }
0x1a3: {  	[sflag:s6] =	ssyncadd.s32 $0xFFFFFF80  }
0x1a4: {  	_ =	swait.ge [sflag:s6], $0x80  }
0x1a5: {  	[sflag:s6] =	ssyncset.done $0x0  }
0x1a6: {  	[sflag:s6] =	ssyncadd.s32 $0xFFFFFF80  }
0x1a7: {  	v58 =	vld [tilespmem:$0x200]  }
0x1a8: {  	v59 =	vld [tilespmem:$0x280]  }
0x1a9: {  	v60 =	vld [tilespmem:$0x210]  }
0x1aa: {  	v61 =	vld [tilespmem:$0x290]  }
0x1ab: {  	v62 =	vld [tilespmem:$0x220]  }
0x1ac: {  	v63 =	vld [tilespmem:$0x2A0]  }
0x1ad: {  	v16 =	vld [tilespmem:$0x230]  }
0x1ae: {  	v17 =	vld [tilespmem:$0x2B0]  }
0x1af: {  	v18 =	vld [tilespmem:$0x240]  }
0x1b0: {  	v19 =	vld [tilespmem:$0x2C0]  }
0x1b1: {  	v20 =	vld [tilespmem:$0x250]  }
0x1b2: {  	v21 =	vld [tilespmem:$0x2D0]  }
0x1b3: {  	v22 =	vld [tilespmem:$0x260]  }
0x1b4: {  	v23 =	vld [tilespmem:$0x2E0];
	vm12 =	vgt.s32 v58, v59  }
0x1b5: {  	v24 =	vld [tilespmem:$0x270];
	vm13 =	vgt.s32 v60, v61;
	v0 =	vsel vm12, v58, v59  }
0x1b6: {  	v26 =	vld [tilespmem:$0x2F0];
	vm14 =	vgt.s32 v62, v63;
	v25 =	vsel vm13, v60, v61;
	[tilespmem:$0x200] =	vst v0  }
0x1b7: {  	vm15 =	vgt.s32 v16, v17;
	v27 =	vsel vm14, v62, v63;
	[tilespmem:$0x210] =	vst v25  }
0x1b8: {  	vm4 =	vgt.s32 v18, v19;
	v28 =	vsel vm15, v16, v17;
	[tilespmem:$0x220] =	vst v27  }
0x1b9: {  	vm5 =	vgt.s32 v20, v21;
	v29 =	vsel vm4, v18, v19;
	[tilespmem:$0x230] =	vst v28  }
0x1ba: {  	vm6 =	vgt.s32 v22, v23;
	v30 =	vsel vm5, v20, v21;
	[tilespmem:$0x240] =	vst v29  }
0x1bb: {  	vm7 =	vgt.s32 v24, v26;
	v31 =	vsel vm6, v22, v23;
	[tilespmem:$0x250] =	vst v30  }
0x1bc: {  	v32 =	vsel vm7, v24, v26;
	[tilespmem:$0x260] =	vst v31  }
0x1bd: {  	[tilespmem:$0x270] =	vst v32  }
0x1be: {  	[tilespmem:s10], [sflag:$0x2] =	stream.indirect.gather [hbm4b:s31+s4], $0x80, s8, s4, $0xb8;
	[tilespmem:$0x4300] =	vst v63  }
0x1bf: {  	_ =	swait.ge [sflag:s11], $0x4000  }
0x1c0: {  	[sflag:s11] =	ssyncset.done $0x0  }
0x1c1: {  	[sflag:s11] =	ssyncadd.s32 $0xFFFFC000  }
0x1c2: {  	[hbm4b:s2+s4] =	stream.indirect.scatter [tilespmem:s10], [sflag:$0x2], $0x80, s7, s4, $0xb8;
	[tilespmem:$0x4300] =	vst v63  }
0x1c3: {  	_ =	swait.ge [sflag:s11], $0x4000  }
0x1c4: {  	[sflag:s11] =	ssyncset.done $0x0  }
0x1c5: {  	[sflag:s11] =	ssyncadd.s32 $0xFFFFC000  }
0x1c6: {  	[tilespmem:s1], [sflag:$0x1] =	stream.linear.gather [hbm4b:s14+s1], $0x80, $0x38;
	[tilespmem:$0x4300] =	vst v63  }
0x1c7: {  	_ = 	snop  }
0x1c8: {  	[tilespmem:s4], [sflag:$0x1] =	stream.linear.gather [hbm4b:s15+s1], $0x80, $0x38;
	[tilespmem:$0x4300] =	vst v63  }
0x1c9: {  	_ = 	snop  }
0x1ca: {  	[tilespmem:s5], [sflag:$0x1] =	stream.linear.gather [hbm4b:s16+s1], $0x80, $0x38;
	[tilespmem:$0x4300] =	vst v63  }
0x1cb: {  	_ =	swait.ge [sflag:s6], $0x80  }
0x1cc: {  	[sflag:s6] =	ssyncset.done $0x0  }
0x1cd: {  	[sflag:s6] =	ssyncadd.s32 $0xFFFFFF80  }
0x1ce: {  	_ =	swait.ge [sflag:s6], $0x80  }
0x1cf: {  	[sflag:s6] =	ssyncset.done $0x0  }
0x1d0: {  	[sflag:s6] =	ssyncadd.s32 $0xFFFFFF80  }
0x1d1: {  	_ =	swait.ge [sflag:s6], $0x80  }
0x1d2: {  	[sflag:s6] =	ssyncset.done $0x0  }
0x1d3: {  	[sflag:s6] =	ssyncadd.s32 $0xFFFFFF80  }
0x1d4: {  	v33 =	vld [tilespmem:$0x0]  }
0x1d5: {  	v34 =	vld [tilespmem:$0x80]  }
0x1d6: {  	v35 =	vld [tilespmem:$0x100]  }
0x1d7: {  	v36 =	vld [tilespmem:$0x10]  }
0x1d8: {  	v37 =	vld [tilespmem:$0x90]  }
0x1d9: {  	v38 =	vld [tilespmem:$0x110]  }
0x1da: {  	v39 =	vld [tilespmem:$0x20]  }
0x1db: {  	v40 =	vld [tilespmem:$0xA0]  }
0x1dc: {  	v41 =	vld [tilespmem:$0x120]  }
0x1dd: {  	v42 =	vld [tilespmem:$0x30]  }
0x1de: {  	v43 =	vld [tilespmem:$0xB0]  }
0x1df: {  	v44 =	vld [tilespmem:$0x130]  }
0x1e0: {  	v45 =	vld [tilespmem:$0x40]  }
0x1e1: {  	v46 =	vld [tilespmem:$0xC0]  }
0x1e2: {  	v48 =	vld [tilespmem:$0x50]  }
0x1e3: {  	v49 =	vld [tilespmem:$0xD0]  }
0x1e4: {  	v50 =	vld [tilespmem:$0x60]  }
0x1e5: {  	v51 =	vld [tilespmem:$0xE0];
	v0 =	vmul.u32 $0x34500, v33;
	v1 =	vmul.u32 $0x1B0, v34;
	v3 =	vmul.u32 $0x34500, v36  }
0x1e6: {  	v54 =	vld [tilespmem:$0x70];
	v4 =	vmul.u32 $0x1B0, v37;
	v6 =	vmul.u32 $0x34500, v39;
	v7 =	vmul.u32 $0x1B0, v40  }
0x1e7: {  	v57 =	vld [tilespmem:$0xF0];
	v52 =	vmul.u32 $0x34500, v42;
	v53 =	vmul.u32 $0x1B0, v43;
	v58 =	vmul.u32 $0x34500, v45  }
0x1e8: {  	v60 =	vld [tilespmem:$0x150];
	v59 =	vmul.u32 $0x1B0, v46;
	v13 =	vmul.u32 $0x34500, v48;
	v0 =	vadd.s32 v0, v1  }
0x1e9: {  	v63 =	vld [tilespmem:$0x160];
	v15 =	vmul.u32 $0x1B0, v49;
	v55 =	vadd.s32 v3, v4;
	v0 =	vadd.s32 v35, v0  }
0x1ea: {  	v47 =	vld [tilespmem:$0x140];
	v19 =	vmul.u32 $0x34500, v50;
	v56 =	vadd.s32 v6, v7;
	v61 =	vadd.s32 v38, v55;
	[tilespmem:$0x180] =	vst v0  }
0x1eb: {  	v16 =	vld [tilespmem:$0x170];
	v20 =	vmul.u32 $0x1B0, v51;
	v1 =	vadd.s32 v52, v53;
	v62 =	vadd.s32 v41, v56;
	[tilespmem:$0x190] =	vst v61  }
0x1ec: {  	v22 =	vmul.u32 $0x34500, v54;
	v21 =	vadd.s32 v13, v15;
	v1 =	vadd.s32 v44, v1;
	[tilespmem:$0x1A0] =	vst v62  }
0x1ed: {  	v4 =	vmul.u32 $0x1B0, v57;
	v24 =	vadd.s32 v19, v20;
	v23 =	vadd.s32 v60, v21;
	[tilespmem:$0x1B0] =	vst v1  }
0x1ee: {  	v12 =	vadd.s32 v58, v59;
	v25 =	vadd.s32 v63, v24;
	[tilespmem:$0x1D0] =	vst v23  }
0x1ef: {  	v0 =	vadd.s32 v47, v12;
	v26 =	vadd.s32 v22, v4;
	[tilespmem:$0x1E0] =	vst v25  }
0x1f0: {  	[tilespmem:$0x1C0] =	vst v0;
	v27 =	vadd.s32 v16, v26  }
0x1f1: {  	[tilespmem:$0x1F0] =	vst v27  }
0x1f2: {  	[tilespmem:s8], [sflag:$0x1] =	stream.indirect.gather [hbm4b:s0+s4], $0x1, s7, s4, $0xb8;
	[tilespmem:$0x4300] =	vst v63  }
0x1f3: {  	_ = 	snop  }
0x1f4: {  	[tilespmem:s9], [sflag:$0x1] =	stream.indirect.gather [hbm4b:s28+s4], $0x1, s7, s4, $0xb8;
	[tilespmem:$0x4300] =	vst v63  }
0x1f5: {  	_ =	swait.ge [sflag:s6], $0x80  }
0x1f6: {  	[sflag:s6] =	ssyncset.done $0x0  }
0x1f7: {  	[sflag:s6] =	ssyncadd.s32 $0xFFFFFF80  }
0x1f8: {  	_ =	swait.ge [sflag:s6], $0x80  }
0x1f9: {  	[sflag:s6] =	ssyncset.done $0x0  }
0x1fa: {  	[sflag:s6] =	ssyncadd.s32 $0xFFFFFF80  }
0x1fb: {  	v28 =	vld [tilespmem:$0x200]  }
0x1fc: {  	v29 =	vld [tilespmem:$0x280]  }
0x1fd: {  	v30 =	vld [tilespmem:$0x210]  }
0x1fe: {  	v31 =	vld [tilespmem:$0x290]  }
0x1ff: {  	v32 =	vld [tilespmem:$0x220]  }
0x200: {  	v33 =	vld [tilespmem:$0x2A0]  }
0x201: {  	v34 =	vld [tilespmem:$0x230]  }
0x202: {  	v35 =	vld [tilespmem:$0x2B0]  }
0x203: {  	v36 =	vld [tilespmem:$0x240]  }
0x204: {  	v37 =	vld [tilespmem:$0x2C0]  }
0x205: {  	v38 =	vld [tilespmem:$0x250]  }
0x206: {  	v39 =	vld [tilespmem:$0x2D0]  }
0x207: {  	v40 =	vld [tilespmem:$0x260]  }
0x208: {  	v41 =	vld [tilespmem:$0x2E0];
	vm8 =	vgt.s32 v28, v29  }
0x209: {  	v42 =	vld [tilespmem:$0x270];
	vm9 =	vgt.s32 v30, v31;
	v0 =	vsel vm8, v28, v29  }
0x20a: {  	v44 =	vld [tilespmem:$0x2F0];
	vm10 =	vgt.s32 v32, v33;
	v43 =	vsel vm9, v30, v31;
	[tilespmem:$0x200] =	vst v0  }
0x20b: {  	vm11 =	vgt.s32 v34, v35;
	v45 =	vsel vm10, v32, v33;
	[tilespmem:$0x210] =	vst v43  }
0x20c: {  	vm12 =	vgt.s32 v36, v37;
	v46 =	vsel vm11, v34, v35;
	[tilespmem:$0x220] =	vst v45  }
0x20d: {  	vm13 =	vgt.s32 v38, v39;
	v47 =	vsel vm12, v36, v37;
	[tilespmem:$0x230] =	vst v46  }
0x20e: {  	vm14 =	vgt.s32 v40, v41;
	v48 =	vsel vm13, v38, v39;
	[tilespmem:$0x240] =	vst v47  }
0x20f: {  	vm15 =	vgt.s32 v42, v44;
	v49 =	vsel vm14, v40, v41;
	[tilespmem:$0x250] =	vst v48  }
0x210: {  	v50 =	vsel vm15, v42, v44;
	[tilespmem:$0x260] =	vst v49  }
0x211: {  	[tilespmem:$0x270] =	vst v50  }
0x212: {  	[tilespmem:s10], [sflag:$0x2] =	stream.indirect.gather [hbm4b:s31+s4], $0x80, s8, s4, $0xb8;
	[tilespmem:$0x4300] =	vst v63  }
0x213: {  	_ =	swait.ge [sflag:s11], $0x4000  }
0x214: {  	[sflag:s11] =	ssyncset.done $0x0  }
0x215: {  	[sflag:s11] =	ssyncadd.s32 $0xFFFFC000  }
0x216: {  	[hbm4b:s2+s4] =	stream.indirect.scatter [tilespmem:s10], [sflag:$0x2], $0x80, s7, s4, $0xb8;
	[tilespmem:$0x4300] =	vst v63  }
0x217: {  	_ =	swait.ge [sflag:s11], $0x4000  }
0x218: {  	[sflag:s11] =	ssyncset.done $0x0  }
0x219: {  	[sflag:s11] =	ssyncadd.s32 $0xFFFFC000  }
0x21a: {  	[tilespmem:s1], [sflag:$0x1] =	stream.linear.gather [hbm4b:s17+s1], $0x80, $0x38;
	[tilespmem:$0x4300] =	vst v63  }
0x21b: {  	_ = 	snop  }
0x21c: {  	[tilespmem:s4], [sflag:$0x1] =	stream.linear.gather [hbm4b:s18+s1], $0x80, $0x38;
	[tilespmem:$0x4300] =	vst v63  }
0x21d: {  	_ = 	snop  }
0x21e: {  	[tilespmem:s5], [sflag:$0x1] =	stream.linear.gather [hbm4b:s19+s1], $0x80, $0x38;
	[tilespmem:$0x4300] =	vst v63  }
0x21f: {  	_ =	swait.ge [sflag:s6], $0x80  }
0x220: {  	[sflag:s6] =	ssyncset.done $0x0  }
0x221: {  	[sflag:s6] =	ssyncadd.s32 $0xFFFFFF80  }
0x222: {  	_ =	swait.ge [sflag:s6], $0x80  }
0x223: {  	[sflag:s6] =	ssyncset.done $0x0  }
0x224: {  	[sflag:s6] =	ssyncadd.s32 $0xFFFFFF80  }
0x225: {  	_ =	swait.ge [sflag:s6], $0x80  }
0x226: {  	[sflag:s6] =	ssyncset.done $0x0  }
0x227: {  	[sflag:s6] =	ssyncadd.s32 $0xFFFFFF80  }
0x228: {  	v51 =	vld [tilespmem:$0x0]  }
0x229: {  	v52 =	vld [tilespmem:$0x80]  }
0x22a: {  	v53 =	vld [tilespmem:$0x100]  }
0x22b: {  	v54 =	vld [tilespmem:$0x10]  }
0x22c: {  	v55 =	vld [tilespmem:$0x90]  }
0x22d: {  	v56 =	vld [tilespmem:$0x110]  }
0x22e: {  	v57 =	vld [tilespmem:$0x20]  }
0x22f: {  	v58 =	vld [tilespmem:$0xA0]  }
0x230: {  	v59 =	vld [tilespmem:$0x120]  }
0x231: {  	v60 =	vld [tilespmem:$0x30]  }
0x232: {  	v61 =	vld [tilespmem:$0xB0]  }
0x233: {  	v62 =	vld [tilespmem:$0x130]  }
0x234: {  	v63 =	vld [tilespmem:$0x40]  }
0x235: {  	v21 =	vld [tilespmem:$0xC0]  }
0x236: {  	v23 =	vld [tilespmem:$0x50]  }
0x237: {  	v24 =	vld [tilespmem:$0xD0]  }
0x238: {  	v25 =	vld [tilespmem:$0x60]  }
0x239: {  	v26 =	vld [tilespmem:$0xE0];
	v0 =	vmul.u32 $0x34500, v51;
	v1 =	vmul.u32 $0x1B0, v52;
	v3 =	vmul.u32 $0x34500, v54  }
0x23a: {  	v29 =	vld [tilespmem:$0x70];
	v4 =	vmul.u32 $0x1B0, v55;
	v6 =	vmul.u32 $0x34500, v57;
	v7 =	vmul.u32 $0x1B0, v58  }
0x23b: {  	v32 =	vld [tilespmem:$0xF0];
	v27 =	vmul.u32 $0x34500, v60;
	v28 =	vmul.u32 $0x1B0, v61;
	v33 =	vmul.u32 $0x34500, v63  }
0x23c: {  	v35 =	vld [tilespmem:$0x150];
	v34 =	vmul.u32 $0x1B0, v21;
	v40 =	vmul.u32 $0x34500, v23;
	v0 =	vadd.s32 v0, v1  }
0x23d: {  	v38 =	vld [tilespmem:$0x160];
	v41 =	vmul.u32 $0x1B0, v24;
	v30 =	vadd.s32 v3, v4;
	v0 =	vadd.s32 v53, v0  }
0x23e: {  	v22 =	vld [tilespmem:$0x140];
	v43 =	vmul.u32 $0x34500, v25;
	v31 =	vadd.s32 v6, v7;
	v36 =	vadd.s32 v56, v30;
	[tilespmem:$0x180] =	vst v0  }
0x23f: {  	v42 =	vld [tilespmem:$0x170];
	v44 =	vmul.u32 $0x1B0, v26;
	v1 =	vadd.s32 v27, v28;
	v37 =	vadd.s32 v59, v31;
	[tilespmem:$0x190] =	vst v36  }
0x240: {  	v46 =	vmul.u32 $0x34500, v29;
	v45 =	vadd.s32 v40, v41;
	v1 =	vadd.s32 v62, v1;
	[tilespmem:$0x1A0] =	vst v37  }
0x241: {  	v4 =	vmul.u32 $0x1B0, v32;
	v48 =	vadd.s32 v43, v44;
	v47 =	vadd.s32 v35, v45;
	[tilespmem:$0x1B0] =	vst v1  }
0x242: {  	v39 =	vadd.s32 v33, v34;
	v49 =	vadd.s32 v38, v48;
	[tilespmem:$0x1D0] =	vst v47  }
0x243: {  	v0 =	vadd.s32 v22, v39;
	v50 =	vadd.s32 v46, v4;
	[tilespmem:$0x1E0] =	vst v49  }
0x244: {  	[tilespmem:$0x1C0] =	vst v0;
	v51 =	vadd.s32 v42, v50  }
0x245: {  	[tilespmem:$0x1F0] =	vst v51  }
0x246: {  	[tilespmem:s8], [sflag:$0x1] =	stream.indirect.gather [hbm4b:s0+s4], $0x1, s7, s4, $0xb8;
	[tilespmem:$0x4300] =	vst v63  }
0x247: {  	_ = 	snop  }
0x248: {  	[tilespmem:s9], [sflag:$0x1] =	stream.indirect.gather [hbm4b:s28+s4], $0x1, s7, s4, $0xb8;
	[tilespmem:$0x4300] =	vst v63  }
0x249: {  	_ =	swait.ge [sflag:s6], $0x80  }
0x24a: {  	[sflag:s6] =	ssyncset.done $0x0  }
0x24b: {  	[sflag:s6] =	ssyncadd.s32 $0xFFFFFF80  }
0x24c: {  	_ =	swait.ge [sflag:s6], $0x80  }
0x24d: {  	[sflag:s6] =	ssyncset.done $0x0  }
0x24e: {  	[sflag:s6] =	ssyncadd.s32 $0xFFFFFF80  }
0x24f: {  	v52 =	vld [tilespmem:$0x200]  }
0x250: {  	v53 =	vld [tilespmem:$0x280]  }
0x251: {  	v54 =	vld [tilespmem:$0x210]  }
0x252: {  	v55 =	vld [tilespmem:$0x290]  }
0x253: {  	v56 =	vld [tilespmem:$0x220]  }
0x254: {  	v57 =	vld [tilespmem:$0x2A0]  }
0x255: {  	v58 =	vld [tilespmem:$0x230]  }
0x256: {  	v59 =	vld [tilespmem:$0x2B0]  }
0x257: {  	v60 =	vld [tilespmem:$0x240]  }
0x258: {  	v61 =	vld [tilespmem:$0x2C0]  }
0x259: {  	v62 =	vld [tilespmem:$0x250]  }
0x25a: {  	v63 =	vld [tilespmem:$0x2D0]  }
0x25b: {  	v16 =	vld [tilespmem:$0x260]  }
0x25c: {  	v17 =	vld [tilespmem:$0x2E0];
	vm4 =	vgt.s32 v52, v53  }
0x25d: {  	v18 =	vld [tilespmem:$0x270];
	vm5 =	vgt.s32 v54, v55;
	v0 =	vsel vm4, v52, v53  }
0x25e: {  	v20 =	vld [tilespmem:$0x2F0];
	vm6 =	vgt.s32 v56, v57;
	v19 =	vsel vm5, v54, v55;
	[tilespmem:$0x200] =	vst v0  }
0x25f: {  	vm7 =	vgt.s32 v58, v59;
	v21 =	vsel vm6, v56, v57;
	[tilespmem:$0x210] =	vst v19  }
0x260: {  	vm8 =	vgt.s32 v60, v61;
	v22 =	vsel vm7, v58, v59;
	[tilespmem:$0x220] =	vst v21  }
0x261: {  	vm9 =	vgt.s32 v62, v63;
	v23 =	vsel vm8, v60, v61;
	[tilespmem:$0x230] =	vst v22  }
0x262: {  	vm10 =	vgt.s32 v16, v17;
	v24 =	vsel vm9, v62, v63;
	[tilespmem:$0x240] =	vst v23  }
0x263: {  	vm11 =	vgt.s32 v18, v20;
	v25 =	vsel vm10, v16, v17;
	[tilespmem:$0x250] =	vst v24  }
0x264: {  	v26 =	vsel vm11, v18, v20;
	[tilespmem:$0x260] =	vst v25  }
0x265: {  	[tilespmem:$0x270] =	vst v26  }
0x266: {  	[tilespmem:s10], [sflag:$0x2] =	stream.indirect.gather [hbm4b:s31+s4], $0x80, s8, s4, $0xb8;
	[tilespmem:$0x4300] =	vst v63  }
0x267: {  	_ =	swait.ge [sflag:s11], $0x4000  }
0x268: {  	[sflag:s11] =	ssyncset.done $0x0  }
0x269: {  	[sflag:s11] =	ssyncadd.s32 $0xFFFFC000  }
0x26a: {  	[hbm4b:s2+s4] =	stream.indirect.scatter [tilespmem:s10], [sflag:$0x2], $0x80, s7, s4, $0xb8;
	[tilespmem:$0x4300] =	vst v63  }
0x26b: {  	_ =	swait.ge [sflag:s11], $0x4000  }
0x26c: {  	[sflag:s11] =	ssyncset.done $0x0  }
0x26d: {  	[sflag:s11] =	ssyncadd.s32 $0xFFFFC000  }
0x26e: {  	[tilespmem:s1], [sflag:$0x1] =	stream.linear.gather [hbm4b:s20+s1], $0x80, $0x38;
	[tilespmem:$0x4300] =	vst v63  }
0x26f: {  	_ = 	snop  }
0x270: {  	[tilespmem:s4], [sflag:$0x1] =	stream.linear.gather [hbm4b:s21+s1], $0x80, $0x38;
	[tilespmem:$0x4300] =	vst v63  }
0x271: {  	_ = 	snop  }
0x272: {  	[tilespmem:s5], [sflag:$0x1] =	stream.linear.gather [hbm4b:s22+s1], $0x80, $0x38;
	[tilespmem:$0x4300] =	vst v63  }
0x273: {  	_ =	swait.ge [sflag:s6], $0x80  }
0x274: {  	[sflag:s6] =	ssyncset.done $0x0  }
0x275: {  	[sflag:s6] =	ssyncadd.s32 $0xFFFFFF80  }
0x276: {  	_ =	swait.ge [sflag:s6], $0x80  }
0x277: {  	[sflag:s6] =	ssyncset.done $0x0  }
0x278: {  	[sflag:s6] =	ssyncadd.s32 $0xFFFFFF80  }
0x279: {  	_ =	swait.ge [sflag:s6], $0x80  }
0x27a: {  	[sflag:s6] =	ssyncset.done $0x0  }
0x27b: {  	[sflag:s6] =	ssyncadd.s32 $0xFFFFFF80  }
0x27c: {  	v27 =	vld [tilespmem:$0x0]  }
0x27d: {  	v28 =	vld [tilespmem:$0x80]  }
0x27e: {  	v29 =	vld [tilespmem:$0x100]  }
0x27f: {  	v30 =	vld [tilespmem:$0x10]  }
0x280: {  	v31 =	vld [tilespmem:$0x90]  }
0x281: {  	v32 =	vld [tilespmem:$0x110]  }
0x282: {  	v33 =	vld [tilespmem:$0x20]  }
0x283: {  	v34 =	vld [tilespmem:$0xA0]  }
0x284: {  	v35 =	vld [tilespmem:$0x120]  }
0x285: {  	v36 =	vld [tilespmem:$0x30]  }
0x286: {  	v37 =	vld [tilespmem:$0xB0]  }
0x287: {  	v38 =	vld [tilespmem:$0x130]  }
0x288: {  	v39 =	vld [tilespmem:$0x40]  }
0x289: {  	v40 =	vld [tilespmem:$0xC0]  }
0x28a: {  	v42 =	vld [tilespmem:$0x50]  }
0x28b: {  	v43 =	vld [tilespmem:$0xD0]  }
0x28c: {  	v44 =	vld [tilespmem:$0x60]  }
0x28d: {  	v45 =	vld [tilespmem:$0xE0];
	v0 =	vmul.u32 $0x34500, v27;
	v1 =	vmul.u32 $0x1B0, v28;
	v3 =	vmul.u32 $0x34500, v30  }
0x28e: {  	v48 =	vld [tilespmem:$0x70];
	v4 =	vmul.u32 $0x1B0, v31;
	v6 =	vmul.u32 $0x34500, v33;
	v7 =	vmul.u32 $0x1B0, v34  }
0x28f: {  	v51 =	vld [tilespmem:$0xF0];
	v46 =	vmul.u32 $0x34500, v36;
	v47 =	vmul.u32 $0x1B0, v37;
	v52 =	vmul.u32 $0x34500, v39  }
0x290: {  	v54 =	vld [tilespmem:$0x150];
	v53 =	vmul.u32 $0x1B0, v40;
	v59 =	vmul.u32 $0x34500, v42;
	v0 =	vadd.s32 v0, v1  }
0x291: {  	v57 =	vld [tilespmem:$0x160];
	v60 =	vmul.u32 $0x1B0, v43;
	v49 =	vadd.s32 v3, v4;
	v0 =	vadd.s32 v29, v0  }
0x292: {  	v41 =	vld [tilespmem:$0x140];
	v62 =	vmul.u32 $0x34500, v44;
	v50 =	vadd.s32 v6, v7;
	v55 =	vadd.s32 v32, v49;
	[tilespmem:$0x180] =	vst v0  }
0x293: {  	v61 =	vld [tilespmem:$0x170];
	v63 =	vmul.u32 $0x1B0, v45;
	v1 =	vadd.s32 v46, v47;
	v56 =	vadd.s32 v35, v50;
	[tilespmem:$0x190] =	vst v55  }
0x294: {  	v13 =	vmul.u32 $0x34500, v48;
	v12 =	vadd.s32 v59, v60;
	v1 =	vadd.s32 v38, v1;
	[tilespmem:$0x1A0] =	vst v56  }
0x295: {  	v4 =	vmul.u32 $0x1B0, v51;
	v15 =	vadd.s32 v62, v63;
	v14 =	vadd.s32 v54, v12;
	[tilespmem:$0x1B0] =	vst v1  }
0x296: {  	v58 =	vadd.s32 v52, v53;
	v16 =	vadd.s32 v57, v15;
	[tilespmem:$0x1D0] =	vst v14  }
0x297: {  	v0 =	vadd.s32 v41, v58;
	v17 =	vadd.s32 v13, v4;
	[tilespmem:$0x1E0] =	vst v16  }
0x298: {  	[tilespmem:$0x1C0] =	vst v0;
	v18 =	vadd.s32 v61, v17  }
0x299: {  	[tilespmem:$0x1F0] =	vst v18  }
0x29a: {  	[tilespmem:s8], [sflag:$0x1] =	stream.indirect.gather [hbm4b:s0+s4], $0x1, s7, s4, $0xb8;
	[tilespmem:$0x4300] =	vst v63  }
0x29b: {  	_ = 	snop  }
0x29c: {  	[tilespmem:s9], [sflag:$0x1] =	stream.indirect.gather [hbm4b:s28+s4], $0x1, s7, s4, $0xb8;
	[tilespmem:$0x4300] =	vst v63  }
0x29d: {  	_ =	swait.ge [sflag:s6], $0x80  }
0x29e: {  	[sflag:s6] =	ssyncset.done $0x0  }
0x29f: {  	[sflag:s6] =	ssyncadd.s32 $0xFFFFFF80  }
0x2a0: {  	_ =	swait.ge [sflag:s6], $0x80  }
0x2a1: {  	[sflag:s6] =	ssyncset.done $0x0  }
0x2a2: {  	[sflag:s6] =	ssyncadd.s32 $0xFFFFFF80  }
0x2a3: {  	v19 =	vld [tilespmem:$0x200]  }
0x2a4: {  	v20 =	vld [tilespmem:$0x280]  }
0x2a5: {  	v21 =	vld [tilespmem:$0x210]  }
0x2a6: {  	v22 =	vld [tilespmem:$0x290]  }
0x2a7: {  	v23 =	vld [tilespmem:$0x220]  }
0x2a8: {  	v24 =	vld [tilespmem:$0x2A0]  }
0x2a9: {  	v25 =	vld [tilespmem:$0x230]  }
0x2aa: {  	v26 =	vld [tilespmem:$0x2B0]  }
0x2ab: {  	v27 =	vld [tilespmem:$0x240]  }
0x2ac: {  	v28 =	vld [tilespmem:$0x2C0]  }
0x2ad: {  	v29 =	vld [tilespmem:$0x250]  }
0x2ae: {  	v30 =	vld [tilespmem:$0x2D0]  }
0x2af: {  	v31 =	vld [tilespmem:$0x260]  }
0x2b0: {  	v32 =	vld [tilespmem:$0x2E0];
	vm12 =	vgt.s32 v19, v20  }
0x2b1: {  	v33 =	vld [tilespmem:$0x270];
	vm13 =	vgt.s32 v21, v22;
	v0 =	vsel vm12, v19, v20  }
0x2b2: {  	v35 =	vld [tilespmem:$0x2F0];
	vm14 =	vgt.s32 v23, v24;
	v34 =	vsel vm13, v21, v22;
	[tilespmem:$0x200] =	vst v0  }
0x2b3: {  	vm15 =	vgt.s32 v25, v26;
	v36 =	vsel vm14, v23, v24;
	[tilespmem:$0x210] =	vst v34  }
0x2b4: {  	vm4 =	vgt.s32 v27, v28;
	v37 =	vsel vm15, v25, v26;
	[tilespmem:$0x220] =	vst v36  }
0x2b5: {  	vm5 =	vgt.s32 v29, v30;
	v38 =	vsel vm4, v27, v28;
	[tilespmem:$0x230] =	vst v37  }
0x2b6: {  	vm6 =	vgt.s32 v31, v32;
	v39 =	vsel vm5, v29, v30;
	[tilespmem:$0x240] =	vst v38  }
0x2b7: {  	vm7 =	vgt.s32 v33, v35;
	v40 =	vsel vm6, v31, v32;
	[tilespmem:$0x250] =	vst v39  }
0x2b8: {  	v41 =	vsel vm7, v33, v35;
	[tilespmem:$0x260] =	vst v40  }
0x2b9: {  	[tilespmem:$0x270] =	vst v41  }
0x2ba: {  	[tilespmem:s10], [sflag:$0x2] =	stream.indirect.gather [hbm4b:s31+s4], $0x80, s8, s4, $0xb8;
	[tilespmem:$0x4300] =	vst v63  }
0x2bb: {  	_ =	swait.ge [sflag:s11], $0x4000  }
0x2bc: {  	[sflag:s11] =	ssyncset.done $0x0  }
0x2bd: {  	[sflag:s11] =	ssyncadd.s32 $0xFFFFC000  }
0x2be: {  	[hbm4b:s2+s4] =	stream.indirect.scatter [tilespmem:s10], [sflag:$0x2], $0x80, s7, s4, $0xb8;
	[tilespmem:$0x4300] =	vst v63  }
0x2bf: {  	_ =	swait.ge [sflag:s11], $0x4000  }
0x2c0: {  	[sflag:s11] =	ssyncset.done $0x0  }
0x2c1: {  	[sflag:s11] =	ssyncadd.s32 $0xFFFFC000  }
0x2c2: {  	[tilespmem:s1], [sflag:$0x1] =	stream.linear.gather [hbm4b:s23+s1], $0x80, $0x38;
	[tilespmem:$0x4300] =	vst v63  }
0x2c3: {  	_ = 	snop  }
0x2c4: {  	[tilespmem:s4], [sflag:$0x1] =	stream.linear.gather [hbm4b:s24+s1], $0x80, $0x38;
	[tilespmem:$0x4300] =	vst v63  }
0x2c5: {  	_ = 	snop  }
0x2c6: {  	[tilespmem:s5], [sflag:$0x1] =	stream.linear.gather [hbm4b:s25+s1], $0x80, $0x38;
	[tilespmem:$0x4300] =	vst v63  }
0x2c7: {  	_ =	swait.ge [sflag:s6], $0x80  }
0x2c8: {  	[sflag:s6] =	ssyncset.done $0x0  }
0x2c9: {  	[sflag:s6] =	ssyncadd.s32 $0xFFFFFF80  }
0x2ca: {  	_ =	swait.ge [sflag:s6], $0x80  }
0x2cb: {  	[sflag:s6] =	ssyncset.done $0x0  }
0x2cc: {  	[sflag:s6] =	ssyncadd.s32 $0xFFFFFF80  }
0x2cd: {  	_ =	swait.ge [sflag:s6], $0x80  }
0x2ce: {  	[sflag:s6] =	ssyncset.done $0x0  }
0x2cf: {  	[sflag:s6] =	ssyncadd.s32 $0xFFFFFF80  }
0x2d0: {  	v42 =	vld [tilespmem:$0x0]  }
0x2d1: {  	v43 =	vld [tilespmem:$0x80]  }
0x2d2: {  	v44 =	vld [tilespmem:$0x100]  }
0x2d3: {  	v45 =	vld [tilespmem:$0x10]  }
0x2d4: {  	v46 =	vld [tilespmem:$0x90]  }
0x2d5: {  	v47 =	vld [tilespmem:$0x110]  }
0x2d6: {  	v48 =	vld [tilespmem:$0x20]  }
0x2d7: {  	v49 =	vld [tilespmem:$0xA0]  }
0x2d8: {  	v50 =	vld [tilespmem:$0x120]  }
0x2d9: {  	v51 =	vld [tilespmem:$0x30]  }
0x2da: {  	v52 =	vld [tilespmem:$0xB0]  }
0x2db: {  	v53 =	vld [tilespmem:$0x130]  }
0x2dc: {  	v54 =	vld [tilespmem:$0x40]  }
0x2dd: {  	v55 =	vld [tilespmem:$0xC0]  }
0x2de: {  	v57 =	vld [tilespmem:$0x50]  }
0x2df: {  	v58 =	vld [tilespmem:$0xD0]  }
0x2e0: {  	v59 =	vld [tilespmem:$0x60]  }
0x2e1: {  	v60 =	vld [tilespmem:$0xE0];
	v0 =	vmul.u32 $0x34500, v42;
	v1 =	vmul.u32 $0x1B0, v43;
	v3 =	vmul.u32 $0x34500, v45  }
0x2e2: {  	v63 =	vld [tilespmem:$0x70];
	v4 =	vmul.u32 $0x1B0, v46;
	v6 =	vmul.u32 $0x34500, v48;
	v7 =	vmul.u32 $0x1B0, v49  }
0x2e3: {  	v21 =	vld [tilespmem:$0xF0];
	v61 =	vmul.u32 $0x34500, v51;
	v62 =	vmul.u32 $0x1B0, v52;
	v22 =	vmul.u32 $0x34500, v54  }
0x2e4: {  	v24 =	vld [tilespmem:$0x150];
	v23 =	vmul.u32 $0x1B0, v55;
	v29 =	vmul.u32 $0x34500, v57;
	v0 =	vadd.s32 v0, v1  }
0x2e5: {  	v27 =	vld [tilespmem:$0x160];
	v30 =	vmul.u32 $0x1B0, v58;
	v19 =	vadd.s32 v3, v4;
	v0 =	vadd.s32 v44, v0  }
0x2e6: {  	v56 =	vld [tilespmem:$0x140];
	v32 =	vmul.u32 $0x34500, v59;
	v20 =	vadd.s32 v6, v7;
	v25 =	vadd.s32 v47, v19;
	[tilespmem:$0x180] =	vst v0  }
0x2e7: {  	v31 =	vld [tilespmem:$0x170];
	v33 =	vmul.u32 $0x1B0, v60;
	v1 =	vadd.s32 v61, v62;
	v26 =	vadd.s32 v50, v20;
	[tilespmem:$0x190] =	vst v25  }
0x2e8: {  	v35 =	vmul.u32 $0x34500, v63;
	v34 =	vadd.s32 v29, v30;
	v1 =	vadd.s32 v53, v1;
	[tilespmem:$0x1A0] =	vst v26  }
0x2e9: {  	v4 =	vmul.u32 $0x1B0, v21;
	v37 =	vadd.s32 v32, v33;
	v36 =	vadd.s32 v24, v34;
	[tilespmem:$0x1B0] =	vst v1  }
0x2ea: {  	v28 =	vadd.s32 v22, v23;
	v38 =	vadd.s32 v27, v37;
	[tilespmem:$0x1D0] =	vst v36  }
0x2eb: {  	v0 =	vadd.s32 v56, v28;
	v39 =	vadd.s32 v35, v4;
	[tilespmem:$0x1E0] =	vst v38  }
0x2ec: {  	[tilespmem:$0x1C0] =	vst v0;
	v40 =	vadd.s32 v31, v39  }
0x2ed: {  	[tilespmem:$0x1F0] =	vst v40  }
0x2ee: {  	[tilespmem:s8], [sflag:$0x1] =	stream.indirect.gather [hbm4b:s0+s4], $0x1, s7, s4, $0xb8;
	[tilespmem:$0x4300] =	vst v63  }
0x2ef: {  	_ = 	snop  }
0x2f0: {  	[tilespmem:s9], [sflag:$0x1] =	stream.indirect.gather [hbm4b:s28+s4], $0x1, s7, s4, $0xb8;
	[tilespmem:$0x4300] =	vst v63  }
0x2f1: {  	_ =	swait.ge [sflag:s6], $0x80  }
0x2f2: {  	[sflag:s6] =	ssyncset.done $0x0  }
0x2f3: {  	[sflag:s6] =	ssyncadd.s32 $0xFFFFFF80  }
0x2f4: {  	_ =	swait.ge [sflag:s6], $0x80  }
0x2f5: {  	[sflag:s6] =	ssyncset.done $0x0  }
0x2f6: {  	[sflag:s6] =	ssyncadd.s32 $0xFFFFFF80  }
0x2f7: {  	v41 =	vld [tilespmem:$0x200]  }
0x2f8: {  	v42 =	vld [tilespmem:$0x280]  }
0x2f9: {  	v43 =	vld [tilespmem:$0x210]  }
0x2fa: {  	v44 =	vld [tilespmem:$0x290]  }
0x2fb: {  	v45 =	vld [tilespmem:$0x220]  }
0x2fc: {  	v46 =	vld [tilespmem:$0x2A0]  }
0x2fd: {  	v47 =	vld [tilespmem:$0x230]  }
0x2fe: {  	v48 =	vld [tilespmem:$0x2B0]  }
0x2ff: {  	v49 =	vld [tilespmem:$0x240]  }
0x300: {  	v50 =	vld [tilespmem:$0x2C0]  }
0x301: {  	v51 =	vld [tilespmem:$0x250]  }
0x302: {  	v52 =	vld [tilespmem:$0x2D0]  }
0x303: {  	v53 =	vld [tilespmem:$0x260]  }
0x304: {  	v54 =	vld [tilespmem:$0x2E0];
	vm8 =	vgt.s32 v41, v42  }
0x305: {  	v55 =	vld [tilespmem:$0x270];
	vm9 =	vgt.s32 v43, v44;
	v0 =	vsel vm8, v41, v42  }
0x306: {  	v57 =	vld [tilespmem:$0x2F0];
	vm10 =	vgt.s32 v45, v46;
	v56 =	vsel vm9, v43, v44;
	[tilespmem:$0x200] =	vst v0  }
0x307: {  	vm11 =	vgt.s32 v47, v48;
	v58 =	vsel vm10, v45, v46;
	[tilespmem:$0x210] =	vst v56  }
0x308: {  	vm12 =	vgt.s32 v49, v50;
	v59 =	vsel vm11, v47, v48;
	[tilespmem:$0x220] =	vst v58  }
0x309: {  	vm13 =	vgt.s32 v51, v52;
	v60 =	vsel vm12, v49, v50;
	[tilespmem:$0x230] =	vst v59  }
0x30a: {  	vm14 =	vgt.s32 v53, v54;
	v61 =	vsel vm13, v51, v52;
	[tilespmem:$0x240] =	vst v60  }
0x30b: {  	vm15 =	vgt.s32 v55, v57;
	v62 =	vsel vm14, v53, v54;
	[tilespmem:$0x250] =	vst v61  }
0x30c: {  	v63 =	vsel vm15, v55, v57;
	[tilespmem:$0x260] =	vst v62  }
0x30d: {  	[tilespmem:$0x270] =	vst v63  }
0x30e: {  	[tilespmem:s10], [sflag:$0x2] =	stream.indirect.gather [hbm4b:s31+s4], $0x80, s8, s4, $0xb8;
	[tilespmem:$0x4300] =	vst v63  }
0x30f: {  	_ =	swait.ge [sflag:s11], $0x4000  }
0x310: {  	[sflag:s11] =	ssyncset.done $0x0  }
.Ltmp2:
0x311: {  	[sflag:s11] =	ssyncadd.s32 $0xFFFFC000;
	(pc) =	sbr.rel @p0 .LBB2_3-.Ltmp2, $4  }
0x312: {  	[hbm4b:s2+s4] =	stream.indirect.scatter [tilespmem:s10], [sflag:$0x2], $0x80, s7, s4, $0xb8;
	[tilespmem:$0x4300] =	vst v63  }
0x313: {  	_ =	swait.ge [sflag:s11], $0x4000  }
0x314: {  	[sflag:s11] =	ssyncset.done $0x0  }
0x315: {  	[sflag:s11] =	ssyncadd.s32 $0xFFFFC000  }
0x316: {  	s12 =	rddreg [dreg:$0xe]  }
0x317: {  	[tilespmem:s1], [sflag:$0x1] =	stream.linear.gather [hbm4b:s12+s1], $0x80, $0x38;
	[tilespmem:$0x4300] =	vst v63  }
0x318: {  	s12 =	rddreg [dreg:$0xf]  }
0x319: {  	[tilespmem:s4], [sflag:$0x1] =	stream.linear.gather [hbm4b:s12+s1], $0x80, $0x38;
	[tilespmem:$0x4300] =	vst v63  }
0x31a: {  	s12 =	rddreg [dreg:$0x10]  }
0x31b: {  	[tilespmem:s5], [sflag:$0x1] =	stream.linear.gather [hbm4b:s12+s1], $0x80, $0x38;
	[tilespmem:$0x4300] =	vst v63  }
0x31c: {  	_ =	swait.ge [sflag:s6], $0x80  }
0x31d: {  	[sflag:s6] =	ssyncset.done $0x0  }
0x31e: {  	[sflag:s6] =	ssyncadd.s32 $0xFFFFFF80  }
0x31f: {  	_ =	swait.ge [sflag:s6], $0x80  }
0x320: {  	[sflag:s6] =	ssyncset.done $0x0  }
0x321: {  	[sflag:s6] =	ssyncadd.s32 $0xFFFFFF80  }
0x322: {  	_ =	swait.ge [sflag:s6], $0x80  }
0x323: {  	[sflag:s6] =	ssyncset.done $0x0  }
0x324: {  	[sflag:s6] =	ssyncadd.s32 $0xFFFFFF80  }
0x325: {  	v0 =	vld [tilespmem:$0x0]  }
0x326: {  	v1 =	vld [tilespmem:$0x80]  }
0x327: {  	v2 =	vld [tilespmem:$0x100]  }
0x328: {  	v3 =	vld [tilespmem:$0x10]  }
0x329: {  	v4 =	vld [tilespmem:$0x90]  }
0x32a: {  	v5 =	vld [tilespmem:$0x110]  }
0x32b: {  	v6 =	vld [tilespmem:$0x20]  }
0x32c: {  	v7 =	vld [tilespmem:$0xA0]  }
0x32d: {  	v8 =	vld [tilespmem:$0x120]  }
0x32e: {  	v9 =	vld [tilespmem:$0x30]  }
0x32f: {  	v10 =	vld [tilespmem:$0xB0]  }
0x330: {  	v11 =	vld [tilespmem:$0x130]  }
0x331: {  	v12 =	vld [tilespmem:$0x40]  }
0x332: {  	v13 =	vld [tilespmem:$0xC0]  }
0x333: {  	v15 =	vld [tilespmem:$0x50]  }
0x334: {  	v16 =	vld [tilespmem:$0xD0]  }
0x335: {  	v17 =	vld [tilespmem:$0x60]  }
0x336: {  	v18 =	vld [tilespmem:$0xE0];
	v0 =	vmul.u32 $0x34500, v0;
	v1 =	vmul.u32 $0x1B0, v1;
	v3 =	vmul.u32 $0x34500, v3  }
0x337: {  	v63 =	vld [tilespmem:$0x70];
	v4 =	vmul.u32 $0x1B0, v4;
	v6 =	vmul.u32 $0x34500, v6;
	v7 =	vmul.u32 $0x1B0, v7  }
0x338: {  	v21 =	vld [tilespmem:$0xF0];
	v61 =	vmul.u32 $0x34500, v9;
	v62 =	vmul.u32 $0x1B0, v10;
	v22 =	vmul.u32 $0x34500, v12  }
0x339: {  	v24 =	vld [tilespmem:$0x150];
	v23 =	vmul.u32 $0x1B0, v13;
	v29 =	vmul.u32 $0x34500, v15;
	v0 =	vadd.s32 v0, v1  }
0x33a: {  	v27 =	vld [tilespmem:$0x160];
	v30 =	vmul.u32 $0x1B0, v16;
	v19 =	vadd.s32 v3, v4;
	v0 =	vadd.s32 v2, v0  }
0x33b: {  	v14 =	vld [tilespmem:$0x140];
	v32 =	vmul.u32 $0x34500, v17;
	v20 =	vadd.s32 v6, v7;
	v25 =	vadd.s32 v5, v19;
	[tilespmem:$0x180] =	vst v0  }
0x33c: {  	v31 =	vld [tilespmem:$0x170];
	v33 =	vmul.u32 $0x1B0, v18;
	v1 =	vadd.s32 v61, v62;
	v26 =	vadd.s32 v8, v20;
	[tilespmem:$0x190] =	vst v25  }
0x33d: {  	v35 =	vmul.u32 $0x34500, v63;
	v34 =	vadd.s32 v29, v30;
	v1 =	vadd.s32 v11, v1;
	[tilespmem:$0x1A0] =	vst v26  }
0x33e: {  	v4 =	vmul.u32 $0x1B0, v21;
	v37 =	vadd.s32 v32, v33;
	v36 =	vadd.s32 v24, v34;
	[tilespmem:$0x1B0] =	vst v1  }
0x33f: {  	v28 =	vadd.s32 v22, v23;
	v38 =	vadd.s32 v27, v37;
	[tilespmem:$0x1D0] =	vst v36  }
0x340: {  	v0 =	vadd.s32 v14, v28;
	v39 =	vadd.s32 v35, v4;
	[tilespmem:$0x1E0] =	vst v38  }
0x341: {  	[tilespmem:$0x1C0] =	vst v0;
	v40 =	vadd.s32 v31, v39  }
0x342: {  	[tilespmem:$0x1F0] =	vst v40  }
0x343: {  	[tilespmem:s8], [sflag:$0x1] =	stream.indirect.gather [hbm4b:s0+s4], $0x1, s7, s4, $0xb8;
	[tilespmem:$0x4300] =	vst v63  }
0x344: {  	_ = 	snop  }
0x345: {  	[tilespmem:s9], [sflag:$0x1] =	stream.indirect.gather [hbm4b:s28+s4], $0x1, s7, s4, $0xb8;
	[tilespmem:$0x4300] =	vst v63  }
0x346: {  	_ =	swait.ge [sflag:s6], $0x80  }
0x347: {  	[sflag:s6] =	ssyncset.done $0x0  }
0x348: {  	[sflag:s6] =	ssyncadd.s32 $0xFFFFFF80  }
0x349: {  	_ =	swait.ge [sflag:s6], $0x80  }
0x34a: {  	[sflag:s6] =	ssyncset.done $0x0  }
0x34b: {  	[sflag:s6] =	ssyncadd.s32 $0xFFFFFF80  }
0x34c: {  	v41 =	vld [tilespmem:$0x200]  }
0x34d: {  	v42 =	vld [tilespmem:$0x280]  }
0x34e: {  	v43 =	vld [tilespmem:$0x210]  }
0x34f: {  	v44 =	vld [tilespmem:$0x290]  }
0x350: {  	v45 =	vld [tilespmem:$0x220]  }
0x351: {  	v46 =	vld [tilespmem:$0x2A0]  }
0x352: {  	v47 =	vld [tilespmem:$0x230]  }
0x353: {  	v48 =	vld [tilespmem:$0x2B0]  }
0x354: {  	v49 =	vld [tilespmem:$0x240]  }
0x355: {  	v50 =	vld [tilespmem:$0x2C0]  }
0x356: {  	v51 =	vld [tilespmem:$0x250]  }
0x357: {  	v52 =	vld [tilespmem:$0x2D0]  }
0x358: {  	v53 =	vld [tilespmem:$0x260]  }
0x359: {  	v54 =	vld [tilespmem:$0x2E0];
	vm0 =	vgt.s32 v41, v42  }
0x35a: {  	v55 =	vld [tilespmem:$0x270];
	vm9 =	vgt.s32 v43, v44;
	v0 =	vsel vm0, v41, v42  }
0x35b: {  	v57 =	vld [tilespmem:$0x2F0];
	vm10 =	vgt.s32 v45, v46;
	v56 =	vsel vm9, v43, v44;
	[tilespmem:$0x200] =	vst v0  }
0x35c: {  	vm11 =	vgt.s32 v47, v48;
	v58 =	vsel vm10, v45, v46;
	[tilespmem:$0x210] =	vst v56  }
0x35d: {  	vm12 =	vgt.s32 v49, v50;
	v59 =	vsel vm11, v47, v48;
	[tilespmem:$0x220] =	vst v58  }
0x35e: {  	vm13 =	vgt.s32 v51, v52;
	v60 =	vsel vm12, v49, v50;
	[tilespmem:$0x230] =	vst v59  }
0x35f: {  	vm14 =	vgt.s32 v53, v54;
	v61 =	vsel vm13, v51, v52;
	[tilespmem:$0x240] =	vst v60  }
0x360: {  	vm15 =	vgt.s32 v55, v57;
	v62 =	vsel vm14, v53, v54;
	[tilespmem:$0x250] =	vst v61  }
0x361: {  	v63 =	vsel vm15, v55, v57;
	[tilespmem:$0x260] =	vst v62  }
0x362: {  	[tilespmem:$0x270] =	vst v63  }
0x363: {  	[tilespmem:s10], [sflag:$0x2] =	stream.indirect.gather [hbm4b:s31+s4], $0x80, s8, s4, $0xb8;
	[tilespmem:$0x4300] =	vst v63  }
0x364: {  	_ =	swait.ge [sflag:s11], $0x4000  }
0x365: {  	[sflag:s11] =	ssyncset.done $0x0  }
.Ltmp3:
0x366: {  	[sflag:s11] =	ssyncadd.s32 $0xFFFFC000;
	(pc) =	sbr.rel .LBB2_3-.Ltmp3, $4  }
0x367: {  	[hbm4b:s2+s4] =	stream.indirect.scatter [tilespmem:s10], [sflag:$0x2], $0x80, s7, s4, $0xb8;
	[tilespmem:$0x4300] =	vst v63  }
0x368: {  	_ =	swait.ge [sflag:s11], $0x4000  }
0x369: {  	[sflag:s11] =	ssyncset.done $0x0  }
0x36a: {  	[sflag:s11] =	ssyncadd.s32 $0xFFFFC000  }
.LBB2_4:
0x36b: {  	_ =	sfence.sel $0x180000  }
0x36c: {  	[bflag:$0x0] =	sbarrier.arrive $0xFFFF  }
0x36d: {  	_ =	strace $0x9000004A  }
0x36e: {  	s0 =	stileid.u32;
	[bflag:$0x2] =	sbarrier.arrive $0xFFFF  }
0x36f: {  	p0 =	sne.s32 s0, $0x0;
	s0 =	rddreg [dreg:$0x2]  }
0x370: {  	s0 =	sadd.s32 @!p0 $0x100000, s0  }
0x371: {  	[sflag:s0] =	ssyncadd.tile.s32 @!p0 $0x1;
	_ =	shalt  }
.Lfunc_end2:
_tile_overlayer_lowered:
.L_overlay_start_2:
0x372: {  	(tag) =	ssettag $0x2  }
0x373: {  	s0 =	rddreg [dreg:$0x0];
	s2 =	stileid.u32  }
0x374: {  	s1 =	rddreg [dreg:$0x1];
	p0 =	sne.s32 s2, $0x0  }
0x375: {  	s3 =	rddreg [dreg:$0x2];
	[bflag:$0x3] =	sbarrier.arrive $0xFFFF;
	s2 =	simm.s32 @!p0 $0x1C02  }
0x376: {  	[timem:s3], [sflag:s2] =	dma.local @!p0 [hbm:s0], s1  }
0x377: {  	s0 =	simm.s32 @!p0 $0x2  }
0x378: {  	_ =	swait.ge @!p0 [sflag:s0], s1  }
0x379: {  	s1 =	ssub.s32 @!p0 $0x0, s1;
	[sflag:s0] =	ssyncset.done @!p0 $0x0  }
0x37a: {  	[sflag:s0] =	ssyncadd.s32 @!p0 s1  }
0x37b: {  	[bflag:$0x3] =	sbarrier.arrive $0xFFFF  }
0x37c: {  	_ =	shalt  }

</sc_bundles>
